<compile_context>
chip_gen: v7x
topology: tpu7x:2x2x1
jax: 0.10.2.dev20260603
libtpu: 0.0.44.dev20260713+nightly
codegen_flags: <defaults>
</compile_context>

<pallas_src>
import jax
import jax.numpy as jnp
from jax import lax
from jax.experimental import pallas as pl
from jax.experimental.pallas import tpu as pltpu
from jax.experimental.pallas import tpu_sc as plsc

N = 10000
NP = 10016
E_REAL = 330000
E_PAD = 344064
HEADS = 8
HID = 64
NG = 64
F32 = jnp.float32

NC, NS = 2, 16
NW = NC * NS


def _mesh():
    return plsc.VectorSubcoreMesh(core_axis_name="c", subcore_axis_name="s",
                                  num_cores=NC, num_subcores=NS)



def _tc_in_body(x_ref, w1_ref, ws1_ref, h1t_ref, a1t_ref):
    x = x_ref[...]
    h1t_ref[...] = lax.dot_general(w1_ref[...], x, (((0,), (1,)), ((), ())),
                                   preferred_element_type=F32)
    a1t_ref[...] = lax.dot_general(ws1_ref[...], x, (((0,), (1,)), ((), ())),
                                   preferred_element_type=F32)



_UNROLL = 8


def _make_attn_body(nheads, chunk):
    split = NW // nheads
    erange = E_PAD // split
    nchunks = erange // chunk
    ngroups = chunk // 16

    def body(a_hbm, pk_hbm, w_out, s_out, asrc_v, adst_v, s_v, pk_v, w_v):
        wid = lax.axis_index("s") * NC + lax.axis_index("c")
        hd = wid // split
        q = wid % split
        pltpu.sync_copy(a_hbm.at[hd], asrc_v.at[pl.ds(0, N)])
        pltpu.sync_copy(a_hbm.at[nheads + hd], adst_v.at[pl.ds(0, N)])
        adst_v[pl.ds(N, 16)] = jnp.full((16,), -30.0, F32)

        def zero(i, c):
            s_v[pl.ds(i * 16, 16)] = jnp.zeros((16,), F32)
            return c
        lax.fori_loop(0, NP // 16, zero, 0)

        base0 = q * erange

        def do_chunk(ci, c):
            b = base0 + ci * chunk
            pltpu.sync_copy(pk_hbm.at[pl.ds(b, chunk)], pk_v)

            @plsc.parallel_loop(0, ngroups, unroll=_UNROLL)
            def _(g):
                pkv = pk_v[pl.ds(g * 16, 16)]
                sv = pkv & 0xFFFF
                dv = lax.shift_right_logical(pkv, 16)
                e = plsc.load_gather(asrc_v, [sv]) + plsc.load_gather(adst_v, [dv])
                e = jnp.where(e > 0, e, 0.2 * e)
                w = jnp.exp(e)
                w_v[pl.ds(g * 16, 16)] = w
                plsc.addupdate_scatter(s_v, [dv], w)
            pltpu.sync_copy(w_v, w_out.at[hd, pl.ds(b, chunk)])
            return c
        lax.fori_loop(0, nchunks, do_chunk, 0)
        pltpu.sync_copy(s_v, s_out.at[wid])

    return body


def _attn_pass(a1t, pk, nheads, chunk):
    body = _make_attn_body(nheads, chunk)
    f = pl.kernel(
        body,
        out_type=(jax.ShapeDtypeStruct((nheads, E_PAD), F32),
                  jax.ShapeDtypeStruct((NW, NP), F32)),
        mesh=_mesh(),
        scratch_types=[
            pltpu.VMEM((NP,), F32), pltpu.VMEM((NP,), F32), pltpu.VMEM((NP,), F32),
            pltpu.VMEM((chunk,), jnp.int32), pltpu.VMEM((chunk,), F32),
        ],
        compiler_params=pltpu.CompilerParams(needs_layout_passes=False, use_tc_tiling_on_sc=False),
    )
    return f(a1t, pk)



def _pack_pairs(t):
    u = lax.bitcast_convert_type(t.astype(jnp.bfloat16), jnp.uint16).astype(jnp.uint32)
    return (u[0::2, :] | (u[1::2, :] << 16)).astype(jnp.int32)


def _make_msg_body(npair, npass, nheads, chunk):
    nch = 2 * npair
    ngroups = chunk // 16
    nchunks = E_PAD // chunk
    npairs = nchunks // 2
    assert nchunks % 2 == 0 and ngroups % _UNROLL == 0

    def body(tab_hbm, pk_hbm, w_hbm, out_t, *refs):
        tabs = refs[:npair]
        accs = refs[npair:npair + nch]
        bufA = refs[npair + nch:npair + nch + 2]
        bufB = refs[npair + nch + 2:npair + nch + 4]
        semA, semB = refs[npair + nch + 4:npair + nch + 6]
        wid = lax.axis_index("s") * NC + lax.axis_index("c")

        def do_pass(p, c):
            ch0 = p * (NW * nch) + wid * nch
            hd = ch0 // HID if nheads > 1 else 0

            def issue(b, buf, sem):
                pltpu.async_copy(pk_hbm.at[pl.ds(b, chunk)], buf[0], sem)
                pltpu.async_copy(w_hbm.at[hd, pl.ds(b, chunk)], buf[1], sem)

            def drain(buf, sem):
                pltpu.make_async_copy(pk_hbm.at[pl.ds(0, chunk)], buf[0], sem).wait()
                pltpu.make_async_copy(w_hbm.at[hd, pl.ds(0, chunk)], buf[1], sem).wait()

            def process(buf):
                pk_v, w_v = buf

                @plsc.parallel_loop(0, ngroups, unroll=_UNROLL)
                def _(g):
                    o = g * 16
                    pkv = pk_v[pl.ds(o, 16)]
                    sv = pkv & 0xFFFF
                    dv = lax.shift_right_logical(pkv, 16)
                    wv = w_v[pl.ds(o, 16)]
                    for j in range(npair):
                        pr = plsc.load_gather(tabs[j], [sv])
                        va, vb = plsc.unpack(plsc.bitcast(pr, jnp.bfloat16),
                                             format=plsc.PackFormat.INTERLEAVED,
                                             preferred_element_type=F32)
                        plsc.addupdate_scatter(accs[2 * j], [dv], va * wv)
                        plsc.addupdate_scatter(accs[2 * j + 1], [dv], vb * wv)

            for j in range(npair):
                pltpu.sync_copy(tab_hbm.at[ch0 // 2 + j], tabs[j].at[pl.ds(0, N)])

            def zero(i, cc):
                for k in range(nch):
                    accs[k][pl.ds(i * 16, 16)] = jnp.zeros((16,), F32)
                return cc
            lax.fori_loop(0, NP // 16, zero, 0)

            issue(0, bufA, semA)

            def do_pair(ci, cc):
                b = ci * (2 * chunk)
                issue(b + chunk, bufB, semB)
                drain(bufA, semA)
                process(bufA)

                @pl.when(ci + 1 < npairs)
                def _():
                    issue(b + 2 * chunk, bufA, semA)
                drain(bufB, semB)
                process(bufB)
                return cc
            lax.fori_loop(0, npairs, do_pair, 0)

            for k in range(nch):
                pltpu.sync_copy(accs[k].at[pl.ds(0, N)], out_t.at[ch0 + k])
            return c
        lax.fori_loop(0, npass, do_pass, 0)

    return body


def _msg_pass(tab, pk, w_e, npair, npass, nheads, chunk):
    nchan = 2 * tab.shape[0]
    body = _make_msg_body(npair, npass, nheads, chunk)
    ebuf = [pltpu.VMEM((chunk,), jnp.int32), pltpu.VMEM((chunk,), F32)]
    scr = ([pltpu.VMEM((NP,), jnp.int32)] * npair +
           [pltpu.VMEM((NP,), F32)] * (2 * npair) + ebuf + ebuf +
           [pltpu.SemaphoreType.DMA, pltpu.SemaphoreType.DMA])
    f = pl.kernel(
        body,
        out_type=jax.ShapeDtypeStruct((nchan, N), F32),
        mesh=_mesh(),
        scratch_types=scr,
        compiler_params=pltpu.CompilerParams(needs_layout_passes=False, use_tc_tiling_on_sc=False),
    )
    return f(tab, pk, w_e)



def _mid_body(acc_ref, sp_ref, bias_ref, w2_ref, ws2_ref, h2t_ref, a2t_ref):
    s8 = jnp.sum(sp_ref[...].reshape(HEADS, NW // HEADS, NP), axis=1)[:, :N]
    sbc = jnp.broadcast_to(s8[:, None, :], (HEADS, HID, N)).reshape(HEADS * HID, N)
    v = acc_ref[...] / (sbc + 1e-16) + bias_ref[...]
    h1n = jnp.where(v > 0, v, jnp.exp(v) - 1.0)
    h2t_ref[...] = lax.dot_general(w2_ref[...], h1n, (((0,), (0,)), ((), ())),
                                   preferred_element_type=F32)
    a2t_ref[...] = lax.dot_general(ws2_ref[...], h1n, (((0,), (0,)), ((), ())),
                                   preferred_element_type=F32)


def _final_body(acc2_ref, s2p_ref, bias2_ref, batch_ref, l1w_ref, l1b_ref,
                l2w_ref, l2b_ref, out_ref):
    s2 = jnp.sum(s2p_ref[...], axis=0, keepdims=True)[:, :N]
    v = acc2_ref[...] / (s2 + 1e-16) + bias2_ref[...]
    h = jnp.where(v > 0, v, jnp.exp(v) - 1.0)
    gid = lax.broadcasted_iota(jnp.int32, (N, NG), 1)
    P = (batch_ref[...] == gid).astype(F32)
    G = lax.dot_general(P, h, (((0,), (1,)), ((), ())),
                        preferred_element_type=F32)
    g1 = jnp.dot(G, l1w_ref[...], preferred_element_type=F32) + l1b_ref[...]
    g1 = jnp.where(g1 > 0, g1, jnp.exp(g1) - 1.0)
    lg = jnp.dot(g1, l2w_ref[...], preferred_element_type=F32) + l2b_ref[...]
    m = jnp.max(lg, axis=1, keepdims=True)
    lse = jnp.log(jnp.sum(jnp.exp(lg - m), axis=1, keepdims=True)) + m
    out_ref[...] = lg - lse



def kernel(x, edge_index, batch, W1, att_src1, att_dst1, bias1, W2, att_src2,
           att_dst2, bias2, lin1_W, lin1_b, lin2_W, lin2_b):
    sl = jnp.arange(N, dtype=jnp.int32)
    npad = E_PAD - E_REAL
    srcp = jnp.concatenate([edge_index[0].astype(jnp.int32), sl,
                            jnp.zeros((npad,), jnp.int32)])
    dstp = jnp.concatenate([edge_index[1].astype(jnp.int32), sl,
                            jnp.full((npad,), N, jnp.int32)])
    pk = srcp | (dstp << 16)

    w1r = W1.reshape(x.shape[1], HEADS, HID)
    ws1 = jnp.concatenate([jnp.einsum('khc,hc->kh', w1r, att_src1),
                           jnp.einsum('khc,hc->kh', w1r, att_dst1)], axis=1)
    ws2 = jnp.stack([W2 @ att_src2[0], W2 @ att_dst2[0]], axis=1)

    h1t, a1t = pl.pallas_call(
        _tc_in_body,
        out_shape=(jax.ShapeDtypeStruct((HEADS * HID, N), F32),
                   jax.ShapeDtypeStruct((2 * HEADS, N), F32)),
    )(x, W1, ws1)

    w1e, s1p = _attn_pass(a1t, pk, HEADS, 4096)
    out1t = _msg_pass(_pack_pairs(h1t), pk, w1e, npair=4, npass=2,
                      nheads=HEADS, chunk=2048)

    h2t, a2t = pl.pallas_call(
        _mid_body,
        out_shape=(jax.ShapeDtypeStruct((HID, N), F32),
                   jax.ShapeDtypeStruct((2, N), F32)),
        compiler_params=pltpu.CompilerParams(vmem_limit_bytes=100 * 2**20),
    )(out1t, s1p, bias1.reshape(HEADS * HID, 1), W2, ws2)

    w2e, s2p = _attn_pass(a2t, pk, 1, 2688)
    out2t = _msg_pass(_pack_pairs(h2t), pk, w2e, npair=1, npass=1, nheads=1,
                      chunk=4096)

    out = pl.pallas_call(
        _final_body,
        out_shape=jax.ShapeDtypeStruct((NG, 16), F32),
    )(out2t, s2p, bias2.reshape(HID, 1), batch.reshape(N, 1).astype(jnp.int32),
      lin1_W, lin1_b.reshape(1, HID), lin2_W, lin2_b.reshape(1, 16))
    return out

# --- scband reference (transcript-rebuilt; emitter-appended) ---
"""Pipeline reference for scband-idsgnnmodel-50525995270616 (READ-ONLY COPY).

The authoritative reference and input builder live on the scoring server;
editing this copy changes nothing except your own understanding.
"""

import jax, jax.numpy as jnp
import numpy as np

N_NODES = 10000
N_EDGES = 320000
D_FEAT = 128
HID = 64
HEADS = 8
N_CLASSES = 16
N_GRAPHS = 64


def gat_conv(x, src, dst, W, att_src, att_dst, bias, heads, out_ch, concat):
    N = x.shape[0]
    h = (x @ W).reshape(N, heads, out_ch)
    a_src = (h * att_src[None, :, :]).sum(-1)  # [N, heads]
    a_dst = (h * att_dst[None, :, :]).sum(-1)  # [N, heads]
    e = a_src[src] + a_dst[dst]                # [E, heads]
    e = jax.nn.leaky_relu(e, 0.2)
    m = jax.ops.segment_max(e, dst, num_segments=N)
    m = jnp.where(jnp.isfinite(m), m, 0.0)
    ex = jnp.exp(e - m[dst])
    s = jax.ops.segment_sum(ex, dst, num_segments=N)
    alpha = ex / (s[dst] + 1e-16)              # softmax over incoming edges
    msg = h[src] * alpha[:, :, None]           # [E, heads, out_ch]
    out = jax.ops.segment_sum(msg, dst, num_segments=N)
    if concat:
        out = out.reshape(N, heads * out_ch)
    else:
        out = out.mean(axis=1)
    return out + bias


def setup_inputs(seed: int = 0):
    key = jax.random.key(seed)
    ks = jax.random.split(key, 16)
    x = jax.random.normal(ks[0], (N_NODES, D_FEAT), dtype=jnp.float32)
    edge_index = jax.random.randint(ks[1], (2, N_EDGES), 0, N_NODES, dtype=jnp.int32)
    batch = jnp.sort(jax.random.randint(ks[2], (N_NODES,), 0, N_GRAPHS, dtype=jnp.int32))
    def gn(k, shape, fan_in):
        return jax.random.normal(k, shape, dtype=jnp.float32) * (1.0 / np.sqrt(fan_in))
    params = {
        'W1': gn(ks[3], (D_FEAT, HEADS * HID), D_FEAT),
        'att_src1': gn(ks[4], (HEADS, HID), HID),
        'att_dst1': gn(ks[5], (HEADS, HID), HID),
        'bias1': jnp.zeros((HEADS * HID,), dtype=jnp.float32),
        'W2': gn(ks[6], (HEADS * HID, HID), HEADS * HID),
        'att_src2': gn(ks[7], (1, HID), HID),
        'att_dst2': gn(ks[8], (1, HID), HID),
        'bias2': jnp.zeros((HID,), dtype=jnp.float32),
        'lin1_W': gn(ks[9], (HID, HID), HID),
        'lin1_b': jnp.zeros((HID,), dtype=jnp.float32),
        'lin2_W': gn(ks[10], (HID, N_CLASSES), HID),
        'lin2_b': jnp.zeros((N_CLASSES,), dtype=jnp.float32),
    }
    return {'x': x, 'edge_index': edge_index, 'batch': batch, **params}


def reference(x, edge_index, batch, W1, att_src1, att_dst1, bias1, W2, att_src2, att_dst2, bias2, lin1_W, lin1_b, lin2_W, lin2_b):
    N = x.shape[0]
    # PyG GATConv adds self-loops by default
    sl = jnp.arange(N, dtype=edge_index.dtype)
    src = jnp.concatenate([edge_index[0], sl])
    dst = jnp.concatenate([edge_index[1], sl])
    # layer 1: heads=8, concat -> 512
    h = gat_conv(x, src, dst, W1, att_src1, att_dst1, bias1, HEADS, HID, True)
    h = jax.nn.elu(h)
    # dropout is identity in eval mode
    # layer 2: heads=1 -> 64
    h = gat_conv(h, src, dst, W2, att_src2, att_dst2, bias2, 1, HID, True)
    h = jax.nn.elu(h)
    # global_add_pool
    g = jax.ops.segment_sum(h, batch, num_segments=N_GRAPHS)
    g = jax.nn.elu(g @ lin1_W + lin1_b)
    logits = g @ lin2_W + lin2_b
    return jax.nn.log_softmax(logits, axis=-1)

if __name__ == "__main__":
    import jax
    _d = setup_inputs()
    print(jax.jit(kernel)(*tuple(_d.values())))

</pallas_src>

<mosaic_0001>
#map = affine_map<(d0, d1) -> (0, 0)>
#map1 = affine_map<(d0, d1) -> (0)>
module attributes {stable_mosaic.version = 14 : i64} {
  func.func @body(%arg0: i32, %arg1: i32, %arg2: memref<256x10000xi32, #tpu.memory_space<hbm>>, %arg3: memref<344064xi32, #tpu.memory_space<hbm>>, %arg4: memref<8x344064xf32, #tpu.memory_space<hbm>>, %arg5: memref<512x10000xf32, #tpu.memory_space<hbm>>, %arg6: memref<10016xi32, #tpu.memory_space<vmem>>, %arg7: memref<10016xi32, #tpu.memory_space<vmem>>, %arg8: memref<10016xi32, #tpu.memory_space<vmem>>, %arg9: memref<10016xi32, #tpu.memory_space<vmem>>, %arg10: memref<10016xf32, #tpu.memory_space<vmem>>, %arg11: memref<10016xf32, #tpu.memory_space<vmem>>, %arg12: memref<10016xf32, #tpu.memory_space<vmem>>, %arg13: memref<10016xf32, #tpu.memory_space<vmem>>, %arg14: memref<10016xf32, #tpu.memory_space<vmem>>, %arg15: memref<10016xf32, #tpu.memory_space<vmem>>, %arg16: memref<10016xf32, #tpu.memory_space<vmem>>, %arg17: memref<10016xf32, #tpu.memory_space<vmem>>, %arg18: memref<2048xi32, #tpu.memory_space<vmem>>, %arg19: memref<2048xf32, #tpu.memory_space<vmem>>, %arg20: memref<2048xi32, #tpu.memory_space<vmem>>, %arg21: memref<2048xf32, #tpu.memory_space<vmem>>, %arg22: memref<!tpu.dma_semaphore, #tpu.memory_space<semaphore_mem>>, %arg23: memref<!tpu.dma_semaphore, #tpu.memory_space<semaphore_mem>>) attributes {dimension_semantics = [#tpu.dimension_semantics<core_parallel>, #tpu.dimension_semantics<subcore_parallel>], iteration_bounds = array<i64: 2, 16>, scalar_prefetch = 0 : i64, scratch_operands = 18 : i64, tpu.core_type = #tpu.core_type<sc_vector_subcore>, window_params = [{transform_indices = #map}, {transform_indices = #map1}, {transform_indices = #map}, {transform_indices = #map}]} {
    %mul3A = arith.constant 2 : i32
    %mul3A_0 = arith.muli %arg1, %mul3A : i32
    %add3A = arith.addi %mul3A_0, %arg0 : i32
    %scan3A = arith.constant 0 : i32
    %scan3A_1 = arith.constant 0 : i32
    %scan3A_2 = arith.constant 2 : i32
    %scan3A_3 = arith.addi %scan3A_1, %scan3A_2 : i32
    %scan3A_4 = arith.constant 1 : i32
    scf.for %scan3A_6 = %scan3A_1 to %scan3A_3 step %scan3A_4  : i32 {
      %mul3A_7 = arith.constant 256 : i32
      %mul3A_8 = arith.muli %scan3A_6, %mul3A_7 : i32
      %mul3A_9 = arith.constant 8 : i32
      %mul3A_10 = arith.muli %add3A, %mul3A_9 : i32
      %add3A_11 = arith.addi %mul3A_8, %mul3A_10 : i32
      %jit3A = arith.constant 64 : i32
      %div3A = arith.divsi %add3A_11, %jit3A : i32
      %sign3A = arith.constant 0 : i32
      %sign3A_12 = arith.cmpi sgt, %add3A_11, %sign3A : i32
      %sign3A_13 = arith.extui %sign3A_12 : i1 to i32
      %sign3A_14 = arith.constant 0 : i32
      %sign3A_15 = arith.cmpi slt, %add3A_11, %sign3A_14 : i32
      %sign3A_16 = arith.extui %sign3A_15 : i1 to i32
      %sign3A_17 = arith.subi %sign3A_13, %sign3A_16 : i32
      %sign3A_18 = arith.constant 0 : i32
      %sign3A_19 = arith.cmpi sgt, %jit3A, %sign3A_18 : i32
      %sign3A_20 = arith.extui %sign3A_19 : i1 to i32
      %sign3A_21 = arith.constant 0 : i32
      %sign3A_22 = arith.cmpi slt, %jit3A, %sign3A_21 : i32
      %sign3A_23 = arith.extui %sign3A_22 : i1 to i32
      %sign3A_24 = arith.subi %sign3A_20, %sign3A_23 : i32
      %ne3A = arith.cmpi ne, %sign3A_17, %sign3A_24 : i32
      %rem3A = arith.remsi %add3A_11, %jit3A : i32
      %ne3A_25 = arith.constant 0 : i32
      %ne3A_26 = arith.cmpi ne, %rem3A, %ne3A_25 : i32
      %and3A = arith.andi %ne3A, %ne3A_26 : i1
      %sub3A = arith.constant 1 : i32
      %sub3A_27 = arith.subi %div3A, %sub3A : i32
      %select_n3A = arith.select %and3A, %sub3A_27, %div3A : i32
      %jit3A_28 = arith.constant 2 : i32
      %div3A_29 = arith.divsi %add3A_11, %jit3A_28 : i32
      %sign3A_30 = arith.constant 0 : i32
      %sign3A_31 = arith.cmpi sgt, %add3A_11, %sign3A_30 : i32
      %sign3A_32 = arith.extui %sign3A_31 : i1 to i32
      %sign3A_33 = arith.constant 0 : i32
      %sign3A_34 = arith.cmpi slt, %add3A_11, %sign3A_33 : i32
      %sign3A_35 = arith.extui %sign3A_34 : i1 to i32
      %sign3A_36 = arith.subi %sign3A_32, %sign3A_35 : i32
      %sign3A_37 = arith.constant 0 : i32
      %sign3A_38 = arith.cmpi sgt, %jit3A_28, %sign3A_37 : i32
      %sign3A_39 = arith.extui %sign3A_38 : i1 to i32
      %sign3A_40 = arith.constant 0 : i32
      %sign3A_41 = arith.cmpi slt, %jit3A_28, %sign3A_40 : i32
      %sign3A_42 = arith.extui %sign3A_41 : i1 to i32
      %sign3A_43 = arith.subi %sign3A_39, %sign3A_42 : i32
      %ne3A_44 = arith.cmpi ne, %sign3A_36, %sign3A_43 : i32
      %rem3A_45 = arith.remsi %add3A_11, %jit3A_28 : i32
      %ne3A_46 = arith.constant 0 : i32
      %ne3A_47 = arith.cmpi ne, %rem3A_45, %ne3A_46 : i32
      %and3A_48 = arith.andi %ne3A_44, %ne3A_47 : i1
      %sub3A_49 = arith.constant 1 : i32
      %sub3A_50 = arith.subi %div3A_29, %sub3A_49 : i32
      %select_n3A_51 = arith.select %and3A_48, %sub3A_50, %div3A_29 : i32
      %add3A_52 = arith.constant 0 : i32
      %add3A_53 = arith.addi %select_n3A_51, %add3A_52 : i32
      "tpu.region"() ({
        %run_scoped3A = tpu.sem_alloc : memref<!tpu.dma_semaphore, #tpu.memory_space<semaphore_mem>>
        %dma_start3A_169 = arith.constant 0 : i32
        %dma_start3A_170 = tpu.memref_slice %arg6[%dma_start3A_169] : memref<10016xi32, #tpu.memory_space<vmem>> -> memref<10000xi32, #tpu.memory_space<vmem>>
        %dma_start3A_171 = arith.constant 0 : i32
        %dma_start3A_172 = tpu.memref_slice %arg2[%add3A_53, %dma_start3A_171] : memref<256x10000xi32, #tpu.memory_space<hbm>> -> memref<1x10000xi32, #tpu.memory_space<hbm>>
        %dma_start3A_173 = tpu.memref_squeeze %dma_start3A_172 : memref<1x10000xi32, #tpu.memory_space<hbm>> -> memref<10000xi32, #tpu.memory_space<hbm>>
        %dma_start3A_174 = arith.constant 0 : i32
        %dma_start3A_175 = tpu.memref_slice %arg6[%dma_start3A_174] : memref<10016xi32, #tpu.memory_space<vmem>> -> memref<10000xi32, #tpu.memory_space<vmem>>
        %dma_start3A_176 = arith.constant 0 : i32
        %dma_start3A_177 = tpu.memref_slice %arg2[%add3A_53, %dma_start3A_176] : memref<256x10000xi32, #tpu.memory_space<hbm>> -> memref<1x10000xi32, #tpu.memory_space<hbm>>
        %dma_start3A_178 = tpu.memref_squeeze %dma_start3A_177 : memref<1x10000xi32, #tpu.memory_space<hbm>> -> memref<10000xi32, #tpu.memory_space<hbm>>
        tpu.enqueue_dma source(%dma_start3A_178 : memref<10000xi32, #tpu.memory_space<hbm>>) target(%dma_start3A_175 : memref<10000xi32, #tpu.memory_space<vmem>>) target_semaphore(%run_scoped3A : memref<!tpu.dma_semaphore, #tpu.memory_space<semaphore_mem>>)
        %dma_wait3A = arith.constant 0 : i32
        %dma_wait3A_179 = tpu.memref_slice %arg6[%dma_wait3A] : memref<10016xi32, #tpu.memory_space<vmem>> -> memref<10000xi32, #tpu.memory_space<vmem>>
        %dma_wait3A_180 = arith.constant 0 : i32
        %dma_wait3A_181 = tpu.memref_slice %arg2[%add3A_53, %dma_wait3A_180] : memref<256x10000xi32, #tpu.memory_space<hbm>> -> memref<1x10000xi32, #tpu.memory_space<hbm>>
        %dma_wait3A_182 = tpu.memref_squeeze %dma_wait3A_181 : memref<1x10000xi32, #tpu.memory_space<hbm>> -> memref<10000xi32, #tpu.memory_space<hbm>>
        %dma_wait3A_183 = arith.constant 0 : i32
        %dma_wait3A_184 = tpu.memref_slice %arg6[%dma_wait3A_183] : memref<10016xi32, #tpu.memory_space<vmem>> -> memref<10000xi32, #tpu.memory_space<vmem>>
        %dma_wait3A_185 = arith.constant 0 : i32
        %dma_wait3A_186 = tpu.memref_slice %arg2[%add3A_53, %dma_wait3A_185] : memref<256x10000xi32, #tpu.memory_space<hbm>> -> memref<1x10000xi32, #tpu.memory_space<hbm>>
        %dma_wait3A_187 = tpu.memref_squeeze %dma_wait3A_186 : memref<1x10000xi32, #tpu.memory_space<hbm>> -> memref<10000xi32, #tpu.memory_space<hbm>>
        tpu.wait_dma2 semaphore(%run_scoped3A : memref<!tpu.dma_semaphore, #tpu.memory_space<semaphore_mem>>) src(%dma_wait3A_187 : memref<10000xi32, #tpu.memory_space<hbm>>) dst(%dma_wait3A_184 : memref<10000xi32, #tpu.memory_space<vmem>>)
        tpu.yield
      }) : () -> ()
      %jit3A_54 = arith.constant 2 : i32
      %div3A_55 = arith.divsi %add3A_11, %jit3A_54 : i32
      %sign3A_56 = arith.constant 0 : i32
      %sign3A_57 = arith.cmpi sgt, %add3A_11, %sign3A_56 : i32
      %sign3A_58 = arith.extui %sign3A_57 : i1 to i32
      %sign3A_59 = arith.constant 0 : i32
      %sign3A_60 = arith.cmpi slt, %add3A_11, %sign3A_59 : i32
      %sign3A_61 = arith.extui %sign3A_60 : i1 to i32
      %sign3A_62 = arith.subi %sign3A_58, %sign3A_61 : i32
      %sign3A_63 = arith.constant 0 : i32
      %sign3A_64 = arith.cmpi sgt, %jit3A_54, %sign3A_63 : i32
      %sign3A_65 = arith.extui %sign3A_64 : i1 to i32
      %sign3A_66 = arith.constant 0 : i32
      %sign3A_67 = arith.cmpi slt, %jit3A_54, %sign3A_66 : i32
      %sign3A_68 = arith.extui %sign3A_67 : i1 to i32
      %sign3A_69 = arith.subi %sign3A_65, %sign3A_68 : i32
      %ne3A_70 = arith.cmpi ne, %sign3A_62, %sign3A_69 : i32
      %rem3A_71 = arith.remsi %add3A_11, %jit3A_54 : i32
      %ne3A_72 = arith.constant 0 : i32
      %ne3A_73 = arith.cmpi ne, %rem3A_71, %ne3A_72 : i32
      %and3A_74 = arith.andi %ne3A_70, %ne3A_73 : i1
      %sub3A_75 = arith.constant 1 : i32
      %sub3A_76 = arith.subi %div3A_55, %sub3A_75 : i32
      %select_n3A_77 = arith.select %and3A_74, %sub3A_76, %div3A_55 : i32
      %add3A_78 = arith.constant 1 : i32
      %add3A_79 = arith.addi %select_n3A_77, %add3A_78 : i32
      "tpu.region"() ({
        %run_scoped3A = tpu.sem_alloc : memref<!tpu.dma_semaphore, #tpu.memory_space<semaphore_mem>>
        %dma_start3A_169 = arith.constant 0 : i32
        %dma_start3A_170 = tpu.memref_slice %arg7[%dma_start3A_169] : memref<10016xi32, #tpu.memory_space<vmem>> -> memref<10000xi32, #tpu.memory_space<vmem>>
        %dma_start3A_171 = arith.constant 0 : i32
        %dma_start3A_172 = tpu.memref_slice %arg2[%add3A_79, %dma_start3A_171] : memref<256x10000xi32, #tpu.memory_space<hbm>> -> memref<1x10000xi32, #tpu.memory_space<hbm>>
        %dma_start3A_173 = tpu.memref_squeeze %dma_start3A_172 : memref<1x10000xi32, #tpu.memory_space<hbm>> -> memref<10000xi32, #tpu.memory_space<hbm>>
        %dma_start3A_174 = arith.constant 0 : i32
        %dma_start3A_175 = tpu.memref_slice %arg7[%dma_start3A_174] : memref<10016xi32, #tpu.memory_space<vmem>> -> memref<10000xi32, #tpu.memory_space<vmem>>
        %dma_start3A_176 = arith.constant 0 : i32
        %dma_start3A_177 = tpu.memref_slice %arg2[%add3A_79, %dma_start3A_176] : memref<256x10000xi32, #tpu.memory_space<hbm>> -> memref<1x10000xi32, #tpu.memory_space<hbm>>
        %dma_start3A_178 = tpu.memref_squeeze %dma_start3A_177 : memref<1x10000xi32, #tpu.memory_space<hbm>> -> memref<10000xi32, #tpu.memory_space<hbm>>
        tpu.enqueue_dma source(%dma_start3A_178 : memref<10000xi32, #tpu.memory_space<hbm>>) target(%dma_start3A_175 : memref<10000xi32, #tpu.memory_space<vmem>>) target_semaphore(%run_scoped3A : memref<!tpu.dma_semaphore, #tpu.memory_space<semaphore_mem>>)
        %dma_wait3A = arith.constant 0 : i32
        %dma_wait3A_179 = tpu.memref_slice %arg7[%dma_wait3A] : memref<10016xi32, #tpu.memory_space<vmem>> -> memref<10000xi32, #tpu.memory_space<vmem>>
        %dma_wait3A_180 = arith.constant 0 : i32
        %dma_wait3A_181 = tpu.memref_slice %arg2[%add3A_79, %dma_wait3A_180] : memref<256x10000xi32, #tpu.memory_space<hbm>> -> memref<1x10000xi32, #tpu.memory_space<hbm>>
        %dma_wait3A_182 = tpu.memref_squeeze %dma_wait3A_181 : memref<1x10000xi32, #tpu.memory_space<hbm>> -> memref<10000xi32, #tpu.memory_space<hbm>>
        %dma_wait3A_183 = arith.constant 0 : i32
        %dma_wait3A_184 = tpu.memref_slice %arg7[%dma_wait3A_183] : memref<10016xi32, #tpu.memory_space<vmem>> -> memref<10000xi32, #tpu.memory_space<vmem>>
        %dma_wait3A_185 = arith.constant 0 : i32
        %dma_wait3A_186 = tpu.memref_slice %arg2[%add3A_79, %dma_wait3A_185] : memref<256x10000xi32, #tpu.memory_space<hbm>> -> memref<1x10000xi32, #tpu.memory_space<hbm>>
        %dma_wait3A_187 = tpu.memref_squeeze %dma_wait3A_186 : memref<1x10000xi32, #tpu.memory_space<hbm>> -> memref<10000xi32, #tpu.memory_space<hbm>>
        tpu.wait_dma2 semaphore(%run_scoped3A : memref<!tpu.dma_semaphore, #tpu.memory_space<semaphore_mem>>) src(%dma_wait3A_187 : memref<10000xi32, #tpu.memory_space<hbm>>) dst(%dma_wait3A_184 : memref<10000xi32, #tpu.memory_space<vmem>>)
        tpu.yield
      }) : () -> ()
      %jit3A_80 = arith.constant 2 : i32
      %div3A_81 = arith.divsi %add3A_11, %jit3A_80 : i32
      %sign3A_82 = arith.constant 0 : i32
      %sign3A_83 = arith.cmpi sgt, %add3A_11, %sign3A_82 : i32
      %sign3A_84 = arith.extui %sign3A_83 : i1 to i32
      %sign3A_85 = arith.constant 0 : i32
      %sign3A_86 = arith.cmpi slt, %add3A_11, %sign3A_85 : i32
      %sign3A_87 = arith.extui %sign3A_86 : i1 to i32
      %sign3A_88 = arith.subi %sign3A_84, %sign3A_87 : i32
      %sign3A_89 = arith.constant 0 : i32
      %sign3A_90 = arith.cmpi sgt, %jit3A_80, %sign3A_89 : i32
      %sign3A_91 = arith.extui %sign3A_90 : i1 to i32
      %sign3A_92 = arith.constant 0 : i32
      %sign3A_93 = arith.cmpi slt, %jit3A_80, %sign3A_92 : i32
      %sign3A_94 = arith.extui %sign3A_93 : i1 to i32
      %sign3A_95 = arith.subi %sign3A_91, %sign3A_94 : i32
      %ne3A_96 = arith.cmpi ne, %sign3A_88, %sign3A_95 : i32
      %rem3A_97 = arith.remsi %add3A_11, %jit3A_80 : i32
      %ne3A_98 = arith.constant 0 : i32
      %ne3A_99 = arith.cmpi ne, %rem3A_97, %ne3A_98 : i32
      %and3A_100 = arith.andi %ne3A_96, %ne3A_99 : i1
      %sub3A_101 = arith.constant 1 : i32
      %sub3A_102 = arith.subi %div3A_81, %sub3A_101 : i32
      %select_n3A_103 = arith.select %and3A_100, %sub3A_102, %div3A_81 : i32
      %add3A_104 = arith.constant 2 : i32
      %add3A_105 = arith.addi %select_n3A_103, %add3A_104 : i32
      "tpu.region"() ({
        %run_scoped3A = tpu.sem_alloc : memref<!tpu.dma_semaphore, #tpu.memory_space<semaphore_mem>>
        %dma_start3A_169 = arith.constant 0 : i32
        %dma_start3A_170 = tpu.memref_slice %arg8[%dma_start3A_169] : memref<10016xi32, #tpu.memory_space<vmem>> -> memref<10000xi32, #tpu.memory_space<vmem>>
        %dma_start3A_171 = arith.constant 0 : i32
        %dma_start3A_172 = tpu.memref_slice %arg2[%add3A_105, %dma_start3A_171] : memref<256x10000xi32, #tpu.memory_space<hbm>> -> memref<1x10000xi32, #tpu.memory_space<hbm>>
        %dma_start3A_173 = tpu.memref_squeeze %dma_start3A_172 : memref<1x10000xi32, #tpu.memory_space<hbm>> -> memref<10000xi32, #tpu.memory_space<hbm>>
        %dma_start3A_174 = arith.constant 0 : i32
        %dma_start3A_175 = tpu.memref_slice %arg8[%dma_start3A_174] : memref<10016xi32, #tpu.memory_space<vmem>> -> memref<10000xi32, #tpu.memory_space<vmem>>
        %dma_start3A_176 = arith.constant 0 : i32
        %dma_start3A_177 = tpu.memref_slice %arg2[%add3A_105, %dma_start3A_176] : memref<256x10000xi32, #tpu.memory_space<hbm>> -> memref<1x10000xi32, #tpu.memory_space<hbm>>
        %dma_start3A_178 = tpu.memref_squeeze %dma_start3A_177 : memref<1x10000xi32, #tpu.memory_space<hbm>> -> memref<10000xi32, #tpu.memory_space<hbm>>
        tpu.enqueue_dma source(%dma_start3A_178 : memref<10000xi32, #tpu.memory_space<hbm>>) target(%dma_start3A_175 : memref<10000xi32, #tpu.memory_space<vmem>>) target_semaphore(%run_scoped3A : memref<!tpu.dma_semaphore, #tpu.memory_space<semaphore_mem>>)
        %dma_wait3A = arith.constant 0 : i32
        %dma_wait3A_179 = tpu.memref_slice %arg8[%dma_wait3A] : memref<10016xi32, #tpu.memory_space<vmem>> -> memref<10000xi32, #tpu.memory_space<vmem>>
        %dma_wait3A_180 = arith.constant 0 : i32
        %dma_wait3A_181 = tpu.memref_slice %arg2[%add3A_105, %dma_wait3A_180] : memref<256x10000xi32, #tpu.memory_space<hbm>> -> memref<1x10000xi32, #tpu.memory_space<hbm>>
        %dma_wait3A_182 = tpu.memref_squeeze %dma_wait3A_181 : memref<1x10000xi32, #tpu.memory_space<hbm>> -> memref<10000xi32, #tpu.memory_space<hbm>>
        %dma_wait3A_183 = arith.constant 0 : i32
        %dma_wait3A_184 = tpu.memref_slice %arg8[%dma_wait3A_183] : memref<10016xi32, #tpu.memory_space<vmem>> -> memref<10000xi32, #tpu.memory_space<vmem>>
        %dma_wait3A_185 = arith.constant 0 : i32
        %dma_wait3A_186 = tpu.memref_slice %arg2[%add3A_105, %dma_wait3A_185] : memref<256x10000xi32, #tpu.memory_space<hbm>> -> memref<1x10000xi32, #tpu.memory_space<hbm>>
        %dma_wait3A_187 = tpu.memref_squeeze %dma_wait3A_186 : memref<1x10000xi32, #tpu.memory_space<hbm>> -> memref<10000xi32, #tpu.memory_space<hbm>>
        tpu.wait_dma2 semaphore(%run_scoped3A : memref<!tpu.dma_semaphore, #tpu.memory_space<semaphore_mem>>) src(%dma_wait3A_187 : memref<10000xi32, #tpu.memory_space<hbm>>) dst(%dma_wait3A_184 : memref<10000xi32, #tpu.memory_space<vmem>>)
        tpu.yield
      }) : () -> ()
      %jit3A_106 = arith.constant 2 : i32
      %div3A_107 = arith.divsi %add3A_11, %jit3A_106 : i32
      %sign3A_108 = arith.constant 0 : i32
      %sign3A_109 = arith.cmpi sgt, %add3A_11, %sign3A_108 : i32
      %sign3A_110 = arith.extui %sign3A_109 : i1 to i32
      %sign3A_111 = arith.constant 0 : i32
      %sign3A_112 = arith.cmpi slt, %add3A_11, %sign3A_111 : i32
      %sign3A_113 = arith.extui %sign3A_112 : i1 to i32
      %sign3A_114 = arith.subi %sign3A_110, %sign3A_113 : i32
      %sign3A_115 = arith.constant 0 : i32
      %sign3A_116 = arith.cmpi sgt, %jit3A_106, %sign3A_115 : i32
      %sign3A_117 = arith.extui %sign3A_116 : i1 to i32
      %sign3A_118 = arith.constant 0 : i32
      %sign3A_119 = arith.cmpi slt, %jit3A_106, %sign3A_118 : i32
      %sign3A_120 = arith.extui %sign3A_119 : i1 to i32
      %sign3A_121 = arith.subi %sign3A_117, %sign3A_120 : i32
      %ne3A_122 = arith.cmpi ne, %sign3A_114, %sign3A_121 : i32
      %rem3A_123 = arith.remsi %add3A_11, %jit3A_106 : i32
      %ne3A_124 = arith.constant 0 : i32
      %ne3A_125 = arith.cmpi ne, %rem3A_123, %ne3A_124 : i32
      %and3A_126 = arith.andi %ne3A_122, %ne3A_125 : i1
      %sub3A_127 = arith.constant 1 : i32
      %sub3A_128 = arith.subi %div3A_107, %sub3A_127 : i32
      %select_n3A_129 = arith.select %and3A_126, %sub3A_128, %div3A_107 : i32
      %add3A_130 = arith.constant 3 : i32
      %add3A_131 = arith.addi %select_n3A_129, %add3A_130 : i32
      "tpu.region"() ({
        %run_scoped3A = tpu.sem_alloc : memref<!tpu.dma_semaphore, #tpu.memory_space<semaphore_mem>>
        %dma_start3A_169 = arith.constant 0 : i32
        %dma_start3A_170 = tpu.memref_slice %arg9[%dma_start3A_169] : memref<10016xi32, #tpu.memory_space<vmem>> -> memref<10000xi32, #tpu.memory_space<vmem>>
        %dma_start3A_171 = arith.constant 0 : i32
        %dma_start3A_172 = tpu.memref_slice %arg2[%add3A_131, %dma_start3A_171] : memref<256x10000xi32, #tpu.memory_space<hbm>> -> memref<1x10000xi32, #tpu.memory_space<hbm>>
        %dma_start3A_173 = tpu.memref_squeeze %dma_start3A_172 : memref<1x10000xi32, #tpu.memory_space<hbm>> -> memref<10000xi32, #tpu.memory_space<hbm>>
        %dma_start3A_174 = arith.constant 0 : i32
        %dma_start3A_175 = tpu.memref_slice %arg9[%dma_start3A_174] : memref<10016xi32, #tpu.memory_space<vmem>> -> memref<10000xi32, #tpu.memory_space<vmem>>
        %dma_start3A_176 = arith.constant 0 : i32
        %dma_start3A_177 = tpu.memref_slice %arg2[%add3A_131, %dma_start3A_176] : memref<256x10000xi32, #tpu.memory_space<hbm>> -> memref<1x10000xi32, #tpu.memory_space<hbm>>
        %dma_start3A_178 = tpu.memref_squeeze %dma_start3A_177 : memref<1x10000xi32, #tpu.memory_space<hbm>> -> memref<10000xi32, #tpu.memory_space<hbm>>
        tpu.enqueue_dma source(%dma_start3A_178 : memref<10000xi32, #tpu.memory_space<hbm>>) target(%dma_start3A_175 : memref<10000xi32, #tpu.memory_space<vmem>>) target_semaphore(%run_scoped3A : memref<!tpu.dma_semaphore, #tpu.memory_space<semaphore_mem>>)
        %dma_wait3A = arith.constant 0 : i32
        %dma_wait3A_179 = tpu.memref_slice %arg9[%dma_wait3A] : memref<10016xi32, #tpu.memory_space<vmem>> -> memref<10000xi32, #tpu.memory_space<vmem>>
        %dma_wait3A_180 = arith.constant 0 : i32
        %dma_wait3A_181 = tpu.memref_slice %arg2[%add3A_131, %dma_wait3A_180] : memref<256x10000xi32, #tpu.memory_space<hbm>> -> memref<1x10000xi32, #tpu.memory_space<hbm>>
        %dma_wait3A_182 = tpu.memref_squeeze %dma_wait3A_181 : memref<1x10000xi32, #tpu.memory_space<hbm>> -> memref<10000xi32, #tpu.memory_space<hbm>>
        %dma_wait3A_183 = arith.constant 0 : i32
        %dma_wait3A_184 = tpu.memref_slice %arg9[%dma_wait3A_183] : memref<10016xi32, #tpu.memory_space<vmem>> -> memref<10000xi32, #tpu.memory_space<vmem>>
        %dma_wait3A_185 = arith.constant 0 : i32
        %dma_wait3A_186 = tpu.memref_slice %arg2[%add3A_131, %dma_wait3A_185] : memref<256x10000xi32, #tpu.memory_space<hbm>> -> memref<1x10000xi32, #tpu.memory_space<hbm>>
        %dma_wait3A_187 = tpu.memref_squeeze %dma_wait3A_186 : memref<1x10000xi32, #tpu.memory_space<hbm>> -> memref<10000xi32, #tpu.memory_space<hbm>>
        tpu.wait_dma2 semaphore(%run_scoped3A : memref<!tpu.dma_semaphore, #tpu.memory_space<semaphore_mem>>) src(%dma_wait3A_187 : memref<10000xi32, #tpu.memory_space<hbm>>) dst(%dma_wait3A_184 : memref<10000xi32, #tpu.memory_space<vmem>>)
        tpu.yield
      }) : () -> ()
      %scan3A_132 = arith.constant 0 : i32
      %scan3A_133 = arith.constant 0 : i32
      %scan3A_134 = arith.constant 626 : i32
      %scan3A_135 = arith.addi %scan3A_133, %scan3A_134 : i32
      %scan3A_136 = arith.constant 1 : i32
      scf.for %scan3A_169 = %scan3A_133 to %scan3A_135 step %scan3A_136  : i32 {
        %broadcast_in_dim3A = arith.constant 0.000000e+00 : f32
        %broadcast_in_dim3A_170 = vector.broadcast %broadcast_in_dim3A : f32 to vector<16xf32>
        %mul3A_171 = arith.constant 16 : i32
        %mul3A_172 = arith.muli %scan3A_169, %mul3A_171 : i32
        %swap3A = arith.index_cast %mul3A_172 : i32 to index
        %swap3A_173 = tpu.vector_load %arg10[%swap3A] {strides = array<i32>} : memref<10016xf32, #tpu.memory_space<vmem>>, vector<16xf32>,
        tpu.vector_store %arg10[%swap3A], %broadcast_in_dim3A_170 {strides = array<i32>} : memref<10016xf32, #tpu.memory_space<vmem>>, vector<16xf32>,
        %broadcast_in_dim3A_174 = arith.constant 0.000000e+00 : f32
        %broadcast_in_dim3A_175 = vector.broadcast %broadcast_in_dim3A_174 : f32 to vector<16xf32>
        %mul3A_176 = arith.constant 16 : i32
        %mul3A_177 = arith.muli %scan3A_169, %mul3A_176 : i32
        %swap3A_178 = arith.index_cast %mul3A_177 : i32 to index
        %swap3A_179 = tpu.vector_load %arg11[%swap3A_178] {strides = array<i32>} : memref<10016xf32, #tpu.memory_space<vmem>>, vector<16xf32>,
        tpu.vector_store %arg11[%swap3A_178], %broadcast_in_dim3A_175 {strides = array<i32>} : memref<10016xf32, #tpu.memory_space<vmem>>, vector<16xf32>,
        %broadcast_in_dim3A_180 = arith.constant 0.000000e+00 : f32
        %broadcast_in_dim3A_181 = vector.broadcast %broadcast_in_dim3A_180 : f32 to vector<16xf32>
        %mul3A_182 = arith.constant 16 : i32
        %mul3A_183 = arith.muli %scan3A_169, %mul3A_182 : i32
        %swap3A_184 = arith.index_cast %mul3A_183 : i32 to index
        %swap3A_185 = tpu.vector_load %arg12[%swap3A_184] {strides = array<i32>} : memref<10016xf32, #tpu.memory_space<vmem>>, vector<16xf32>,
        tpu.vector_store %arg12[%swap3A_184], %broadcast_in_dim3A_181 {strides = array<i32>} : memref<10016xf32, #tpu.memory_space<vmem>>, vector<16xf32>,
        %broadcast_in_dim3A_186 = arith.constant 0.000000e+00 : f32
        %broadcast_in_dim3A_187 = vector.broadcast %broadcast_in_dim3A_186 : f32 to vector<16xf32>
        %mul3A_188 = arith.constant 16 : i32
        %mul3A_189 = arith.muli %scan3A_169, %mul3A_188 : i32
        %swap3A_190 = arith.index_cast %mul3A_189 : i32 to index
        %swap3A_191 = tpu.vector_load %arg13[%swap3A_190] {strides = array<i32>} : memref<10016xf32, #tpu.memory_space<vmem>>, vector<16xf32>,
        tpu.vector_store %arg13[%swap3A_190], %broadcast_in_dim3A_187 {strides = array<i32>} : memref<10016xf32, #tpu.memory_space<vmem>>, vector<16xf32>,
        %broadcast_in_dim3A_192 = arith.constant 0.000000e+00 : f32
        %broadcast_in_dim3A_193 = vector.broadcast %broadcast_in_dim3A_192 : f32 to vector<16xf32>
        %mul3A_194 = arith.constant 16 : i32
        %mul3A_195 = arith.muli %scan3A_169, %mul3A_194 : i32
        %swap3A_196 = arith.index_cast %mul3A_195 : i32 to index
        %swap3A_197 = tpu.vector_load %arg14[%swap3A_196] {strides = array<i32>} : memref<10016xf32, #tpu.memory_space<vmem>>, vector<16xf32>,
        tpu.vector_store %arg14[%swap3A_196], %broadcast_in_dim3A_193 {strides = array<i32>} : memref<10016xf32, #tpu.memory_space<vmem>>, vector<16xf32>,
        %broadcast_in_dim3A_198 = arith.constant 0.000000e+00 : f32
        %broadcast_in_dim3A_199 = vector.broadcast %broadcast_in_dim3A_198 : f32 to vector<16xf32>
        %mul3A_200 = arith.constant 16 : i32
        %mul3A_201 = arith.muli %scan3A_169, %mul3A_200 : i32
        %swap3A_202 = arith.index_cast %mul3A_201 : i32 to index
        %swap3A_203 = tpu.vector_load %arg15[%swap3A_202] {strides = array<i32>} : memref<10016xf32, #tpu.memory_space<vmem>>, vector<16xf32>,
        tpu.vector_store %arg15[%swap3A_202], %broadcast_in_dim3A_199 {strides = array<i32>} : memref<10016xf32, #tpu.memory_space<vmem>>, vector<16xf32>,
        %broadcast_in_dim3A_204 = arith.constant 0.000000e+00 : f32
        %broadcast_in_dim3A_205 = vector.broadcast %broadcast_in_dim3A_204 : f32 to vector<16xf32>
        %mul3A_206 = arith.constant 16 : i32
        %mul3A_207 = arith.muli %scan3A_169, %mul3A_206 : i32
        %swap3A_208 = arith.index_cast %mul3A_207 : i32 to index
        %swap3A_209 = tpu.vector_load %arg16[%swap3A_208] {strides = array<i32>} : memref<10016xf32, #tpu.memory_space<vmem>>, vector<16xf32>,
        tpu.vector_store %arg16[%swap3A_208], %broadcast_in_dim3A_205 {strides = array<i32>} : memref<10016xf32, #tpu.memory_space<vmem>>, vector<16xf32>,
        %broadcast_in_dim3A_210 = arith.constant 0.000000e+00 : f32
        %broadcast_in_dim3A_211 = vector.broadcast %broadcast_in_dim3A_210 : f32 to vector<16xf32>
        %mul3A_212 = arith.constant 16 : i32
        %mul3A_213 = arith.muli %scan3A_169, %mul3A_212 : i32
        %swap3A_214 = arith.index_cast %mul3A_213 : i32 to index
        %swap3A_215 = tpu.vector_load %arg17[%swap3A_214] {strides = array<i32>} : memref<10016xf32, #tpu.memory_space<vmem>>, vector<16xf32>,
        tpu.vector_store %arg17[%swap3A_214], %broadcast_in_dim3A_211 {strides = array<i32>} : memref<10016xf32, #tpu.memory_space<vmem>>, vector<16xf32>,
      }
      %scan3A_137 = arith.constant 626 : i32
      %dma_start3A = arith.constant 0 : i32
      %dma_start3A_138 = tpu.memref_slice %arg3[%dma_start3A] : memref<344064xi32, #tpu.memory_space<hbm>> -> memref<2048xi32, #tpu.memory_space<hbm>>
      %dma_start3A_139 = arith.constant 0 : i32
      %dma_start3A_140 = tpu.memref_slice %arg3[%dma_start3A_139] : memref<344064xi32, #tpu.memory_space<hbm>> -> memref<2048xi32, #tpu.memory_space<hbm>>
      tpu.enqueue_dma source(%dma_start3A_140 : memref<2048xi32, #tpu.memory_space<hbm>>) target(%arg18 : memref<2048xi32, #tpu.memory_space<vmem>>) target_semaphore(%arg22 : memref<!tpu.dma_semaphore, #tpu.memory_space<semaphore_mem>>)
      %dma_start3A_141 = arith.constant 0 : i32
      %dma_start3A_142 = tpu.memref_slice %arg4[%select_n3A, %dma_start3A_141] : memref<8x344064xf32, #tpu.memory_space<hbm>> -> memref<1x2048xf32, #tpu.memory_space<hbm>>
      %dma_start3A_143 = tpu.memref_squeeze %dma_start3A_142 : memref<1x2048xf32, #tpu.memory_space<hbm>> -> memref<2048xf32, #tpu.memory_space<hbm>>
      %dma_start3A_144 = arith.constant 0 : i32
      %dma_start3A_145 = tpu.memref_slice %arg4[%select_n3A, %dma_start3A_144] : memref<8x344064xf32, #tpu.memory_space<hbm>> -> memref<1x2048xf32, #tpu.memory_space<hbm>>
      %dma_start3A_146 = tpu.memref_squeeze %dma_start3A_145 : memref<1x2048xf32, #tpu.memory_space<hbm>> -> memref<2048xf32, #tpu.memory_space<hbm>>
      tpu.enqueue_dma source(%dma_start3A_146 : memref<2048xf32, #tpu.memory_space<hbm>>) target(%arg19 : memref<2048xf32, #tpu.memory_space<vmem>>) target_semaphore(%arg22 : memref<!tpu.dma_semaphore, #tpu.memory_space<semaphore_mem>>)
      %scan3A_147 = arith.constant 0 : i32
      %scan3A_148 = arith.constant 0 : i32
      %scan3A_149 = arith.constant 84 : i32
      %scan3A_150 = arith.addi %scan3A_148, %scan3A_149 : i32
      %scan3A_151 = arith.constant 1 : i32
      scf.for %scan3A_169 = %scan3A_148 to %scan3A_150 step %scan3A_151  : i32 {
        %mul3A_170 = arith.constant 4096 : i32
        %mul3A_171 = arith.muli %scan3A_169, %mul3A_170 : i32
        %add3A_172 = arith.constant 2048 : i32
        %add3A_173 = arith.addi %mul3A_171, %add3A_172 : i32
        %dma_start3A_174 = tpu.memref_slice %arg3[%add3A_173] : memref<344064xi32, #tpu.memory_space<hbm>> -> memref<2048xi32, #tpu.memory_space<hbm>>
        %dma_start3A_175 = tpu.memref_slice %arg3[%add3A_173] : memref<344064xi32, #tpu.memory_space<hbm>> -> memref<2048xi32, #tpu.memory_space<hbm>>
        tpu.enqueue_dma source(%dma_start3A_175 : memref<2048xi32, #tpu.memory_space<hbm>>) target(%arg20 : memref<2048xi32, #tpu.memory_space<vmem>>) target_semaphore(%arg23 : memref<!tpu.dma_semaphore, #tpu.memory_space<semaphore_mem>>)
        %dma_start3A_176 = tpu.memref_slice %arg4[%select_n3A, %add3A_173] : memref<8x344064xf32, #tpu.memory_space<hbm>> -> memref<1x2048xf32, #tpu.memory_space<hbm>>
        %dma_start3A_177 = tpu.memref_squeeze %dma_start3A_176 : memref<1x2048xf32, #tpu.memory_space<hbm>> -> memref<2048xf32, #tpu.memory_space<hbm>>
        %dma_start3A_178 = tpu.memref_slice %arg4[%select_n3A, %add3A_173] : memref<8x344064xf32, #tpu.memory_space<hbm>> -> memref<1x2048xf32, #tpu.memory_space<hbm>>
        %dma_start3A_179 = tpu.memref_squeeze %dma_start3A_178 : memref<1x2048xf32, #tpu.memory_space<hbm>> -> memref<2048xf32, #tpu.memory_space<hbm>>
        tpu.enqueue_dma source(%dma_start3A_179 : memref<2048xf32, #tpu.memory_space<hbm>>) target(%arg21 : memref<2048xf32, #tpu.memory_space<vmem>>) target_semaphore(%arg23 : memref<!tpu.dma_semaphore, #tpu.memory_space<semaphore_mem>>)
        %dma_wait3A = arith.constant 0 : i32
        %dma_wait3A_180 = tpu.memref_slice %arg3[%dma_wait3A] : memref<344064xi32, #tpu.memory_space<hbm>> -> memref<2048xi32, #tpu.memory_space<hbm>>
        %dma_wait3A_181 = arith.constant 0 : i32
        %dma_wait3A_182 = tpu.memref_slice %arg3[%dma_wait3A_181] : memref<344064xi32, #tpu.memory_space<hbm>> -> memref<2048xi32, #tpu.memory_space<hbm>>
        tpu.wait_dma2 semaphore(%arg22 : memref<!tpu.dma_semaphore, #tpu.memory_space<semaphore_mem>>) src(%dma_wait3A_182 : memref<2048xi32, #tpu.memory_space<hbm>>) dst(%arg18 : memref<2048xi32, #tpu.memory_space<vmem>>)
        %dma_wait3A_183 = arith.constant 0 : i32
        %dma_wait3A_184 = tpu.memref_slice %arg4[%select_n3A, %dma_wait3A_183] : memref<8x344064xf32, #tpu.memory_space<hbm>> -> memref<1x2048xf32, #tpu.memory_space<hbm>>
        %dma_wait3A_185 = tpu.memref_squeeze %dma_wait3A_184 : memref<1x2048xf32, #tpu.memory_space<hbm>> -> memref<2048xf32, #tpu.memory_space<hbm>>
        %dma_wait3A_186 = arith.constant 0 : i32
        %dma_wait3A_187 = tpu.memref_slice %arg4[%select_n3A, %dma_wait3A_186] : memref<8x344064xf32, #tpu.memory_space<hbm>> -> memref<1x2048xf32, #tpu.memory_space<hbm>>
        %dma_wait3A_188 = tpu.memref_squeeze %dma_wait3A_187 : memref<1x2048xf32, #tpu.memory_space<hbm>> -> memref<2048xf32, #tpu.memory_space<hbm>>
        tpu.wait_dma2 semaphore(%arg22 : memref<!tpu.dma_semaphore, #tpu.memory_space<semaphore_mem>>) src(%dma_wait3A_188 : memref<2048xf32, #tpu.memory_space<hbm>>) dst(%arg19 : memref<2048xf32, #tpu.memory_space<vmem>>)
        %parallel_loop3A = arith.constant 0 : i32
        %parallel_loop3A_189 = arith.constant 128 : i32
        %parallel_loop3A_190 = arith.constant 1 : i32
        scf.for %parallel_loop3A_208 = %parallel_loop3A to %parallel_loop3A_189 step %parallel_loop3A_190  : i32 {
          %parallel_loop3A_209 = arith.constant 16 : i32
          %parallel_loop3A_210 = arith.muli %parallel_loop3A_208, %parallel_loop3A_209 : i32
          %parallel_loop3A_211 = arith.index_cast %parallel_loop3A_210 : i32 to index
          %parallel_loop3A_212 = tpu.vector_load %arg18[%parallel_loop3A_211] {strides = array<i32>} : memref<2048xi32, #tpu.memory_space<vmem>>, vector<16xi32>,
          %parallel_loop3A_213 = arith.constant 65535 : i32
          %parallel_loop3A_214 = vector.broadcast %parallel_loop3A_213 : i32 to vector<16xi32>
          %parallel_loop3A_215 = arith.andi %parallel_loop3A_212, %parallel_loop3A_214 : vector<16xi32>
          %parallel_loop3A_216 = arith.constant 16 : i32
          %parallel_loop3A_217 = vector.broadcast %parallel_loop3A_216 : i32 to vector<16xi32>
          %parallel_loop3A_218 = arith.shrui %parallel_loop3A_212, %parallel_loop3A_217 : vector<16xi32>
          %parallel_loop3A_219 = arith.index_cast %parallel_loop3A_210 : i32 to index
          %parallel_loop3A_220 = tpu.vector_load %arg19[%parallel_loop3A_219] {strides = array<i32>} : memref<2048xf32, #tpu.memory_space<vmem>>, vector<16xf32>,
          %parallel_loop3A_221 = tpu.vector_load_idx %arg6[%parallel_loop3A_215] : memref<10016xi32, #tpu.memory_space<vmem>>[vector<16xi32>], vector<16xi32>,
          %parallel_loop3A_222 = vector.bitcast %parallel_loop3A_221 : vector<16xi32> to vector<32xbf16>
          %parallel_loop3A_223 = tpu.unpack_subelements %parallel_loop3A_222, 0 {pack_format = #tpu.pack_format<interleaved>} : vector<32xbf16> -> vector<16xf32>
          %parallel_loop3A_224 = tpu.unpack_subelements %parallel_loop3A_222, 1 {pack_format = #tpu.pack_format<interleaved>} : vector<32xbf16> -> vector<16xf32>
          %parallel_loop3A_225 = arith.mulf %parallel_loop3A_223, %parallel_loop3A_220 : vector<16xf32>
          tpu.vector_store_idx %arg10[%parallel_loop3A_218], %parallel_loop3A_225 {add = true} : memref<10016xf32, #tpu.memory_space<vmem>>[vector<16xi32>], vector<16xf32>,
          %parallel_loop3A_226 = arith.mulf %parallel_loop3A_224, %parallel_loop3A_220 : vector<16xf32>
          tpu.vector_store_idx %arg11[%parallel_loop3A_218], %parallel_loop3A_226 {add = true} : memref<10016xf32, #tpu.memory_space<vmem>>[vector<16xi32>], vector<16xf32>,
          %parallel_loop3A_227 = tpu.vector_load_idx %arg7[%parallel_loop3A_215] : memref<10016xi32, #tpu.memory_space<vmem>>[vector<16xi32>], vector<16xi32>,
          %parallel_loop3A_228 = vector.bitcast %parallel_loop3A_227 : vector<16xi32> to vector<32xbf16>
          %parallel_loop3A_229 = tpu.unpack_subelements %parallel_loop3A_228, 0 {pack_format = #tpu.pack_format<interleaved>} : vector<32xbf16> -> vector<16xf32>
          %parallel_loop3A_230 = tpu.unpack_subelements %parallel_loop3A_228, 1 {pack_format = #tpu.pack_format<interleaved>} : vector<32xbf16> -> vector<16xf32>
          %parallel_loop3A_231 = arith.mulf %parallel_loop3A_229, %parallel_loop3A_220 : vector<16xf32>
          tpu.vector_store_idx %arg12[%parallel_loop3A_218], %parallel_loop3A_231 {add = true} : memref<10016xf32, #tpu.memory_space<vmem>>[vector<16xi32>], vector<16xf32>,
          %parallel_loop3A_232 = arith.mulf %parallel_loop3A_230, %parallel_loop3A_220 : vector<16xf32>
          tpu.vector_store_idx %arg13[%parallel_loop3A_218], %parallel_loop3A_232 {add = true} : memref<10016xf32, #tpu.memory_space<vmem>>[vector<16xi32>], vector<16xf32>,
          %parallel_loop3A_233 = tpu.vector_load_idx %arg8[%parallel_loop3A_215] : memref<10016xi32, #tpu.memory_space<vmem>>[vector<16xi32>], vector<16xi32>,
          %parallel_loop3A_234 = vector.bitcast %parallel_loop3A_233 : vector<16xi32> to vector<32xbf16>
          %parallel_loop3A_235 = tpu.unpack_subelements %parallel_loop3A_234, 0 {pack_format = #tpu.pack_format<interleaved>} : vector<32xbf16> -> vector<16xf32>
          %parallel_loop3A_236 = tpu.unpack_subelements %parallel_loop3A_234, 1 {pack_format = #tpu.pack_format<interleaved>} : vector<32xbf16> -> vector<16xf32>
          %parallel_loop3A_237 = arith.mulf %parallel_loop3A_235, %parallel_loop3A_220 : vector<16xf32>
          tpu.vector_store_idx %arg14[%parallel_loop3A_218], %parallel_loop3A_237 {add = true} : memref<10016xf32, #tpu.memory_space<vmem>>[vector<16xi32>], vector<16xf32>,
          %parallel_loop3A_238 = arith.mulf %parallel_loop3A_236, %parallel_loop3A_220 : vector<16xf32>
          tpu.vector_store_idx %arg15[%parallel_loop3A_218], %parallel_loop3A_238 {add = true} : memref<10016xf32, #tpu.memory_space<vmem>>[vector<16xi32>], vector<16xf32>,
          %parallel_loop3A_239 = tpu.vector_load_idx %arg9[%parallel_loop3A_215] : memref<10016xi32, #tpu.memory_space<vmem>>[vector<16xi32>], vector<16xi32>,
          %parallel_loop3A_240 = vector.bitcast %parallel_loop3A_239 : vector<16xi32> to vector<32xbf16>
          %parallel_loop3A_241 = tpu.unpack_subelements %parallel_loop3A_240, 0 {pack_format = #tpu.pack_format<interleaved>} : vector<32xbf16> -> vector<16xf32>
          %parallel_loop3A_242 = tpu.unpack_subelements %parallel_loop3A_240, 1 {pack_format = #tpu.pack_format<interleaved>} : vector<32xbf16> -> vector<16xf32>
          %parallel_loop3A_243 = arith.mulf %parallel_loop3A_241, %parallel_loop3A_220 : vector<16xf32>
          tpu.vector_store_idx %arg16[%parallel_loop3A_218], %parallel_loop3A_243 {add = true} : memref<10016xf32, #tpu.memory_space<vmem>>[vector<16xi32>], vector<16xf32>,
          %parallel_loop3A_244 = arith.mulf %parallel_loop3A_242, %parallel_loop3A_220 : vector<16xf32>
          tpu.vector_store_idx %arg17[%parallel_loop3A_218], %parallel_loop3A_244 {add = true} : memref<10016xf32, #tpu.memory_space<vmem>>[vector<16xi32>], vector<16xf32>,
        } {sc.loop_unroll_factor = 8 : i64, sc.parallel_access}
        %add3A_191 = arith.constant 1 : i32
        %add3A_192 = arith.addi %scan3A_169, %add3A_191 : i32
        %lt3A = arith.constant 84 : i32
        %lt3A_193 = arith.cmpi slt, %add3A_192, %lt3A : i32
        %convert_element_type3A = arith.extui %lt3A_193 : i1 to i32
        %cond3A = arith.constant 0 : i32
        %cond3A_194 = arith.cmpi ne, %convert_element_type3A, %cond3A : i32
        scf.if %cond3A_194 {
          %add3A_208 = arith.constant 4096 : i32
          %add3A_209 = arith.addi %mul3A_171, %add3A_208 : i32
          %dma_start3A_210 = tpu.memref_slice %arg3[%add3A_209] : memref<344064xi32, #tpu.memory_space<hbm>> -> memref<2048xi32, #tpu.memory_space<hbm>>
          %dma_start3A_211 = tpu.memref_slice %arg3[%add3A_209] : memref<344064xi32, #tpu.memory_space<hbm>> -> memref<2048xi32, #tpu.memory_space<hbm>>
          tpu.enqueue_dma source(%dma_start3A_211 : memref<2048xi32, #tpu.memory_space<hbm>>) target(%arg18 : memref<2048xi32, #tpu.memory_space<vmem>>) target_semaphore(%arg22 : memref<!tpu.dma_semaphore, #tpu.memory_space<semaphore_mem>>)
          %dma_start3A_212 = tpu.memref_slice %arg4[%select_n3A, %add3A_209] : memref<8x344064xf32, #tpu.memory_space<hbm>> -> memref<1x2048xf32, #tpu.memory_space<hbm>>
          %dma_start3A_213 = tpu.memref_squeeze %dma_start3A_212 : memref<1x2048xf32, #tpu.memory_space<hbm>> -> memref<2048xf32, #tpu.memory_space<hbm>>
          %dma_start3A_214 = tpu.memref_slice %arg4[%select_n3A, %add3A_209] : memref<8x344064xf32, #tpu.memory_space<hbm>> -> memref<1x2048xf32, #tpu.memory_space<hbm>>
          %dma_start3A_215 = tpu.memref_squeeze %dma_start3A_214 : memref<1x2048xf32, #tpu.memory_space<hbm>> -> memref<2048xf32, #tpu.memory_space<hbm>>
          tpu.enqueue_dma source(%dma_start3A_215 : memref<2048xf32, #tpu.memory_space<hbm>>) target(%arg19 : memref<2048xf32, #tpu.memory_space<vmem>>) target_semaphore(%arg22 : memref<!tpu.dma_semaphore, #tpu.memory_space<semaphore_mem>>)
        } else {
        }
        %dma_wait3A_195 = arith.constant 0 : i32
        %dma_wait3A_196 = tpu.memref_slice %arg3[%dma_wait3A_195] : memref<344064xi32, #tpu.memory_space<hbm>> -> memref<2048xi32, #tpu.memory_space<hbm>>
        %dma_wait3A_197 = arith.constant 0 : i32
        %dma_wait3A_198 = tpu.memref_slice %arg3[%dma_wait3A_197] : memref<344064xi32, #tpu.memory_space<hbm>> -> memref<2048xi32, #tpu.memory_space<hbm>>
        tpu.wait_dma2 semaphore(%arg23 : memref<!tpu.dma_semaphore, #tpu.memory_space<semaphore_mem>>) src(%dma_wait3A_198 : memref<2048xi32, #tpu.memory_space<hbm>>) dst(%arg20 : memref<2048xi32, #tpu.memory_space<vmem>>)
        %dma_wait3A_199 = arith.constant 0 : i32
        %dma_wait3A_200 = tpu.memref_slice %arg4[%select_n3A, %dma_wait3A_199] : memref<8x344064xf32, #tpu.memory_space<hbm>> -> memref<1x2048xf32, #tpu.memory_space<hbm>>
        %dma_wait3A_201 = tpu.memref_squeeze %dma_wait3A_200 : memref<1x2048xf32, #tpu.memory_space<hbm>> -> memref<2048xf32, #tpu.memory_space<hbm>>
        %dma_wait3A_202 = arith.constant 0 : i32
        %dma_wait3A_203 = tpu.memref_slice %arg4[%select_n3A, %dma_wait3A_202] : memref<8x344064xf32, #tpu.memory_space<hbm>> -> memref<1x2048xf32, #tpu.memory_space<hbm>>
        %dma_wait3A_204 = tpu.memref_squeeze %dma_wait3A_203 : memref<1x2048xf32, #tpu.memory_space<hbm>> -> memref<2048xf32, #tpu.memory_space<hbm>>
        tpu.wait_dma2 semaphore(%arg23 : memref<!tpu.dma_semaphore, #tpu.memory_space<semaphore_mem>>) src(%dma_wait3A_204 : memref<2048xf32, #tpu.memory_space<hbm>>) dst(%arg21 : memref<2048xf32, #tpu.memory_space<vmem>>)
        %parallel_loop3A_205 = arith.constant 0 : i32
        %parallel_loop3A_206 = arith.constant 128 : i32
        %parallel_loop3A_207 = arith.constant 1 : i32
        scf.for %parallel_loop3A_208 = %parallel_loop3A_205 to %parallel_loop3A_206 step %parallel_loop3A_207  : i32 {
          %parallel_loop3A_209 = arith.constant 16 : i32
          %parallel_loop3A_210 = arith.muli %parallel_loop3A_208, %parallel_loop3A_209 : i32
          %parallel_loop3A_211 = arith.index_cast %parallel_loop3A_210 : i32 to index
          %parallel_loop3A_212 = tpu.vector_load %arg20[%parallel_loop3A_211] {strides = array<i32>} : memref<2048xi32, #tpu.memory_space<vmem>>, vector<16xi32>,
          %parallel_loop3A_213 = arith.constant 65535 : i32
          %parallel_loop3A_214 = vector.broadcast %parallel_loop3A_213 : i32 to vector<16xi32>
          %parallel_loop3A_215 = arith.andi %parallel_loop3A_212, %parallel_loop3A_214 : vector<16xi32>
          %parallel_loop3A_216 = arith.constant 16 : i32
          %parallel_loop3A_217 = vector.broadcast %parallel_loop3A_216 : i32 to vector<16xi32>
          %parallel_loop3A_218 = arith.shrui %parallel_loop3A_212, %parallel_loop3A_217 : vector<16xi32>
          %parallel_loop3A_219 = arith.index_cast %parallel_loop3A_210 : i32 to index
          %parallel_loop3A_220 = tpu.vector_load %arg21[%parallel_loop3A_219] {strides = array<i32>} : memref<2048xf32, #tpu.memory_space<vmem>>, vector<16xf32>,
          %parallel_loop3A_221 = tpu.vector_load_idx %arg6[%parallel_loop3A_215] : memref<10016xi32, #tpu.memory_space<vmem>>[vector<16xi32>], vector<16xi32>,
          %parallel_loop3A_222 = vector.bitcast %parallel_loop3A_221 : vector<16xi32> to vector<32xbf16>
          %parallel_loop3A_223 = tpu.unpack_subelements %parallel_loop3A_222, 0 {pack_format = #tpu.pack_format<interleaved>} : vector<32xbf16> -> vector<16xf32>
          %parallel_loop3A_224 = tpu.unpack_subelements %parallel_loop3A_222, 1 {pack_format = #tpu.pack_format<interleaved>} : vector<32xbf16> -> vector<16xf32>
          %parallel_loop3A_225 = arith.mulf %parallel_loop3A_223, %parallel_loop3A_220 : vector<16xf32>
          tpu.vector_store_idx %arg10[%parallel_loop3A_218], %parallel_loop3A_225 {add = true} : memref<10016xf32, #tpu.memory_space<vmem>>[vector<16xi32>], vector<16xf32>,
          %parallel_loop3A_226 = arith.mulf %parallel_loop3A_224, %parallel_loop3A_220 : vector<16xf32>
          tpu.vector_store_idx %arg11[%parallel_loop3A_218], %parallel_loop3A_226 {add = true} : memref<10016xf32, #tpu.memory_space<vmem>>[vector<16xi32>], vector<16xf32>,
          %parallel_loop3A_227 = tpu.vector_load_idx %arg7[%parallel_loop3A_215] : memref<10016xi32, #tpu.memory_space<vmem>>[vector<16xi32>], vector<16xi32>,
          %parallel_loop3A_228 = vector.bitcast %parallel_loop3A_227 : vector<16xi32> to vector<32xbf16>
          %parallel_loop3A_229 = tpu.unpack_subelements %parallel_loop3A_228, 0 {pack_format = #tpu.pack_format<interleaved>} : vector<32xbf16> -> vector<16xf32>
          %parallel_loop3A_230 = tpu.unpack_subelements %parallel_loop3A_228, 1 {pack_format = #tpu.pack_format<interleaved>} : vector<32xbf16> -> vector<16xf32>
          %parallel_loop3A_231 = arith.mulf %parallel_loop3A_229, %parallel_loop3A_220 : vector<16xf32>
          tpu.vector_store_idx %arg12[%parallel_loop3A_218], %parallel_loop3A_231 {add = true} : memref<10016xf32, #tpu.memory_space<vmem>>[vector<16xi32>], vector<16xf32>,
          %parallel_loop3A_232 = arith.mulf %parallel_loop3A_230, %parallel_loop3A_220 : vector<16xf32>
          tpu.vector_store_idx %arg13[%parallel_loop3A_218], %parallel_loop3A_232 {add = true} : memref<10016xf32, #tpu.memory_space<vmem>>[vector<16xi32>], vector<16xf32>,
          %parallel_loop3A_233 = tpu.vector_load_idx %arg8[%parallel_loop3A_215] : memref<10016xi32, #tpu.memory_space<vmem>>[vector<16xi32>], vector<16xi32>,
          %parallel_loop3A_234 = vector.bitcast %parallel_loop3A_233 : vector<16xi32> to vector<32xbf16>
          %parallel_loop3A_235 = tpu.unpack_subelements %parallel_loop3A_234, 0 {pack_format = #tpu.pack_format<interleaved>} : vector<32xbf16> -> vector<16xf32>
          %parallel_loop3A_236 = tpu.unpack_subelements %parallel_loop3A_234, 1 {pack_format = #tpu.pack_format<interleaved>} : vector<32xbf16> -> vector<16xf32>
          %parallel_loop3A_237 = arith.mulf %parallel_loop3A_235, %parallel_loop3A_220 : vector<16xf32>
          tpu.vector_store_idx %arg14[%parallel_loop3A_218], %parallel_loop3A_237 {add = true} : memref<10016xf32, #tpu.memory_space<vmem>>[vector<16xi32>], vector<16xf32>,
          %parallel_loop3A_238 = arith.mulf %parallel_loop3A_236, %parallel_loop3A_220 : vector<16xf32>
          tpu.vector_store_idx %arg15[%parallel_loop3A_218], %parallel_loop3A_238 {add = true} : memref<10016xf32, #tpu.memory_space<vmem>>[vector<16xi32>], vector<16xf32>,
          %parallel_loop3A_239 = tpu.vector_load_idx %arg9[%parallel_loop3A_215] : memref<10016xi32, #tpu.memory_space<vmem>>[vector<16xi32>], vector<16xi32>,
          %parallel_loop3A_240 = vector.bitcast %parallel_loop3A_239 : vector<16xi32> to vector<32xbf16>
          %parallel_loop3A_241 = tpu.unpack_subelements %parallel_loop3A_240, 0 {pack_format = #tpu.pack_format<interleaved>} : vector<32xbf16> -> vector<16xf32>
          %parallel_loop3A_242 = tpu.unpack_subelements %parallel_loop3A_240, 1 {pack_format = #tpu.pack_format<interleaved>} : vector<32xbf16> -> vector<16xf32>
          %parallel_loop3A_243 = arith.mulf %parallel_loop3A_241, %parallel_loop3A_220 : vector<16xf32>
          tpu.vector_store_idx %arg16[%parallel_loop3A_218], %parallel_loop3A_243 {add = true} : memref<10016xf32, #tpu.memory_space<vmem>>[vector<16xi32>], vector<16xf32>,
          %parallel_loop3A_244 = arith.mulf %parallel_loop3A_242, %parallel_loop3A_220 : vector<16xf32>
          tpu.vector_store_idx %arg17[%parallel_loop3A_218], %parallel_loop3A_244 {add = true} : memref<10016xf32, #tpu.memory_space<vmem>>[vector<16xi32>], vector<16xf32>,
        } {sc.loop_unroll_factor = 8 : i64, sc.parallel_access}
      }
      %scan3A_152 = arith.constant 84 : i32
      %add3A_153 = arith.constant 0 : i32
      %add3A_154 = arith.addi %add3A_11, %add3A_153 : i32
      "tpu.region"() ({
        %run_scoped3A = tpu.sem_alloc : memref<!tpu.dma_semaphore, #tpu.memory_space<semaphore_mem>>
        %dma_start3A_169 = arith.constant 0 : i32
        %dma_start3A_170 = tpu.memref_slice %arg10[%dma_start3A_169] : memref<10016xf32, #tpu.memory_space<vmem>> -> memref<10000xf32, #tpu.memory_space<vmem>>
        %dma_start3A_171 = arith.constant 0 : i32
        %dma_start3A_172 = tpu.memref_slice %arg5[%add3A_154, %dma_start3A_171] : memref<512x10000xf32, #tpu.memory_space<hbm>> -> memref<1x10000xf32, #tpu.memory_space<hbm>>
        %dma_start3A_173 = tpu.memref_squeeze %dma_start3A_172 : memref<1x10000xf32, #tpu.memory_space<hbm>> -> memref<10000xf32, #tpu.memory_space<hbm>>
        %dma_start3A_174 = arith.constant 0 : i32
        %dma_start3A_175 = tpu.memref_slice %arg5[%add3A_154, %dma_start3A_174] : memref<512x10000xf32, #tpu.memory_space<hbm>> -> memref<1x10000xf32, #tpu.memory_space<hbm>>
        %dma_start3A_176 = tpu.memref_squeeze %dma_start3A_175 : memref<1x10000xf32, #tpu.memory_space<hbm>> -> memref<10000xf32, #tpu.memory_space<hbm>>
        %dma_start3A_177 = arith.constant 0 : i32
        %dma_start3A_178 = tpu.memref_slice %arg10[%dma_start3A_177] : memref<10016xf32, #tpu.memory_space<vmem>> -> memref<10000xf32, #tpu.memory_space<vmem>>
        tpu.enqueue_dma source(%dma_start3A_178 : memref<10000xf32, #tpu.memory_space<vmem>>) target(%dma_start3A_176 : memref<10000xf32, #tpu.memory_space<hbm>>) target_semaphore(%run_scoped3A : memref<!tpu.dma_semaphore, #tpu.memory_space<semaphore_mem>>)
        %dma_wait3A = arith.constant 0 : i32
        %dma_wait3A_179 = tpu.memref_slice %arg10[%dma_wait3A] : memref<10016xf32, #tpu.memory_space<vmem>> -> memref<10000xf32, #tpu.memory_space<vmem>>
        %dma_wait3A_180 = arith.constant 0 : i32
        %dma_wait3A_181 = tpu.memref_slice %arg5[%add3A_154, %dma_wait3A_180] : memref<512x10000xf32, #tpu.memory_space<hbm>> -> memref<1x10000xf32, #tpu.memory_space<hbm>>
        %dma_wait3A_182 = tpu.memref_squeeze %dma_wait3A_181 : memref<1x10000xf32, #tpu.memory_space<hbm>> -> memref<10000xf32, #tpu.memory_space<hbm>>
        %dma_wait3A_183 = arith.constant 0 : i32
        %dma_wait3A_184 = tpu.memref_slice %arg5[%add3A_154, %dma_wait3A_183] : memref<512x10000xf32, #tpu.memory_space<hbm>> -> memref<1x10000xf32, #tpu.memory_space<hbm>>
        %dma_wait3A_185 = tpu.memref_squeeze %dma_wait3A_184 : memref<1x10000xf32, #tpu.memory_space<hbm>> -> memref<10000xf32, #tpu.memory_space<hbm>>
        %dma_wait3A_186 = arith.constant 0 : i32
        %dma_wait3A_187 = tpu.memref_slice %arg10[%dma_wait3A_186] : memref<10016xf32, #tpu.memory_space<vmem>> -> memref<10000xf32, #tpu.memory_space<vmem>>
        tpu.wait_dma2 semaphore(%run_scoped3A : memref<!tpu.dma_semaphore, #tpu.memory_space<semaphore_mem>>) src(%dma_wait3A_187 : memref<10000xf32, #tpu.memory_space<vmem>>) dst(%dma_wait3A_185 : memref<10000xf32, #tpu.memory_space<hbm>>)
        tpu.yield
      }) : () -> ()
      %add3A_155 = arith.constant 1 : i32
      %add3A_156 = arith.addi %add3A_11, %add3A_155 : i32
      "tpu.region"() ({
        %run_scoped3A = tpu.sem_alloc : memref<!tpu.dma_semaphore, #tpu.memory_space<semaphore_mem>>
        %dma_start3A_169 = arith.constant 0 : i32
        %dma_start3A_170 = tpu.memref_slice %arg11[%dma_start3A_169] : memref<10016xf32, #tpu.memory_space<vmem>> -> memref<10000xf32, #tpu.memory_space<vmem>>
        %dma_start3A_171 = arith.constant 0 : i32
        %dma_start3A_172 = tpu.memref_slice %arg5[%add3A_156, %dma_start3A_171] : memref<512x10000xf32, #tpu.memory_space<hbm>> -> memref<1x10000xf32, #tpu.memory_space<hbm>>
        %dma_start3A_173 = tpu.memref_squeeze %dma_start3A_172 : memref<1x10000xf32, #tpu.memory_space<hbm>> -> memref<10000xf32, #tpu.memory_space<hbm>>
        %dma_start3A_174 = arith.constant 0 : i32
        %dma_start3A_175 = tpu.memref_slice %arg5[%add3A_156, %dma_start3A_174] : memref<512x10000xf32, #tpu.memory_space<hbm>> -> memref<1x10000xf32, #tpu.memory_space<hbm>>
        %dma_start3A_176 = tpu.memref_squeeze %dma_start3A_175 : memref<1x10000xf32, #tpu.memory_space<hbm>> -> memref<10000xf32, #tpu.memory_space<hbm>>
        %dma_start3A_177 = arith.constant 0 : i32
        %dma_start3A_178 = tpu.memref_slice %arg11[%dma_start3A_177] : memref<10016xf32, #tpu.memory_space<vmem>> -> memref<10000xf32, #tpu.memory_space<vmem>>
        tpu.enqueue_dma source(%dma_start3A_178 : memref<10000xf32, #tpu.memory_space<vmem>>) target(%dma_start3A_176 : memref<10000xf32, #tpu.memory_space<hbm>>) target_semaphore(%run_scoped3A : memref<!tpu.dma_semaphore, #tpu.memory_space<semaphore_mem>>)
        %dma_wait3A = arith.constant 0 : i32
        %dma_wait3A_179 = tpu.memref_slice %arg11[%dma_wait3A] : memref<10016xf32, #tpu.memory_space<vmem>> -> memref<10000xf32, #tpu.memory_space<vmem>>
        %dma_wait3A_180 = arith.constant 0 : i32
        %dma_wait3A_181 = tpu.memref_slice %arg5[%add3A_156, %dma_wait3A_180] : memref<512x10000xf32, #tpu.memory_space<hbm>> -> memref<1x10000xf32, #tpu.memory_space<hbm>>
        %dma_wait3A_182 = tpu.memref_squeeze %dma_wait3A_181 : memref<1x10000xf32, #tpu.memory_space<hbm>> -> memref<10000xf32, #tpu.memory_space<hbm>>
        %dma_wait3A_183 = arith.constant 0 : i32
        %dma_wait3A_184 = tpu.memref_slice %arg5[%add3A_156, %dma_wait3A_183] : memref<512x10000xf32, #tpu.memory_space<hbm>> -> memref<1x10000xf32, #tpu.memory_space<hbm>>
        %dma_wait3A_185 = tpu.memref_squeeze %dma_wait3A_184 : memref<1x10000xf32, #tpu.memory_space<hbm>> -> memref<10000xf32, #tpu.memory_space<hbm>>
        %dma_wait3A_186 = arith.constant 0 : i32
        %dma_wait3A_187 = tpu.memref_slice %arg11[%dma_wait3A_186] : memref<10016xf32, #tpu.memory_space<vmem>> -> memref<10000xf32, #tpu.memory_space<vmem>>
        tpu.wait_dma2 semaphore(%run_scoped3A : memref<!tpu.dma_semaphore, #tpu.memory_space<semaphore_mem>>) src(%dma_wait3A_187 : memref<10000xf32, #tpu.memory_space<vmem>>) dst(%dma_wait3A_185 : memref<10000xf32, #tpu.memory_space<hbm>>)
        tpu.yield
      }) : () -> ()
      %add3A_157 = arith.constant 2 : i32
      %add3A_158 = arith.addi %add3A_11, %add3A_157 : i32
      "tpu.region"() ({
        %run_scoped3A = tpu.sem_alloc : memref<!tpu.dma_semaphore, #tpu.memory_space<semaphore_mem>>
        %dma_start3A_169 = arith.constant 0 : i32
        %dma_start3A_170 = tpu.memref_slice %arg12[%dma_start3A_169] : memref<10016xf32, #tpu.memory_space<vmem>> -> memref<10000xf32, #tpu.memory_space<vmem>>
        %dma_start3A_171 = arith.constant 0 : i32
        %dma_start3A_172 = tpu.memref_slice %arg5[%add3A_158, %dma_start3A_171] : memref<512x10000xf32, #tpu.memory_space<hbm>> -> memref<1x10000xf32, #tpu.memory_space<hbm>>
        %dma_start3A_173 = tpu.memref_squeeze %dma_start3A_172 : memref<1x10000xf32, #tpu.memory_space<hbm>> -> memref<10000xf32, #tpu.memory_space<hbm>>
        %dma_start3A_174 = arith.constant 0 : i32
        %dma_start3A_175 = tpu.memref_slice %arg5[%add3A_158, %dma_start3A_174] : memref<512x10000xf32, #tpu.memory_space<hbm>> -> memref<1x10000xf32, #tpu.memory_space<hbm>>
        %dma_start3A_176 = tpu.memref_squeeze %dma_start3A_175 : memref<1x10000xf32, #tpu.memory_space<hbm>> -> memref<10000xf32, #tpu.memory_space<hbm>>
        %dma_start3A_177 = arith.constant 0 : i32
        %dma_start3A_178 = tpu.memref_slice %arg12[%dma_start3A_177] : memref<10016xf32, #tpu.memory_space<vmem>> -> memref<10000xf32, #tpu.memory_space<vmem>>
        tpu.enqueue_dma source(%dma_start3A_178 : memref<10000xf32, #tpu.memory_space<vmem>>) target(%dma_start3A_176 : memref<10000xf32, #tpu.memory_space<hbm>>) target_semaphore(%run_scoped3A : memref<!tpu.dma_semaphore, #tpu.memory_space<semaphore_mem>>)
        %dma_wait3A = arith.constant 0 : i32
        %dma_wait3A_179 = tpu.memref_slice %arg12[%dma_wait3A] : memref<10016xf32, #tpu.memory_space<vmem>> -> memref<10000xf32, #tpu.memory_space<vmem>>
        %dma_wait3A_180 = arith.constant 0 : i32
        %dma_wait3A_181 = tpu.memref_slice %arg5[%add3A_158, %dma_wait3A_180] : memref<512x10000xf32, #tpu.memory_space<hbm>> -> memref<1x10000xf32, #tpu.memory_space<hbm>>
        %dma_wait3A_182 = tpu.memref_squeeze %dma_wait3A_181 : memref<1x10000xf32, #tpu.memory_space<hbm>> -> memref<10000xf32, #tpu.memory_space<hbm>>
        %dma_wait3A_183 = arith.constant 0 : i32
        %dma_wait3A_184 = tpu.memref_slice %arg5[%add3A_158, %dma_wait3A_183] : memref<512x10000xf32, #tpu.memory_space<hbm>> -> memref<1x10000xf32, #tpu.memory_space<hbm>>
        %dma_wait3A_185 = tpu.memref_squeeze %dma_wait3A_184 : memref<1x10000xf32, #tpu.memory_space<hbm>> -> memref<10000xf32, #tpu.memory_space<hbm>>
        %dma_wait3A_186 = arith.constant 0 : i32
        %dma_wait3A_187 = tpu.memref_slice %arg12[%dma_wait3A_186] : memref<10016xf32, #tpu.memory_space<vmem>> -> memref<10000xf32, #tpu.memory_space<vmem>>
        tpu.wait_dma2 semaphore(%run_scoped3A : memref<!tpu.dma_semaphore, #tpu.memory_space<semaphore_mem>>) src(%dma_wait3A_187 : memref<10000xf32, #tpu.memory_space<vmem>>) dst(%dma_wait3A_185 : memref<10000xf32, #tpu.memory_space<hbm>>)
        tpu.yield
      }) : () -> ()
      %add3A_159 = arith.constant 3 : i32
      %add3A_160 = arith.addi %add3A_11, %add3A_159 : i32
      "tpu.region"() ({
        %run_scoped3A = tpu.sem_alloc : memref<!tpu.dma_semaphore, #tpu.memory_space<semaphore_mem>>
        %dma_start3A_169 = arith.constant 0 : i32
        %dma_start3A_170 = tpu.memref_slice %arg13[%dma_start3A_169] : memref<10016xf32, #tpu.memory_space<vmem>> -> memref<10000xf32, #tpu.memory_space<vmem>>
        %dma_start3A_171 = arith.constant 0 : i32
        %dma_start3A_172 = tpu.memref_slice %arg5[%add3A_160, %dma_start3A_171] : memref<512x10000xf32, #tpu.memory_space<hbm>> -> memref<1x10000xf32, #tpu.memory_space<hbm>>
        %dma_start3A_173 = tpu.memref_squeeze %dma_start3A_172 : memref<1x10000xf32, #tpu.memory_space<hbm>> -> memref<10000xf32, #tpu.memory_space<hbm>>
        %dma_start3A_174 = arith.constant 0 : i32
        %dma_start3A_175 = tpu.memref_slice %arg5[%add3A_160, %dma_start3A_174] : memref<512x10000xf32, #tpu.memory_space<hbm>> -> memref<1x10000xf32, #tpu.memory_space<hbm>>
        %dma_start3A_176 = tpu.memref_squeeze %dma_start3A_175 : memref<1x10000xf32, #tpu.memory_space<hbm>> -> memref<10000xf32, #tpu.memory_space<hbm>>
        %dma_start3A_177 = arith.constant 0 : i32
        %dma_start3A_178 = tpu.memref_slice %arg13[%dma_start3A_177] : memref<10016xf32, #tpu.memory_space<vmem>> -> memref<10000xf32, #tpu.memory_space<vmem>>
        tpu.enqueue_dma source(%dma_start3A_178 : memref<10000xf32, #tpu.memory_space<vmem>>) target(%dma_start3A_176 : memref<10000xf32, #tpu.memory_space<hbm>>) target_semaphore(%run_scoped3A : memref<!tpu.dma_semaphore, #tpu.memory_space<semaphore_mem>>)
        %dma_wait3A = arith.constant 0 : i32
        %dma_wait3A_179 = tpu.memref_slice %arg13[%dma_wait3A] : memref<10016xf32, #tpu.memory_space<vmem>> -> memref<10000xf32, #tpu.memory_space<vmem>>
        %dma_wait3A_180 = arith.constant 0 : i32
        %dma_wait3A_181 = tpu.memref_slice %arg5[%add3A_160, %dma_wait3A_180] : memref<512x10000xf32, #tpu.memory_space<hbm>> -> memref<1x10000xf32, #tpu.memory_space<hbm>>
        %dma_wait3A_182 = tpu.memref_squeeze %dma_wait3A_181 : memref<1x10000xf32, #tpu.memory_space<hbm>> -> memref<10000xf32, #tpu.memory_space<hbm>>
        %dma_wait3A_183 = arith.constant 0 : i32
        %dma_wait3A_184 = tpu.memref_slice %arg5[%add3A_160, %dma_wait3A_183] : memref<512x10000xf32, #tpu.memory_space<hbm>> -> memref<1x10000xf32, #tpu.memory_space<hbm>>
        %dma_wait3A_185 = tpu.memref_squeeze %dma_wait3A_184 : memref<1x10000xf32, #tpu.memory_space<hbm>> -> memref<10000xf32, #tpu.memory_space<hbm>>
        %dma_wait3A_186 = arith.constant 0 : i32
        %dma_wait3A_187 = tpu.memref_slice %arg13[%dma_wait3A_186] : memref<10016xf32, #tpu.memory_space<vmem>> -> memref<10000xf32, #tpu.memory_space<vmem>>
        tpu.wait_dma2 semaphore(%run_scoped3A : memref<!tpu.dma_semaphore, #tpu.memory_space<semaphore_mem>>) src(%dma_wait3A_187 : memref<10000xf32, #tpu.memory_space<vmem>>) dst(%dma_wait3A_185 : memref<10000xf32, #tpu.memory_space<hbm>>)
        tpu.yield
      }) : () -> ()
      %add3A_161 = arith.constant 4 : i32
      %add3A_162 = arith.addi %add3A_11, %add3A_161 : i32
      "tpu.region"() ({
        %run_scoped3A = tpu.sem_alloc : memref<!tpu.dma_semaphore, #tpu.memory_space<semaphore_mem>>
        %dma_start3A_169 = arith.constant 0 : i32
        %dma_start3A_170 = tpu.memref_slice %arg14[%dma_start3A_169] : memref<10016xf32, #tpu.memory_space<vmem>> -> memref<10000xf32, #tpu.memory_space<vmem>>
        %dma_start3A_171 = arith.constant 0 : i32
        %dma_start3A_172 = tpu.memref_slice %arg5[%add3A_162, %dma_start3A_171] : memref<512x10000xf32, #tpu.memory_space<hbm>> -> memref<1x10000xf32, #tpu.memory_space<hbm>>
        %dma_start3A_173 = tpu.memref_squeeze %dma_start3A_172 : memref<1x10000xf32, #tpu.memory_space<hbm>> -> memref<10000xf32, #tpu.memory_space<hbm>>
        %dma_start3A_174 = arith.constant 0 : i32
        %dma_start3A_175 = tpu.memref_slice %arg5[%add3A_162, %dma_start3A_174] : memref<512x10000xf32, #tpu.memory_space<hbm>> -> memref<1x10000xf32, #tpu.memory_space<hbm>>
        %dma_start3A_176 = tpu.memref_squeeze %dma_start3A_175 : memref<1x10000xf32, #tpu.memory_space<hbm>> -> memref<10000xf32, #tpu.memory_space<hbm>>
        %dma_start3A_177 = arith.constant 0 : i32
        %dma_start3A_178 = tpu.memref_slice %arg14[%dma_start3A_177] : memref<10016xf32, #tpu.memory_space<vmem>> -> memref<10000xf32, #tpu.memory_space<vmem>>
        tpu.enqueue_dma source(%dma_start3A_178 : memref<10000xf32, #tpu.memory_space<vmem>>) target(%dma_start3A_176 : memref<10000xf32, #tpu.memory_space<hbm>>) target_semaphore(%run_scoped3A : memref<!tpu.dma_semaphore, #tpu.memory_space<semaphore_mem>>)
        %dma_wait3A = arith.constant 0 : i32
        %dma_wait3A_179 = tpu.memref_slice %arg14[%dma_wait3A] : memref<10016xf32, #tpu.memory_space<vmem>> -> memref<10000xf32, #tpu.memory_space<vmem>>
        %dma_wait3A_180 = arith.constant 0 : i32
        %dma_wait3A_181 = tpu.memref_slice %arg5[%add3A_162, %dma_wait3A_180] : memref<512x10000xf32, #tpu.memory_space<hbm>> -> memref<1x10000xf32, #tpu.memory_space<hbm>>
        %dma_wait3A_182 = tpu.memref_squeeze %dma_wait3A_181 : memref<1x10000xf32, #tpu.memory_space<hbm>> -> memref<10000xf32, #tpu.memory_space<hbm>>
        %dma_wait3A_183 = arith.constant 0 : i32
        %dma_wait3A_184 = tpu.memref_slice %arg5[%add3A_162, %dma_wait3A_183] : memref<512x10000xf32, #tpu.memory_space<hbm>> -> memref<1x10000xf32, #tpu.memory_space<hbm>>
        %dma_wait3A_185 = tpu.memref_squeeze %dma_wait3A_184 : memref<1x10000xf32, #tpu.memory_space<hbm>> -> memref<10000xf32, #tpu.memory_space<hbm>>
        %dma_wait3A_186 = arith.constant 0 : i32
        %dma_wait3A_187 = tpu.memref_slice %arg14[%dma_wait3A_186] : memref<10016xf32, #tpu.memory_space<vmem>> -> memref<10000xf32, #tpu.memory_space<vmem>>
        tpu.wait_dma2 semaphore(%run_scoped3A : memref<!tpu.dma_semaphore, #tpu.memory_space<semaphore_mem>>) src(%dma_wait3A_187 : memref<10000xf32, #tpu.memory_space<vmem>>) dst(%dma_wait3A_185 : memref<10000xf32, #tpu.memory_space<hbm>>)
        tpu.yield
      }) : () -> ()
      %add3A_163 = arith.constant 5 : i32
      %add3A_164 = arith.addi %add3A_11, %add3A_163 : i32
      "tpu.region"() ({
        %run_scoped3A = tpu.sem_alloc : memref<!tpu.dma_semaphore, #tpu.memory_space<semaphore_mem>>
        %dma_start3A_169 = arith.constant 0 : i32
        %dma_start3A_170 = tpu.memref_slice %arg15[%dma_start3A_169] : memref<10016xf32, #tpu.memory_space<vmem>> -> memref<10000xf32, #tpu.memory_space<vmem>>
        %dma_start3A_171 = arith.constant 0 : i32
        %dma_start3A_172 = tpu.memref_slice %arg5[%add3A_164, %dma_start3A_171] : memref<512x10000xf32, #tpu.memory_space<hbm>> -> memref<1x10000xf32, #tpu.memory_space<hbm>>
        %dma_start3A_173 = tpu.memref_squeeze %dma_start3A_172 : memref<1x10000xf32, #tpu.memory_space<hbm>> -> memref<10000xf32, #tpu.memory_space<hbm>>
        %dma_start3A_174 = arith.constant 0 : i32
        %dma_start3A_175 = tpu.memref_slice %arg5[%add3A_164, %dma_start3A_174] : memref<512x10000xf32, #tpu.memory_space<hbm>> -> memref<1x10000xf32, #tpu.memory_space<hbm>>
        %dma_start3A_176 = tpu.memref_squeeze %dma_start3A_175 : memref<1x10000xf32, #tpu.memory_space<hbm>> -> memref<10000xf32, #tpu.memory_space<hbm>>
        %dma_start3A_177 = arith.constant 0 : i32
        %dma_start3A_178 = tpu.memref_slice %arg15[%dma_start3A_177] : memref<10016xf32, #tpu.memory_space<vmem>> -> memref<10000xf32, #tpu.memory_space<vmem>>
        tpu.enqueue_dma source(%dma_start3A_178 : memref<10000xf32, #tpu.memory_space<vmem>>) target(%dma_start3A_176 : memref<10000xf32, #tpu.memory_space<hbm>>) target_semaphore(%run_scoped3A : memref<!tpu.dma_semaphore, #tpu.memory_space<semaphore_mem>>)
        %dma_wait3A = arith.constant 0 : i32
        %dma_wait3A_179 = tpu.memref_slice %arg15[%dma_wait3A] : memref<10016xf32, #tpu.memory_space<vmem>> -> memref<10000xf32, #tpu.memory_space<vmem>>
        %dma_wait3A_180 = arith.constant 0 : i32
        %dma_wait3A_181 = tpu.memref_slice %arg5[%add3A_164, %dma_wait3A_180] : memref<512x10000xf32, #tpu.memory_space<hbm>> -> memref<1x10000xf32, #tpu.memory_space<hbm>>
        %dma_wait3A_182 = tpu.memref_squeeze %dma_wait3A_181 : memref<1x10000xf32, #tpu.memory_space<hbm>> -> memref<10000xf32, #tpu.memory_space<hbm>>
        %dma_wait3A_183 = arith.constant 0 : i32
        %dma_wait3A_184 = tpu.memref_slice %arg5[%add3A_164, %dma_wait3A_183] : memref<512x10000xf32, #tpu.memory_space<hbm>> -> memref<1x10000xf32, #tpu.memory_space<hbm>>
        %dma_wait3A_185 = tpu.memref_squeeze %dma_wait3A_184 : memref<1x10000xf32, #tpu.memory_space<hbm>> -> memref<10000xf32, #tpu.memory_space<hbm>>
        %dma_wait3A_186 = arith.constant 0 : i32
        %dma_wait3A_187 = tpu.memref_slice %arg15[%dma_wait3A_186] : memref<10016xf32, #tpu.memory_space<vmem>> -> memref<10000xf32, #tpu.memory_space<vmem>>
        tpu.wait_dma2 semaphore(%run_scoped3A : memref<!tpu.dma_semaphore, #tpu.memory_space<semaphore_mem>>) src(%dma_wait3A_187 : memref<10000xf32, #tpu.memory_space<vmem>>) dst(%dma_wait3A_185 : memref<10000xf32, #tpu.memory_space<hbm>>)
        tpu.yield
      }) : () -> ()
      %add3A_165 = arith.constant 6 : i32
      %add3A_166 = arith.addi %add3A_11, %add3A_165 : i32
      "tpu.region"() ({
        %run_scoped3A = tpu.sem_alloc : memref<!tpu.dma_semaphore, #tpu.memory_space<semaphore_mem>>
        %dma_start3A_169 = arith.constant 0 : i32
        %dma_start3A_170 = tpu.memref_slice %arg16[%dma_start3A_169] : memref<10016xf32, #tpu.memory_space<vmem>> -> memref<10000xf32, #tpu.memory_space<vmem>>
        %dma_start3A_171 = arith.constant 0 : i32
        %dma_start3A_172 = tpu.memref_slice %arg5[%add3A_166, %dma_start3A_171] : memref<512x10000xf32, #tpu.memory_space<hbm>> -> memref<1x10000xf32, #tpu.memory_space<hbm>>
        %dma_start3A_173 = tpu.memref_squeeze %dma_start3A_172 : memref<1x10000xf32, #tpu.memory_space<hbm>> -> memref<10000xf32, #tpu.memory_space<hbm>>
        %dma_start3A_174 = arith.constant 0 : i32
        %dma_start3A_175 = tpu.memref_slice %arg5[%add3A_166, %dma_start3A_174] : memref<512x10000xf32, #tpu.memory_space<hbm>> -> memref<1x10000xf32, #tpu.memory_space<hbm>>
        %dma_start3A_176 = tpu.memref_squeeze %dma_start3A_175 : memref<1x10000xf32, #tpu.memory_space<hbm>> -> memref<10000xf32, #tpu.memory_space<hbm>>
        %dma_start3A_177 = arith.constant 0 : i32
        %dma_start3A_178 = tpu.memref_slice %arg16[%dma_start3A_177] : memref<10016xf32, #tpu.memory_space<vmem>> -> memref<10000xf32, #tpu.memory_space<vmem>>
        tpu.enqueue_dma source(%dma_start3A_178 : memref<10000xf32, #tpu.memory_space<vmem>>) target(%dma_start3A_176 : memref<10000xf32, #tpu.memory_space<hbm>>) target_semaphore(%run_scoped3A : memref<!tpu.dma_semaphore, #tpu.memory_space<semaphore_mem>>)
        %dma_wait3A = arith.constant 0 : i32
        %dma_wait3A_179 = tpu.memref_slice %arg16[%dma_wait3A] : memref<10016xf32, #tpu.memory_space<vmem>> -> memref<10000xf32, #tpu.memory_space<vmem>>
        %dma_wait3A_180 = arith.constant 0 : i32
        %dma_wait3A_181 = tpu.memref_slice %arg5[%add3A_166, %dma_wait3A_180] : memref<512x10000xf32, #tpu.memory_space<hbm>> -> memref<1x10000xf32, #tpu.memory_space<hbm>>
        %dma_wait3A_182 = tpu.memref_squeeze %dma_wait3A_181 : memref<1x10000xf32, #tpu.memory_space<hbm>> -> memref<10000xf32, #tpu.memory_space<hbm>>
        %dma_wait3A_183 = arith.constant 0 : i32
        %dma_wait3A_184 = tpu.memref_slice %arg5[%add3A_166, %dma_wait3A_183] : memref<512x10000xf32, #tpu.memory_space<hbm>> -> memref<1x10000xf32, #tpu.memory_space<hbm>>
        %dma_wait3A_185 = tpu.memref_squeeze %dma_wait3A_184 : memref<1x10000xf32, #tpu.memory_space<hbm>> -> memref<10000xf32, #tpu.memory_space<hbm>>
        %dma_wait3A_186 = arith.constant 0 : i32
        %dma_wait3A_187 = tpu.memref_slice %arg16[%dma_wait3A_186] : memref<10016xf32, #tpu.memory_space<vmem>> -> memref<10000xf32, #tpu.memory_space<vmem>>
        tpu.wait_dma2 semaphore(%run_scoped3A : memref<!tpu.dma_semaphore, #tpu.memory_space<semaphore_mem>>) src(%dma_wait3A_187 : memref<10000xf32, #tpu.memory_space<vmem>>) dst(%dma_wait3A_185 : memref<10000xf32, #tpu.memory_space<hbm>>)
        tpu.yield
      }) : () -> ()
      %add3A_167 = arith.constant 7 : i32
      %add3A_168 = arith.addi %add3A_11, %add3A_167 : i32
      "tpu.region"() ({
        %run_scoped3A = tpu.sem_alloc : memref<!tpu.dma_semaphore, #tpu.memory_space<semaphore_mem>>
        %dma_start3A_169 = arith.constant 0 : i32
        %dma_start3A_170 = tpu.memref_slice %arg17[%dma_start3A_169] : memref<10016xf32, #tpu.memory_space<vmem>> -> memref<10000xf32, #tpu.memory_space<vmem>>
        %dma_start3A_171 = arith.constant 0 : i32
        %dma_start3A_172 = tpu.memref_slice %arg5[%add3A_168, %dma_start3A_171] : memref<512x10000xf32, #tpu.memory_space<hbm>> -> memref<1x10000xf32, #tpu.memory_space<hbm>>
        %dma_start3A_173 = tpu.memref_squeeze %dma_start3A_172 : memref<1x10000xf32, #tpu.memory_space<hbm>> -> memref<10000xf32, #tpu.memory_space<hbm>>
        %dma_start3A_174 = arith.constant 0 : i32
        %dma_start3A_175 = tpu.memref_slice %arg5[%add3A_168, %dma_start3A_174] : memref<512x10000xf32, #tpu.memory_space<hbm>> -> memref<1x10000xf32, #tpu.memory_space<hbm>>
        %dma_start3A_176 = tpu.memref_squeeze %dma_start3A_175 : memref<1x10000xf32, #tpu.memory_space<hbm>> -> memref<10000xf32, #tpu.memory_space<hbm>>
        %dma_start3A_177 = arith.constant 0 : i32
        %dma_start3A_178 = tpu.memref_slice %arg17[%dma_start3A_177] : memref<10016xf32, #tpu.memory_space<vmem>> -> memref<10000xf32, #tpu.memory_space<vmem>>
        tpu.enqueue_dma source(%dma_start3A_178 : memref<10000xf32, #tpu.memory_space<vmem>>) target(%dma_start3A_176 : memref<10000xf32, #tpu.memory_space<hbm>>) target_semaphore(%run_scoped3A : memref<!tpu.dma_semaphore, #tpu.memory_space<semaphore_mem>>)
        %dma_wait3A = arith.constant 0 : i32
        %dma_wait3A_179 = tpu.memref_slice %arg17[%dma_wait3A] : memref<10016xf32, #tpu.memory_space<vmem>> -> memref<10000xf32, #tpu.memory_space<vmem>>
        %dma_wait3A_180 = arith.constant 0 : i32
        %dma_wait3A_181 = tpu.memref_slice %arg5[%add3A_168, %dma_wait3A_180] : memref<512x10000xf32, #tpu.memory_space<hbm>> -> memref<1x10000xf32, #tpu.memory_space<hbm>>
        %dma_wait3A_182 = tpu.memref_squeeze %dma_wait3A_181 : memref<1x10000xf32, #tpu.memory_space<hbm>> -> memref<10000xf32, #tpu.memory_space<hbm>>
        %dma_wait3A_183 = arith.constant 0 : i32
        %dma_wait3A_184 = tpu.memref_slice %arg5[%add3A_168, %dma_wait3A_183] : memref<512x10000xf32, #tpu.memory_space<hbm>> -> memref<1x10000xf32, #tpu.memory_space<hbm>>
        %dma_wait3A_185 = tpu.memref_squeeze %dma_wait3A_184 : memref<1x10000xf32, #tpu.memory_space<hbm>> -> memref<10000xf32, #tpu.memory_space<hbm>>
        %dma_wait3A_186 = arith.constant 0 : i32
        %dma_wait3A_187 = tpu.memref_slice %arg17[%dma_wait3A_186] : memref<10016xf32, #tpu.memory_space<vmem>> -> memref<10000xf32, #tpu.memory_space<vmem>>
        tpu.wait_dma2 semaphore(%run_scoped3A : memref<!tpu.dma_semaphore, #tpu.memory_space<semaphore_mem>>) src(%dma_wait3A_187 : memref<10000xf32, #tpu.memory_space<vmem>>) dst(%dma_wait3A_185 : memref<10000xf32, #tpu.memory_space<hbm>>)
        tpu.yield
      }) : () -> ()
    }
    %scan3A_5 = arith.constant 2 : i32
    return
  }
}

#map = affine_map<(d0, d1) -> (0, 0)>
#map1 = affine_map<(d0, d1) -> (0)>
module attributes {stable_mosaic.version = 14 : i64} {
  func.func @body(%arg0: i32, %arg1: i32, %arg2: memref<16x10000xf32, #tpu.memory_space<hbm>>, %arg3: memref<344064xi32, #tpu.memory_space<hbm>>, %arg4: memref<8x344064xf32, #tpu.memory_space<hbm>>, %arg5: memref<32x10016xf32, #tpu.memory_space<hbm>>, %arg6: memref<10016xf32, #tpu.memory_space<vmem>>, %arg7: memref<10016xf32, #tpu.memory_space<vmem>>, %arg8: memref<10016xf32, #tpu.memory_space<vmem>>, %arg9: memref<4096xi32, #tpu.memory_space<vmem>>, %arg10: memref<4096xf32, #tpu.memory_space<vmem>>) attributes {dimension_semantics = [#tpu.dimension_semantics<core_parallel>, #tpu.dimension_semantics<subcore_parallel>], iteration_bounds = array<i64: 2, 16>, scalar_prefetch = 0 : i64, scratch_operands = 5 : i64, tpu.core_type = #tpu.core_type<sc_vector_subcore>, window_params = [{transform_indices = #map}, {transform_indices = #map1}, {transform_indices = #map}, {transform_indices = #map}]} {
    %mul3A = arith.constant 2 : i32
    %mul3A_0 = arith.muli %arg1, %mul3A : i32
    %add3A = arith.addi %mul3A_0, %arg0 : i32
    %jit3A = arith.constant 4 : i32
    %div3A = arith.divsi %add3A, %jit3A : i32
    %sign3A = arith.constant 0 : i32
    %sign3A_1 = arith.cmpi sgt, %add3A, %sign3A : i32
    %sign3A_2 = arith.extui %sign3A_1 : i1 to i32
    %sign3A_3 = arith.constant 0 : i32
    %sign3A_4 = arith.cmpi slt, %add3A, %sign3A_3 : i32
    %sign3A_5 = arith.extui %sign3A_4 : i1 to i32
    %sign3A_6 = arith.subi %sign3A_2, %sign3A_5 : i32
    %sign3A_7 = arith.constant 0 : i32
    %sign3A_8 = arith.cmpi sgt, %jit3A, %sign3A_7 : i32
    %sign3A_9 = arith.extui %sign3A_8 : i1 to i32
    %sign3A_10 = arith.constant 0 : i32
    %sign3A_11 = arith.cmpi slt, %jit3A, %sign3A_10 : i32
    %sign3A_12 = arith.extui %sign3A_11 : i1 to i32
    %sign3A_13 = arith.subi %sign3A_9, %sign3A_12 : i32
    %ne3A = arith.cmpi ne, %sign3A_6, %sign3A_13 : i32
    %rem3A = arith.remsi %add3A, %jit3A : i32
    %ne3A_14 = arith.constant 0 : i32
    %ne3A_15 = arith.cmpi ne, %rem3A, %ne3A_14 : i32
    %and3A = arith.andi %ne3A, %ne3A_15 : i1
    %sub3A = arith.constant 1 : i32
    %sub3A_16 = arith.subi %div3A, %sub3A : i32
    %select_n3A = arith.select %and3A, %sub3A_16, %div3A : i32
    %jit3A_17 = arith.constant 4 : i32
    %eq3A = arith.constant 0 : i32
    %eq3A_18 = arith.cmpi eq, %jit3A_17, %eq3A : i32
    %jit3A_19 = arith.constant 1 : i32
    %select_n3A_20 = arith.select %eq3A_18, %jit3A_19, %jit3A_17 : i32
    %rem3A_21 = arith.remsi %add3A, %select_n3A_20 : i32
    %ne3A_22 = arith.constant 0 : i32
    %ne3A_23 = arith.cmpi ne, %rem3A_21, %ne3A_22 : i32
    %lt3A = arith.constant 0 : i32
    %lt3A_24 = arith.cmpi slt, %rem3A_21, %lt3A : i32
    %lt3A_25 = arith.constant 0 : i32
    %lt3A_26 = arith.cmpi slt, %select_n3A_20, %lt3A_25 : i32
    %ne3A_27 = arith.xori %lt3A_24, %lt3A_26 : i1
    %and3A_28 = arith.andi %ne3A_27, %ne3A_23 : i1
    %add3A_29 = arith.addi %rem3A_21, %select_n3A_20 : i32
    %select_n3A_30 = arith.select %and3A_28, %add3A_29, %rem3A_21 : i32
    "tpu.region"() ({
      %run_scoped3A = tpu.sem_alloc : memref<!tpu.dma_semaphore, #tpu.memory_space<semaphore_mem>>
      %dma_start3A = arith.constant 0 : i32
      %dma_start3A_48 = tpu.memref_slice %arg6[%dma_start3A] : memref<10016xf32, #tpu.memory_space<vmem>> -> memref<10000xf32, #tpu.memory_space<vmem>>
      %dma_start3A_49 = arith.constant 0 : i32
      %dma_start3A_50 = tpu.memref_slice %arg2[%select_n3A, %dma_start3A_49] : memref<16x10000xf32, #tpu.memory_space<hbm>> -> memref<1x10000xf32, #tpu.memory_space<hbm>>
      %dma_start3A_51 = tpu.memref_squeeze %dma_start3A_50 : memref<1x10000xf32, #tpu.memory_space<hbm>> -> memref<10000xf32, #tpu.memory_space<hbm>>
      %dma_start3A_52 = arith.constant 0 : i32
      %dma_start3A_53 = tpu.memref_slice %arg6[%dma_start3A_52] : memref<10016xf32, #tpu.memory_space<vmem>> -> memref<10000xf32, #tpu.memory_space<vmem>>
      %dma_start3A_54 = arith.constant 0 : i32
      %dma_start3A_55 = tpu.memref_slice %arg2[%select_n3A, %dma_start3A_54] : memref<16x10000xf32, #tpu.memory_space<hbm>> -> memref<1x10000xf32, #tpu.memory_space<hbm>>
      %dma_start3A_56 = tpu.memref_squeeze %dma_start3A_55 : memref<1x10000xf32, #tpu.memory_space<hbm>> -> memref<10000xf32, #tpu.memory_space<hbm>>
      tpu.enqueue_dma source(%dma_start3A_56 : memref<10000xf32, #tpu.memory_space<hbm>>) target(%dma_start3A_53 : memref<10000xf32, #tpu.memory_space<vmem>>) target_semaphore(%run_scoped3A : memref<!tpu.dma_semaphore, #tpu.memory_space<semaphore_mem>>)
      %dma_wait3A = arith.constant 0 : i32
      %dma_wait3A_57 = tpu.memref_slice %arg6[%dma_wait3A] : memref<10016xf32, #tpu.memory_space<vmem>> -> memref<10000xf32, #tpu.memory_space<vmem>>
      %dma_wait3A_58 = arith.constant 0 : i32
      %dma_wait3A_59 = tpu.memref_slice %arg2[%select_n3A, %dma_wait3A_58] : memref<16x10000xf32, #tpu.memory_space<hbm>> -> memref<1x10000xf32, #tpu.memory_space<hbm>>
      %dma_wait3A_60 = tpu.memref_squeeze %dma_wait3A_59 : memref<1x10000xf32, #tpu.memory_space<hbm>> -> memref<10000xf32, #tpu.memory_space<hbm>>
      %dma_wait3A_61 = arith.constant 0 : i32
      %dma_wait3A_62 = tpu.memref_slice %arg6[%dma_wait3A_61] : memref<10016xf32, #tpu.memory_space<vmem>> -> memref<10000xf32, #tpu.memory_space<vmem>>
      %dma_wait3A_63 = arith.constant 0 : i32
      %dma_wait3A_64 = tpu.memref_slice %arg2[%select_n3A, %dma_wait3A_63] : memref<16x10000xf32, #tpu.memory_space<hbm>> -> memref<1x10000xf32, #tpu.memory_space<hbm>>
      %dma_wait3A_65 = tpu.memref_squeeze %dma_wait3A_64 : memref<1x10000xf32, #tpu.memory_space<hbm>> -> memref<10000xf32, #tpu.memory_space<hbm>>
      tpu.wait_dma2 semaphore(%run_scoped3A : memref<!tpu.dma_semaphore, #tpu.memory_space<semaphore_mem>>) src(%dma_wait3A_65 : memref<10000xf32, #tpu.memory_space<hbm>>) dst(%dma_wait3A_62 : memref<10000xf32, #tpu.memory_space<vmem>>)
      tpu.yield
    }) : () -> ()
    %add3A_31 = arith.constant 8 : i32
    %add3A_32 = arith.addi %add3A_31, %select_n3A : i32
    "tpu.region"() ({
      %run_scoped3A = tpu.sem_alloc : memref<!tpu.dma_semaphore, #tpu.memory_space<semaphore_mem>>
      %dma_start3A = arith.constant 0 : i32
      %dma_start3A_48 = tpu.memref_slice %arg7[%dma_start3A] : memref<10016xf32, #tpu.memory_space<vmem>> -> memref<10000xf32, #tpu.memory_space<vmem>>
      %dma_start3A_49 = arith.constant 0 : i32
      %dma_start3A_50 = tpu.memref_slice %arg2[%add3A_32, %dma_start3A_49] : memref<16x10000xf32, #tpu.memory_space<hbm>> -> memref<1x10000xf32, #tpu.memory_space<hbm>>
      %dma_start3A_51 = tpu.memref_squeeze %dma_start3A_50 : memref<1x10000xf32, #tpu.memory_space<hbm>> -> memref<10000xf32, #tpu.memory_space<hbm>>
      %dma_start3A_52 = arith.constant 0 : i32
      %dma_start3A_53 = tpu.memref_slice %arg7[%dma_start3A_52] : memref<10016xf32, #tpu.memory_space<vmem>> -> memref<10000xf32, #tpu.memory_space<vmem>>
      %dma_start3A_54 = arith.constant 0 : i32
      %dma_start3A_55 = tpu.memref_slice %arg2[%add3A_32, %dma_start3A_54] : memref<16x10000xf32, #tpu.memory_space<hbm>> -> memref<1x10000xf32, #tpu.memory_space<hbm>>
      %dma_start3A_56 = tpu.memref_squeeze %dma_start3A_55 : memref<1x10000xf32, #tpu.memory_space<hbm>> -> memref<10000xf32, #tpu.memory_space<hbm>>
      tpu.enqueue_dma source(%dma_start3A_56 : memref<10000xf32, #tpu.memory_space<hbm>>) target(%dma_start3A_53 : memref<10000xf32, #tpu.memory_space<vmem>>) target_semaphore(%run_scoped3A : memref<!tpu.dma_semaphore, #tpu.memory_space<semaphore_mem>>)
      %dma_wait3A = arith.constant 0 : i32
      %dma_wait3A_57 = tpu.memref_slice %arg7[%dma_wait3A] : memref<10016xf32, #tpu.memory_space<vmem>> -> memref<10000xf32, #tpu.memory_space<vmem>>
      %dma_wait3A_58 = arith.constant 0 : i32
      %dma_wait3A_59 = tpu.memref_slice %arg2[%add3A_32, %dma_wait3A_58] : memref<16x10000xf32, #tpu.memory_space<hbm>> -> memref<1x10000xf32, #tpu.memory_space<hbm>>
      %dma_wait3A_60 = tpu.memref_squeeze %dma_wait3A_59 : memref<1x10000xf32, #tpu.memory_space<hbm>> -> memref<10000xf32, #tpu.memory_space<hbm>>
      %dma_wait3A_61 = arith.constant 0 : i32
      %dma_wait3A_62 = tpu.memref_slice %arg7[%dma_wait3A_61] : memref<10016xf32, #tpu.memory_space<vmem>> -> memref<10000xf32, #tpu.memory_space<vmem>>
      %dma_wait3A_63 = arith.constant 0 : i32
      %dma_wait3A_64 = tpu.memref_slice %arg2[%add3A_32, %dma_wait3A_63] : memref<16x10000xf32, #tpu.memory_space<hbm>> -> memref<1x10000xf32, #tpu.memory_space<hbm>>
      %dma_wait3A_65 = tpu.memref_squeeze %dma_wait3A_64 : memref<1x10000xf32, #tpu.memory_space<hbm>> -> memref<10000xf32, #tpu.memory_space<hbm>>
      tpu.wait_dma2 semaphore(%run_scoped3A : memref<!tpu.dma_semaphore, #tpu.memory_space<semaphore_mem>>) src(%dma_wait3A_65 : memref<10000xf32, #tpu.memory_space<hbm>>) dst(%dma_wait3A_62 : memref<10000xf32, #tpu.memory_space<vmem>>)
      tpu.yield
    }) : () -> ()
    %broadcast_in_dim3A = arith.constant -3.000000e+01 : f32
    %broadcast_in_dim3A_33 = vector.broadcast %broadcast_in_dim3A : f32 to vector<16xf32>
    %swap3A = arith.constant 10000 : index
    %swap3A_34 = tpu.vector_load %arg7[%swap3A] {strides = array<i32>} : memref<10016xf32, #tpu.memory_space<vmem>>, vector<16xf32>,
    tpu.vector_store %arg7[%swap3A], %broadcast_in_dim3A_33 {strides = array<i32>} : memref<10016xf32, #tpu.memory_space<vmem>>, vector<16xf32>,
    %scan3A = arith.constant 0 : i32
    %scan3A_35 = arith.constant 0 : i32
    %scan3A_36 = arith.constant 626 : i32
    %scan3A_37 = arith.addi %scan3A_35, %scan3A_36 : i32
    %scan3A_38 = arith.constant 1 : i32
    scf.for %scan3A_48 = %scan3A_35 to %scan3A_37 step %scan3A_38  : i32 {
      %broadcast_in_dim3A_49 = arith.constant 0.000000e+00 : f32
      %broadcast_in_dim3A_50 = vector.broadcast %broadcast_in_dim3A_49 : f32 to vector<16xf32>
      %mul3A_51 = arith.constant 16 : i32
      %mul3A_52 = arith.muli %scan3A_48, %mul3A_51 : i32
      %swap3A_53 = arith.index_cast %mul3A_52 : i32 to index
      %swap3A_54 = tpu.vector_load %arg8[%swap3A_53] {strides = array<i32>} : memref<10016xf32, #tpu.memory_space<vmem>>, vector<16xf32>,
      tpu.vector_store %arg8[%swap3A_53], %broadcast_in_dim3A_50 {strides = array<i32>} : memref<10016xf32, #tpu.memory_space<vmem>>, vector<16xf32>,
    }
    %scan3A_39 = arith.constant 626 : i32
    %mul3A_40 = arith.constant 86016 : i32
    %mul3A_41 = arith.muli %select_n3A_30, %mul3A_40 : i32
    %scan3A_42 = arith.constant 0 : i32
    %scan3A_43 = arith.constant 0 : i32
    %scan3A_44 = arith.constant 21 : i32
    %scan3A_45 = arith.addi %scan3A_43, %scan3A_44 : i32
    %scan3A_46 = arith.constant 1 : i32
    scf.for %scan3A_48 = %scan3A_43 to %scan3A_45 step %scan3A_46  : i32 {
      %mul3A_49 = arith.constant 4096 : i32
      %mul3A_50 = arith.muli %scan3A_48, %mul3A_49 : i32
      %add3A_51 = arith.addi %mul3A_41, %mul3A_50 : i32
      "tpu.region"() ({
        %run_scoped3A = tpu.sem_alloc : memref<!tpu.dma_semaphore, #tpu.memory_space<semaphore_mem>>
        %dma_start3A = tpu.memref_slice %arg3[%add3A_51] : memref<344064xi32, #tpu.memory_space<hbm>> -> memref<4096xi32, #tpu.memory_space<hbm>>
        %dma_start3A_54 = tpu.memref_slice %arg3[%add3A_51] : memref<344064xi32, #tpu.memory_space<hbm>> -> memref<4096xi32, #tpu.memory_space<hbm>>
        tpu.enqueue_dma source(%dma_start3A_54 : memref<4096xi32, #tpu.memory_space<hbm>>) target(%arg9 : memref<4096xi32, #tpu.memory_space<vmem>>) target_semaphore(%run_scoped3A : memref<!tpu.dma_semaphore, #tpu.memory_space<semaphore_mem>>)
        %dma_wait3A = tpu.memref_slice %arg3[%add3A_51] : memref<344064xi32, #tpu.memory_space<hbm>> -> memref<4096xi32, #tpu.memory_space<hbm>>
        %dma_wait3A_55 = tpu.memref_slice %arg3[%add3A_51] : memref<344064xi32, #tpu.memory_space<hbm>> -> memref<4096xi32, #tpu.memory_space<hbm>>
        tpu.wait_dma2 semaphore(%run_scoped3A : memref<!tpu.dma_semaphore, #tpu.memory_space<semaphore_mem>>) src(%dma_wait3A_55 : memref<4096xi32, #tpu.memory_space<hbm>>) dst(%arg9 : memref<4096xi32, #tpu.memory_space<vmem>>)
        tpu.yield
      }) : () -> ()
      %parallel_loop3A = arith.constant 0 : i32
      %parallel_loop3A_52 = arith.constant 256 : i32
      %parallel_loop3A_53 = arith.constant 1 : i32
      scf.for %parallel_loop3A_54 = %parallel_loop3A to %parallel_loop3A_52 step %parallel_loop3A_53  : i32 {
        %parallel_loop3A_55 = arith.constant 16 : i32
        %parallel_loop3A_56 = arith.muli %parallel_loop3A_54, %parallel_loop3A_55 : i32
        %parallel_loop3A_57 = arith.index_cast %parallel_loop3A_56 : i32 to index
        %parallel_loop3A_58 = tpu.vector_load %arg9[%parallel_loop3A_57] {strides = array<i32>} : memref<4096xi32, #tpu.memory_space<vmem>>, vector<16xi32>,
        %parallel_loop3A_59 = arith.constant 65535 : i32
        %parallel_loop3A_60 = vector.broadcast %parallel_loop3A_59 : i32 to vector<16xi32>
        %parallel_loop3A_61 = arith.andi %parallel_loop3A_58, %parallel_loop3A_60 : vector<16xi32>
        %parallel_loop3A_62 = arith.constant 16 : i32
        %parallel_loop3A_63 = vector.broadcast %parallel_loop3A_62 : i32 to vector<16xi32>
        %parallel_loop3A_64 = arith.shrui %parallel_loop3A_58, %parallel_loop3A_63 : vector<16xi32>
        %parallel_loop3A_65 = tpu.vector_load_idx %arg6[%parallel_loop3A_61] : memref<10016xf32, #tpu.memory_space<vmem>>[vector<16xi32>], vector<16xf32>,
        %parallel_loop3A_66 = tpu.vector_load_idx %arg7[%parallel_loop3A_64] : memref<10016xf32, #tpu.memory_space<vmem>>[vector<16xi32>], vector<16xf32>,
        %parallel_loop3A_67 = arith.addf %parallel_loop3A_65, %parallel_loop3A_66 : vector<16xf32>
        %parallel_loop3A_68 = arith.constant 0.000000e+00 : f32
        %parallel_loop3A_69 = vector.broadcast %parallel_loop3A_68 : f32 to vector<16xf32>
        %parallel_loop3A_70 = arith.cmpf ogt, %parallel_loop3A_67, %parallel_loop3A_69 : vector<16xf32>
        %parallel_loop3A_71 = arith.constant 2.000000e-01 : f32
        %parallel_loop3A_72 = vector.broadcast %parallel_loop3A_71 : f32 to vector<16xf32>
        %parallel_loop3A_73 = arith.mulf %parallel_loop3A_72, %parallel_loop3A_67 : vector<16xf32>
        %parallel_loop3A_74 = arith.select %parallel_loop3A_70, %parallel_loop3A_67, %parallel_loop3A_73 : vector<16xi1>, vector<16xf32>
        %parallel_loop3A_75 = math.exp %parallel_loop3A_74 : vector<16xf32>
        %parallel_loop3A_76 = arith.constant 16 : i32
        %parallel_loop3A_77 = arith.muli %parallel_loop3A_54, %parallel_loop3A_76 : i32
        %parallel_loop3A_78 = arith.index_cast %parallel_loop3A_77 : i32 to index
        %parallel_loop3A_79 = tpu.vector_load %arg10[%parallel_loop3A_78] {strides = array<i32>} : memref<4096xf32, #tpu.memory_space<vmem>>, vector<16xf32>,
        tpu.vector_store %arg10[%parallel_loop3A_78], %parallel_loop3A_75 {strides = array<i32>} : memref<4096xf32, #tpu.memory_space<vmem>>, vector<16xf32>,
        tpu.vector_store_idx %arg8[%parallel_loop3A_64], %parallel_loop3A_75 {add = true} : memref<10016xf32, #tpu.memory_space<vmem>>[vector<16xi32>], vector<16xf32>,
      } {sc.loop_unroll_factor = 8 : i64, sc.parallel_access}
      "tpu.region"() ({
        %run_scoped3A = tpu.sem_alloc : memref<!tpu.dma_semaphore, #tpu.memory_space<semaphore_mem>>
        %dma_start3A = tpu.memref_slice %arg4[%select_n3A, %add3A_51] : memref<8x344064xf32, #tpu.memory_space<hbm>> -> memref<1x4096xf32, #tpu.memory_space<hbm>>
        %dma_start3A_54 = tpu.memref_squeeze %dma_start3A : memref<1x4096xf32, #tpu.memory_space<hbm>> -> memref<4096xf32, #tpu.memory_space<hbm>>
        %dma_start3A_55 = tpu.memref_slice %arg4[%select_n3A, %add3A_51] : memref<8x344064xf32, #tpu.memory_space<hbm>> -> memref<1x4096xf32, #tpu.memory_space<hbm>>
        %dma_start3A_56 = tpu.memref_squeeze %dma_start3A_55 : memref<1x4096xf32, #tpu.memory_space<hbm>> -> memref<4096xf32, #tpu.memory_space<hbm>>
        tpu.enqueue_dma source(%arg10 : memref<4096xf32, #tpu.memory_space<vmem>>) target(%dma_start3A_56 : memref<4096xf32, #tpu.memory_space<hbm>>) target_semaphore(%run_scoped3A : memref<!tpu.dma_semaphore, #tpu.memory_space<semaphore_mem>>)
        %dma_wait3A = tpu.memref_slice %arg4[%select_n3A, %add3A_51] : memref<8x344064xf32, #tpu.memory_space<hbm>> -> memref<1x4096xf32, #tpu.memory_space<hbm>>
        %dma_wait3A_57 = tpu.memref_squeeze %dma_wait3A : memref<1x4096xf32, #tpu.memory_space<hbm>> -> memref<4096xf32, #tpu.memory_space<hbm>>
        %dma_wait3A_58 = tpu.memref_slice %arg4[%select_n3A, %add3A_51] : memref<8x344064xf32, #tpu.memory_space<hbm>> -> memref<1x4096xf32, #tpu.memory_space<hbm>>
        %dma_wait3A_59 = tpu.memref_squeeze %dma_wait3A_58 : memref<1x4096xf32, #tpu.memory_space<hbm>> -> memref<4096xf32, #tpu.memory_space<hbm>>
        tpu.wait_dma2 semaphore(%run_scoped3A : memref<!tpu.dma_semaphore, #tpu.memory_space<semaphore_mem>>) src(%arg10 : memref<4096xf32, #tpu.memory_space<vmem>>) dst(%dma_wait3A_59 : memref<4096xf32, #tpu.memory_space<hbm>>)
        tpu.yield
      }) : () -> ()
    }
    %scan3A_47 = arith.constant 21 : i32
    "tpu.region"() ({
      %run_scoped3A = tpu.sem_alloc : memref<!tpu.dma_semaphore, #tpu.memory_space<semaphore_mem>>
      %dma_start3A = arith.constant 0 : i32
      %dma_start3A_48 = tpu.memref_slice %arg5[%add3A, %dma_start3A] : memref<32x10016xf32, #tpu.memory_space<hbm>> -> memref<1x10016xf32, #tpu.memory_space<hbm>>
      %dma_start3A_49 = tpu.memref_squeeze %dma_start3A_48 : memref<1x10016xf32, #tpu.memory_space<hbm>> -> memref<10016xf32, #tpu.memory_space<hbm>>
      %dma_start3A_50 = arith.constant 0 : i32
      %dma_start3A_51 = tpu.memref_slice %arg5[%add3A, %dma_start3A_50] : memref<32x10016xf32, #tpu.memory_space<hbm>> -> memref<1x10016xf32, #tpu.memory_space<hbm>>
      %dma_start3A_52 = tpu.memref_squeeze %dma_start3A_51 : memref<1x10016xf32, #tpu.memory_space<hbm>> -> memref<10016xf32, #tpu.memory_space<hbm>>
      tpu.enqueue_dma source(%arg8 : memref<10016xf32, #tpu.memory_space<vmem>>) target(%dma_start3A_52 : memref<10016xf32, #tpu.memory_space<hbm>>) target_semaphore(%run_scoped3A : memref<!tpu.dma_semaphore, #tpu.memory_space<semaphore_mem>>)
      %dma_wait3A = arith.constant 0 : i32
      %dma_wait3A_53 = tpu.memref_slice %arg5[%add3A, %dma_wait3A] : memref<32x10016xf32, #tpu.memory_space<hbm>> -> memref<1x10016xf32, #tpu.memory_space<hbm>>
      %dma_wait3A_54 = tpu.memref_squeeze %dma_wait3A_53 : memref<1x10016xf32, #tpu.memory_space<hbm>> -> memref<10016xf32, #tpu.memory_space<hbm>>
      %dma_wait3A_55 = arith.constant 0 : i32
      %dma_wait3A_56 = tpu.memref_slice %arg5[%add3A, %dma_wait3A_55] : memref<32x10016xf32, #tpu.memory_space<hbm>> -> memref<1x10016xf32, #tpu.memory_space<hbm>>
      %dma_wait3A_57 = tpu.memref_squeeze %dma_wait3A_56 : memref<1x10016xf32, #tpu.memory_space<hbm>> -> memref<10016xf32, #tpu.memory_space<hbm>>
      tpu.wait_dma2 semaphore(%run_scoped3A : memref<!tpu.dma_semaphore, #tpu.memory_space<semaphore_mem>>) src(%arg8 : memref<10016xf32, #tpu.memory_space<vmem>>) dst(%dma_wait3A_57 : memref<10016xf32, #tpu.memory_space<hbm>>)
      tpu.yield
    }) : () -> ()
    return
  }
}

#map = affine_map<(d0, d1) -> (0, 0)>
#map1 = affine_map<(d0, d1) -> (0)>
module attributes {stable_mosaic.version = 14 : i64} {
  func.func @body(%arg0: i32, %arg1: i32, %arg2: memref<2x10000xf32, #tpu.memory_space<hbm>>, %arg3: memref<344064xi32, #tpu.memory_space<hbm>>, %arg4: memref<1x344064xf32, #tpu.memory_space<hbm>>, %arg5: memref<32x10016xf32, #tpu.memory_space<hbm>>, %arg6: memref<10016xf32, #tpu.memory_space<vmem>>, %arg7: memref<10016xf32, #tpu.memory_space<vmem>>, %arg8: memref<10016xf32, #tpu.memory_space<vmem>>, %arg9: memref<2688xi32, #tpu.memory_space<vmem>>, %arg10: memref<2688xf32, #tpu.memory_space<vmem>>) attributes {dimension_semantics = [#tpu.dimension_semantics<core_parallel>, #tpu.dimension_semantics<subcore_parallel>], iteration_bounds = array<i64: 2, 16>, scalar_prefetch = 0 : i64, scratch_operands = 5 : i64, tpu.core_type = #tpu.core_type<sc_vector_subcore>, window_params = [{transform_indices = #map}, {transform_indices = #map1}, {transform_indices = #map}, {transform_indices = #map}]} {
    %mul3A = arith.constant 2 : i32
    %mul3A_0 = arith.muli %arg1, %mul3A : i32
    %add3A = arith.addi %mul3A_0, %arg0 : i32
    %jit3A = arith.constant 32 : i32
    %div3A = arith.divsi %add3A, %jit3A : i32
    %sign3A = arith.constant 0 : i32
    %sign3A_1 = arith.cmpi sgt, %add3A, %sign3A : i32
    %sign3A_2 = arith.extui %sign3A_1 : i1 to i32
    %sign3A_3 = arith.constant 0 : i32
    %sign3A_4 = arith.cmpi slt, %add3A, %sign3A_3 : i32
    %sign3A_5 = arith.extui %sign3A_4 : i1 to i32
    %sign3A_6 = arith.subi %sign3A_2, %sign3A_5 : i32
    %sign3A_7 = arith.constant 0 : i32
    %sign3A_8 = arith.cmpi sgt, %jit3A, %sign3A_7 : i32
    %sign3A_9 = arith.extui %sign3A_8 : i1 to i32
    %sign3A_10 = arith.constant 0 : i32
    %sign3A_11 = arith.cmpi slt, %jit3A, %sign3A_10 : i32
    %sign3A_12 = arith.extui %sign3A_11 : i1 to i32
    %sign3A_13 = arith.subi %sign3A_9, %sign3A_12 : i32
    %ne3A = arith.cmpi ne, %sign3A_6, %sign3A_13 : i32
    %rem3A = arith.remsi %add3A, %jit3A : i32
    %ne3A_14 = arith.constant 0 : i32
    %ne3A_15 = arith.cmpi ne, %rem3A, %ne3A_14 : i32
    %and3A = arith.andi %ne3A, %ne3A_15 : i1
    %sub3A = arith.constant 1 : i32
    %sub3A_16 = arith.subi %div3A, %sub3A : i32
    %select_n3A = arith.select %and3A, %sub3A_16, %div3A : i32
    %jit3A_17 = arith.constant 32 : i32
    %eq3A = arith.constant 0 : i32
    %eq3A_18 = arith.cmpi eq, %jit3A_17, %eq3A : i32
    %jit3A_19 = arith.constant 1 : i32
    %select_n3A_20 = arith.select %eq3A_18, %jit3A_19, %jit3A_17 : i32
    %rem3A_21 = arith.remsi %add3A, %select_n3A_20 : i32
    %ne3A_22 = arith.constant 0 : i32
    %ne3A_23 = arith.cmpi ne, %rem3A_21, %ne3A_22 : i32
    %lt3A = arith.constant 0 : i32
    %lt3A_24 = arith.cmpi slt, %rem3A_21, %lt3A : i32
    %lt3A_25 = arith.constant 0 : i32
    %lt3A_26 = arith.cmpi slt, %select_n3A_20, %lt3A_25 : i32
    %ne3A_27 = arith.xori %lt3A_24, %lt3A_26 : i1
    %and3A_28 = arith.andi %ne3A_27, %ne3A_23 : i1
    %add3A_29 = arith.addi %rem3A_21, %select_n3A_20 : i32
    %select_n3A_30 = arith.select %and3A_28, %add3A_29, %rem3A_21 : i32
    "tpu.region"() ({
      %run_scoped3A = tpu.sem_alloc : memref<!tpu.dma_semaphore, #tpu.memory_space<semaphore_mem>>
      %dma_start3A = arith.constant 0 : i32
      %dma_start3A_48 = tpu.memref_slice %arg6[%dma_start3A] : memref<10016xf32, #tpu.memory_space<vmem>> -> memref<10000xf32, #tpu.memory_space<vmem>>
      %dma_start3A_49 = arith.constant 0 : i32
      %dma_start3A_50 = tpu.memref_slice %arg2[%select_n3A, %dma_start3A_49] : memref<2x10000xf32, #tpu.memory_space<hbm>> -> memref<1x10000xf32, #tpu.memory_space<hbm>>
      %dma_start3A_51 = tpu.memref_squeeze %dma_start3A_50 : memref<1x10000xf32, #tpu.memory_space<hbm>> -> memref<10000xf32, #tpu.memory_space<hbm>>
      %dma_start3A_52 = arith.constant 0 : i32
      %dma_start3A_53 = tpu.memref_slice %arg6[%dma_start3A_52] : memref<10016xf32, #tpu.memory_space<vmem>> -> memref<10000xf32, #tpu.memory_space<vmem>>
      %dma_start3A_54 = arith.constant 0 : i32
      %dma_start3A_55 = tpu.memref_slice %arg2[%select_n3A, %dma_start3A_54] : memref<2x10000xf32, #tpu.memory_space<hbm>> -> memref<1x10000xf32, #tpu.memory_space<hbm>>
      %dma_start3A_56 = tpu.memref_squeeze %dma_start3A_55 : memref<1x10000xf32, #tpu.memory_space<hbm>> -> memref<10000xf32, #tpu.memory_space<hbm>>
      tpu.enqueue_dma source(%dma_start3A_56 : memref<10000xf32, #tpu.memory_space<hbm>>) target(%dma_start3A_53 : memref<10000xf32, #tpu.memory_space<vmem>>) target_semaphore(%run_scoped3A : memref<!tpu.dma_semaphore, #tpu.memory_space<semaphore_mem>>)
      %dma_wait3A = arith.constant 0 : i32
      %dma_wait3A_57 = tpu.memref_slice %arg6[%dma_wait3A] : memref<10016xf32, #tpu.memory_space<vmem>> -> memref<10000xf32, #tpu.memory_space<vmem>>
      %dma_wait3A_58 = arith.constant 0 : i32
      %dma_wait3A_59 = tpu.memref_slice %arg2[%select_n3A, %dma_wait3A_58] : memref<2x10000xf32, #tpu.memory_space<hbm>> -> memref<1x10000xf32, #tpu.memory_space<hbm>>
      %dma_wait3A_60 = tpu.memref_squeeze %dma_wait3A_59 : memref<1x10000xf32, #tpu.memory_space<hbm>> -> memref<10000xf32, #tpu.memory_space<hbm>>
      %dma_wait3A_61 = arith.constant 0 : i32
      %dma_wait3A_62 = tpu.memref_slice %arg6[%dma_wait3A_61] : memref<10016xf32, #tpu.memory_space<vmem>> -> memref<10000xf32, #tpu.memory_space<vmem>>
      %dma_wait3A_63 = arith.constant 0 : i32
      %dma_wait3A_64 = tpu.memref_slice %arg2[%select_n3A, %dma_wait3A_63] : memref<2x10000xf32, #tpu.memory_space<hbm>> -> memref<1x10000xf32, #tpu.memory_space<hbm>>
      %dma_wait3A_65 = tpu.memref_squeeze %dma_wait3A_64 : memref<1x10000xf32, #tpu.memory_space<hbm>> -> memref<10000xf32, #tpu.memory_space<hbm>>
      tpu.wait_dma2 semaphore(%run_scoped3A : memref<!tpu.dma_semaphore, #tpu.memory_space<semaphore_mem>>) src(%dma_wait3A_65 : memref<10000xf32, #tpu.memory_space<hbm>>) dst(%dma_wait3A_62 : memref<10000xf32, #tpu.memory_space<vmem>>)
      tpu.yield
    }) : () -> ()
    %add3A_31 = arith.constant 1 : i32
    %add3A_32 = arith.addi %add3A_31, %select_n3A : i32
    "tpu.region"() ({
      %run_scoped3A = tpu.sem_alloc : memref<!tpu.dma_semaphore, #tpu.memory_space<semaphore_mem>>
      %dma_start3A = arith.constant 0 : i32
      %dma_start3A_48 = tpu.memref_slice %arg7[%dma_start3A] : memref<10016xf32, #tpu.memory_space<vmem>> -> memref<10000xf32, #tpu.memory_space<vmem>>
      %dma_start3A_49 = arith.constant 0 : i32
      %dma_start3A_50 = tpu.memref_slice %arg2[%add3A_32, %dma_start3A_49] : memref<2x10000xf32, #tpu.memory_space<hbm>> -> memref<1x10000xf32, #tpu.memory_space<hbm>>
      %dma_start3A_51 = tpu.memref_squeeze %dma_start3A_50 : memref<1x10000xf32, #tpu.memory_space<hbm>> -> memref<10000xf32, #tpu.memory_space<hbm>>
      %dma_start3A_52 = arith.constant 0 : i32
      %dma_start3A_53 = tpu.memref_slice %arg7[%dma_start3A_52] : memref<10016xf32, #tpu.memory_space<vmem>> -> memref<10000xf32, #tpu.memory_space<vmem>>
      %dma_start3A_54 = arith.constant 0 : i32
      %dma_start3A_55 = tpu.memref_slice %arg2[%add3A_32, %dma_start3A_54] : memref<2x10000xf32, #tpu.memory_space<hbm>> -> memref<1x10000xf32, #tpu.memory_space<hbm>>
      %dma_start3A_56 = tpu.memref_squeeze %dma_start3A_55 : memref<1x10000xf32, #tpu.memory_space<hbm>> -> memref<10000xf32, #tpu.memory_space<hbm>>
      tpu.enqueue_dma source(%dma_start3A_56 : memref<10000xf32, #tpu.memory_space<hbm>>) target(%dma_start3A_53 : memref<10000xf32, #tpu.memory_space<vmem>>) target_semaphore(%run_scoped3A : memref<!tpu.dma_semaphore, #tpu.memory_space<semaphore_mem>>)
      %dma_wait3A = arith.constant 0 : i32
      %dma_wait3A_57 = tpu.memref_slice %arg7[%dma_wait3A] : memref<10016xf32, #tpu.memory_space<vmem>> -> memref<10000xf32, #tpu.memory_space<vmem>>
      %dma_wait3A_58 = arith.constant 0 : i32
      %dma_wait3A_59 = tpu.memref_slice %arg2[%add3A_32, %dma_wait3A_58] : memref<2x10000xf32, #tpu.memory_space<hbm>> -> memref<1x10000xf32, #tpu.memory_space<hbm>>
      %dma_wait3A_60 = tpu.memref_squeeze %dma_wait3A_59 : memref<1x10000xf32, #tpu.memory_space<hbm>> -> memref<10000xf32, #tpu.memory_space<hbm>>
      %dma_wait3A_61 = arith.constant 0 : i32
      %dma_wait3A_62 = tpu.memref_slice %arg7[%dma_wait3A_61] : memref<10016xf32, #tpu.memory_space<vmem>> -> memref<10000xf32, #tpu.memory_space<vmem>>
      %dma_wait3A_63 = arith.constant 0 : i32
      %dma_wait3A_64 = tpu.memref_slice %arg2[%add3A_32, %dma_wait3A_63] : memref<2x10000xf32, #tpu.memory_space<hbm>> -> memref<1x10000xf32, #tpu.memory_space<hbm>>
      %dma_wait3A_65 = tpu.memref_squeeze %dma_wait3A_64 : memref<1x10000xf32, #tpu.memory_space<hbm>> -> memref<10000xf32, #tpu.memory_space<hbm>>
      tpu.wait_dma2 semaphore(%run_scoped3A : memref<!tpu.dma_semaphore, #tpu.memory_space<semaphore_mem>>) src(%dma_wait3A_65 : memref<10000xf32, #tpu.memory_space<hbm>>) dst(%dma_wait3A_62 : memref<10000xf32, #tpu.memory_space<vmem>>)
      tpu.yield
    }) : () -> ()
    %broadcast_in_dim3A = arith.constant -3.000000e+01 : f32
    %broadcast_in_dim3A_33 = vector.broadcast %broadcast_in_dim3A : f32 to vector<16xf32>
    %swap3A = arith.constant 10000 : index
    %swap3A_34 = tpu.vector_load %arg7[%swap3A] {strides = array<i32>} : memref<10016xf32, #tpu.memory_space<vmem>>, vector<16xf32>,
    tpu.vector_store %arg7[%swap3A], %broadcast_in_dim3A_33 {strides = array<i32>} : memref<10016xf32, #tpu.memory_space<vmem>>, vector<16xf32>,
    %scan3A = arith.constant 0 : i32
    %scan3A_35 = arith.constant 0 : i32
    %scan3A_36 = arith.constant 626 : i32
    %scan3A_37 = arith.addi %scan3A_35, %scan3A_36 : i32
    %scan3A_38 = arith.constant 1 : i32
    scf.for %scan3A_48 = %scan3A_35 to %scan3A_37 step %scan3A_38  : i32 {
      %broadcast_in_dim3A_49 = arith.constant 0.000000e+00 : f32
      %broadcast_in_dim3A_50 = vector.broadcast %broadcast_in_dim3A_49 : f32 to vector<16xf32>
      %mul3A_51 = arith.constant 16 : i32
      %mul3A_52 = arith.muli %scan3A_48, %mul3A_51 : i32
      %swap3A_53 = arith.index_cast %mul3A_52 : i32 to index
      %swap3A_54 = tpu.vector_load %arg8[%swap3A_53] {strides = array<i32>} : memref<10016xf32, #tpu.memory_space<vmem>>, vector<16xf32>,
      tpu.vector_store %arg8[%swap3A_53], %broadcast_in_dim3A_50 {strides = array<i32>} : memref<10016xf32, #tpu.memory_space<vmem>>, vector<16xf32>,
    }
    %scan3A_39 = arith.constant 626 : i32
    %mul3A_40 = arith.constant 10752 : i32
    %mul3A_41 = arith.muli %select_n3A_30, %mul3A_40 : i32
    %scan3A_42 = arith.constant 0 : i32
    %scan3A_43 = arith.constant 0 : i32
    %scan3A_44 = arith.constant 4 : i32
    %scan3A_45 = arith.addi %scan3A_43, %scan3A_44 : i32
    %scan3A_46 = arith.constant 1 : i32
    scf.for %scan3A_48 = %scan3A_43 to %scan3A_45 step %scan3A_46  : i32 {
      %mul3A_49 = arith.constant 2688 : i32
      %mul3A_50 = arith.muli %scan3A_48, %mul3A_49 : i32
      %add3A_51 = arith.addi %mul3A_41, %mul3A_50 : i32
      "tpu.region"() ({
        %run_scoped3A = tpu.sem_alloc : memref<!tpu.dma_semaphore, #tpu.memory_space<semaphore_mem>>
        %dma_start3A = tpu.memref_slice %arg3[%add3A_51] : memref<344064xi32, #tpu.memory_space<hbm>> -> memref<2688xi32, #tpu.memory_space<hbm>>
        %dma_start3A_54 = tpu.memref_slice %arg3[%add3A_51] : memref<344064xi32, #tpu.memory_space<hbm>> -> memref<2688xi32, #tpu.memory_space<hbm>>
        tpu.enqueue_dma source(%dma_start3A_54 : memref<2688xi32, #tpu.memory_space<hbm>>) target(%arg9 : memref<2688xi32, #tpu.memory_space<vmem>>) target_semaphore(%run_scoped3A : memref<!tpu.dma_semaphore, #tpu.memory_space<semaphore_mem>>)
        %dma_wait3A = tpu.memref_slice %arg3[%add3A_51] : memref<344064xi32, #tpu.memory_space<hbm>> -> memref<2688xi32, #tpu.memory_space<hbm>>
        %dma_wait3A_55 = tpu.memref_slice %arg3[%add3A_51] : memref<344064xi32, #tpu.memory_space<hbm>> -> memref<2688xi32, #tpu.memory_space<hbm>>
        tpu.wait_dma2 semaphore(%run_scoped3A : memref<!tpu.dma_semaphore, #tpu.memory_space<semaphore_mem>>) src(%dma_wait3A_55 : memref<2688xi32, #tpu.memory_space<hbm>>) dst(%arg9 : memref<2688xi32, #tpu.memory_space<vmem>>)
        tpu.yield
      }) : () -> ()
      %parallel_loop3A = arith.constant 0 : i32
      %parallel_loop3A_52 = arith.constant 168 : i32
      %parallel_loop3A_53 = arith.constant 1 : i32
      scf.for %parallel_loop3A_54 = %parallel_loop3A to %parallel_loop3A_52 step %parallel_loop3A_53  : i32 {
        %parallel_loop3A_55 = arith.constant 16 : i32
        %parallel_loop3A_56 = arith.muli %parallel_loop3A_54, %parallel_loop3A_55 : i32
        %parallel_loop3A_57 = arith.index_cast %parallel_loop3A_56 : i32 to index
        %parallel_loop3A_58 = tpu.vector_load %arg9[%parallel_loop3A_57] {strides = array<i32>} : memref<2688xi32, #tpu.memory_space<vmem>>, vector<16xi32>,
        %parallel_loop3A_59 = arith.constant 65535 : i32
        %parallel_loop3A_60 = vector.broadcast %parallel_loop3A_59 : i32 to vector<16xi32>
        %parallel_loop3A_61 = arith.andi %parallel_loop3A_58, %parallel_loop3A_60 : vector<16xi32>
        %parallel_loop3A_62 = arith.constant 16 : i32
        %parallel_loop3A_63 = vector.broadcast %parallel_loop3A_62 : i32 to vector<16xi32>
        %parallel_loop3A_64 = arith.shrui %parallel_loop3A_58, %parallel_loop3A_63 : vector<16xi32>
        %parallel_loop3A_65 = tpu.vector_load_idx %arg6[%parallel_loop3A_61] : memref<10016xf32, #tpu.memory_space<vmem>>[vector<16xi32>], vector<16xf32>,
        %parallel_loop3A_66 = tpu.vector_load_idx %arg7[%parallel_loop3A_64] : memref<10016xf32, #tpu.memory_space<vmem>>[vector<16xi32>], vector<16xf32>,
        %parallel_loop3A_67 = arith.addf %parallel_loop3A_65, %parallel_loop3A_66 : vector<16xf32>
        %parallel_loop3A_68 = arith.constant 0.000000e+00 : f32
        %parallel_loop3A_69 = vector.broadcast %parallel_loop3A_68 : f32 to vector<16xf32>
        %parallel_loop3A_70 = arith.cmpf ogt, %parallel_loop3A_67, %parallel_loop3A_69 : vector<16xf32>
        %parallel_loop3A_71 = arith.constant 2.000000e-01 : f32
        %parallel_loop3A_72 = vector.broadcast %parallel_loop3A_71 : f32 to vector<16xf32>
        %parallel_loop3A_73 = arith.mulf %parallel_loop3A_72, %parallel_loop3A_67 : vector<16xf32>
        %parallel_loop3A_74 = arith.select %parallel_loop3A_70, %parallel_loop3A_67, %parallel_loop3A_73 : vector<16xi1>, vector<16xf32>
        %parallel_loop3A_75 = math.exp %parallel_loop3A_74 : vector<16xf32>
        %parallel_loop3A_76 = arith.constant 16 : i32
        %parallel_loop3A_77 = arith.muli %parallel_loop3A_54, %parallel_loop3A_76 : i32
        %parallel_loop3A_78 = arith.index_cast %parallel_loop3A_77 : i32 to index
        %parallel_loop3A_79 = tpu.vector_load %arg10[%parallel_loop3A_78] {strides = array<i32>} : memref<2688xf32, #tpu.memory_space<vmem>>, vector<16xf32>,
        tpu.vector_store %arg10[%parallel_loop3A_78], %parallel_loop3A_75 {strides = array<i32>} : memref<2688xf32, #tpu.memory_space<vmem>>, vector<16xf32>,
        tpu.vector_store_idx %arg8[%parallel_loop3A_64], %parallel_loop3A_75 {add = true} : memref<10016xf32, #tpu.memory_space<vmem>>[vector<16xi32>], vector<16xf32>,
      } {sc.loop_unroll_factor = 8 : i64, sc.parallel_access}
      "tpu.region"() ({
        %run_scoped3A = tpu.sem_alloc : memref<!tpu.dma_semaphore, #tpu.memory_space<semaphore_mem>>
        %dma_start3A = tpu.memref_slice %arg4[%select_n3A, %add3A_51] : memref<1x344064xf32, #tpu.memory_space<hbm>> -> memref<1x2688xf32, #tpu.memory_space<hbm>>
        %dma_start3A_54 = tpu.memref_squeeze %dma_start3A : memref<1x2688xf32, #tpu.memory_space<hbm>> -> memref<2688xf32, #tpu.memory_space<hbm>>
        %dma_start3A_55 = tpu.memref_slice %arg4[%select_n3A, %add3A_51] : memref<1x344064xf32, #tpu.memory_space<hbm>> -> memref<1x2688xf32, #tpu.memory_space<hbm>>
        %dma_start3A_56 = tpu.memref_squeeze %dma_start3A_55 : memref<1x2688xf32, #tpu.memory_space<hbm>> -> memref<2688xf32, #tpu.memory_space<hbm>>
        tpu.enqueue_dma source(%arg10 : memref<2688xf32, #tpu.memory_space<vmem>>) target(%dma_start3A_56 : memref<2688xf32, #tpu.memory_space<hbm>>) target_semaphore(%run_scoped3A : memref<!tpu.dma_semaphore, #tpu.memory_space<semaphore_mem>>)
        %dma_wait3A = tpu.memref_slice %arg4[%select_n3A, %add3A_51] : memref<1x344064xf32, #tpu.memory_space<hbm>> -> memref<1x2688xf32, #tpu.memory_space<hbm>>
        %dma_wait3A_57 = tpu.memref_squeeze %dma_wait3A : memref<1x2688xf32, #tpu.memory_space<hbm>> -> memref<2688xf32, #tpu.memory_space<hbm>>
        %dma_wait3A_58 = tpu.memref_slice %arg4[%select_n3A, %add3A_51] : memref<1x344064xf32, #tpu.memory_space<hbm>> -> memref<1x2688xf32, #tpu.memory_space<hbm>>
        %dma_wait3A_59 = tpu.memref_squeeze %dma_wait3A_58 : memref<1x2688xf32, #tpu.memory_space<hbm>> -> memref<2688xf32, #tpu.memory_space<hbm>>
        tpu.wait_dma2 semaphore(%run_scoped3A : memref<!tpu.dma_semaphore, #tpu.memory_space<semaphore_mem>>) src(%arg10 : memref<2688xf32, #tpu.memory_space<vmem>>) dst(%dma_wait3A_59 : memref<2688xf32, #tpu.memory_space<hbm>>)
        tpu.yield
      }) : () -> ()
    }
    %scan3A_47 = arith.constant 4 : i32
    "tpu.region"() ({
      %run_scoped3A = tpu.sem_alloc : memref<!tpu.dma_semaphore, #tpu.memory_space<semaphore_mem>>
      %dma_start3A = arith.constant 0 : i32
      %dma_start3A_48 = tpu.memref_slice %arg5[%add3A, %dma_start3A] : memref<32x10016xf32, #tpu.memory_space<hbm>> -> memref<1x10016xf32, #tpu.memory_space<hbm>>
      %dma_start3A_49 = tpu.memref_squeeze %dma_start3A_48 : memref<1x10016xf32, #tpu.memory_space<hbm>> -> memref<10016xf32, #tpu.memory_space<hbm>>
      %dma_start3A_50 = arith.constant 0 : i32
      %dma_start3A_51 = tpu.memref_slice %arg5[%add3A, %dma_start3A_50] : memref<32x10016xf32, #tpu.memory_space<hbm>> -> memref<1x10016xf32, #tpu.memory_space<hbm>>
      %dma_start3A_52 = tpu.memref_squeeze %dma_start3A_51 : memref<1x10016xf32, #tpu.memory_space<hbm>> -> memref<10016xf32, #tpu.memory_space<hbm>>
      tpu.enqueue_dma source(%arg8 : memref<10016xf32, #tpu.memory_space<vmem>>) target(%dma_start3A_52 : memref<10016xf32, #tpu.memory_space<hbm>>) target_semaphore(%run_scoped3A : memref<!tpu.dma_semaphore, #tpu.memory_space<semaphore_mem>>)
      %dma_wait3A = arith.constant 0 : i32
      %dma_wait3A_53 = tpu.memref_slice %arg5[%add3A, %dma_wait3A] : memref<32x10016xf32, #tpu.memory_space<hbm>> -> memref<1x10016xf32, #tpu.memory_space<hbm>>
      %dma_wait3A_54 = tpu.memref_squeeze %dma_wait3A_53 : memref<1x10016xf32, #tpu.memory_space<hbm>> -> memref<10016xf32, #tpu.memory_space<hbm>>
      %dma_wait3A_55 = arith.constant 0 : i32
      %dma_wait3A_56 = tpu.memref_slice %arg5[%add3A, %dma_wait3A_55] : memref<32x10016xf32, #tpu.memory_space<hbm>> -> memref<1x10016xf32, #tpu.memory_space<hbm>>
      %dma_wait3A_57 = tpu.memref_squeeze %dma_wait3A_56 : memref<1x10016xf32, #tpu.memory_space<hbm>> -> memref<10016xf32, #tpu.memory_space<hbm>>
      tpu.wait_dma2 semaphore(%run_scoped3A : memref<!tpu.dma_semaphore, #tpu.memory_space<semaphore_mem>>) src(%arg8 : memref<10016xf32, #tpu.memory_space<vmem>>) dst(%dma_wait3A_57 : memref<10016xf32, #tpu.memory_space<hbm>>)
      tpu.yield
    }) : () -> ()
    return
  }
}

#map = affine_map<(d0, d1) -> (0, 0)>
#map1 = affine_map<(d0, d1) -> (0)>
module attributes {stable_mosaic.version = 14 : i64} {
  func.func @body(%arg0: i32, %arg1: i32, %arg2: memref<32x10000xi32, #tpu.memory_space<hbm>>, %arg3: memref<344064xi32, #tpu.memory_space<hbm>>, %arg4: memref<1x344064xf32, #tpu.memory_space<hbm>>, %arg5: memref<64x10000xf32, #tpu.memory_space<hbm>>, %arg6: memref<10016xi32, #tpu.memory_space<vmem>>, %arg7: memref<10016xf32, #tpu.memory_space<vmem>>, %arg8: memref<10016xf32, #tpu.memory_space<vmem>>, %arg9: memref<4096xi32, #tpu.memory_space<vmem>>, %arg10: memref<4096xf32, #tpu.memory_space<vmem>>, %arg11: memref<4096xi32, #tpu.memory_space<vmem>>, %arg12: memref<4096xf32, #tpu.memory_space<vmem>>, %arg13: memref<!tpu.dma_semaphore, #tpu.memory_space<semaphore_mem>>, %arg14: memref<!tpu.dma_semaphore, #tpu.memory_space<semaphore_mem>>) attributes {dimension_semantics = [#tpu.dimension_semantics<core_parallel>, #tpu.dimension_semantics<subcore_parallel>], iteration_bounds = array<i64: 2, 16>, scalar_prefetch = 0 : i64, scratch_operands = 9 : i64, tpu.core_type = #tpu.core_type<sc_vector_subcore>, window_params = [{transform_indices = #map}, {transform_indices = #map1}, {transform_indices = #map}, {transform_indices = #map}]} {
    %mul3A = arith.constant 2 : i32
    %mul3A_0 = arith.muli %arg1, %mul3A : i32
    %add3A = arith.addi %mul3A_0, %arg0 : i32
    %scan3A = arith.constant 0 : i32
    %scan3A_1 = arith.constant 0 : i32
    %mul3A_2 = arith.constant 64 : i32
    %mul3A_3 = arith.muli %scan3A_1, %mul3A_2 : i32
    %mul3A_4 = arith.constant 2 : i32
    %mul3A_5 = arith.muli %add3A, %mul3A_4 : i32
    %add3A_6 = arith.addi %mul3A_3, %mul3A_5 : i32
    %jit3A = arith.constant 2 : i32
    %div3A = arith.divsi %add3A_6, %jit3A : i32
    %sign3A = arith.constant 0 : i32
    %sign3A_7 = arith.cmpi sgt, %add3A_6, %sign3A : i32
    %sign3A_8 = arith.extui %sign3A_7 : i1 to i32
    %sign3A_9 = arith.constant 0 : i32
    %sign3A_10 = arith.cmpi slt, %add3A_6, %sign3A_9 : i32
    %sign3A_11 = arith.extui %sign3A_10 : i1 to i32
    %sign3A_12 = arith.subi %sign3A_8, %sign3A_11 : i32
    %sign3A_13 = arith.constant 0 : i32
    %sign3A_14 = arith.cmpi sgt, %jit3A, %sign3A_13 : i32
    %sign3A_15 = arith.extui %sign3A_14 : i1 to i32
    %sign3A_16 = arith.constant 0 : i32
    %sign3A_17 = arith.cmpi slt, %jit3A, %sign3A_16 : i32
    %sign3A_18 = arith.extui %sign3A_17 : i1 to i32
    %sign3A_19 = arith.subi %sign3A_15, %sign3A_18 : i32
    %ne3A = arith.cmpi ne, %sign3A_12, %sign3A_19 : i32
    %rem3A = arith.remsi %add3A_6, %jit3A : i32
    %ne3A_20 = arith.constant 0 : i32
    %ne3A_21 = arith.cmpi ne, %rem3A, %ne3A_20 : i32
    %and3A = arith.andi %ne3A, %ne3A_21 : i1
    %sub3A = arith.constant 1 : i32
    %sub3A_22 = arith.subi %div3A, %sub3A : i32
    %select_n3A = arith.select %and3A, %sub3A_22, %div3A : i32
    %add3A_23 = arith.constant 0 : i32
    %add3A_24 = arith.addi %select_n3A, %add3A_23 : i32
    "tpu.region"() ({
      %run_scoped3A = tpu.sem_alloc : memref<!tpu.dma_semaphore, #tpu.memory_space<semaphore_mem>>
      %dma_start3A_52 = arith.constant 0 : i32
      %dma_start3A_53 = tpu.memref_slice %arg6[%dma_start3A_52] : memref<10016xi32, #tpu.memory_space<vmem>> -> memref<10000xi32, #tpu.memory_space<vmem>>
      %dma_start3A_54 = arith.constant 0 : i32
      %dma_start3A_55 = tpu.memref_slice %arg2[%add3A_24, %dma_start3A_54] : memref<32x10000xi32, #tpu.memory_space<hbm>> -> memref<1x10000xi32, #tpu.memory_space<hbm>>
      %dma_start3A_56 = tpu.memref_squeeze %dma_start3A_55 : memref<1x10000xi32, #tpu.memory_space<hbm>> -> memref<10000xi32, #tpu.memory_space<hbm>>
      %dma_start3A_57 = arith.constant 0 : i32
      %dma_start3A_58 = tpu.memref_slice %arg6[%dma_start3A_57] : memref<10016xi32, #tpu.memory_space<vmem>> -> memref<10000xi32, #tpu.memory_space<vmem>>
      %dma_start3A_59 = arith.constant 0 : i32
      %dma_start3A_60 = tpu.memref_slice %arg2[%add3A_24, %dma_start3A_59] : memref<32x10000xi32, #tpu.memory_space<hbm>> -> memref<1x10000xi32, #tpu.memory_space<hbm>>
      %dma_start3A_61 = tpu.memref_squeeze %dma_start3A_60 : memref<1x10000xi32, #tpu.memory_space<hbm>> -> memref<10000xi32, #tpu.memory_space<hbm>>
      tpu.enqueue_dma source(%dma_start3A_61 : memref<10000xi32, #tpu.memory_space<hbm>>) target(%dma_start3A_58 : memref<10000xi32, #tpu.memory_space<vmem>>) target_semaphore(%run_scoped3A : memref<!tpu.dma_semaphore, #tpu.memory_space<semaphore_mem>>)
      %dma_wait3A = arith.constant 0 : i32
      %dma_wait3A_62 = tpu.memref_slice %arg6[%dma_wait3A] : memref<10016xi32, #tpu.memory_space<vmem>> -> memref<10000xi32, #tpu.memory_space<vmem>>
      %dma_wait3A_63 = arith.constant 0 : i32
      %dma_wait3A_64 = tpu.memref_slice %arg2[%add3A_24, %dma_wait3A_63] : memref<32x10000xi32, #tpu.memory_space<hbm>> -> memref<1x10000xi32, #tpu.memory_space<hbm>>
      %dma_wait3A_65 = tpu.memref_squeeze %dma_wait3A_64 : memref<1x10000xi32, #tpu.memory_space<hbm>> -> memref<10000xi32, #tpu.memory_space<hbm>>
      %dma_wait3A_66 = arith.constant 0 : i32
      %dma_wait3A_67 = tpu.memref_slice %arg6[%dma_wait3A_66] : memref<10016xi32, #tpu.memory_space<vmem>> -> memref<10000xi32, #tpu.memory_space<vmem>>
      %dma_wait3A_68 = arith.constant 0 : i32
      %dma_wait3A_69 = tpu.memref_slice %arg2[%add3A_24, %dma_wait3A_68] : memref<32x10000xi32, #tpu.memory_space<hbm>> -> memref<1x10000xi32, #tpu.memory_space<hbm>>
      %dma_wait3A_70 = tpu.memref_squeeze %dma_wait3A_69 : memref<1x10000xi32, #tpu.memory_space<hbm>> -> memref<10000xi32, #tpu.memory_space<hbm>>
      tpu.wait_dma2 semaphore(%run_scoped3A : memref<!tpu.dma_semaphore, #tpu.memory_space<semaphore_mem>>) src(%dma_wait3A_70 : memref<10000xi32, #tpu.memory_space<hbm>>) dst(%dma_wait3A_67 : memref<10000xi32, #tpu.memory_space<vmem>>)
      tpu.yield
    }) : () -> ()
    %scan3A_25 = arith.constant 0 : i32
    %scan3A_26 = arith.constant 0 : i32
    %scan3A_27 = arith.constant 626 : i32
    %scan3A_28 = arith.addi %scan3A_26, %scan3A_27 : i32
    %scan3A_29 = arith.constant 1 : i32
    scf.for %scan3A_52 = %scan3A_26 to %scan3A_28 step %scan3A_29  : i32 {
      %broadcast_in_dim3A = arith.constant 0.000000e+00 : f32
      %broadcast_in_dim3A_53 = vector.broadcast %broadcast_in_dim3A : f32 to vector<16xf32>
      %mul3A_54 = arith.constant 16 : i32
      %mul3A_55 = arith.muli %scan3A_52, %mul3A_54 : i32
      %swap3A = arith.index_cast %mul3A_55 : i32 to index
      %swap3A_56 = tpu.vector_load %arg7[%swap3A] {strides = array<i32>} : memref<10016xf32, #tpu.memory_space<vmem>>, vector<16xf32>,
      tpu.vector_store %arg7[%swap3A], %broadcast_in_dim3A_53 {strides = array<i32>} : memref<10016xf32, #tpu.memory_space<vmem>>, vector<16xf32>,
      %broadcast_in_dim3A_57 = arith.constant 0.000000e+00 : f32
      %broadcast_in_dim3A_58 = vector.broadcast %broadcast_in_dim3A_57 : f32 to vector<16xf32>
      %mul3A_59 = arith.constant 16 : i32
      %mul3A_60 = arith.muli %scan3A_52, %mul3A_59 : i32
      %swap3A_61 = arith.index_cast %mul3A_60 : i32 to index
      %swap3A_62 = tpu.vector_load %arg8[%swap3A_61] {strides = array<i32>} : memref<10016xf32, #tpu.memory_space<vmem>>, vector<16xf32>,
      tpu.vector_store %arg8[%swap3A_61], %broadcast_in_dim3A_58 {strides = array<i32>} : memref<10016xf32, #tpu.memory_space<vmem>>, vector<16xf32>,
    }
    %scan3A_30 = arith.constant 626 : i32
    %dma_start3A = arith.constant 0 : i32
    %dma_start3A_31 = tpu.memref_slice %arg3[%dma_start3A] : memref<344064xi32, #tpu.memory_space<hbm>> -> memref<4096xi32, #tpu.memory_space<hbm>>
    %dma_start3A_32 = arith.constant 0 : i32
    %dma_start3A_33 = tpu.memref_slice %arg3[%dma_start3A_32] : memref<344064xi32, #tpu.memory_space<hbm>> -> memref<4096xi32, #tpu.memory_space<hbm>>
    tpu.enqueue_dma source(%dma_start3A_33 : memref<4096xi32, #tpu.memory_space<hbm>>) target(%arg9 : memref<4096xi32, #tpu.memory_space<vmem>>) target_semaphore(%arg13 : memref<!tpu.dma_semaphore, #tpu.memory_space<semaphore_mem>>)
    %dma_start3A_34 = arith.constant 0 : i32
    %dma_start3A_35 = arith.constant 0 : i32
    %dma_start3A_36 = tpu.memref_slice %arg4[%dma_start3A_34, %dma_start3A_35] : memref<1x344064xf32, #tpu.memory_space<hbm>> -> memref<1x4096xf32, #tpu.memory_space<hbm>>
    %dma_start3A_37 = tpu.memref_squeeze %dma_start3A_36 : memref<1x4096xf32, #tpu.memory_space<hbm>> -> memref<4096xf32, #tpu.memory_space<hbm>>
    %dma_start3A_38 = arith.constant 0 : i32
    %dma_start3A_39 = tpu.memref_slice %arg4[%dma_start3A_34, %dma_start3A_38] : memref<1x344064xf32, #tpu.memory_space<hbm>> -> memref<1x4096xf32, #tpu.memory_space<hbm>>
    %dma_start3A_40 = tpu.memref_squeeze %dma_start3A_39 : memref<1x4096xf32, #tpu.memory_space<hbm>> -> memref<4096xf32, #tpu.memory_space<hbm>>
    tpu.enqueue_dma source(%dma_start3A_40 : memref<4096xf32, #tpu.memory_space<hbm>>) target(%arg10 : memref<4096xf32, #tpu.memory_space<vmem>>) target_semaphore(%arg13 : memref<!tpu.dma_semaphore, #tpu.memory_space<semaphore_mem>>)
    %scan3A_41 = arith.constant 0 : i32
    %scan3A_42 = arith.constant 0 : i32
    %scan3A_43 = arith.constant 42 : i32
    %scan3A_44 = arith.addi %scan3A_42, %scan3A_43 : i32
    %scan3A_45 = arith.constant 1 : i32
    scf.for %scan3A_52 = %scan3A_42 to %scan3A_44 step %scan3A_45  : i32 {
      %mul3A_53 = arith.constant 8192 : i32
      %mul3A_54 = arith.muli %scan3A_52, %mul3A_53 : i32
      %add3A_55 = arith.constant 4096 : i32
      %add3A_56 = arith.addi %mul3A_54, %add3A_55 : i32
      %dma_start3A_57 = tpu.memref_slice %arg3[%add3A_56] : memref<344064xi32, #tpu.memory_space<hbm>> -> memref<4096xi32, #tpu.memory_space<hbm>>
      %dma_start3A_58 = tpu.memref_slice %arg3[%add3A_56] : memref<344064xi32, #tpu.memory_space<hbm>> -> memref<4096xi32, #tpu.memory_space<hbm>>
      tpu.enqueue_dma source(%dma_start3A_58 : memref<4096xi32, #tpu.memory_space<hbm>>) target(%arg11 : memref<4096xi32, #tpu.memory_space<vmem>>) target_semaphore(%arg14 : memref<!tpu.dma_semaphore, #tpu.memory_space<semaphore_mem>>)
      %dma_start3A_59 = arith.constant 0 : i32
      %dma_start3A_60 = tpu.memref_slice %arg4[%dma_start3A_59, %add3A_56] : memref<1x344064xf32, #tpu.memory_space<hbm>> -> memref<1x4096xf32, #tpu.memory_space<hbm>>
      %dma_start3A_61 = tpu.memref_squeeze %dma_start3A_60 : memref<1x4096xf32, #tpu.memory_space<hbm>> -> memref<4096xf32, #tpu.memory_space<hbm>>
      %dma_start3A_62 = tpu.memref_slice %arg4[%dma_start3A_59, %add3A_56] : memref<1x344064xf32, #tpu.memory_space<hbm>> -> memref<1x4096xf32, #tpu.memory_space<hbm>>
      %dma_start3A_63 = tpu.memref_squeeze %dma_start3A_62 : memref<1x4096xf32, #tpu.memory_space<hbm>> -> memref<4096xf32, #tpu.memory_space<hbm>>
      tpu.enqueue_dma source(%dma_start3A_63 : memref<4096xf32, #tpu.memory_space<hbm>>) target(%arg12 : memref<4096xf32, #tpu.memory_space<vmem>>) target_semaphore(%arg14 : memref<!tpu.dma_semaphore, #tpu.memory_space<semaphore_mem>>)
      %dma_wait3A = arith.constant 0 : i32
      %dma_wait3A_64 = tpu.memref_slice %arg3[%dma_wait3A] : memref<344064xi32, #tpu.memory_space<hbm>> -> memref<4096xi32, #tpu.memory_space<hbm>>
      %dma_wait3A_65 = arith.constant 0 : i32
      %dma_wait3A_66 = tpu.memref_slice %arg3[%dma_wait3A_65] : memref<344064xi32, #tpu.memory_space<hbm>> -> memref<4096xi32, #tpu.memory_space<hbm>>
      tpu.wait_dma2 semaphore(%arg13 : memref<!tpu.dma_semaphore, #tpu.memory_space<semaphore_mem>>) src(%dma_wait3A_66 : memref<4096xi32, #tpu.memory_space<hbm>>) dst(%arg9 : memref<4096xi32, #tpu.memory_space<vmem>>)
      %dma_wait3A_67 = arith.constant 0 : i32
      %dma_wait3A_68 = arith.constant 0 : i32
      %dma_wait3A_69 = tpu.memref_slice %arg4[%dma_wait3A_67, %dma_wait3A_68] : memref<1x344064xf32, #tpu.memory_space<hbm>> -> memref<1x4096xf32, #tpu.memory_space<hbm>>
      %dma_wait3A_70 = tpu.memref_squeeze %dma_wait3A_69 : memref<1x4096xf32, #tpu.memory_space<hbm>> -> memref<4096xf32, #tpu.memory_space<hbm>>
      %dma_wait3A_71 = arith.constant 0 : i32
      %dma_wait3A_72 = tpu.memref_slice %arg4[%dma_wait3A_67, %dma_wait3A_71] : memref<1x344064xf32, #tpu.memory_space<hbm>> -> memref<1x4096xf32, #tpu.memory_space<hbm>>
      %dma_wait3A_73 = tpu.memref_squeeze %dma_wait3A_72 : memref<1x4096xf32, #tpu.memory_space<hbm>> -> memref<4096xf32, #tpu.memory_space<hbm>>
      tpu.wait_dma2 semaphore(%arg13 : memref<!tpu.dma_semaphore, #tpu.memory_space<semaphore_mem>>) src(%dma_wait3A_73 : memref<4096xf32, #tpu.memory_space<hbm>>) dst(%arg10 : memref<4096xf32, #tpu.memory_space<vmem>>)
      %parallel_loop3A = arith.constant 0 : i32
      %parallel_loop3A_74 = arith.constant 256 : i32
      %parallel_loop3A_75 = arith.constant 1 : i32
      scf.for %parallel_loop3A_94 = %parallel_loop3A to %parallel_loop3A_74 step %parallel_loop3A_75  : i32 {
        %parallel_loop3A_95 = arith.constant 16 : i32
        %parallel_loop3A_96 = arith.muli %parallel_loop3A_94, %parallel_loop3A_95 : i32
        %parallel_loop3A_97 = arith.index_cast %parallel_loop3A_96 : i32 to index
        %parallel_loop3A_98 = tpu.vector_load %arg9[%parallel_loop3A_97] {strides = array<i32>} : memref<4096xi32, #tpu.memory_space<vmem>>, vector<16xi32>,
        %parallel_loop3A_99 = arith.constant 65535 : i32
        %parallel_loop3A_100 = vector.broadcast %parallel_loop3A_99 : i32 to vector<16xi32>
        %parallel_loop3A_101 = arith.andi %parallel_loop3A_98, %parallel_loop3A_100 : vector<16xi32>
        %parallel_loop3A_102 = arith.constant 16 : i32
        %parallel_loop3A_103 = vector.broadcast %parallel_loop3A_102 : i32 to vector<16xi32>
        %parallel_loop3A_104 = arith.shrui %parallel_loop3A_98, %parallel_loop3A_103 : vector<16xi32>
        %parallel_loop3A_105 = arith.index_cast %parallel_loop3A_96 : i32 to index
        %parallel_loop3A_106 = tpu.vector_load %arg10[%parallel_loop3A_105] {strides = array<i32>} : memref<4096xf32, #tpu.memory_space<vmem>>, vector<16xf32>,
        %parallel_loop3A_107 = tpu.vector_load_idx %arg6[%parallel_loop3A_101] : memref<10016xi32, #tpu.memory_space<vmem>>[vector<16xi32>], vector<16xi32>,
        %parallel_loop3A_108 = vector.bitcast %parallel_loop3A_107 : vector<16xi32> to vector<32xbf16>
        %parallel_loop3A_109 = tpu.unpack_subelements %parallel_loop3A_108, 0 {pack_format = #tpu.pack_format<interleaved>} : vector<32xbf16> -> vector<16xf32>
        %parallel_loop3A_110 = tpu.unpack_subelements %parallel_loop3A_108, 1 {pack_format = #tpu.pack_format<interleaved>} : vector<32xbf16> -> vector<16xf32>
        %parallel_loop3A_111 = arith.mulf %parallel_loop3A_109, %parallel_loop3A_106 : vector<16xf32>
        tpu.vector_store_idx %arg7[%parallel_loop3A_104], %parallel_loop3A_111 {add = true} : memref<10016xf32, #tpu.memory_space<vmem>>[vector<16xi32>], vector<16xf32>,
        %parallel_loop3A_112 = arith.mulf %parallel_loop3A_110, %parallel_loop3A_106 : vector<16xf32>
        tpu.vector_store_idx %arg8[%parallel_loop3A_104], %parallel_loop3A_112 {add = true} : memref<10016xf32, #tpu.memory_space<vmem>>[vector<16xi32>], vector<16xf32>,
      } {sc.loop_unroll_factor = 8 : i64, sc.parallel_access}
      %add3A_76 = arith.constant 1 : i32
      %add3A_77 = arith.addi %scan3A_52, %add3A_76 : i32
      %lt3A = arith.constant 42 : i32
      %lt3A_78 = arith.cmpi slt, %add3A_77, %lt3A : i32
      %convert_element_type3A = arith.extui %lt3A_78 : i1 to i32
      %cond3A = arith.constant 0 : i32
      %cond3A_79 = arith.cmpi ne, %convert_element_type3A, %cond3A : i32
      scf.if %cond3A_79 {
        %add3A_94 = arith.constant 8192 : i32
        %add3A_95 = arith.addi %mul3A_54, %add3A_94 : i32
        %dma_start3A_96 = tpu.memref_slice %arg3[%add3A_95] : memref<344064xi32, #tpu.memory_space<hbm>> -> memref<4096xi32, #tpu.memory_space<hbm>>
        %dma_start3A_97 = tpu.memref_slice %arg3[%add3A_95] : memref<344064xi32, #tpu.memory_space<hbm>> -> memref<4096xi32, #tpu.memory_space<hbm>>
        tpu.enqueue_dma source(%dma_start3A_97 : memref<4096xi32, #tpu.memory_space<hbm>>) target(%arg9 : memref<4096xi32, #tpu.memory_space<vmem>>) target_semaphore(%arg13 : memref<!tpu.dma_semaphore, #tpu.memory_space<semaphore_mem>>)
        %dma_start3A_98 = arith.constant 0 : i32
        %dma_start3A_99 = tpu.memref_slice %arg4[%dma_start3A_98, %add3A_95] : memref<1x344064xf32, #tpu.memory_space<hbm>> -> memref<1x4096xf32, #tpu.memory_space<hbm>>
        %dma_start3A_100 = tpu.memref_squeeze %dma_start3A_99 : memref<1x4096xf32, #tpu.memory_space<hbm>> -> memref<4096xf32, #tpu.memory_space<hbm>>
        %dma_start3A_101 = tpu.memref_slice %arg4[%dma_start3A_98, %add3A_95] : memref<1x344064xf32, #tpu.memory_space<hbm>> -> memref<1x4096xf32, #tpu.memory_space<hbm>>
        %dma_start3A_102 = tpu.memref_squeeze %dma_start3A_101 : memref<1x4096xf32, #tpu.memory_space<hbm>> -> memref<4096xf32, #tpu.memory_space<hbm>>
        tpu.enqueue_dma source(%dma_start3A_102 : memref<4096xf32, #tpu.memory_space<hbm>>) target(%arg10 : memref<4096xf32, #tpu.memory_space<vmem>>) target_semaphore(%arg13 : memref<!tpu.dma_semaphore, #tpu.memory_space<semaphore_mem>>)
      } else {
      }
      %dma_wait3A_80 = arith.constant 0 : i32
      %dma_wait3A_81 = tpu.memref_slice %arg3[%dma_wait3A_80] : memref<344064xi32, #tpu.memory_space<hbm>> -> memref<4096xi32, #tpu.memory_space<hbm>>
      %dma_wait3A_82 = arith.constant 0 : i32
      %dma_wait3A_83 = tpu.memref_slice %arg3[%dma_wait3A_82] : memref<344064xi32, #tpu.memory_space<hbm>> -> memref<4096xi32, #tpu.memory_space<hbm>>
      tpu.wait_dma2 semaphore(%arg14 : memref<!tpu.dma_semaphore, #tpu.memory_space<semaphore_mem>>) src(%dma_wait3A_83 : memref<4096xi32, #tpu.memory_space<hbm>>) dst(%arg11 : memref<4096xi32, #tpu.memory_space<vmem>>)
      %dma_wait3A_84 = arith.constant 0 : i32
      %dma_wait3A_85 = arith.constant 0 : i32
      %dma_wait3A_86 = tpu.memref_slice %arg4[%dma_wait3A_84, %dma_wait3A_85] : memref<1x344064xf32, #tpu.memory_space<hbm>> -> memref<1x4096xf32, #tpu.memory_space<hbm>>
      %dma_wait3A_87 = tpu.memref_squeeze %dma_wait3A_86 : memref<1x4096xf32, #tpu.memory_space<hbm>> -> memref<4096xf32, #tpu.memory_space<hbm>>
      %dma_wait3A_88 = arith.constant 0 : i32
      %dma_wait3A_89 = tpu.memref_slice %arg4[%dma_wait3A_84, %dma_wait3A_88] : memref<1x344064xf32, #tpu.memory_space<hbm>> -> memref<1x4096xf32, #tpu.memory_space<hbm>>
      %dma_wait3A_90 = tpu.memref_squeeze %dma_wait3A_89 : memref<1x4096xf32, #tpu.memory_space<hbm>> -> memref<4096xf32, #tpu.memory_space<hbm>>
      tpu.wait_dma2 semaphore(%arg14 : memref<!tpu.dma_semaphore, #tpu.memory_space<semaphore_mem>>) src(%dma_wait3A_90 : memref<4096xf32, #tpu.memory_space<hbm>>) dst(%arg12 : memref<4096xf32, #tpu.memory_space<vmem>>)
      %parallel_loop3A_91 = arith.constant 0 : i32
      %parallel_loop3A_92 = arith.constant 256 : i32
      %parallel_loop3A_93 = arith.constant 1 : i32
      scf.for %parallel_loop3A_94 = %parallel_loop3A_91 to %parallel_loop3A_92 step %parallel_loop3A_93  : i32 {
        %parallel_loop3A_95 = arith.constant 16 : i32
        %parallel_loop3A_96 = arith.muli %parallel_loop3A_94, %parallel_loop3A_95 : i32
        %parallel_loop3A_97 = arith.index_cast %parallel_loop3A_96 : i32 to index
        %parallel_loop3A_98 = tpu.vector_load %arg11[%parallel_loop3A_97] {strides = array<i32>} : memref<4096xi32, #tpu.memory_space<vmem>>, vector<16xi32>,
        %parallel_loop3A_99 = arith.constant 65535 : i32
        %parallel_loop3A_100 = vector.broadcast %parallel_loop3A_99 : i32 to vector<16xi32>
        %parallel_loop3A_101 = arith.andi %parallel_loop3A_98, %parallel_loop3A_100 : vector<16xi32>
        %parallel_loop3A_102 = arith.constant 16 : i32
        %parallel_loop3A_103 = vector.broadcast %parallel_loop3A_102 : i32 to vector<16xi32>
        %parallel_loop3A_104 = arith.shrui %parallel_loop3A_98, %parallel_loop3A_103 : vector<16xi32>
        %parallel_loop3A_105 = arith.index_cast %parallel_loop3A_96 : i32 to index
        %parallel_loop3A_106 = tpu.vector_load %arg12[%parallel_loop3A_105] {strides = array<i32>} : memref<4096xf32, #tpu.memory_space<vmem>>, vector<16xf32>,
        %parallel_loop3A_107 = tpu.vector_load_idx %arg6[%parallel_loop3A_101] : memref<10016xi32, #tpu.memory_space<vmem>>[vector<16xi32>], vector<16xi32>,
        %parallel_loop3A_108 = vector.bitcast %parallel_loop3A_107 : vector<16xi32> to vector<32xbf16>
        %parallel_loop3A_109 = tpu.unpack_subelements %parallel_loop3A_108, 0 {pack_format = #tpu.pack_format<interleaved>} : vector<32xbf16> -> vector<16xf32>
        %parallel_loop3A_110 = tpu.unpack_subelements %parallel_loop3A_108, 1 {pack_format = #tpu.pack_format<interleaved>} : vector<32xbf16> -> vector<16xf32>
        %parallel_loop3A_111 = arith.mulf %parallel_loop3A_109, %parallel_loop3A_106 : vector<16xf32>
        tpu.vector_store_idx %arg7[%parallel_loop3A_104], %parallel_loop3A_111 {add = true} : memref<10016xf32, #tpu.memory_space<vmem>>[vector<16xi32>], vector<16xf32>,
        %parallel_loop3A_112 = arith.mulf %parallel_loop3A_110, %parallel_loop3A_106 : vector<16xf32>
        tpu.vector_store_idx %arg8[%parallel_loop3A_104], %parallel_loop3A_112 {add = true} : memref<10016xf32, #tpu.memory_space<vmem>>[vector<16xi32>], vector<16xf32>,
      } {sc.loop_unroll_factor = 8 : i64, sc.parallel_access}
    }
    %scan3A_46 = arith.constant 42 : i32
    %add3A_47 = arith.constant 0 : i32
    %add3A_48 = arith.addi %add3A_6, %add3A_47 : i32
    "tpu.region"() ({
      %run_scoped3A = tpu.sem_alloc : memref<!tpu.dma_semaphore, #tpu.memory_space<semaphore_mem>>
      %dma_start3A_52 = arith.constant 0 : i32
      %dma_start3A_53 = tpu.memref_slice %arg7[%dma_start3A_52] : memref<10016xf32, #tpu.memory_space<vmem>> -> memref<10000xf32, #tpu.memory_space<vmem>>
      %dma_start3A_54 = arith.constant 0 : i32
      %dma_start3A_55 = tpu.memref_slice %arg5[%add3A_48, %dma_start3A_54] : memref<64x10000xf32, #tpu.memory_space<hbm>> -> memref<1x10000xf32, #tpu.memory_space<hbm>>
      %dma_start3A_56 = tpu.memref_squeeze %dma_start3A_55 : memref<1x10000xf32, #tpu.memory_space<hbm>> -> memref<10000xf32, #tpu.memory_space<hbm>>
      %dma_start3A_57 = arith.constant 0 : i32
      %dma_start3A_58 = tpu.memref_slice %arg5[%add3A_48, %dma_start3A_57] : memref<64x10000xf32, #tpu.memory_space<hbm>> -> memref<1x10000xf32, #tpu.memory_space<hbm>>
      %dma_start3A_59 = tpu.memref_squeeze %dma_start3A_58 : memref<1x10000xf32, #tpu.memory_space<hbm>> -> memref<10000xf32, #tpu.memory_space<hbm>>
      %dma_start3A_60 = arith.constant 0 : i32
      %dma_start3A_61 = tpu.memref_slice %arg7[%dma_start3A_60] : memref<10016xf32, #tpu.memory_space<vmem>> -> memref<10000xf32, #tpu.memory_space<vmem>>
      tpu.enqueue_dma source(%dma_start3A_61 : memref<10000xf32, #tpu.memory_space<vmem>>) target(%dma_start3A_59 : memref<10000xf32, #tpu.memory_space<hbm>>) target_semaphore(%run_scoped3A : memref<!tpu.dma_semaphore, #tpu.memory_space<semaphore_mem>>)
      %dma_wait3A = arith.constant 0 : i32
      %dma_wait3A_62 = tpu.memref_slice %arg7[%dma_wait3A] : memref<10016xf32, #tpu.memory_space<vmem>> -> memref<10000xf32, #tpu.memory_space<vmem>>
      %dma_wait3A_63 = arith.constant 0 : i32
      %dma_wait3A_64 = tpu.memref_slice %arg5[%add3A_48, %dma_wait3A_63] : memref<64x10000xf32, #tpu.memory_space<hbm>> -> memref<1x10000xf32, #tpu.memory_space<hbm>>
      %dma_wait3A_65 = tpu.memref_squeeze %dma_wait3A_64 : memref<1x10000xf32, #tpu.memory_space<hbm>> -> memref<10000xf32, #tpu.memory_space<hbm>>
      %dma_wait3A_66 = arith.constant 0 : i32
      %dma_wait3A_67 = tpu.memref_slice %arg5[%add3A_48, %dma_wait3A_66] : memref<64x10000xf32, #tpu.memory_space<hbm>> -> memref<1x10000xf32, #tpu.memory_space<hbm>>
      %dma_wait3A_68 = tpu.memref_squeeze %dma_wait3A_67 : memref<1x10000xf32, #tpu.memory_space<hbm>> -> memref<10000xf32, #tpu.memory_space<hbm>>
      %dma_wait3A_69 = arith.constant 0 : i32
      %dma_wait3A_70 = tpu.memref_slice %arg7[%dma_wait3A_69] : memref<10016xf32, #tpu.memory_space<vmem>> -> memref<10000xf32, #tpu.memory_space<vmem>>
      tpu.wait_dma2 semaphore(%run_scoped3A : memref<!tpu.dma_semaphore, #tpu.memory_space<semaphore_mem>>) src(%dma_wait3A_70 : memref<10000xf32, #tpu.memory_space<vmem>>) dst(%dma_wait3A_68 : memref<10000xf32, #tpu.memory_space<hbm>>)
      tpu.yield
    }) : () -> ()
    %add3A_49 = arith.constant 1 : i32
    %add3A_50 = arith.addi %add3A_6, %add3A_49 : i32
    "tpu.region"() ({
      %run_scoped3A = tpu.sem_alloc : memref<!tpu.dma_semaphore, #tpu.memory_space<semaphore_mem>>
      %dma_start3A_52 = arith.constant 0 : i32
      %dma_start3A_53 = tpu.memref_slice %arg8[%dma_start3A_52] : memref<10016xf32, #tpu.memory_space<vmem>> -> memref<10000xf32, #tpu.memory_space<vmem>>
      %dma_start3A_54 = arith.constant 0 : i32
      %dma_start3A_55 = tpu.memref_slice %arg5[%add3A_50, %dma_start3A_54] : memref<64x10000xf32, #tpu.memory_space<hbm>> -> memref<1x10000xf32, #tpu.memory_space<hbm>>
      %dma_start3A_56 = tpu.memref_squeeze %dma_start3A_55 : memref<1x10000xf32, #tpu.memory_space<hbm>> -> memref<10000xf32, #tpu.memory_space<hbm>>
      %dma_start3A_57 = arith.constant 0 : i32
      %dma_start3A_58 = tpu.memref_slice %arg5[%add3A_50, %dma_start3A_57] : memref<64x10000xf32, #tpu.memory_space<hbm>> -> memref<1x10000xf32, #tpu.memory_space<hbm>>
      %dma_start3A_59 = tpu.memref_squeeze %dma_start3A_58 : memref<1x10000xf32, #tpu.memory_space<hbm>> -> memref<10000xf32, #tpu.memory_space<hbm>>
      %dma_start3A_60 = arith.constant 0 : i32
      %dma_start3A_61 = tpu.memref_slice %arg8[%dma_start3A_60] : memref<10016xf32, #tpu.memory_space<vmem>> -> memref<10000xf32, #tpu.memory_space<vmem>>
      tpu.enqueue_dma source(%dma_start3A_61 : memref<10000xf32, #tpu.memory_space<vmem>>) target(%dma_start3A_59 : memref<10000xf32, #tpu.memory_space<hbm>>) target_semaphore(%run_scoped3A : memref<!tpu.dma_semaphore, #tpu.memory_space<semaphore_mem>>)
      %dma_wait3A = arith.constant 0 : i32
      %dma_wait3A_62 = tpu.memref_slice %arg8[%dma_wait3A] : memref<10016xf32, #tpu.memory_space<vmem>> -> memref<10000xf32, #tpu.memory_space<vmem>>
      %dma_wait3A_63 = arith.constant 0 : i32
      %dma_wait3A_64 = tpu.memref_slice %arg5[%add3A_50, %dma_wait3A_63] : memref<64x10000xf32, #tpu.memory_space<hbm>> -> memref<1x10000xf32, #tpu.memory_space<hbm>>
      %dma_wait3A_65 = tpu.memref_squeeze %dma_wait3A_64 : memref<1x10000xf32, #tpu.memory_space<hbm>> -> memref<10000xf32, #tpu.memory_space<hbm>>
      %dma_wait3A_66 = arith.constant 0 : i32
      %dma_wait3A_67 = tpu.memref_slice %arg5[%add3A_50, %dma_wait3A_66] : memref<64x10000xf32, #tpu.memory_space<hbm>> -> memref<1x10000xf32, #tpu.memory_space<hbm>>
      %dma_wait3A_68 = tpu.memref_squeeze %dma_wait3A_67 : memref<1x10000xf32, #tpu.memory_space<hbm>> -> memref<10000xf32, #tpu.memory_space<hbm>>
      %dma_wait3A_69 = arith.constant 0 : i32
      %dma_wait3A_70 = tpu.memref_slice %arg8[%dma_wait3A_69] : memref<10016xf32, #tpu.memory_space<vmem>> -> memref<10000xf32, #tpu.memory_space<vmem>>
      tpu.wait_dma2 semaphore(%run_scoped3A : memref<!tpu.dma_semaphore, #tpu.memory_space<semaphore_mem>>) src(%dma_wait3A_70 : memref<10000xf32, #tpu.memory_space<vmem>>) dst(%dma_wait3A_68 : memref<10000xf32, #tpu.memory_space<hbm>>)
      tpu.yield
    }) : () -> ()
    %scan3A_51 = arith.constant 1 : i32
    return
  }
}

module attributes {stable_mosaic.version = 14 : i64} {
  func.func @_tc_in_body(%arg0: memref<10000x128xf32, #tpu.memory_space<vmem>>, %arg1: memref<128x512xf32, #tpu.memory_space<vmem>>, %arg2: memref<128x16xf32, #tpu.memory_space<vmem>>, %arg3: memref<512x10000xf32, #tpu.memory_space<vmem>>, %arg4: memref<16x10000xf32, #tpu.memory_space<vmem>>) attributes {dimension_semantics = [], scalar_prefetch = 0 : i64, scratch_operands = 0 : i64, tpu.core_type = #tpu.core_type<tc>} {
    %get3A = arith.constant 0 : index
    %get3A_0 = arith.constant 0 : index
    %get3A_1 = vector.load %arg0[%get3A, %get3A_0] : memref<10000x128xf32, #tpu.memory_space<vmem>>, vector<10000x128xf32>
    %get3A_2 = arith.constant 0 : index
    %get3A_3 = arith.constant 0 : index
    %get3A_4 = vector.load %arg1[%get3A_2, %get3A_3] : memref<128x512xf32, #tpu.memory_space<vmem>>, vector<128x512xf32>
    %dot_general3A = arith.constant dense<0.000000e+00> : vector<512x10000xf32>
    %dot_general3A_5 = tpu.matmul %get3A_4, %get3A_1, %dot_general3A {dimension_numbers = #tpu.dot_dimension_numbers<[0], [1], [1], [0], [0, 1, 1, 0], [], []>, transpose_lhs_hint = false} : vector<128x512xf32>, vector<10000x128xf32>, vector<512x10000xf32> -> vector<512x10000xf32>
    %swap3A = arith.constant 0 : index
    %swap3A_6 = arith.constant 0 : index
    %swap3A_7 = vector.load %arg3[%swap3A, %swap3A_6] : memref<512x10000xf32, #tpu.memory_space<vmem>>, vector<512x10000xf32>
    tpu.vector_store %arg3[%swap3A, %swap3A_6], %dot_general3A_5 {strides = array<i32>} : memref<512x10000xf32, #tpu.memory_space<vmem>>, vector<512x10000xf32>,
    %get3A_8 = arith.constant 0 : index
    %get3A_9 = arith.constant 0 : index
    %get3A_10 = vector.load %arg2[%get3A_8, %get3A_9] : memref<128x16xf32, #tpu.memory_space<vmem>>, vector<128x16xf32>
    %dot_general3A_11 = arith.constant dense<0.000000e+00> : vector<16x10000xf32>
    %dot_general3A_12 = tpu.matmul %get3A_10, %get3A_1, %dot_general3A_11 {dimension_numbers = #tpu.dot_dimension_numbers<[0], [1], [1], [0], [0, 1, 1, 0], [], []>, transpose_lhs_hint = false} : vector<128x16xf32>, vector<10000x128xf32>, vector<16x10000xf32> -> vector<16x10000xf32>
    %swap3A_13 = arith.constant 0 : index
    %swap3A_14 = arith.constant 0 : index
    %swap3A_15 = vector.load %arg4[%swap3A_13, %swap3A_14] : memref<16x10000xf32, #tpu.memory_space<vmem>>, vector<16x10000xf32>
    tpu.vector_store %arg4[%swap3A_13, %swap3A_14], %dot_general3A_12 {strides = array<i32>} : memref<16x10000xf32, #tpu.memory_space<vmem>>, vector<16x10000xf32>,
    return
  }
}

module attributes {stable_mosaic.version = 14 : i64} {
  func.func @_mid_body(%arg0: memref<512x10000xf32, #tpu.memory_space<vmem>>, %arg1: memref<32x10016xf32, #tpu.memory_space<vmem>>, %arg2: memref<512x1xf32, #tpu.memory_space<vmem>>, %arg3: memref<512x64xf32, #tpu.memory_space<vmem>>, %arg4: memref<512x2xf32, #tpu.memory_space<vmem>>, %arg5: memref<64x10000xf32, #tpu.memory_space<vmem>>, %arg6: memref<2x10000xf32, #tpu.memory_space<vmem>>) attributes {dimension_semantics = [], scalar_prefetch = 0 : i64, scratch_operands = 0 : i64, tpu.core_type = #tpu.core_type<tc>} {
    %get3A = arith.constant 0 : index
    %get3A_0 = arith.constant 0 : index
    %get3A_1 = vector.load %arg1[%get3A, %get3A_0] : memref<32x10016xf32, #tpu.memory_space<vmem>>, vector<32x10016xf32>
    %reshape3A = vector.shape_cast %get3A_1 : vector<32x10016xf32> to vector<8x4x10016xf32>
    %reduce_sum3A = arith.constant dense<0.000000e+00> : vector<8x10016xf32>
    %reduce_sum3A_2 = vector.multi_reduction <add>, %reshape3A, %reduce_sum3A [1] : vector<8x4x10016xf32> to vector<8x10016xf32>
    %slice3A = vector.extract_strided_slice %reduce_sum3A_2 {offsets = [0, 0], sizes = [8, 10000], strides = [1, 1]} : vector<8x10016xf32> to vector<8x10000xf32>
    %broadcast_in_dim3A = vector.shape_cast %slice3A : vector<8x10000xf32> to vector<8x1x10000xf32>
    %broadcast_in_dim3A_3 = vector.shape_cast %broadcast_in_dim3A : vector<8x1x10000xf32> to vector<8x1x10000xf32>
    %broadcast_in_dim3A_4 = vector.broadcast %broadcast_in_dim3A_3 : vector<8x1x10000xf32> to vector<8x64x10000xf32>
    %reshape3A_5 = vector.shape_cast %broadcast_in_dim3A_4 : vector<8x64x10000xf32> to vector<512x10000xf32>
    %get3A_6 = arith.constant 0 : index
    %get3A_7 = arith.constant 0 : index
    %get3A_8 = vector.load %arg0[%get3A_6, %get3A_7] : memref<512x10000xf32, #tpu.memory_space<vmem>>, vector<512x10000xf32>
    %add3A = arith.constant 1.000000e-16 : f32
    %add3A_9 = vector.broadcast %add3A : f32 to vector<512x10000xf32>
    %add3A_10 = arith.addf %reshape3A_5, %add3A_9 : vector<512x10000xf32>
    %div3A = arith.divf %get3A_8, %add3A_10 : vector<512x10000xf32>
    %get3A_11 = arith.constant 0 : index
    %get3A_12 = arith.constant 0 : index
    %get3A_13 = vector.load %arg2[%get3A_11, %get3A_12] : memref<512x1xf32, #tpu.memory_space<vmem>>, vector<512x1xf32>
    %add3A_14 = vector.broadcast %get3A_13 : vector<512x1xf32> to vector<512x10000xf32>
    %add3A_15 = arith.addf %div3A, %add3A_14 : vector<512x10000xf32>
    %gt3A = arith.constant 0.000000e+00 : f32
    %gt3A_16 = vector.broadcast %gt3A : f32 to vector<512x10000xf32>
    %gt3A_17 = arith.cmpf ogt, %add3A_15, %gt3A_16 : vector<512x10000xf32>
    %exp3A = math.exp %add3A_15 : vector<512x10000xf32>
    %sub3A = arith.constant 1.000000e+00 : f32
    %sub3A_18 = vector.broadcast %sub3A : f32 to vector<512x10000xf32>
    %sub3A_19 = arith.subf %exp3A, %sub3A_18 : vector<512x10000xf32>
    %select_n3A = arith.select %gt3A_17, %add3A_15, %sub3A_19 : vector<512x10000xi1>, vector<512x10000xf32>
    %get3A_20 = arith.constant 0 : index
    %get3A_21 = arith.constant 0 : index
    %get3A_22 = vector.load %arg3[%get3A_20, %get3A_21] : memref<512x64xf32, #tpu.memory_space<vmem>>, vector<512x64xf32>
    %dot_general3A = arith.constant dense<0.000000e+00> : vector<64x10000xf32>
    %dot_general3A_23 = tpu.matmul %get3A_22, %select_n3A, %dot_general3A {dimension_numbers = #tpu.dot_dimension_numbers<[0], [0], [1], [1], [0, 1, 1, 1], [], []>, transpose_lhs_hint = false} : vector<512x64xf32>, vector<512x10000xf32>, vector<64x10000xf32> -> vector<64x10000xf32>
    %swap3A = arith.constant 0 : index
    %swap3A_24 = arith.constant 0 : index
    %swap3A_25 = vector.load %arg5[%swap3A, %swap3A_24] : memref<64x10000xf32, #tpu.memory_space<vmem>>, vector<64x10000xf32>
    tpu.vector_store %arg5[%swap3A, %swap3A_24], %dot_general3A_23 {strides = array<i32>} : memref<64x10000xf32, #tpu.memory_space<vmem>>, vector<64x10000xf32>,
    %get3A_26 = arith.constant 0 : index
    %get3A_27 = arith.constant 0 : index
    %get3A_28 = vector.load %arg4[%get3A_26, %get3A_27] : memref<512x2xf32, #tpu.memory_space<vmem>>, vector<512x2xf32>
    %dot_general3A_29 = arith.constant dense<0.000000e+00> : vector<2x10000xf32>
    %dot_general3A_30 = tpu.matmul %get3A_28, %select_n3A, %dot_general3A_29 {dimension_numbers = #tpu.dot_dimension_numbers<[0], [0], [1], [1], [0, 1, 1, 1], [], []>, transpose_lhs_hint = false} : vector<512x2xf32>, vector<512x10000xf32>, vector<2x10000xf32> -> vector<2x10000xf32>
    %swap3A_31 = arith.constant 0 : index
    %swap3A_32 = arith.constant 0 : index
    %swap3A_33 = vector.load %arg6[%swap3A_31, %swap3A_32] : memref<2x10000xf32, #tpu.memory_space<vmem>>, vector<2x10000xf32>
    tpu.vector_store %arg6[%swap3A_31, %swap3A_32], %dot_general3A_30 {strides = array<i32>} : memref<2x10000xf32, #tpu.memory_space<vmem>>, vector<2x10000xf32>,
    return
  }
}

module attributes {stable_mosaic.version = 14 : i64} {
  func.func @_final_body(%arg0: memref<64x10000xf32, #tpu.memory_space<vmem>>, %arg1: memref<32x10016xf32, #tpu.memory_space<vmem>>, %arg2: memref<64x1xf32, #tpu.memory_space<vmem>>, %arg3: memref<10000x1xi32, #tpu.memory_space<vmem>>, %arg4: memref<64x64xf32, #tpu.memory_space<vmem>>, %arg5: memref<1x64xf32, #tpu.memory_space<vmem>>, %arg6: memref<64x16xf32, #tpu.memory_space<vmem>>, %arg7: memref<1x16xf32, #tpu.memory_space<vmem>>, %arg8: memref<64x16xf32, #tpu.memory_space<vmem>>) attributes {dimension_semantics = [], scalar_prefetch = 0 : i64, scratch_operands = 0 : i64, tpu.core_type = #tpu.core_type<tc>} {
    %get3A = arith.constant 0 : index
    %get3A_0 = arith.constant 0 : index
    %get3A_1 = vector.load %arg1[%get3A, %get3A_0] : memref<32x10016xf32, #tpu.memory_space<vmem>>, vector<32x10016xf32>
    %reduce_sum3A = arith.constant dense<0.000000e+00> : vector<10016xf32>
    %reduce_sum3A_2 = vector.multi_reduction <add>, %get3A_1, %reduce_sum3A [0] : vector<32x10016xf32> to vector<10016xf32>
    %broadcast_in_dim3A = vector.shape_cast %reduce_sum3A_2 : vector<10016xf32> to vector<1x10016xf32>
    %slice3A = vector.extract_strided_slice %broadcast_in_dim3A {offsets = [0, 0], sizes = [1, 10000], strides = [1, 1]} : vector<1x10016xf32> to vector<1x10000xf32>
    %get3A_3 = arith.constant 0 : index
    %get3A_4 = arith.constant 0 : index
    %get3A_5 = vector.load %arg0[%get3A_3, %get3A_4] : memref<64x10000xf32, #tpu.memory_space<vmem>>, vector<64x10000xf32>
    %add3A = arith.constant 1.000000e-16 : f32
    %add3A_6 = vector.broadcast %add3A : f32 to vector<1x10000xf32>
    %add3A_7 = arith.addf %slice3A, %add3A_6 : vector<1x10000xf32>
    %div3A = vector.broadcast %add3A_7 : vector<1x10000xf32> to vector<64x10000xf32>
    %div3A_8 = arith.divf %get3A_5, %div3A : vector<64x10000xf32>
    %get3A_9 = arith.constant 0 : index
    %get3A_10 = arith.constant 0 : index
    %get3A_11 = vector.load %arg2[%get3A_9, %get3A_10] : memref<64x1xf32, #tpu.memory_space<vmem>>, vector<64x1xf32>
    %add3A_12 = vector.broadcast %get3A_11 : vector<64x1xf32> to vector<64x10000xf32>
    %add3A_13 = arith.addf %div3A_8, %add3A_12 : vector<64x10000xf32>
    %gt3A = arith.constant 0.000000e+00 : f32
    %gt3A_14 = vector.broadcast %gt3A : f32 to vector<64x10000xf32>
    %gt3A_15 = arith.cmpf ogt, %add3A_13, %gt3A_14 : vector<64x10000xf32>
    %exp3A = math.exp %add3A_13 : vector<64x10000xf32>
    %sub3A = arith.constant 1.000000e+00 : f32
    %sub3A_16 = vector.broadcast %sub3A : f32 to vector<64x10000xf32>
    %sub3A_17 = arith.subf %exp3A, %sub3A_16 : vector<64x10000xf32>
    %select_n3A = arith.select %gt3A_15, %add3A_13, %sub3A_17 : vector<64x10000xi1>, vector<64x10000xf32>
    %iota3A = tpu.iota {dimensions = array<i32: 1>} : vector<10000x64xi32>
    %get3A_18 = arith.constant 0 : index
    %get3A_19 = arith.constant 0 : index
    %get3A_20 = vector.load %arg3[%get3A_18, %get3A_19] : memref<10000x1xi32, #tpu.memory_space<vmem>>, vector<10000x1xi32>
    %eq3A = vector.broadcast %get3A_20 : vector<10000x1xi32> to vector<10000x64xi32>
    %eq3A_21 = arith.cmpi eq, %eq3A, %iota3A : vector<10000x64xi32>
    %convert_element_type3A = arith.extui %eq3A_21 : vector<10000x64xi1> to vector<10000x64xi32>
    %convert_element_type3A_22 = arith.sitofp %convert_element_type3A : vector<10000x64xi32> to vector<10000x64xf32>
    %dot_general3A = arith.constant dense<0.000000e+00> : vector<64x64xf32>
    %dot_general3A_23 = tpu.matmul %convert_element_type3A_22, %select_n3A, %dot_general3A {dimension_numbers = #tpu.dot_dimension_numbers<[0], [1], [1], [0], [0, 1, 1, 0], [], []>, transpose_lhs_hint = false} : vector<10000x64xf32>, vector<64x10000xf32>, vector<64x64xf32> -> vector<64x64xf32>
    %get3A_24 = arith.constant 0 : index
    %get3A_25 = arith.constant 0 : index
    %get3A_26 = vector.load %arg4[%get3A_24, %get3A_25] : memref<64x64xf32, #tpu.memory_space<vmem>>, vector<64x64xf32>
    %dot_general3A_27 = arith.constant dense<0.000000e+00> : vector<64x64xf32>
    %dot_general3A_28 = tpu.matmul %dot_general3A_23, %get3A_26, %dot_general3A_27 {dimension_numbers = #tpu.dot_dimension_numbers<[1], [0], [0], [1], [0, 0, 1, 1], [], []>, transpose_lhs_hint = false} : vector<64x64xf32>, vector<64x64xf32>, vector<64x64xf32> -> vector<64x64xf32>
    %get3A_29 = arith.constant 0 : index
    %get3A_30 = arith.constant 0 : index
    %get3A_31 = vector.load %arg5[%get3A_29, %get3A_30] : memref<1x64xf32, #tpu.memory_space<vmem>>, vector<1x64xf32>
    %add3A_32 = vector.broadcast %get3A_31 : vector<1x64xf32> to vector<64x64xf32>
    %add3A_33 = arith.addf %dot_general3A_28, %add3A_32 : vector<64x64xf32>
    %gt3A_34 = arith.constant 0.000000e+00 : f32
    %gt3A_35 = vector.broadcast %gt3A_34 : f32 to vector<64x64xf32>
    %gt3A_36 = arith.cmpf ogt, %add3A_33, %gt3A_35 : vector<64x64xf32>
    %exp3A_37 = math.exp %add3A_33 : vector<64x64xf32>
    %sub3A_38 = arith.constant 1.000000e+00 : f32
    %sub3A_39 = vector.broadcast %sub3A_38 : f32 to vector<64x64xf32>
    %sub3A_40 = arith.subf %exp3A_37, %sub3A_39 : vector<64x64xf32>
    %select_n3A_41 = arith.select %gt3A_36, %add3A_33, %sub3A_40 : vector<64x64xi1>, vector<64x64xf32>
    %get3A_42 = arith.constant 0 : index
    %get3A_43 = arith.constant 0 : index
    %get3A_44 = vector.load %arg6[%get3A_42, %get3A_43] : memref<64x16xf32, #tpu.memory_space<vmem>>, vector<64x16xf32>
    %dot_general3A_45 = arith.constant dense<0.000000e+00> : vector<64x16xf32>
    %dot_general3A_46 = tpu.matmul %select_n3A_41, %get3A_44, %dot_general3A_45 {dimension_numbers = #tpu.dot_dimension_numbers<[1], [0], [0], [1], [0, 0, 1, 1], [], []>, transpose_lhs_hint = false} : vector<64x64xf32>, vector<64x16xf32>, vector<64x16xf32> -> vector<64x16xf32>
    %get3A_47 = arith.constant 0 : index
    %get3A_48 = arith.constant 0 : index
    %get3A_49 = vector.load %arg7[%get3A_47, %get3A_48] : memref<1x16xf32, #tpu.memory_space<vmem>>, vector<1x16xf32>
    %add3A_50 = vector.broadcast %get3A_49 : vector<1x16xf32> to vector<64x16xf32>
    %add3A_51 = arith.addf %dot_general3A_46, %add3A_50 : vector<64x16xf32>
    %reduce_max3A = arith.constant dense<0xFF800000> : vector<64xf32>
    %reduce_max3A_52 = vector.multi_reduction <maximumf>, %add3A_51, %reduce_max3A [1] : vector<64x16xf32> to vector<64xf32>
    %broadcast_in_dim3A_53 = vector.shape_cast %reduce_max3A_52 : vector<64xf32> to vector<64x1xf32>
    %sub3A_54 = vector.broadcast %broadcast_in_dim3A_53 : vector<64x1xf32> to vector<64x16xf32>
    %sub3A_55 = arith.subf %add3A_51, %sub3A_54 : vector<64x16xf32>
    %exp3A_56 = math.exp %sub3A_55 : vector<64x16xf32>
    %reduce_sum3A_57 = arith.constant dense<0.000000e+00> : vector<64xf32>
    %reduce_sum3A_58 = vector.multi_reduction <add>, %exp3A_56, %reduce_sum3A_57 [1] : vector<64x16xf32> to vector<64xf32>
    %broadcast_in_dim3A_59 = vector.shape_cast %reduce_sum3A_58 : vector<64xf32> to vector<64x1xf32>
    %log3A = math.log %broadcast_in_dim3A_59 : vector<64x1xf32>
    %add3A_60 = arith.addf %log3A, %broadcast_in_dim3A_53 : vector<64x1xf32>
    %sub3A_61 = vector.broadcast %add3A_60 : vector<64x1xf32> to vector<64x16xf32>
    %sub3A_62 = arith.subf %add3A_51, %sub3A_61 : vector<64x16xf32>
    %swap3A = arith.constant 0 : index
    %swap3A_63 = arith.constant 0 : index
    %swap3A_64 = vector.load %arg8[%swap3A, %swap3A_63] : memref<64x16xf32, #tpu.memory_space<vmem>>, vector<64x16xf32>
    tpu.vector_store %arg8[%swap3A, %swap3A_63], %sub3A_62 {strides = array<i32>} : memref<64x16xf32, #tpu.memory_space<vmem>>, vector<64x16xf32>,
    return
  }
}

</mosaic_0001>

<sc_bundles>
// kernel: kernel.12.cloned.1.call-start
scs
__scs_entry_jumppad:
0x0: {  	(pc) =	sbr.rel $0x88, $3  }
0x1: {  	(tag) =	ssettag $0x0;
	lr =	simm.s32 $0x1  }
0x2: {  	[smem:$0x3F92] =	sst lr;
	_ =	strace $0xD0000000  }
0x3: {  	_ = 	snop  }
0x4: {  	_ = 	snop  }
0x5: {  	_ = 	snop  }
0x6: {  	_ = 	snop  }
0x7: {  	_ = 	snop  }
__scs_overlays_trampoline_lowered:
0x8: {  	[smem:$0x3FA1] =	sst s0  }
0x9: {  	[smem:$0x3FA2] =	sst s1  }
0xa: {  	[smem:$0x3FA3] =	sst s2  }
0xb: {  	[smem:$0x3FA4] =	sst s3  }
0xc: {  	[smem:$0x3FA5] =	sst s4  }
0xd: {  	[smem:$0x3FA6] =	sst s5  }
0xe: {  	[smem:$0x3FA7] =	sst s6  }
0xf: {  	[smem:$0x3FA8] =	sst s7  }
0x10: {  	[smem:$0x3FA9] =	sst s8  }
0x11: {  	[smem:$0x3FAA] =	sst s9;
	s0 =	simm.s32 @!p0 $0x0  }
0x12: {  	s1 =	sld [smem:$0x3F90];
	s0 =	simm.s32 @p0 $0x1  }
0x13: {  	[smem:$0x3FAB] =	sst s0;
	s0 =	simm.s32 @!p1 $0x0  }
0x14: {  	s2 =	sld [smem:$0x3F8F];
	s0 =	simm.s32 @p1 $0x1  }
0x15: {  	[smem:$0x3FAC] =	sst s0;
	s0 =	simm.s32 @!p2 $0x0  }
0x16: {  	s3 =	sld [smem:$0x3FDB];
	s0 =	simm.s32 @p2 $0x1  }
0x17: {  	s4 =	simm.s32 $0x1BF5;
	[smem:$0x3FAE] =	sst s0  }
0x18: {  	s0 =	sld [smem:$0x3F91];
	_ =	swait.ge [sflag:s4], $0x0  }
0x19: {  	s7 =	sld [smem:$0x3F92]  }
0x1a: {  	s8 =	sadd.s32 $0xFFFFE003, lr  }
0x1b: {  	s9 =	sadd.s32 $0xFFFFFEF7, lr;
	s5 =	simm.s32 $0xFFFFFFFF;
	p2 =	slt.u32 s8, $0xFFFFF086  }
0x1c: {  	p1 =	slt.u32 s9, $0xF7A;
	s5 =	simm.s32 @!p2 $0x0  }
0x1d: {  	s5 =	simm.s32 @p1 $0x1;
	p0 =	seq.s32 s7, s2  }
0x1e: {  	s7 =	smul.u32 @!p0 $0xF7A, s2;
	p2 =	seq.s32 @!p0 s5, $0x0  }
0x1f: {  	s9 =	smul.u32 $0xF7A, s1;
	s8 =	simm.s32 @!p0 $0x1BF5;
	p2 =	por !p2, p0  }
0x20: {  	[sflag:s8] =	ssyncset.s32 @!p0 $0xFFFFF086;
	s6 =	sadd.s32 @!p0 s3, s7;
	s7 =	simm.s32 @!p0 $0x108  }
0x21: {  	s3 =	sadd.s32 s3, s9;
	s6 =	sadd.s32 @!p0 $0x88, s6;
	s7 =	simm.s32 @p2 $0x1082  }
0x22: {  	[simem:s7], [sflag:s8] =	dma.local @!p0 [hbm:s6], $0xF7A  }
0x23: {  	s9 =	sor.u32 $0xD0000000, s2;
	s6 =	simm.s32 $0x108;
	_ =	swait.ge @!p0 [sflag:s8], $0x0  }
0x24: {  	s3 =	sadd.s32 $0x88, s3;
	s6 =	simm.s32 @!p1 $0x1082;
	[sflag:s4] =	ssyncset.s32 $0xFFFFF086  }
0x25: {  	[simem:s6], [sflag:s4] =	dma.local [hbm:s3], $0xF7A  }
0x26: {  	[smem:$0x3F92] =	sst s1;
	(tag) =	ssettag s2;
	_ =	strace s9  }
0x27: {  	s1 =	sld [smem:$0x3FA2]  }
0x28: {  	s2 =	sld [smem:$0x3FA3]  }
0x29: {  	s4 =	sld [smem:$0x3FA5]  }
0x2a: {  	p0 =	seq.s32 s5, $0x0;
	s5 =	sld [smem:$0x3FA6]  }
0x2b: {  	s6 =	sld [smem:$0x3FA7]  }
0x2c: {  	s7 =	sld [smem:$0x3FA8]  }
0x2d: {  	s3 =	simm.s32 $0x108;
	s8 =	sld [smem:$0x3FA9]  }
0x2e: {  	s3 =	simm.s32 @!p0 $0x1082;
	s9 =	sld [smem:$0x3FAA]  }
0x2f: {  	lr =	sadd.s32 s0, s3;
	s0 =	sld [smem:$0x3FA1]  }
0x30: {  	s3 =	sld [smem:$0x3FA4]  }
0x31: {  	[smem:$0x3FAD] =	sst s10  }
0x32: {  	s10 =	sld [smem:$0x3FAB];
	_ =	sdelay $0x3  }
0x33: {  	p0 =	seq.s32 s10, $0x1;
	s10 =	sld [smem:$0x3FAD];
	_ =	sdelay $0x3  }
0x34: {  	[smem:$0x3FAD] =	sst s10  }
0x35: {  	s10 =	sld [smem:$0x3FAC];
	_ =	sdelay $0x3  }
0x36: {  	p1 =	seq.s32 s10, $0x1;
	s10 =	sld [smem:$0x3FAD];
	_ =	sdelay $0x3  }
0x37: {  	[smem:$0x3FAD] =	sst s10  }
0x38: {  	s10 =	sld [smem:$0x3FAE]  }
0x39: {  	_ = 	snop;
	(pc) =	sbr.ind lr, $3  }
0x3a: {  	_ = 	snop  }
0x3b: {  	_ = 	snop  }
0x3c: {  	p2 =	seq.s32 s10, $0x1;
	s10 =	sld [smem:$0x3FAD]  }
0x3d: {  	_ =	shalt  }
0x3e: {  	_ =	shalt  }
0x3f: {  	_ =	shalt  }
0x40: {  	_ =	shalt  }
0x41: {  	_ =	shalt  }
0x42: {  	_ =	shalt  }
0x43: {  	_ =	shalt  }
0x44: {  	_ =	shalt  }
0x45: {  	_ =	shalt  }
0x46: {  	_ =	shalt  }
0x47: {  	_ =	shalt  }
0x48: {  	_ =	shalt  }
0x49: {  	_ =	shalt  }
0x4a: {  	_ =	shalt  }
0x4b: {  	_ =	shalt  }
0x4c: {  	_ =	shalt  }
0x4d: {  	_ =	shalt  }
0x4e: {  	_ =	shalt  }
0x4f: {  	_ =	shalt  }
0x50: {  	_ =	shalt  }
0x51: {  	_ =	shalt  }
0x52: {  	_ =	shalt  }
0x53: {  	_ =	shalt  }
0x54: {  	_ =	shalt  }
0x55: {  	_ =	shalt  }
0x56: {  	_ =	shalt  }
0x57: {  	_ =	shalt  }
0x58: {  	_ =	shalt  }
0x59: {  	_ =	shalt  }
0x5a: {  	_ =	shalt  }
0x5b: {  	_ =	shalt  }
0x5c: {  	_ =	shalt  }
0x5d: {  	_ =	shalt  }
0x5e: {  	_ =	shalt  }
0x5f: {  	_ =	shalt  }
0x60: {  	_ =	shalt  }
0x61: {  	_ =	shalt  }
0x62: {  	_ =	shalt  }
0x63: {  	_ =	shalt  }
0x64: {  	_ =	shalt  }
0x65: {  	_ =	shalt  }
0x66: {  	_ =	shalt  }
0x67: {  	_ =	shalt  }
0x68: {  	_ =	shalt  }
0x69: {  	_ =	shalt  }
0x6a: {  	_ =	shalt  }
0x6b: {  	_ =	shalt  }
0x6c: {  	_ =	shalt  }
0x6d: {  	_ =	shalt  }
0x6e: {  	_ =	shalt  }
0x6f: {  	_ =	shalt  }
0x70: {  	_ =	shalt  }
0x71: {  	_ =	shalt  }
0x72: {  	_ =	shalt  }
0x73: {  	_ =	shalt  }
0x74: {  	_ =	shalt  }
0x75: {  	_ =	shalt  }
0x76: {  	_ =	shalt  }
0x77: {  	_ =	shalt  }
0x78: {  	_ =	shalt  }
0x79: {  	_ =	shalt  }
0x7a: {  	_ =	shalt  }
0x7b: {  	_ =	shalt  }
0x7c: {  	_ =	shalt  }
0x7d: {  	_ =	shalt  }
0x7e: {  	_ =	shalt  }
0x7f: {  	_ =	shalt  }
0x80: {  	_ =	shalt  }
0x81: {  	_ =	shalt  }
0x82: {  	_ =	shalt  }
0x83: {  	_ =	shalt  }
0x84: {  	_ =	shalt  }
0x85: {  	_ =	shalt  }
0x86: {  	_ =	shalt  }
0x87: {  	_ =	shalt  }
.Lfunc_end0:
.L_simem_size_0:
called_computation.1_lowered:
.L_overlay_start_0:
0x88: {  	s2 =	sld [smem:$0x3FD9]  }
0x89: {  	s3 =	sld [smem:$0x3FFE];
	_ =	sdelay $0x1  }
0x8a: {  	s1 =	srdreg.scid  }
0x8b: {  	s0 =	sand.u32 $0x1, s1  }
0x8c: {  	s16 =	sshll.u32 s0, $0xA;
	s2 =	sadd.s32 s3, s2  }
0x8d: {  	s2 =	sadd.s32 s2, s16  }
0x8e: {  	[smem:$0x3FB9] =	sst s2  }
0x8f: {  	_ = 	snop  }
0x90: {  	(tm) =	ssettm $0x1  }
0x91: {  	s17 =	sld [smem:$0x3FFB];
	_ =	sdelay $0x3  }
0x92: {  	_ =	strace s17  }
0x93: {  	s2 =	sld [smem:$0x3FFC];
	_ =	sdelay $0x3  }
0x94: {  	_ =	strace s2  }
0x95: {  	s2 =	sld [smem:$0x3FFD];
	_ =	sdelay $0x3  }
0x96: {  	_ =	strace s2  }
0x97: {  	_ =	strace $0x8FFFFFFF  }
0x98: {  	s18 =	sld [smem:$0x3FDB];
	_ =	sdelay $0x1  }
0x99: {  	s19 =	simm.s32 $_scs_section_size  }
0x9a: {  	s4 =	simm.s32 $_size__tile_overlayer_lowered;
	s5 =	simm.s32 $_tile_overlayer_lowered  }
0x9b: {  	s22 =	simm.s32 $0x1BFF;
	s21 =	sshll.u32 s5, $0x1;
	s2 =	sadd.s32 s19, s18  }
0x9c: {  	s6 =	simm.s32 $0x0;
	s20 =	sshll.u32 s4, $0x1;
	s4 =	sadd.s32 s21, s2  }
0x9d: {  	[timem:s6], [sflag:s22] =	dma.local [hbm:s4], s20  }
0x9e: {  	_ =	swait.ge [sflag:s22], s20  }
0x9f: {  	s3 =	ssub.s32 $0x0, s20;
	[sflag:s22] =	ssyncset.done $0x0  }
0xa0: {  	[sflag:s22] =	ssyncadd.s32 s3;
	_ =	sdelay $0x1  }
0xa1: {  	s23 =	simm.s32 $0x1B8B  }
0xa2: {  	_ =	swait.ge [sflag:s23], $0x1  }
0xa3: {  	[sflag:s23] =	ssyncset.done $0x0  }
0xa4: {  	s25 =	simm.s32 $0x1B8E;
	s24 =	sld [smem:$0x3FFE];
	[sflag:s23] =	ssyncadd.s32 $0xFFFFFFFF  }
0xa5: {  	s26 =	simm.s32 $execute0_lowered;
	[smem:$0x3FD2] =	sst s25  }
0xa6: {  	s4 =	sshll.u32 s26, $0x1;
	_ =	strace $0x80000049;
	[dreg:$0x1] =	wrdreg $0xFFFFFFFF  }
0xa7: {  	s28 =	simm.s32 $_size_execute0_lowered;
	s2 =	sadd.s32 s2, s4;
	[dreg:$0x0] =	wrdreg $0x0  }
0xa8: {  	s4 =	sshll.u32 s28, $0x1;
	[dreg:$0x2] =	wrdreg s2  }
0xa9: {  	[dreg:$0x3] =	wrdreg s4  }
0xaa: {  	[dreg:$0x4] =	wrdreg $0xC0  }
0xab: {  	_ =	task [dreg:s6], $0x5FFFF  }
0xac: {  	[dreg:$0x1] =	wrdreg $0xFFFFFFFF  }
0xad: {  	[dreg:$0x0] =	wrdreg $0x60  }
0xae: {  	[dreg:$0x2] =	wrdreg s24  }
0xaf: {  	[dreg:$0x3] =	wrdreg $0x9  }
0xb0: {  	_ =	task.clear_ibuf [dreg:s6], $0x4FFFF;
	_ =	strace $0x90000049  }
0xb1: {  	s29 =	simm.s32 $0x9;
	_ =	strace $0x8000004B  }
0xb2: {  	_ =	swait.ge [sflag:s29], $0x1  }
0xb3: {  	[sflag:s29] =	ssyncadd.s32 $0xFFFFFFFF  }
0xb4: {  	_ =	strace $0x9000004B  }
0xb5: {  	_ =	sfence  }
0xb6: {  	s30 =	sld [smem:$0x0];
	_ =	sdelay $0x2  }
0xb7: {  	s31 =	sshll.u32 s1, $0xD;
	s1 =	sshrl.u32 s1, $0x2  }
0xb8: {  	s3 =	sand.u32 $0x4000, s31;
	s1 =	sadd.s32 s1, s30  }
0xb9: {  	s0 =	sor.u32 s3, s0;
	s1 =	sshll.u32 s1, $0x11  }
0xba: {  	s0 =	sor.u32 s1, s0  }
0xbb: {  	s0 =	sadd.s32 $0x8F2B, s0  }
0xbc: {  	[sflag:s0] =	ssyncadd.remote.s32 $0x1  }
0xbd: {  	_ =	sfence.sel $0xFFFF  }
0xbe: {  	[dreg:$0x0] =	wrdreg $0xFFFFFFFF;
	(pc) =	sbr.abs _section_cstart, $3  }
0xbf: {  	[dreg:$0x1] =	wrdreg $0xFFFFFFFF  }
0xc0: {  	_ =	task.clear_ibuf [dreg:s6], $0x2FFFF;
	_ =	strace $0x9FFFFFFF  }
0xc1: {  	(tm) =	ssettm $0x7FFFFFFF  }
tec
execute0_lowered:
.L_overlay_start_1:
0x0: {  	(tag) =	ssettag $0x1  }
0x1: {  	s0 =	rddreg [dreg:$0x0]  }
0x2: {  	s1 =	simm.s32 $0x0;
	s2 =	srdreg.scid;
	s5 =	stileid.u32  }
0x3: {  	s10 =	simm.s32 $0x2720;
	s11 =	simm.s32 $0x4E40;
	s12 =	simm.s32 $0x7560  }
0x4: {  	s13 =	simm.s32 $0x1;
	s14 =	simm.s32 $0x1D580;
	s15 =	simm.s32 $0x1DD80  }
0x5: {  	s16 =	simm.s32 $0x1E580;
	s17 =	simm.s32 $0x1ED80;
	s18 =	simm.s32 $0x9C80  }
0x6: {  	s19 =	simm.s32 $0xC3A0;
	s20 =	simm.s32 $0xEAC0;
	s21 =	simm.s32 $0x111E0  }
0x7: {  	s22 =	simm.s32 $0x13900;
	s23 =	simm.s32 $0x16020;
	s24 =	simm.s32 $0x18740  }
0x8: {  	s25 =	simm.s32 $0x1AE60;
	s26 =	simm.s32 $0x2;
	[smem:$0x7FF] =	sst s1  }
0x9: {  	s3 =	sadd.s32 $0x3200, s0;
	s4 =	sadd.s32 $0xA6200, s0;
	s2 =	sand.u32 $0x1, s2  }
0xa: {  	s6 =	sshll.u32 s5, $0x4;
	s5 =	sadd.s32 $0xBA800, s0;
	s8 =	ssub.s32 $0x2, s2  }
0xb: {  	s7 =	sadd.s32 $0x10E800, s0;
	s2 =	sshll.u32 s2, $0x3;
	s9 =	sshrl.u32 s8, $0x1  }
0xc: {  	_ =	strace $0x8000004A;
	s6 =	sor.u32 s2, s6;
	s31 =	ssub.s32 s8, s9  }
0xd: {  	s2 =	sand.u32 $0x38, s6;
	s9 =	simm.s32 $0x3;
	s0 =	smax.u32 s31, $0x1  }
0xe: {  	v0 =	vimm.f32 $0.0e+00;
	p0 =	sne.s32 s2, $0x0;
	s2 =	simm.s32 $0x0;
	[dreg:$0x2] =	wrdreg s0  }
.LBB2_1:
0xf: {  	[dreg:$0x3] =	wrdreg s2;
	p2 =	por $0x1, $0x1;
	s0 =	simm.s32 $0x0  }
.LBB2_2:
0x10: {  	s29 =	sor.u32 s6, s0  }
0x11: {  	s0 =	sshrl.u32 s29, $0x1  }
0x12: {  	s2 =	smul.u32 $0x4E2, s0;
	_ =	sdelay $0x1  }
0x13: {  	s8 =	simm.s32 $0x0;
	s0 =	smul.u32 $0x2710, s0;
	s2 =	sadd.s32 s3, s2  }
0x14: {  	[tilespmem:s8], [sflag:$0x3] =	stream.linear.gather [hbm4b:s2+s8], $0x2710, $0x38;
	[tilespmem:$0x1F580] =	vst v63  }
0x15: {  	s0 =	sshrl.u32 s0, $0x3;
	_ =	swait.ge [sflag:s9], $0x2710  }
0x16: {  	s0 =	sadd.s32 s3, s0;
	[sflag:s9] =	ssyncset.done $0x0  }
0x17: {  	s30 =	sadd.s32 $0x4E2, s0;
	[sflag:s9] =	ssyncadd.s32 $0xFFFFD8F0  }
0x18: {  	[tilespmem:s10], [sflag:$0x3] =	stream.linear.gather [hbm4b:s30+s8], $0x2710, $0x38;
	[tilespmem:$0x1F580] =	vst v63  }
0x19: {  	_ =	swait.ge [sflag:s9], $0x2710  }
0x1a: {  	[sflag:s9] =	ssyncset.done $0x0  }
0x1b: {  	s31 =	sadd.s32 $0x9C4, s0;
	[sflag:s9] =	ssyncadd.s32 $0xFFFFD8F0  }
0x1c: {  	[tilespmem:s11], [sflag:$0x3] =	stream.linear.gather [hbm4b:s31+s8], $0x2710, $0x38;
	[tilespmem:$0x1F580] =	vst v63  }
0x1d: {  	_ =	swait.ge [sflag:s9], $0x2710  }
0x1e: {  	[sflag:s9] =	ssyncset.done $0x0  }
0x1f: {  	s0 =	sadd.s32 $0xEA6, s0;
	[sflag:s9] =	ssyncadd.s32 $0xFFFFD8F0  }
0x20: {  	[tilespmem:s12], [sflag:$0x3] =	stream.linear.gather [hbm4b:s0+s8], $0x2710, $0x38;
	[tilespmem:$0x1F580] =	vst v63  }
0x21: {  	_ =	swait.ge [sflag:s9], $0x2710  }
0x22: {  	p1 =	por p2, p2;
	[sflag:s9] =	ssyncset.done $0x0  }
0x23: {  	s2 =	simm.s32 $0x40;
	s0 =	simm.s32 $0x0;
	[sflag:s9] =	ssyncadd.s32 $0xFFFFD8F0  }
.LBB2_3:
0x24: {  	p2 =	sne.s32 s2, $0x9C40;
	[tilespmem:s0+$0x1AE60] =	vst v0  }
0x25: {  	[tilespmem:s0+$0x9C80] =	vst v0  }
0x26: {  	[tilespmem:s0+$0xC3A0] =	vst v0  }
.Ltmp0:
0x27: {  	[tilespmem:s0+$0xEAC0] =	vst v0;
	(pc) =	sbr.rel @p2 .LBB2_3-.Ltmp0, $4  }
0x28: {  	[tilespmem:s0+$0x111E0] =	vst v0  }
0x29: {  	[tilespmem:s0+$0x13900] =	vst v0  }
0x2a: {  	[tilespmem:s0+$0x16020] =	vst v0  }
0x2b: {  	[tilespmem:s0+$0x18740] =	vst v0;
	s0 =	sshra.s32 s2, $0x2;
	s2 =	sadd.s32 $0x40, s2  }
0x2c: {  	[tilespmem:s0+$0x1AE60] =	vst v0  }
0x2d: {  	[tilespmem:s0+$0x9C80] =	vst v0  }
0x2e: {  	[tilespmem:s0+$0xC3A0] =	vst v0;
	p2 =	seq.s32 s29, $0x0  }
0x2f: {  	[tilespmem:s0+$0xEAC0] =	vst v0;
	p2 =	por !p0, !p2  }
0x30: {  	[tilespmem:s0+$0x111E0] =	vst v0;
	s2 =	simm.s32 $0x1;
	p2 =	por !p2, !p2  }
0x31: {  	[tilespmem:s0+$0x13900] =	vst v0;
	s8 =	sshrl.u32 s29, $0x6;
	s2 =	simm.s32 @!p2 $0x0  }
0x32: {  	[tilespmem:s0+$0x16020] =	vst v0;
	s2 =	ssub.s32 s8, s2  }
0x33: {  	[tilespmem:s0+$0x18740] =	vst v0;
	s31 =	simm.s32 $0x0;
	s30 =	smul.u32 $0x54000, s2  }
0x34: {  	[tilespmem:s14], [sflag:$0x1] =	stream.linear.gather [hbm4b:s4+s31], $0x800, $0x38;
	[tilespmem:$0x1F580] =	vst v63  }
0x35: {  	s28 =	sshrl.u32 s30, $0x3  }
0x36: {  	s0 =	sadd.s32 s5, s28  }
0x37: {  	[tilespmem:s15], [sflag:$0x1] =	stream.linear.gather [hbm4b:s0+s31], $0x800, $0x38;
	[tilespmem:$0x1F580] =	vst v63  }
.LBB2_6:
0x38: {  	s0 =	sshll.u32 s31, $0xC  }
0x39: {  	s2 =	sor.u32 $0x800, s0  }
0x3a: {  	s8 =	sshrl.u32 s2, $0x3;
	s2 =	sadd.s32 s30, s2  }
0x3b: {  	s8 =	sadd.s32 s4, s8;
	s2 =	sshrl.u32 s2, $0x3  }
0x3c: {  	[tilespmem:s16], [sflag:$0x2] =	stream.linear.gather [hbm4b:s8+s1], $0x800, $0x38;
	[tilespmem:$0x1F580] =	vst v63  }
0x3d: {  	s2 =	sadd.s32 s5, s2  }
0x3e: {  	[tilespmem:s17], [sflag:$0x2] =	stream.linear.gather [hbm4b:s2+s1], $0x800, $0x38;
	[tilespmem:$0x1F580] =	vst v63  }
0x3f: {  	_ =	swait.ge [sflag:s13], $0x800  }
0x40: {  	[sflag:s13] =	ssyncset.done $0x0  }
0x41: {  	[sflag:s13] =	ssyncadd.s32 $0xFFFFF800  }
0x42: {  	_ =	swait.ge [sflag:s13], $0x800  }
0x43: {  	[sflag:s13] =	ssyncset.done $0x0  }
0x44: {  	s8 =	simm.s32 $0x1D5C0;
	[sflag:s13] =	ssyncadd.s32 $0xFFFFF800  }
0x45: {  	v1 =	vld [tilespmem:s8+$0x30]  }
0x46: {  	v2 =	vld [tilespmem:s8+$0xFFFFFFD0]  }
0x47: {  	v3 =	vld [tilespmem:s8+$0xFFFFFFE0]  }
0x48: {  	v16 =	vld [tilespmem:s8+$0xFFFFFFF0]  }
0x49: {  	v22 =	vld [tilespmem:s8+$0x0]  }
0x4a: {  	v24 =	vld [tilespmem:s8+$0x10];
	v23 =	vand.u32 $0xFFFF, v1  }
0x4b: {  	v4 =	vld [tilespmem:s8+$0xFFFFFFC0]  }
0x4c: {  	s2 =	simm.s32 $0x1DDC0;
	v25 =	vld [tilespmem:s8+$0x20]  }
0x4d: {  	v27 =	vld [tilespmem:s2+$0x30]  }
0x4e: {  	v21 =	vld [tilespmem:s2+$0xFFFFFFC0]  }
0x4f: {  	v7 =	vand.u32 $0xFFFF, v2;
	v5 =	vld.idx.msk [tilespmem:v23+s1+$0x0], $0xffff  }
0x50: {  	v15 =	vld [tilespmem:s2+$0xFFFFFFD0];
	v9 =	vand.u32 $0xFFFF, v3  }
0x51: {  	v14 =	vld [tilespmem:s2+$0xFFFFFFE0];
	v18 =	vand.u32 $0xFFFF, v4  }
0x52: {  	v8 =	vld [tilespmem:s2+$0xFFFFFFF0];
	v30 =	vshrl.u32 v1, $0x10  }
0x53: {  	v6 =	vld [tilespmem:s2+$0x0]  }
0x54: {  	v26 =	vld.idx.msk [tilespmem:v7+s1+$0x0], $0xffff;
	v1 =	vunpack.i.l.bf16.f32 v5  }
0x55: {  	v10 =	vand.u32 $0xFFFF, v16;
	v28 =	vld.idx.msk [tilespmem:v9+s1+$0x0], $0xffff;
	v5 =	vunpack.i.u.bf16.f32 v5;
	v1 =	vmul.f32 v1, v27  }
0x56: {  	v11 =	vand.u32 $0xFFFF, v22;
	v19 =	vld.idx.msk [tilespmem:v18+s1+$0x0], $0xffff;
	v5 =	vmul.f32 v5, v27  }
0x57: {  	v12 =	vand.u32 $0xFFFF, v24;
	[tilespmem:v30+s18+$0x0] =	vst.idx.add.f32.msk $0xffff, v1  }
0x58: {  	v13 =	vand.u32 $0xFFFF, v25;
	[tilespmem:v30+s19+$0x0] =	vst.idx.add.f32.msk $0xffff, v5  }
0x59: {  	v1 =	vld.idx.msk [tilespmem:v23+s10+$0x0], $0xffff  }
0x5a: {  	v17 =	vshrl.u32 v4, $0x10;
	v29 =	vld.idx.msk [tilespmem:v10+s1+$0x0], $0xffff  }
0x5b: {  	v31 =	vld.idx.msk [tilespmem:v11+s1+$0x0], $0xffff  }
0x5c: {  	v32 =	vld.idx.msk [tilespmem:v12+s1+$0x0], $0xffff;
	v4 =	vunpack.i.l.bf16.f32 v19  }
0x5d: {  	v33 =	vld.idx.msk [tilespmem:v13+s1+$0x0], $0xffff;
	v34 =	vmul.f32 v4, v21  }
0x5e: {  	v4 =	vld [tilespmem:s2+$0x20];
	v20 =	vunpack.i.l.bf16.f32 v1  }
0x5f: {  	[tilespmem:v17+s18+$0x0] =	vst.idx.add.f32.msk $0xffff, v34;
	v1 =	vunpack.i.u.bf16.f32 v1;
	v35 =	vmul.f32 v20, v27  }
0x60: {  	v5 =	vld [tilespmem:s2+$0x10];
	v20 =	vshrl.u32 v2, $0x10;
	v1 =	vmul.f32 v1, v27;
	v2 =	vunpack.i.u.bf16.f32 v19  }
0x61: {  	v2 =	vmul.f32 v2, v21;
	[tilespmem:v30+s20+$0x0] =	vst.idx.add.f32.msk $0xffff, v35  }
0x62: {  	v19 =	vshrl.u32 v3, $0x10;
	[tilespmem:v30+s21+$0x0] =	vst.idx.add.f32.msk $0xffff, v1  }
0x63: {  	v3 =	vunpack.i.l.bf16.f32 v26;
	[tilespmem:v17+s19+$0x0] =	vst.idx.add.f32.msk $0xffff, v2  }
0x64: {  	v61 =	vunpack.i.l.bf16.f32 v28;
	v3 =	vmul.f32 v3, v15;
	v60 =	vld.idx.msk [tilespmem:v23+s11+$0x0], $0xffff  }
0x65: {  	v63 =	vmul.f32 v61, v14;
	v1 =	vunpack.i.u.bf16.f32 v26;
	v45 =	vld.idx.msk [tilespmem:v18+s10+$0x0], $0xffff  }
0x66: {  	v2 =	vunpack.i.u.bf16.f32 v28;
	v62 =	vmul.f32 v1, v15;
	[tilespmem:v20+s18+$0x0] =	vst.idx.add.f32.msk $0xffff, v3  }
0x67: {  	v16 =	vshrl.u32 v16, $0x10;
	v2 =	vmul.f32 v2, v14;
	[tilespmem:v19+s18+$0x0] =	vst.idx.add.f32.msk $0xffff, v63  }
0x68: {  	[tilespmem:v20+s19+$0x0] =	vst.idx.add.f32.msk $0xffff, v62  }
0x69: {  	v1 =	vshrl.u32 v22, $0x10;
	v3 =	vunpack.i.l.bf16.f32 v29;
	[tilespmem:v19+s19+$0x0] =	vst.idx.add.f32.msk $0xffff, v2  }
0x6a: {  	v34 =	vunpack.i.u.bf16.f32 v29;
	v3 =	vmul.f32 v3, v8;
	v47 =	vld.idx.msk [tilespmem:v7+s10+$0x0], $0xffff  }
0x6b: {  	v35 =	vunpack.i.l.bf16.f32 v31;
	v22 =	vmul.f32 v34, v8;
	v48 =	vld.idx.msk [tilespmem:v9+s10+$0x0], $0xffff  }
0x6c: {  	v38 =	vunpack.i.u.bf16.f32 v31;
	v28 =	vmul.f32 v35, v6;
	[tilespmem:v16+s18+$0x0] =	vst.idx.add.f32.msk $0xffff, v3  }
0x6d: {  	v40 =	vmul.f32 v38, v6;
	[tilespmem:v16+s19+$0x0] =	vst.idx.add.f32.msk $0xffff, v22  }
0x6e: {  	[tilespmem:v1+s18+$0x0] =	vst.idx.add.f32.msk $0xffff, v28  }
0x6f: {  	v2 =	vunpack.i.l.bf16.f32 v60;
	[tilespmem:v1+s19+$0x0] =	vst.idx.add.f32.msk $0xffff, v40  }
0x70: {  	v3 =	vunpack.i.u.bf16.f32 v60;
	v36 =	vmul.f32 v2, v27;
	v2 =	vshrl.u32 v24, $0x10;
	v49 =	vld.idx.msk [tilespmem:v10+s10+$0x0], $0xffff  }
0x71: {  	v37 =	vmul.f32 v3, v27;
	v3 =	vshrl.u32 v25, $0x10;
	v51 =	vld.idx.msk [tilespmem:v11+s10+$0x0], $0xffff  }
0x72: {  	v39 =	vunpack.i.l.bf16.f32 v32;
	[tilespmem:v30+s22+$0x0] =	vst.idx.add.f32.msk $0xffff, v36  }
0x73: {  	v42 =	vunpack.i.l.bf16.f32 v33;
	v22 =	vmul.f32 v39, v5;
	[tilespmem:v30+s23+$0x0] =	vst.idx.add.f32.msk $0xffff, v37  }
0x74: {  	v26 =	vmul.f32 v42, v4;
	v53 =	vunpack.i.l.bf16.f32 v47;
	v23 =	vld.idx.msk [tilespmem:v23+s12+$0x0], $0xffff  }
0x75: {  	v56 =	vunpack.i.l.bf16.f32 v48;
	v55 =	vmul.f32 v53, v15;
	[tilespmem:v2+s18+$0x0] =	vst.idx.add.f32.msk $0xffff, v22  }
0x76: {  	v41 =	vunpack.i.u.bf16.f32 v32;
	v58 =	vmul.f32 v56, v14;
	[tilespmem:v3+s18+$0x0] =	vst.idx.add.f32.msk $0xffff, v26  }
0x77: {  	v43 =	vunpack.i.u.bf16.f32 v33;
	v24 =	vmul.f32 v41, v5;
	[tilespmem:v20+s20+$0x0] =	vst.idx.add.f32.msk $0xffff, v55  }
0x78: {  	v44 =	vmul.f32 v43, v4;
	v25 =	vunpack.i.u.bf16.f32 v47;
	[tilespmem:v19+s20+$0x0] =	vst.idx.add.f32.msk $0xffff, v58  }
0x79: {  	v25 =	vmul.f32 v25, v15;
	[tilespmem:v2+s19+$0x0] =	vst.idx.add.f32.msk $0xffff, v24  }
0x7a: {  	[tilespmem:v3+s19+$0x0] =	vst.idx.add.f32.msk $0xffff, v44  }
0x7b: {  	[tilespmem:v20+s21+$0x0] =	vst.idx.add.f32.msk $0xffff, v25  }
0x7c: {  	v60 =	vunpack.i.l.bf16.f32 v51;
	v54 =	vld.idx.msk [tilespmem:v13+s10+$0x0], $0xffff  }
0x7d: {  	v25 =	vmul.f32 v60, v6;
	v33 =	vld.idx.msk [tilespmem:v7+s11+$0x0], $0xffff;
	v46 =	vunpack.i.l.bf16.f32 v23  }
0x7e: {  	v52 =	vld.idx.msk [tilespmem:v12+s10+$0x0], $0xffff;
	v23 =	vunpack.i.u.bf16.f32 v23;
	v24 =	vmul.f32 v46, v27  }
0x7f: {  	v50 =	vunpack.i.l.bf16.f32 v45;
	[tilespmem:v1+s20+$0x0] =	vst.idx.add.f32.msk $0xffff, v25;
	v23 =	vmul.f32 v23, v27  }
0x80: {  	v22 =	vunpack.i.u.bf16.f32 v45;
	[tilespmem:v30+s24+$0x0] =	vst.idx.add.f32.msk $0xffff, v24;
	v24 =	vmul.f32 v50, v21  }
0x81: {  	v22 =	vmul.f32 v22, v21;
	v28 =	vunpack.i.l.bf16.f32 v54;
	[tilespmem:v30+s25+$0x0] =	vst.idx.add.f32.msk $0xffff, v23  }
0x82: {  	v40 =	vunpack.i.l.bf16.f32 v33;
	v29 =	vmul.f32 v28, v4;
	[tilespmem:v17+s20+$0x0] =	vst.idx.add.f32.msk $0xffff, v24  }
0x83: {  	v59 =	vunpack.i.l.bf16.f32 v49;
	v41 =	vmul.f32 v40, v15;
	[tilespmem:v17+s21+$0x0] =	vst.idx.add.f32.msk $0xffff, v22  }
0x84: {  	v24 =	vmul.f32 v59, v8;
	[tilespmem:v3+s20+$0x0] =	vst.idx.add.f32.msk $0xffff, v29  }
0x85: {  	v30 =	vunpack.i.u.bf16.f32 v54;
	[tilespmem:v20+s22+$0x0] =	vst.idx.add.f32.msk $0xffff, v41  }
0x86: {  	v57 =	vunpack.i.u.bf16.f32 v48;
	v31 =	vmul.f32 v30, v4;
	[tilespmem:v16+s20+$0x0] =	vst.idx.add.f32.msk $0xffff, v24  }
0x87: {  	v23 =	vunpack.i.u.bf16.f32 v49;
	v22 =	vmul.f32 v57, v14;
	v32 =	vld.idx.msk [tilespmem:v18+s11+$0x0], $0xffff  }
0x88: {  	v23 =	vmul.f32 v23, v8;
	[tilespmem:v3+s21+$0x0] =	vst.idx.add.f32.msk $0xffff, v31  }
0x89: {  	v62 =	vunpack.i.l.bf16.f32 v52;
	[tilespmem:v19+s21+$0x0] =	vst.idx.add.f32.msk $0xffff, v22  }
0x8a: {  	v24 =	vmul.f32 v62, v5;
	[tilespmem:v16+s21+$0x0] =	vst.idx.add.f32.msk $0xffff, v23  }
0x8b: {  	v39 =	vld.idx.msk [tilespmem:v13+s11+$0x0], $0xffff  }
0x8c: {  	v61 =	vunpack.i.u.bf16.f32 v51;
	[tilespmem:v2+s20+$0x0] =	vst.idx.add.f32.msk $0xffff, v24  }
0x8d: {  	v63 =	vunpack.i.u.bf16.f32 v52;
	v22 =	vmul.f32 v61, v6;
	v34 =	vld.idx.msk [tilespmem:v9+s11+$0x0], $0xffff  }
0x8e: {  	v23 =	vmul.f32 v63, v5;
	v35 =	vld.idx.msk [tilespmem:v10+s11+$0x0], $0xffff  }
0x8f: {  	[tilespmem:v1+s21+$0x0] =	vst.idx.add.f32.msk $0xffff, v22  }
0x90: {  	[tilespmem:v2+s21+$0x0] =	vst.idx.add.f32.msk $0xffff, v23;
	v23 =	vunpack.i.u.bf16.f32 v33  }
0x91: {  	v36 =	vld.idx.msk [tilespmem:v11+s11+$0x0], $0xffff;
	v43 =	vmul.f32 v23, v15  }
0x92: {  	v38 =	vld.idx.msk [tilespmem:v12+s11+$0x0], $0xffff;
	v37 =	vunpack.i.l.bf16.f32 v32  }
0x93: {  	v22 =	vunpack.i.u.bf16.f32 v32;
	v27 =	vmul.f32 v37, v21;
	[tilespmem:v20+s23+$0x0] =	vst.idx.add.f32.msk $0xffff, v43  }
0x94: {  	v22 =	vmul.f32 v22, v21;
	v54 =	vunpack.i.l.bf16.f32 v39;
	v7 =	vld.idx.msk [tilespmem:v7+s12+$0x0], $0xffff  }
0x95: {  	v42 =	vunpack.i.l.bf16.f32 v34;
	v55 =	vmul.f32 v54, v4;
	[tilespmem:v17+s22+$0x0] =	vst.idx.add.f32.msk $0xffff, v27  }
0x96: {  	v46 =	vunpack.i.l.bf16.f32 v35;
	v45 =	vmul.f32 v42, v14;
	[tilespmem:v17+s23+$0x0] =	vst.idx.add.f32.msk $0xffff, v22  }
0x97: {  	v49 =	vmul.f32 v46, v8;
	[tilespmem:v3+s22+$0x0] =	vst.idx.add.f32.msk $0xffff, v55  }
0x98: {  	v56 =	vunpack.i.u.bf16.f32 v39;
	[tilespmem:v19+s22+$0x0] =	vst.idx.add.f32.msk $0xffff, v45  }
0x99: {  	v44 =	vunpack.i.u.bf16.f32 v34;
	v57 =	vmul.f32 v56, v4;
	[tilespmem:v16+s22+$0x0] =	vst.idx.add.f32.msk $0xffff, v49  }
0x9a: {  	v48 =	vunpack.i.u.bf16.f32 v35;
	v47 =	vmul.f32 v44, v14;
	v18 =	vld.idx.msk [tilespmem:v18+s12+$0x0], $0xffff  }
0x9b: {  	v23 =	vmul.f32 v48, v8;
	[tilespmem:v3+s23+$0x0] =	vst.idx.add.f32.msk $0xffff, v57  }
0x9c: {  	v50 =	vunpack.i.l.bf16.f32 v36;
	[tilespmem:v19+s23+$0x0] =	vst.idx.add.f32.msk $0xffff, v47  }
0x9d: {  	v52 =	vunpack.i.l.bf16.f32 v38;
	v25 =	vmul.f32 v50, v6;
	[tilespmem:v16+s23+$0x0] =	vst.idx.add.f32.msk $0xffff, v23  }
0x9e: {  	v24 =	vmul.f32 v52, v5;
	v13 =	vld.idx.msk [tilespmem:v13+s12+$0x0], $0xffff  }
0x9f: {  	[tilespmem:v1+s22+$0x0] =	vst.idx.add.f32.msk $0xffff, v25  }
0xa0: {  	v51 =	vunpack.i.u.bf16.f32 v36;
	[tilespmem:v2+s22+$0x0] =	vst.idx.add.f32.msk $0xffff, v24  }
0xa1: {  	v53 =	vunpack.i.u.bf16.f32 v38;
	v22 =	vmul.f32 v51, v6;
	v9 =	vld.idx.msk [tilespmem:v9+s12+$0x0], $0xffff  }
0xa2: {  	v23 =	vmul.f32 v53, v5;
	v10 =	vld.idx.msk [tilespmem:v10+s12+$0x0], $0xffff  }
0xa3: {  	[tilespmem:v1+s23+$0x0] =	vst.idx.add.f32.msk $0xffff, v22  }
0xa4: {  	v59 =	vunpack.i.l.bf16.f32 v7;
	[tilespmem:v2+s23+$0x0] =	vst.idx.add.f32.msk $0xffff, v23  }
0xa5: {  	v7 =	vunpack.i.u.bf16.f32 v7;
	v61 =	vmul.f32 v59, v15;
	v11 =	vld.idx.msk [tilespmem:v11+s12+$0x0], $0xffff  }
0xa6: {  	v7 =	vmul.f32 v7, v15;
	v12 =	vld.idx.msk [tilespmem:v12+s12+$0x0], $0xffff;
	v58 =	vunpack.i.l.bf16.f32 v18;
	v18 =	vunpack.i.u.bf16.f32 v18  }
0xa7: {  	[tilespmem:v20+s24+$0x0] =	vst.idx.add.f32.msk $0xffff, v61;
	v22 =	vmul.f32 v58, v21;
	v18 =	vmul.f32 v18, v21  }
0xa8: {  	[tilespmem:v20+s25+$0x0] =	vst.idx.add.f32.msk $0xffff, v7;
	v60 =	vunpack.i.u.bf16.f32 v9;
	v9 =	vunpack.i.l.bf16.f32 v9;
	v62 =	vunpack.i.u.bf16.f32 v10  }
0xa9: {  	v10 =	vunpack.i.l.bf16.f32 v10;
	[tilespmem:v17+s24+$0x0] =	vst.idx.add.f32.msk $0xffff, v22;
	v9 =	vmul.f32 v9, v14;
	v7 =	vmul.f32 v60, v14  }
0xaa: {  	v20 =	vunpack.i.u.bf16.f32 v13;
	v63 =	vmul.f32 v10, v8;
	v8 =	vmul.f32 v62, v8;
	[tilespmem:v17+s25+$0x0] =	vst.idx.add.f32.msk $0xffff, v18  }
0xab: {  	v15 =	vunpack.i.u.bf16.f32 v11;
	v11 =	vunpack.i.l.bf16.f32 v11;
	v17 =	vunpack.i.u.bf16.f32 v12;
	[tilespmem:v19+s24+$0x0] =	vst.idx.add.f32.msk $0xffff, v9  }
0xac: {  	v12 =	vunpack.i.l.bf16.f32 v12;
	v10 =	vmul.f32 v11, v6;
	v9 =	vmul.f32 v15, v6;
	[tilespmem:v16+s24+$0x0] =	vst.idx.add.f32.msk $0xffff, v63  }
0xad: {  	v6 =	vunpack.i.l.bf16.f32 v13;
	v18 =	vmul.f32 v12, v5;
	v17 =	vmul.f32 v17, v5;
	[tilespmem:v19+s25+$0x0] =	vst.idx.add.f32.msk $0xffff, v7  }
0xae: {  	s28 =	simm.s32 $0x1D640;
	s8 =	simm.s32 $0x0;
	[tilespmem:v16+s25+$0x0] =	vst.idx.add.f32.msk $0xffff, v8;
	v6 =	vmul.f32 v6, v4;
	v4 =	vmul.f32 v20, v4  }
.LBB2_7:
0xaf: {  	v19 =	vld [tilespmem:s28+$0x30]  }
0xb0: {  	v5 =	vld [tilespmem:s28+$0xFFFFFFD0]  }
0xb1: {  	v12 =	vld [tilespmem:s28+$0xFFFFFFE0]  }
0xb2: {  	v13 =	vld [tilespmem:s28+$0xFFFFFFF0]  }
0xb3: {  	s8 =	sadd.s32 $0x8, s8;
	v15 =	vld [tilespmem:s28+$0x0]  }
0xb4: {  	p2 =	slt.u32 s8, $0x78;
	v16 =	vld [tilespmem:s28+$0x10];
	v28 =	vand.u32 $0xFFFF, v19  }
0xb5: {  	v8 =	vshrl.u32 v5, $0x10;
	v11 =	vand.u32 $0xFFFF, v5;
	v20 =	vld [tilespmem:s28+$0x20]  }
0xb6: {  	v21 =	vld [tilespmem:s28+$0xFFFFFFC0];
	v7 =	vshrl.u32 v12, $0x10;
	v12 =	vand.u32 $0xFFFF, v12  }
0xb7: {  	v5 =	vshrl.u32 v13, $0x10;
	v13 =	vand.u32 $0xFFFF, v13;
	[tilespmem:v1+s24+$0x0] =	vst.idx.add.f32.msk $0xffff, v10  }
0xb8: {  	v14 =	vand.u32 $0xFFFF, v15;
	[tilespmem:v1+s25+$0x0] =	vst.idx.add.f32.msk $0xffff, v9;
	v1 =	vshrl.u32 v15, $0x10  }
0xb9: {  	v27 =	vshrl.u32 v16, $0x10;
	v15 =	vand.u32 $0xFFFF, v16;
	v22 =	vld.idx.msk [tilespmem:v28+s1+$0x0], $0xffff  }
0xba: {  	s2 =	sadd.s32 $0x80, s2;
	v23 =	vld.idx.msk [tilespmem:v11+s1+$0x0], $0xffff;
	v10 =	vshrl.u32 v20, $0x10;
	v16 =	vand.u32 $0xFFFF, v20  }
0xbb: {  	v9 =	vshrl.u32 v21, $0x10;
	v24 =	vand.u32 $0xFFFF, v21;
	v29 =	vld [tilespmem:s2+$0x30]  }
0xbc: {  	v20 =	vld.idx.msk [tilespmem:v12+s1+$0x0], $0xffff  }
0xbd: {  	v30 =	vshrl.u32 v19, $0x10;
	v21 =	vld.idx.msk [tilespmem:v13+s1+$0x0], $0xffff  }
0xbe: {  	v19 =	vld.idx.msk [tilespmem:v14+s1+$0x0], $0xffff  }
0xbf: {  	v26 =	vunpack.i.l.bf16.f32 v22;
	v25 =	vld.idx.msk [tilespmem:v15+s1+$0x0], $0xffff  }
0xc0: {  	v22 =	vunpack.i.u.bf16.f32 v22;
	v32 =	vunpack.i.u.bf16.f32 v23;
	v31 =	vld.idx.msk [tilespmem:v24+s1+$0x0], $0xffff;
	v26 =	vmul.f32 v26, v29  }
0xc1: {  	v33 =	vunpack.i.l.bf16.f32 v23;
	v22 =	vmul.f32 v22, v29;
	v34 =	vld.idx.msk [tilespmem:v16+s1+$0x0], $0xffff  }
0xc2: {  	v35 =	vunpack.i.u.bf16.f32 v20;
	v36 =	vunpack.i.l.bf16.f32 v20;
	[tilespmem:v30+s18+$0x0] =	vst.idx.add.f32.msk $0xffff, v26  }
0xc3: {  	v37 =	vunpack.i.u.bf16.f32 v21;
	v38 =	vunpack.i.l.bf16.f32 v21;
	[tilespmem:v30+s19+$0x0] =	vst.idx.add.f32.msk $0xffff, v22  }
0xc4: {  	v39 =	vunpack.i.u.bf16.f32 v19;
	v40 =	vunpack.i.l.bf16.f32 v19;
	v41 =	vld.idx.msk [tilespmem:v28+s10+$0x0], $0xffff  }
0xc5: {  	v42 =	vunpack.i.u.bf16.f32 v25;
	v43 =	vunpack.i.l.bf16.f32 v25;
	v26 =	vld [tilespmem:s2+$0xFFFFFFC0]  }
0xc6: {  	v20 =	vunpack.i.u.bf16.f32 v31;
	v21 =	vunpack.i.l.bf16.f32 v31;
	v25 =	vld [tilespmem:s2+$0xFFFFFFD0]  }
0xc7: {  	v31 =	vunpack.i.u.bf16.f32 v34;
	v34 =	vunpack.i.l.bf16.f32 v34;
	v23 =	vld [tilespmem:s2+$0xFFFFFFE0]  }
0xc8: {  	v22 =	vld [tilespmem:s2+$0xFFFFFFF0]  }
0xc9: {  	v19 =	vld [tilespmem:s2+$0x0]  }
0xca: {  	v46 =	vunpack.i.l.bf16.f32 v41;
	v44 =	vmul.f32 v21, v26;
	v45 =	vmul.f32 v20, v26;
	v20 =	vld [tilespmem:s2+$0x10]  }
0xcb: {  	v41 =	vunpack.i.u.bf16.f32 v41;
	v46 =	vmul.f32 v46, v29;
	v33 =	vmul.f32 v33, v25;
	v21 =	vld [tilespmem:s2+$0x20]  }
0xcc: {  	v41 =	vmul.f32 v41, v29;
	v32 =	vmul.f32 v32, v25;
	[tilespmem:v9+s18+$0x0] =	vst.idx.add.f32.msk $0xffff, v44  }
0xcd: {  	v36 =	vmul.f32 v36, v23;
	v35 =	vmul.f32 v35, v23;
	[tilespmem:v30+s20+$0x0] =	vst.idx.add.f32.msk $0xffff, v46  }
0xce: {  	v38 =	vmul.f32 v38, v22;
	v37 =	vmul.f32 v37, v22;
	[tilespmem:v30+s21+$0x0] =	vst.idx.add.f32.msk $0xffff, v41  }
0xcf: {  	v40 =	vmul.f32 v40, v19;
	v39 =	vmul.f32 v39, v19;
	v41 =	vld.idx.msk [tilespmem:v28+s11+$0x0], $0xffff  }
0xd0: {  	v43 =	vmul.f32 v43, v20;
	v42 =	vmul.f32 v42, v20;
	[tilespmem:v9+s19+$0x0] =	vst.idx.add.f32.msk $0xffff, v45  }
0xd1: {  	v31 =	vmul.f32 v31, v21;
	[tilespmem:v8+s18+$0x0] =	vst.idx.add.f32.msk $0xffff, v33;
	v33 =	vmul.f32 v34, v21  }
0xd2: {  	[tilespmem:v8+s19+$0x0] =	vst.idx.add.f32.msk $0xffff, v32  }
0xd3: {  	[tilespmem:v7+s18+$0x0] =	vst.idx.add.f32.msk $0xffff, v36  }
0xd4: {  	[tilespmem:v7+s19+$0x0] =	vst.idx.add.f32.msk $0xffff, v35  }
0xd5: {  	v32 =	vunpack.i.l.bf16.f32 v41;
	[tilespmem:v5+s18+$0x0] =	vst.idx.add.f32.msk $0xffff, v38  }
0xd6: {  	v34 =	vunpack.i.u.bf16.f32 v41;
	v32 =	vmul.f32 v32, v29;
	[tilespmem:v5+s19+$0x0] =	vst.idx.add.f32.msk $0xffff, v37  }
0xd7: {  	v34 =	vmul.f32 v34, v29;
	[tilespmem:v1+s18+$0x0] =	vst.idx.add.f32.msk $0xffff, v40  }
0xd8: {  	[tilespmem:v30+s22+$0x0] =	vst.idx.add.f32.msk $0xffff, v32  }
0xd9: {  	[tilespmem:v30+s23+$0x0] =	vst.idx.add.f32.msk $0xffff, v34  }
0xda: {  	v28 =	vld.idx.msk [tilespmem:v28+s12+$0x0], $0xffff  }
0xdb: {  	[tilespmem:v1+s19+$0x0] =	vst.idx.add.f32.msk $0xffff, v39  }
0xdc: {  	[tilespmem:v27+s18+$0x0] =	vst.idx.add.f32.msk $0xffff, v43  }
0xdd: {  	[tilespmem:v27+s19+$0x0] =	vst.idx.add.f32.msk $0xffff, v42  }
0xde: {  	[tilespmem:v10+s18+$0x0] =	vst.idx.add.f32.msk $0xffff, v33  }
0xdf: {  	[tilespmem:v10+s19+$0x0] =	vst.idx.add.f32.msk $0xffff, v31  }
0xe0: {  	v32 =	vunpack.i.l.bf16.f32 v28;
	v31 =	vld.idx.msk [tilespmem:v24+s10+$0x0], $0xffff  }
0xe1: {  	v28 =	vunpack.i.u.bf16.f32 v28;
	v32 =	vmul.f32 v32, v29;
	v33 =	vld.idx.msk [tilespmem:v11+s10+$0x0], $0xffff  }
0xe2: {  	v28 =	vmul.f32 v28, v29;
	v34 =	vld.idx.msk [tilespmem:v12+s10+$0x0], $0xffff  }
0xe3: {  	[tilespmem:v30+s24+$0x0] =	vst.idx.add.f32.msk $0xffff, v32  }
0xe4: {  	[tilespmem:v30+s25+$0x0] =	vst.idx.add.f32.msk $0xffff, v28  }
0xe5: {  	v28 =	vld.idx.msk [tilespmem:v13+s10+$0x0], $0xffff  }
0xe6: {  	v29 =	vunpack.i.u.bf16.f32 v31;
	v30 =	vunpack.i.l.bf16.f32 v31;
	v31 =	vld.idx.msk [tilespmem:v14+s10+$0x0], $0xffff  }
0xe7: {  	v30 =	vmul.f32 v30, v26;
	v32 =	vunpack.i.u.bf16.f32 v33;
	v33 =	vunpack.i.l.bf16.f32 v33;
	v35 =	vld.idx.msk [tilespmem:v15+s10+$0x0], $0xffff  }
0xe8: {  	v29 =	vmul.f32 v29, v26;
	v36 =	vunpack.i.u.bf16.f32 v34;
	v34 =	vunpack.i.l.bf16.f32 v34;
	v37 =	vld.idx.msk [tilespmem:v16+s10+$0x0], $0xffff  }
0xe9: {  	v32 =	vmul.f32 v32, v25;
	[tilespmem:v9+s20+$0x0] =	vst.idx.add.f32.msk $0xffff, v30;
	v30 =	vmul.f32 v33, v25  }
0xea: {  	v33 =	vmul.f32 v36, v23;
	[tilespmem:v9+s21+$0x0] =	vst.idx.add.f32.msk $0xffff, v29;
	v29 =	vmul.f32 v34, v23  }
0xeb: {  	[tilespmem:v8+s20+$0x0] =	vst.idx.add.f32.msk $0xffff, v30;
	v30 =	vunpack.i.u.bf16.f32 v28;
	v28 =	vunpack.i.l.bf16.f32 v28  }
0xec: {  	[tilespmem:v8+s21+$0x0] =	vst.idx.add.f32.msk $0xffff, v32;
	v28 =	vmul.f32 v28, v22;
	v32 =	vunpack.i.u.bf16.f32 v31;
	v31 =	vunpack.i.l.bf16.f32 v31  }
0xed: {  	v34 =	vunpack.i.l.bf16.f32 v35;
	[tilespmem:v7+s20+$0x0] =	vst.idx.add.f32.msk $0xffff, v29;
	v29 =	vmul.f32 v30, v22;
	v30 =	vunpack.i.u.bf16.f32 v35  }
0xee: {  	v31 =	vmul.f32 v31, v19;
	v35 =	vunpack.i.l.bf16.f32 v37;
	[tilespmem:v7+s21+$0x0] =	vst.idx.add.f32.msk $0xffff, v33;
	v33 =	vunpack.i.u.bf16.f32 v37  }
0xef: {  	[tilespmem:v5+s20+$0x0] =	vst.idx.add.f32.msk $0xffff, v28;
	v28 =	vmul.f32 v32, v19;
	v32 =	vmul.f32 v34, v20  }
0xf0: {  	[tilespmem:v5+s21+$0x0] =	vst.idx.add.f32.msk $0xffff, v29;
	v29 =	vmul.f32 v30, v20;
	v30 =	vmul.f32 v35, v21  }
0xf1: {  	[tilespmem:v1+s20+$0x0] =	vst.idx.add.f32.msk $0xffff, v31;
	v31 =	vmul.f32 v33, v21  }
0xf2: {  	[tilespmem:v1+s21+$0x0] =	vst.idx.add.f32.msk $0xffff, v28  }
0xf3: {  	[tilespmem:v27+s20+$0x0] =	vst.idx.add.f32.msk $0xffff, v32  }
0xf4: {  	[tilespmem:v27+s21+$0x0] =	vst.idx.add.f32.msk $0xffff, v29  }
0xf5: {  	[tilespmem:v10+s20+$0x0] =	vst.idx.add.f32.msk $0xffff, v30  }
0xf6: {  	[tilespmem:v10+s21+$0x0] =	vst.idx.add.f32.msk $0xffff, v31  }
0xf7: {  	v28 =	vld.idx.msk [tilespmem:v24+s11+$0x0], $0xffff  }
0xf8: {  	v29 =	vld.idx.msk [tilespmem:v11+s11+$0x0], $0xffff  }
0xf9: {  	v30 =	vld.idx.msk [tilespmem:v12+s11+$0x0], $0xffff  }
0xfa: {  	v31 =	vld.idx.msk [tilespmem:v13+s11+$0x0], $0xffff  }
0xfb: {  	v32 =	vld.idx.msk [tilespmem:v14+s11+$0x0], $0xffff  }
0xfc: {  	v33 =	vld.idx.msk [tilespmem:v15+s11+$0x0], $0xffff  }
0xfd: {  	v34 =	vunpack.i.u.bf16.f32 v28;
	v28 =	vunpack.i.l.bf16.f32 v28;
	v35 =	vld.idx.msk [tilespmem:v16+s11+$0x0], $0xffff  }
0xfe: {  	v28 =	vmul.f32 v28, v26;
	v36 =	vunpack.i.u.bf16.f32 v29;
	v29 =	vunpack.i.l.bf16.f32 v29;
	[tilespmem:v2+s24+$0x0] =	vst.idx.add.f32.msk $0xffff, v18  }
0xff: {  	v18 =	vmul.f32 v34, v26;
	v34 =	vunpack.i.u.bf16.f32 v30;
	v30 =	vunpack.i.l.bf16.f32 v30;
	[tilespmem:v2+s25+$0x0] =	vst.idx.add.f32.msk $0xffff, v17;
	v2 =	vmovc v27  }
0x100: {  	v17 =	vmul.f32 v29, v25;
	v27 =	vunpack.i.u.bf16.f32 v31;
	[tilespmem:v9+s22+$0x0] =	vst.idx.add.f32.msk $0xffff, v28;
	v28 =	vunpack.i.l.bf16.f32 v31  }
0x101: {  	v29 =	vunpack.i.u.bf16.f32 v32;
	v31 =	vunpack.i.l.bf16.f32 v32;
	[tilespmem:v9+s23+$0x0] =	vst.idx.add.f32.msk $0xffff, v18;
	v18 =	vmul.f32 v36, v25  }
0x102: {  	v32 =	vunpack.i.l.bf16.f32 v33;
	[tilespmem:v8+s22+$0x0] =	vst.idx.add.f32.msk $0xffff, v17;
	v17 =	vmul.f32 v30, v23;
	v30 =	vunpack.i.u.bf16.f32 v33  }
0x103: {  	v33 =	vunpack.i.u.bf16.f32 v35;
	[tilespmem:v8+s23+$0x0] =	vst.idx.add.f32.msk $0xffff, v18;
	v18 =	vmul.f32 v34, v23;
	v34 =	vunpack.i.l.bf16.f32 v35  }
0x104: {  	v27 =	vmul.f32 v27, v22;
	[tilespmem:v7+s22+$0x0] =	vst.idx.add.f32.msk $0xffff, v17;
	v17 =	vmul.f32 v28, v22  }
0x105: {  	v28 =	vmul.f32 v29, v19;
	[tilespmem:v7+s23+$0x0] =	vst.idx.add.f32.msk $0xffff, v18;
	v18 =	vmul.f32 v31, v19  }
0x106: {  	v29 =	vmul.f32 v30, v20;
	[tilespmem:v5+s22+$0x0] =	vst.idx.add.f32.msk $0xffff, v17;
	v17 =	vmul.f32 v32, v20  }
0x107: {  	v30 =	vmul.f32 v33, v21;
	[tilespmem:v5+s23+$0x0] =	vst.idx.add.f32.msk $0xffff, v27;
	v27 =	vmul.f32 v34, v21  }
0x108: {  	[tilespmem:v1+s22+$0x0] =	vst.idx.add.f32.msk $0xffff, v18  }
0x109: {  	[tilespmem:v1+s23+$0x0] =	vst.idx.add.f32.msk $0xffff, v28  }
0x10a: {  	[tilespmem:v2+s22+$0x0] =	vst.idx.add.f32.msk $0xffff, v17  }
0x10b: {  	[tilespmem:v2+s23+$0x0] =	vst.idx.add.f32.msk $0xffff, v29  }
0x10c: {  	[tilespmem:v10+s22+$0x0] =	vst.idx.add.f32.msk $0xffff, v27  }
0x10d: {  	[tilespmem:v10+s23+$0x0] =	vst.idx.add.f32.msk $0xffff, v30  }
0x10e: {  	v17 =	vld.idx.msk [tilespmem:v24+s12+$0x0], $0xffff  }
0x10f: {  	v11 =	vld.idx.msk [tilespmem:v11+s12+$0x0], $0xffff  }
0x110: {  	v12 =	vld.idx.msk [tilespmem:v12+s12+$0x0], $0xffff  }
0x111: {  	v13 =	vld.idx.msk [tilespmem:v13+s12+$0x0], $0xffff  }
0x112: {  	v14 =	vld.idx.msk [tilespmem:v14+s12+$0x0], $0xffff  }
0x113: {  	v15 =	vld.idx.msk [tilespmem:v15+s12+$0x0], $0xffff  }
0x114: {  	v18 =	vunpack.i.u.bf16.f32 v17;
	v17 =	vunpack.i.l.bf16.f32 v17;
	v16 =	vld.idx.msk [tilespmem:v16+s12+$0x0], $0xffff  }
0x115: {  	v17 =	vmul.f32 v17, v26;
	v24 =	vunpack.i.u.bf16.f32 v11;
	v11 =	vunpack.i.l.bf16.f32 v11;
	[tilespmem:v3+s24+$0x0] =	vst.idx.add.f32.msk $0xffff, v6  }
0x116: {  	v6 =	vmul.f32 v18, v26;
	v18 =	vunpack.i.u.bf16.f32 v12;
	v12 =	vunpack.i.l.bf16.f32 v12;
	[tilespmem:v3+s25+$0x0] =	vst.idx.add.f32.msk $0xffff, v4;
	v3 =	vmovc v10  }
0x117: {  	v4 =	vmul.f32 v11, v25;
	v10 =	vunpack.i.u.bf16.f32 v13;
	v11 =	vunpack.i.l.bf16.f32 v13;
	[tilespmem:v9+s24+$0x0] =	vst.idx.add.f32.msk $0xffff, v17  }
0x118: {  	v13 =	vunpack.i.l.bf16.f32 v14;
	[tilespmem:v9+s25+$0x0] =	vst.idx.add.f32.msk $0xffff, v6;
	v6 =	vmul.f32 v24, v25;
	v9 =	vunpack.i.u.bf16.f32 v14  }
0x119: {  	v14 =	vunpack.i.l.bf16.f32 v15;
	[tilespmem:v8+s24+$0x0] =	vst.idx.add.f32.msk $0xffff, v4;
	v4 =	vmul.f32 v12, v23;
	v12 =	vunpack.i.u.bf16.f32 v15  }
.Ltmp1:
0x11a: {  	v15 =	vunpack.i.l.bf16.f32 v16;
	[tilespmem:v8+s25+$0x0] =	vst.idx.add.f32.msk $0xffff, v6;
	v6 =	vmul.f32 v18, v23;
	v8 =	vunpack.i.u.bf16.f32 v16;
	(pc) =	sbr.rel @p2 .LBB2_7-.Ltmp1, $4  }
0x11b: {  	[tilespmem:v7+s24+$0x0] =	vst.idx.add.f32.msk $0xffff, v4;
	v4 =	vmul.f32 v11, v22;
	v11 =	vmul.f32 v10, v22  }
0x11c: {  	v9 =	vmul.f32 v9, v19;
	v10 =	vmul.f32 v13, v19;
	[tilespmem:v7+s25+$0x0] =	vst.idx.add.f32.msk $0xffff, v6  }
0x11d: {  	v18 =	vmul.f32 v14, v20;
	v17 =	vmul.f32 v12, v20;
	[tilespmem:v5+s24+$0x0] =	vst.idx.add.f32.msk $0xffff, v4  }
0x11e: {  	s28 =	sadd.s32 $0x80, s28;
	v6 =	vmul.f32 v15, v21;
	v4 =	vmul.f32 v8, v21;
	[tilespmem:v5+s25+$0x0] =	vst.idx.add.f32.msk $0xffff, v11  }
0x11f: {  	_ =	sdelay $0x3  }
0x120: {  	[tilespmem:v1+s24+$0x0] =	vst.idx.add.f32.msk $0xffff, v10  }
0x121: {  	[tilespmem:v2+s24+$0x0] =	vst.idx.add.f32.msk $0xffff, v18  }
0x122: {  	p2 =	seq.s32 s31, $0x53;
	[tilespmem:v1+s25+$0x0] =	vst.idx.add.f32.msk $0xffff, v9  }
0x123: {  	[tilespmem:v2+s25+$0x0] =	vst.idx.add.f32.msk $0xffff, v17;
	s0 =	sadd.s32 @!p2 $0x1000, s0  }
0x124: {  	[tilespmem:v3+s24+$0x0] =	vst.idx.add.f32.msk $0xffff, v6;
	s8 =	simm.s32 @!p2 $0x0;
	s2 =	sshrl.u32 @!p2 s0, $0x3;
	s0 =	sadd.s32 @!p2 s30, s0  }
0x125: {  	s28 =	simm.s32 @!p2 $0x1D580;
	[tilespmem:v3+s25+$0x0] =	vst.idx.add.f32.msk $0xffff, v4;
	s2 =	sadd.s32 @!p2 s4, s2;
	s0 =	sshrl.u32 @!p2 s0, $0x3  }
0x126: {  	[tilespmem:s28], [sflag:$0x1] =	stream.linear.gather @!p2 [hbm4b:s2+s8], $0x800, $0x38;
	[tilespmem:$0x1F580] =	vst v63  }
0x127: {  	s0 =	sadd.s32 @!p2 s5, s0;
	s2 =	simm.s32 @!p2 $0x1DD80  }
0x128: {  	[tilespmem:s2], [sflag:$0x1] =	stream.linear.gather @!p2 [hbm4b:s0+s8], $0x800, $0x38;
	[tilespmem:$0x1F580] =	vst v63  }
0x129: {  	_ =	swait.ge [sflag:s26], $0x800  }
0x12a: {  	[sflag:s26] =	ssyncset.done $0x0  }
0x12b: {  	[sflag:s26] =	ssyncadd.s32 $0xFFFFF800  }
0x12c: {  	_ =	swait.ge [sflag:s26], $0x800  }
0x12d: {  	[sflag:s26] =	ssyncset.done $0x0  }
0x12e: {  	s28 =	simm.s32 $0x1E5C0;
	[sflag:s26] =	ssyncadd.s32 $0xFFFFF800  }
0x12f: {  	v1 =	vld [tilespmem:s28+$0x30]  }
0x130: {  	v2 =	vld [tilespmem:s28+$0xFFFFFFD0]  }
0x131: {  	v3 =	vld [tilespmem:s28+$0xFFFFFFE0]  }
0x132: {  	v16 =	vld [tilespmem:s28+$0xFFFFFFF0]  }
0x133: {  	v22 =	vld [tilespmem:s28+$0x0]  }
0x134: {  	v24 =	vld [tilespmem:s28+$0x10];
	v23 =	vand.u32 $0xFFFF, v1  }
0x135: {  	v4 =	vld [tilespmem:s28+$0xFFFFFFC0]  }
0x136: {  	s0 =	simm.s32 $0x1EDC0;
	v25 =	vld [tilespmem:s28+$0x20]  }
0x137: {  	v27 =	vld [tilespmem:s0+$0x30]  }
0x138: {  	v21 =	vld [tilespmem:s0+$0xFFFFFFC0]  }
0x139: {  	v7 =	vand.u32 $0xFFFF, v2;
	v5 =	vld.idx.msk [tilespmem:v23+s1+$0x0], $0xffff  }
0x13a: {  	v15 =	vld [tilespmem:s0+$0xFFFFFFD0];
	v9 =	vand.u32 $0xFFFF, v3  }
0x13b: {  	v14 =	vld [tilespmem:s0+$0xFFFFFFE0];
	v18 =	vand.u32 $0xFFFF, v4  }
0x13c: {  	v8 =	vld [tilespmem:s0+$0xFFFFFFF0];
	v30 =	vshrl.u32 v1, $0x10  }
0x13d: {  	v6 =	vld [tilespmem:s0+$0x0]  }
0x13e: {  	v26 =	vld.idx.msk [tilespmem:v7+s1+$0x0], $0xffff;
	v1 =	vunpack.i.l.bf16.f32 v5  }
0x13f: {  	v10 =	vand.u32 $0xFFFF, v16;
	v28 =	vld.idx.msk [tilespmem:v9+s1+$0x0], $0xffff;
	v5 =	vunpack.i.u.bf16.f32 v5;
	v1 =	vmul.f32 v1, v27  }
0x140: {  	v11 =	vand.u32 $0xFFFF, v22;
	v19 =	vld.idx.msk [tilespmem:v18+s1+$0x0], $0xffff;
	v5 =	vmul.f32 v5, v27  }
0x141: {  	v12 =	vand.u32 $0xFFFF, v24;
	[tilespmem:v30+s18+$0x0] =	vst.idx.add.f32.msk $0xffff, v1  }
0x142: {  	v13 =	vand.u32 $0xFFFF, v25;
	[tilespmem:v30+s19+$0x0] =	vst.idx.add.f32.msk $0xffff, v5  }
0x143: {  	v1 =	vld.idx.msk [tilespmem:v23+s10+$0x0], $0xffff  }
0x144: {  	v17 =	vshrl.u32 v4, $0x10;
	v29 =	vld.idx.msk [tilespmem:v10+s1+$0x0], $0xffff  }
0x145: {  	v31 =	vld.idx.msk [tilespmem:v11+s1+$0x0], $0xffff  }
0x146: {  	v32 =	vld.idx.msk [tilespmem:v12+s1+$0x0], $0xffff;
	v4 =	vunpack.i.l.bf16.f32 v19  }
0x147: {  	v33 =	vld.idx.msk [tilespmem:v13+s1+$0x0], $0xffff;
	v34 =	vmul.f32 v4, v21  }
0x148: {  	v4 =	vld [tilespmem:s0+$0x20];
	v20 =	vunpack.i.l.bf16.f32 v1  }
0x149: {  	[tilespmem:v17+s18+$0x0] =	vst.idx.add.f32.msk $0xffff, v34;
	v1 =	vunpack.i.u.bf16.f32 v1;
	v35 =	vmul.f32 v20, v27  }
0x14a: {  	v5 =	vld [tilespmem:s0+$0x10];
	v20 =	vshrl.u32 v2, $0x10;
	v1 =	vmul.f32 v1, v27;
	v2 =	vunpack.i.u.bf16.f32 v19  }
0x14b: {  	v2 =	vmul.f32 v2, v21;
	[tilespmem:v30+s20+$0x0] =	vst.idx.add.f32.msk $0xffff, v35  }
0x14c: {  	v19 =	vshrl.u32 v3, $0x10;
	[tilespmem:v30+s21+$0x0] =	vst.idx.add.f32.msk $0xffff, v1  }
0x14d: {  	v3 =	vunpack.i.l.bf16.f32 v26;
	[tilespmem:v17+s19+$0x0] =	vst.idx.add.f32.msk $0xffff, v2  }
0x14e: {  	v61 =	vunpack.i.l.bf16.f32 v28;
	v3 =	vmul.f32 v3, v15;
	v60 =	vld.idx.msk [tilespmem:v23+s11+$0x0], $0xffff  }
0x14f: {  	v63 =	vmul.f32 v61, v14;
	v1 =	vunpack.i.u.bf16.f32 v26;
	v45 =	vld.idx.msk [tilespmem:v18+s10+$0x0], $0xffff  }
0x150: {  	v2 =	vunpack.i.u.bf16.f32 v28;
	v62 =	vmul.f32 v1, v15;
	[tilespmem:v20+s18+$0x0] =	vst.idx.add.f32.msk $0xffff, v3  }
0x151: {  	v16 =	vshrl.u32 v16, $0x10;
	v2 =	vmul.f32 v2, v14;
	[tilespmem:v19+s18+$0x0] =	vst.idx.add.f32.msk $0xffff, v63  }
0x152: {  	[tilespmem:v20+s19+$0x0] =	vst.idx.add.f32.msk $0xffff, v62  }
0x153: {  	v1 =	vshrl.u32 v22, $0x10;
	v3 =	vunpack.i.l.bf16.f32 v29;
	[tilespmem:v19+s19+$0x0] =	vst.idx.add.f32.msk $0xffff, v2  }
0x154: {  	v34 =	vunpack.i.u.bf16.f32 v29;
	v3 =	vmul.f32 v3, v8;
	v47 =	vld.idx.msk [tilespmem:v7+s10+$0x0], $0xffff  }
0x155: {  	v35 =	vunpack.i.l.bf16.f32 v31;
	v22 =	vmul.f32 v34, v8;
	v48 =	vld.idx.msk [tilespmem:v9+s10+$0x0], $0xffff  }
0x156: {  	v38 =	vunpack.i.u.bf16.f32 v31;
	v28 =	vmul.f32 v35, v6;
	[tilespmem:v16+s18+$0x0] =	vst.idx.add.f32.msk $0xffff, v3  }
0x157: {  	v40 =	vmul.f32 v38, v6;
	[tilespmem:v16+s19+$0x0] =	vst.idx.add.f32.msk $0xffff, v22  }
0x158: {  	[tilespmem:v1+s18+$0x0] =	vst.idx.add.f32.msk $0xffff, v28  }
0x159: {  	v2 =	vunpack.i.l.bf16.f32 v60;
	[tilespmem:v1+s19+$0x0] =	vst.idx.add.f32.msk $0xffff, v40  }
0x15a: {  	v3 =	vunpack.i.u.bf16.f32 v60;
	v36 =	vmul.f32 v2, v27;
	v2 =	vshrl.u32 v24, $0x10;
	v49 =	vld.idx.msk [tilespmem:v10+s10+$0x0], $0xffff  }
0x15b: {  	v37 =	vmul.f32 v3, v27;
	v3 =	vshrl.u32 v25, $0x10;
	v51 =	vld.idx.msk [tilespmem:v11+s10+$0x0], $0xffff  }
0x15c: {  	v39 =	vunpack.i.l.bf16.f32 v32;
	[tilespmem:v30+s22+$0x0] =	vst.idx.add.f32.msk $0xffff, v36  }
0x15d: {  	v42 =	vunpack.i.l.bf16.f32 v33;
	v22 =	vmul.f32 v39, v5;
	[tilespmem:v30+s23+$0x0] =	vst.idx.add.f32.msk $0xffff, v37  }
0x15e: {  	v26 =	vmul.f32 v42, v4;
	v53 =	vunpack.i.l.bf16.f32 v47;
	v23 =	vld.idx.msk [tilespmem:v23+s12+$0x0], $0xffff  }
0x15f: {  	v56 =	vunpack.i.l.bf16.f32 v48;
	v55 =	vmul.f32 v53, v15;
	[tilespmem:v2+s18+$0x0] =	vst.idx.add.f32.msk $0xffff, v22  }
0x160: {  	v41 =	vunpack.i.u.bf16.f32 v32;
	v58 =	vmul.f32 v56, v14;
	[tilespmem:v3+s18+$0x0] =	vst.idx.add.f32.msk $0xffff, v26  }
0x161: {  	v43 =	vunpack.i.u.bf16.f32 v33;
	v24 =	vmul.f32 v41, v5;
	[tilespmem:v20+s20+$0x0] =	vst.idx.add.f32.msk $0xffff, v55  }
0x162: {  	v44 =	vmul.f32 v43, v4;
	v25 =	vunpack.i.u.bf16.f32 v47;
	[tilespmem:v19+s20+$0x0] =	vst.idx.add.f32.msk $0xffff, v58  }
0x163: {  	v25 =	vmul.f32 v25, v15;
	[tilespmem:v2+s19+$0x0] =	vst.idx.add.f32.msk $0xffff, v24  }
0x164: {  	[tilespmem:v3+s19+$0x0] =	vst.idx.add.f32.msk $0xffff, v44  }
0x165: {  	[tilespmem:v20+s21+$0x0] =	vst.idx.add.f32.msk $0xffff, v25  }
0x166: {  	v60 =	vunpack.i.l.bf16.f32 v51;
	v54 =	vld.idx.msk [tilespmem:v13+s10+$0x0], $0xffff  }
0x167: {  	v25 =	vmul.f32 v60, v6;
	v33 =	vld.idx.msk [tilespmem:v7+s11+$0x0], $0xffff;
	v46 =	vunpack.i.l.bf16.f32 v23  }
0x168: {  	v52 =	vld.idx.msk [tilespmem:v12+s10+$0x0], $0xffff;
	v23 =	vunpack.i.u.bf16.f32 v23;
	v24 =	vmul.f32 v46, v27  }
0x169: {  	v50 =	vunpack.i.l.bf16.f32 v45;
	[tilespmem:v1+s20+$0x0] =	vst.idx.add.f32.msk $0xffff, v25;
	v23 =	vmul.f32 v23, v27  }
0x16a: {  	v22 =	vunpack.i.u.bf16.f32 v45;
	[tilespmem:v30+s24+$0x0] =	vst.idx.add.f32.msk $0xffff, v24;
	v24 =	vmul.f32 v50, v21  }
0x16b: {  	v22 =	vmul.f32 v22, v21;
	v28 =	vunpack.i.l.bf16.f32 v54;
	[tilespmem:v30+s25+$0x0] =	vst.idx.add.f32.msk $0xffff, v23  }
0x16c: {  	v40 =	vunpack.i.l.bf16.f32 v33;
	v29 =	vmul.f32 v28, v4;
	[tilespmem:v17+s20+$0x0] =	vst.idx.add.f32.msk $0xffff, v24  }
0x16d: {  	v59 =	vunpack.i.l.bf16.f32 v49;
	v41 =	vmul.f32 v40, v15;
	[tilespmem:v17+s21+$0x0] =	vst.idx.add.f32.msk $0xffff, v22  }
0x16e: {  	v24 =	vmul.f32 v59, v8;
	[tilespmem:v3+s20+$0x0] =	vst.idx.add.f32.msk $0xffff, v29  }
0x16f: {  	v30 =	vunpack.i.u.bf16.f32 v54;
	[tilespmem:v20+s22+$0x0] =	vst.idx.add.f32.msk $0xffff, v41  }
0x170: {  	v57 =	vunpack.i.u.bf16.f32 v48;
	v31 =	vmul.f32 v30, v4;
	[tilespmem:v16+s20+$0x0] =	vst.idx.add.f32.msk $0xffff, v24  }
0x171: {  	v23 =	vunpack.i.u.bf16.f32 v49;
	v22 =	vmul.f32 v57, v14;
	v32 =	vld.idx.msk [tilespmem:v18+s11+$0x0], $0xffff  }
0x172: {  	v23 =	vmul.f32 v23, v8;
	[tilespmem:v3+s21+$0x0] =	vst.idx.add.f32.msk $0xffff, v31  }
0x173: {  	v62 =	vunpack.i.l.bf16.f32 v52;
	[tilespmem:v19+s21+$0x0] =	vst.idx.add.f32.msk $0xffff, v22  }
0x174: {  	v24 =	vmul.f32 v62, v5;
	[tilespmem:v16+s21+$0x0] =	vst.idx.add.f32.msk $0xffff, v23  }
0x175: {  	v39 =	vld.idx.msk [tilespmem:v13+s11+$0x0], $0xffff  }
0x176: {  	v61 =	vunpack.i.u.bf16.f32 v51;
	[tilespmem:v2+s20+$0x0] =	vst.idx.add.f32.msk $0xffff, v24  }
0x177: {  	v63 =	vunpack.i.u.bf16.f32 v52;
	v22 =	vmul.f32 v61, v6;
	v34 =	vld.idx.msk [tilespmem:v9+s11+$0x0], $0xffff  }
0x178: {  	v23 =	vmul.f32 v63, v5;
	v35 =	vld.idx.msk [tilespmem:v10+s11+$0x0], $0xffff  }
0x179: {  	[tilespmem:v1+s21+$0x0] =	vst.idx.add.f32.msk $0xffff, v22  }
0x17a: {  	[tilespmem:v2+s21+$0x0] =	vst.idx.add.f32.msk $0xffff, v23;
	v23 =	vunpack.i.u.bf16.f32 v33  }
0x17b: {  	v36 =	vld.idx.msk [tilespmem:v11+s11+$0x0], $0xffff;
	v43 =	vmul.f32 v23, v15  }
0x17c: {  	v38 =	vld.idx.msk [tilespmem:v12+s11+$0x0], $0xffff;
	v37 =	vunpack.i.l.bf16.f32 v32  }
0x17d: {  	v22 =	vunpack.i.u.bf16.f32 v32;
	v27 =	vmul.f32 v37, v21;
	[tilespmem:v20+s23+$0x0] =	vst.idx.add.f32.msk $0xffff, v43  }
0x17e: {  	v22 =	vmul.f32 v22, v21;
	v54 =	vunpack.i.l.bf16.f32 v39;
	v7 =	vld.idx.msk [tilespmem:v7+s12+$0x0], $0xffff  }
0x17f: {  	v42 =	vunpack.i.l.bf16.f32 v34;
	v55 =	vmul.f32 v54, v4;
	[tilespmem:v17+s22+$0x0] =	vst.idx.add.f32.msk $0xffff, v27  }
0x180: {  	v46 =	vunpack.i.l.bf16.f32 v35;
	v45 =	vmul.f32 v42, v14;
	[tilespmem:v17+s23+$0x0] =	vst.idx.add.f32.msk $0xffff, v22  }
0x181: {  	v49 =	vmul.f32 v46, v8;
	[tilespmem:v3+s22+$0x0] =	vst.idx.add.f32.msk $0xffff, v55  }
0x182: {  	v56 =	vunpack.i.u.bf16.f32 v39;
	[tilespmem:v19+s22+$0x0] =	vst.idx.add.f32.msk $0xffff, v45  }
0x183: {  	v44 =	vunpack.i.u.bf16.f32 v34;
	v57 =	vmul.f32 v56, v4;
	[tilespmem:v16+s22+$0x0] =	vst.idx.add.f32.msk $0xffff, v49  }
0x184: {  	v48 =	vunpack.i.u.bf16.f32 v35;
	v47 =	vmul.f32 v44, v14;
	v18 =	vld.idx.msk [tilespmem:v18+s12+$0x0], $0xffff  }
0x185: {  	v23 =	vmul.f32 v48, v8;
	[tilespmem:v3+s23+$0x0] =	vst.idx.add.f32.msk $0xffff, v57  }
0x186: {  	v50 =	vunpack.i.l.bf16.f32 v36;
	[tilespmem:v19+s23+$0x0] =	vst.idx.add.f32.msk $0xffff, v47  }
0x187: {  	v52 =	vunpack.i.l.bf16.f32 v38;
	v25 =	vmul.f32 v50, v6;
	[tilespmem:v16+s23+$0x0] =	vst.idx.add.f32.msk $0xffff, v23  }
0x188: {  	v24 =	vmul.f32 v52, v5;
	v13 =	vld.idx.msk [tilespmem:v13+s12+$0x0], $0xffff  }
0x189: {  	[tilespmem:v1+s22+$0x0] =	vst.idx.add.f32.msk $0xffff, v25  }
0x18a: {  	v51 =	vunpack.i.u.bf16.f32 v36;
	[tilespmem:v2+s22+$0x0] =	vst.idx.add.f32.msk $0xffff, v24  }
0x18b: {  	v53 =	vunpack.i.u.bf16.f32 v38;
	v22 =	vmul.f32 v51, v6;
	v9 =	vld.idx.msk [tilespmem:v9+s12+$0x0], $0xffff  }
0x18c: {  	v23 =	vmul.f32 v53, v5;
	v10 =	vld.idx.msk [tilespmem:v10+s12+$0x0], $0xffff  }
0x18d: {  	[tilespmem:v1+s23+$0x0] =	vst.idx.add.f32.msk $0xffff, v22  }
0x18e: {  	v59 =	vunpack.i.l.bf16.f32 v7;
	[tilespmem:v2+s23+$0x0] =	vst.idx.add.f32.msk $0xffff, v23  }
0x18f: {  	v7 =	vunpack.i.u.bf16.f32 v7;
	v61 =	vmul.f32 v59, v15;
	v11 =	vld.idx.msk [tilespmem:v11+s12+$0x0], $0xffff  }
0x190: {  	v7 =	vmul.f32 v7, v15;
	v12 =	vld.idx.msk [tilespmem:v12+s12+$0x0], $0xffff;
	v58 =	vunpack.i.l.bf16.f32 v18;
	v18 =	vunpack.i.u.bf16.f32 v18  }
0x191: {  	[tilespmem:v20+s24+$0x0] =	vst.idx.add.f32.msk $0xffff, v61;
	v22 =	vmul.f32 v58, v21;
	v18 =	vmul.f32 v18, v21  }
0x192: {  	[tilespmem:v20+s25+$0x0] =	vst.idx.add.f32.msk $0xffff, v7;
	v60 =	vunpack.i.u.bf16.f32 v9;
	v9 =	vunpack.i.l.bf16.f32 v9;
	v62 =	vunpack.i.u.bf16.f32 v10  }
0x193: {  	v10 =	vunpack.i.l.bf16.f32 v10;
	[tilespmem:v17+s24+$0x0] =	vst.idx.add.f32.msk $0xffff, v22;
	v9 =	vmul.f32 v9, v14;
	v7 =	vmul.f32 v60, v14  }
0x194: {  	v20 =	vunpack.i.u.bf16.f32 v13;
	v63 =	vmul.f32 v10, v8;
	v8 =	vmul.f32 v62, v8;
	[tilespmem:v17+s25+$0x0] =	vst.idx.add.f32.msk $0xffff, v18  }
0x195: {  	v15 =	vunpack.i.u.bf16.f32 v11;
	v11 =	vunpack.i.l.bf16.f32 v11;
	v17 =	vunpack.i.u.bf16.f32 v12;
	[tilespmem:v19+s24+$0x0] =	vst.idx.add.f32.msk $0xffff, v9  }
0x196: {  	v12 =	vunpack.i.l.bf16.f32 v12;
	v10 =	vmul.f32 v11, v6;
	v9 =	vmul.f32 v15, v6;
	[tilespmem:v16+s24+$0x0] =	vst.idx.add.f32.msk $0xffff, v63  }
0x197: {  	v6 =	vunpack.i.l.bf16.f32 v13;
	v18 =	vmul.f32 v12, v5;
	v17 =	vmul.f32 v17, v5;
	[tilespmem:v19+s25+$0x0] =	vst.idx.add.f32.msk $0xffff, v7  }
0x198: {  	s31 =	sadd.s32 $0x1, s31;
	s2 =	simm.s32 $0x0;
	s8 =	simm.s32 $0x1E640;
	[tilespmem:v16+s25+$0x0] =	vst.idx.add.f32.msk $0xffff, v8;
	v6 =	vmul.f32 v6, v4;
	v4 =	vmul.f32 v20, v4  }
.LBB2_9:
0x199: {  	v19 =	vld [tilespmem:s8+$0x30]  }
0x19a: {  	v5 =	vld [tilespmem:s8+$0xFFFFFFD0]  }
0x19b: {  	v12 =	vld [tilespmem:s8+$0xFFFFFFE0]  }
0x19c: {  	v13 =	vld [tilespmem:s8+$0xFFFFFFF0]  }
0x19d: {  	s2 =	sadd.s32 $0x8, s2;
	v15 =	vld [tilespmem:s8+$0x0]  }
0x19e: {  	p2 =	slt.u32 s2, $0x78;
	v16 =	vld [tilespmem:s8+$0x10];
	v28 =	vand.u32 $0xFFFF, v19  }
0x19f: {  	v8 =	vshrl.u32 v5, $0x10;
	v11 =	vand.u32 $0xFFFF, v5;
	v20 =	vld [tilespmem:s8+$0x20]  }
0x1a0: {  	v21 =	vld [tilespmem:s8+$0xFFFFFFC0];
	v7 =	vshrl.u32 v12, $0x10;
	v12 =	vand.u32 $0xFFFF, v12  }
0x1a1: {  	v5 =	vshrl.u32 v13, $0x10;
	v13 =	vand.u32 $0xFFFF, v13;
	[tilespmem:v1+s24+$0x0] =	vst.idx.add.f32.msk $0xffff, v10  }
0x1a2: {  	v14 =	vand.u32 $0xFFFF, v15;
	[tilespmem:v1+s25+$0x0] =	vst.idx.add.f32.msk $0xffff, v9;
	v1 =	vshrl.u32 v15, $0x10  }
0x1a3: {  	v27 =	vshrl.u32 v16, $0x10;
	v15 =	vand.u32 $0xFFFF, v16;
	v22 =	vld.idx.msk [tilespmem:v28+s1+$0x0], $0xffff  }
0x1a4: {  	s0 =	sadd.s32 $0x80, s0;
	v23 =	vld.idx.msk [tilespmem:v11+s1+$0x0], $0xffff;
	v10 =	vshrl.u32 v20, $0x10;
	v16 =	vand.u32 $0xFFFF, v20  }
0x1a5: {  	v9 =	vshrl.u32 v21, $0x10;
	v24 =	vand.u32 $0xFFFF, v21;
	v29 =	vld [tilespmem:s0+$0x30]  }
0x1a6: {  	v20 =	vld.idx.msk [tilespmem:v12+s1+$0x0], $0xffff  }
0x1a7: {  	v30 =	vshrl.u32 v19, $0x10;
	v21 =	vld.idx.msk [tilespmem:v13+s1+$0x0], $0xffff  }
0x1a8: {  	v19 =	vld.idx.msk [tilespmem:v14+s1+$0x0], $0xffff  }
0x1a9: {  	v26 =	vunpack.i.l.bf16.f32 v22;
	v25 =	vld.idx.msk [tilespmem:v15+s1+$0x0], $0xffff  }
0x1aa: {  	v22 =	vunpack.i.u.bf16.f32 v22;
	v32 =	vunpack.i.u.bf16.f32 v23;
	v31 =	vld.idx.msk [tilespmem:v24+s1+$0x0], $0xffff;
	v26 =	vmul.f32 v26, v29  }
0x1ab: {  	v33 =	vunpack.i.l.bf16.f32 v23;
	v22 =	vmul.f32 v22, v29;
	v34 =	vld.idx.msk [tilespmem:v16+s1+$0x0], $0xffff  }
0x1ac: {  	v35 =	vunpack.i.u.bf16.f32 v20;
	v36 =	vunpack.i.l.bf16.f32 v20;
	[tilespmem:v30+s18+$0x0] =	vst.idx.add.f32.msk $0xffff, v26  }
0x1ad: {  	v37 =	vunpack.i.u.bf16.f32 v21;
	v38 =	vunpack.i.l.bf16.f32 v21;
	[tilespmem:v30+s19+$0x0] =	vst.idx.add.f32.msk $0xffff, v22  }
0x1ae: {  	v39 =	vunpack.i.u.bf16.f32 v19;
	v40 =	vunpack.i.l.bf16.f32 v19;
	v41 =	vld.idx.msk [tilespmem:v28+s10+$0x0], $0xffff  }
0x1af: {  	v42 =	vunpack.i.u.bf16.f32 v25;
	v43 =	vunpack.i.l.bf16.f32 v25;
	v26 =	vld [tilespmem:s0+$0xFFFFFFC0]  }
0x1b0: {  	v20 =	vunpack.i.u.bf16.f32 v31;
	v21 =	vunpack.i.l.bf16.f32 v31;
	v25 =	vld [tilespmem:s0+$0xFFFFFFD0]  }
0x1b1: {  	v31 =	vunpack.i.u.bf16.f32 v34;
	v34 =	vunpack.i.l.bf16.f32 v34;
	v23 =	vld [tilespmem:s0+$0xFFFFFFE0]  }
0x1b2: {  	v22 =	vld [tilespmem:s0+$0xFFFFFFF0]  }
0x1b3: {  	v19 =	vld [tilespmem:s0+$0x0]  }
0x1b4: {  	v46 =	vunpack.i.l.bf16.f32 v41;
	v44 =	vmul.f32 v21, v26;
	v45 =	vmul.f32 v20, v26;
	v20 =	vld [tilespmem:s0+$0x10]  }
0x1b5: {  	v41 =	vunpack.i.u.bf16.f32 v41;
	v46 =	vmul.f32 v46, v29;
	v33 =	vmul.f32 v33, v25;
	v21 =	vld [tilespmem:s0+$0x20]  }
0x1b6: {  	v41 =	vmul.f32 v41, v29;
	v32 =	vmul.f32 v32, v25;
	[tilespmem:v9+s18+$0x0] =	vst.idx.add.f32.msk $0xffff, v44  }
0x1b7: {  	v36 =	vmul.f32 v36, v23;
	v35 =	vmul.f32 v35, v23;
	[tilespmem:v30+s20+$0x0] =	vst.idx.add.f32.msk $0xffff, v46  }
0x1b8: {  	v38 =	vmul.f32 v38, v22;
	v37 =	vmul.f32 v37, v22;
	[tilespmem:v30+s21+$0x0] =	vst.idx.add.f32.msk $0xffff, v41  }
0x1b9: {  	v40 =	vmul.f32 v40, v19;
	v39 =	vmul.f32 v39, v19;
	v41 =	vld.idx.msk [tilespmem:v28+s11+$0x0], $0xffff  }
0x1ba: {  	v43 =	vmul.f32 v43, v20;
	v42 =	vmul.f32 v42, v20;
	[tilespmem:v9+s19+$0x0] =	vst.idx.add.f32.msk $0xffff, v45  }
0x1bb: {  	v31 =	vmul.f32 v31, v21;
	[tilespmem:v8+s18+$0x0] =	vst.idx.add.f32.msk $0xffff, v33;
	v33 =	vmul.f32 v34, v21  }
0x1bc: {  	[tilespmem:v8+s19+$0x0] =	vst.idx.add.f32.msk $0xffff, v32  }
0x1bd: {  	[tilespmem:v7+s18+$0x0] =	vst.idx.add.f32.msk $0xffff, v36  }
0x1be: {  	[tilespmem:v7+s19+$0x0] =	vst.idx.add.f32.msk $0xffff, v35  }
0x1bf: {  	v32 =	vunpack.i.l.bf16.f32 v41;
	[tilespmem:v5+s18+$0x0] =	vst.idx.add.f32.msk $0xffff, v38  }
0x1c0: {  	v34 =	vunpack.i.u.bf16.f32 v41;
	v32 =	vmul.f32 v32, v29;
	[tilespmem:v5+s19+$0x0] =	vst.idx.add.f32.msk $0xffff, v37  }
0x1c1: {  	v34 =	vmul.f32 v34, v29;
	[tilespmem:v1+s18+$0x0] =	vst.idx.add.f32.msk $0xffff, v40  }
0x1c2: {  	[tilespmem:v30+s22+$0x0] =	vst.idx.add.f32.msk $0xffff, v32  }
0x1c3: {  	[tilespmem:v30+s23+$0x0] =	vst.idx.add.f32.msk $0xffff, v34  }
0x1c4: {  	v28 =	vld.idx.msk [tilespmem:v28+s12+$0x0], $0xffff  }
0x1c5: {  	[tilespmem:v1+s19+$0x0] =	vst.idx.add.f32.msk $0xffff, v39  }
0x1c6: {  	[tilespmem:v27+s18+$0x0] =	vst.idx.add.f32.msk $0xffff, v43  }
0x1c7: {  	[tilespmem:v27+s19+$0x0] =	vst.idx.add.f32.msk $0xffff, v42  }
0x1c8: {  	[tilespmem:v10+s18+$0x0] =	vst.idx.add.f32.msk $0xffff, v33  }
0x1c9: {  	[tilespmem:v10+s19+$0x0] =	vst.idx.add.f32.msk $0xffff, v31  }
0x1ca: {  	v32 =	vunpack.i.l.bf16.f32 v28;
	v31 =	vld.idx.msk [tilespmem:v24+s10+$0x0], $0xffff  }
0x1cb: {  	v28 =	vunpack.i.u.bf16.f32 v28;
	v32 =	vmul.f32 v32, v29;
	v33 =	vld.idx.msk [tilespmem:v11+s10+$0x0], $0xffff  }
0x1cc: {  	v28 =	vmul.f32 v28, v29;
	v34 =	vld.idx.msk [tilespmem:v12+s10+$0x0], $0xffff  }
0x1cd: {  	[tilespmem:v30+s24+$0x0] =	vst.idx.add.f32.msk $0xffff, v32  }
0x1ce: {  	[tilespmem:v30+s25+$0x0] =	vst.idx.add.f32.msk $0xffff, v28  }
0x1cf: {  	v28 =	vld.idx.msk [tilespmem:v13+s10+$0x0], $0xffff  }
0x1d0: {  	v29 =	vunpack.i.u.bf16.f32 v31;
	v30 =	vunpack.i.l.bf16.f32 v31;
	v31 =	vld.idx.msk [tilespmem:v14+s10+$0x0], $0xffff  }
0x1d1: {  	v30 =	vmul.f32 v30, v26;
	v32 =	vunpack.i.u.bf16.f32 v33;
	v33 =	vunpack.i.l.bf16.f32 v33;
	v35 =	vld.idx.msk [tilespmem:v15+s10+$0x0], $0xffff  }
0x1d2: {  	v29 =	vmul.f32 v29, v26;
	v36 =	vunpack.i.u.bf16.f32 v34;
	v34 =	vunpack.i.l.bf16.f32 v34;
	v37 =	vld.idx.msk [tilespmem:v16+s10+$0x0], $0xffff  }
0x1d3: {  	v32 =	vmul.f32 v32, v25;
	[tilespmem:v9+s20+$0x0] =	vst.idx.add.f32.msk $0xffff, v30;
	v30 =	vmul.f32 v33, v25  }
0x1d4: {  	v33 =	vmul.f32 v36, v23;
	[tilespmem:v9+s21+$0x0] =	vst.idx.add.f32.msk $0xffff, v29;
	v29 =	vmul.f32 v34, v23  }
0x1d5: {  	[tilespmem:v8+s20+$0x0] =	vst.idx.add.f32.msk $0xffff, v30;
	v30 =	vunpack.i.u.bf16.f32 v28;
	v28 =	vunpack.i.l.bf16.f32 v28  }
0x1d6: {  	[tilespmem:v8+s21+$0x0] =	vst.idx.add.f32.msk $0xffff, v32;
	v28 =	vmul.f32 v28, v22;
	v32 =	vunpack.i.u.bf16.f32 v31;
	v31 =	vunpack.i.l.bf16.f32 v31  }
0x1d7: {  	v34 =	vunpack.i.l.bf16.f32 v35;
	[tilespmem:v7+s20+$0x0] =	vst.idx.add.f32.msk $0xffff, v29;
	v29 =	vmul.f32 v30, v22;
	v30 =	vunpack.i.u.bf16.f32 v35  }
0x1d8: {  	v31 =	vmul.f32 v31, v19;
	v35 =	vunpack.i.l.bf16.f32 v37;
	[tilespmem:v7+s21+$0x0] =	vst.idx.add.f32.msk $0xffff, v33;
	v33 =	vunpack.i.u.bf16.f32 v37  }
0x1d9: {  	[tilespmem:v5+s20+$0x0] =	vst.idx.add.f32.msk $0xffff, v28;
	v28 =	vmul.f32 v32, v19;
	v32 =	vmul.f32 v34, v20  }
0x1da: {  	[tilespmem:v5+s21+$0x0] =	vst.idx.add.f32.msk $0xffff, v29;
	v29 =	vmul.f32 v30, v20;
	v30 =	vmul.f32 v35, v21  }
0x1db: {  	[tilespmem:v1+s20+$0x0] =	vst.idx.add.f32.msk $0xffff, v31;
	v31 =	vmul.f32 v33, v21  }
0x1dc: {  	[tilespmem:v1+s21+$0x0] =	vst.idx.add.f32.msk $0xffff, v28  }
0x1dd: {  	[tilespmem:v27+s20+$0x0] =	vst.idx.add.f32.msk $0xffff, v32  }
0x1de: {  	[tilespmem:v27+s21+$0x0] =	vst.idx.add.f32.msk $0xffff, v29  }
0x1df: {  	[tilespmem:v10+s20+$0x0] =	vst.idx.add.f32.msk $0xffff, v30  }
0x1e0: {  	[tilespmem:v10+s21+$0x0] =	vst.idx.add.f32.msk $0xffff, v31  }
0x1e1: {  	v28 =	vld.idx.msk [tilespmem:v24+s11+$0x0], $0xffff  }
0x1e2: {  	v29 =	vld.idx.msk [tilespmem:v11+s11+$0x0], $0xffff  }
0x1e3: {  	v30 =	vld.idx.msk [tilespmem:v12+s11+$0x0], $0xffff  }
0x1e4: {  	v31 =	vld.idx.msk [tilespmem:v13+s11+$0x0], $0xffff  }
0x1e5: {  	v32 =	vld.idx.msk [tilespmem:v14+s11+$0x0], $0xffff  }
0x1e6: {  	v33 =	vld.idx.msk [tilespmem:v15+s11+$0x0], $0xffff  }
0x1e7: {  	v34 =	vunpack.i.u.bf16.f32 v28;
	v28 =	vunpack.i.l.bf16.f32 v28;
	v35 =	vld.idx.msk [tilespmem:v16+s11+$0x0], $0xffff  }
0x1e8: {  	v28 =	vmul.f32 v28, v26;
	v36 =	vunpack.i.u.bf16.f32 v29;
	v29 =	vunpack.i.l.bf16.f32 v29;
	[tilespmem:v2+s24+$0x0] =	vst.idx.add.f32.msk $0xffff, v18  }
0x1e9: {  	v18 =	vmul.f32 v34, v26;
	v34 =	vunpack.i.u.bf16.f32 v30;
	v30 =	vunpack.i.l.bf16.f32 v30;
	[tilespmem:v2+s25+$0x0] =	vst.idx.add.f32.msk $0xffff, v17;
	v2 =	vmovc v27  }
0x1ea: {  	v17 =	vmul.f32 v29, v25;
	v27 =	vunpack.i.u.bf16.f32 v31;
	[tilespmem:v9+s22+$0x0] =	vst.idx.add.f32.msk $0xffff, v28;
	v28 =	vunpack.i.l.bf16.f32 v31  }
0x1eb: {  	v29 =	vunpack.i.u.bf16.f32 v32;
	v31 =	vunpack.i.l.bf16.f32 v32;
	[tilespmem:v9+s23+$0x0] =	vst.idx.add.f32.msk $0xffff, v18;
	v18 =	vmul.f32 v36, v25  }
0x1ec: {  	v32 =	vunpack.i.l.bf16.f32 v33;
	[tilespmem:v8+s22+$0x0] =	vst.idx.add.f32.msk $0xffff, v17;
	v17 =	vmul.f32 v30, v23;
	v30 =	vunpack.i.u.bf16.f32 v33  }
0x1ed: {  	v33 =	vunpack.i.u.bf16.f32 v35;
	[tilespmem:v8+s23+$0x0] =	vst.idx.add.f32.msk $0xffff, v18;
	v18 =	vmul.f32 v34, v23;
	v34 =	vunpack.i.l.bf16.f32 v35  }
0x1ee: {  	v27 =	vmul.f32 v27, v22;
	[tilespmem:v7+s22+$0x0] =	vst.idx.add.f32.msk $0xffff, v17;
	v17 =	vmul.f32 v28, v22  }
0x1ef: {  	v28 =	vmul.f32 v29, v19;
	[tilespmem:v7+s23+$0x0] =	vst.idx.add.f32.msk $0xffff, v18;
	v18 =	vmul.f32 v31, v19  }
0x1f0: {  	v29 =	vmul.f32 v30, v20;
	[tilespmem:v5+s22+$0x0] =	vst.idx.add.f32.msk $0xffff, v17;
	v17 =	vmul.f32 v32, v20  }
0x1f1: {  	v30 =	vmul.f32 v33, v21;
	[tilespmem:v5+s23+$0x0] =	vst.idx.add.f32.msk $0xffff, v27;
	v27 =	vmul.f32 v34, v21  }
0x1f2: {  	[tilespmem:v1+s22+$0x0] =	vst.idx.add.f32.msk $0xffff, v18  }
0x1f3: {  	[tilespmem:v1+s23+$0x0] =	vst.idx.add.f32.msk $0xffff, v28  }
0x1f4: {  	[tilespmem:v2+s22+$0x0] =	vst.idx.add.f32.msk $0xffff, v17  }
0x1f5: {  	[tilespmem:v2+s23+$0x0] =	vst.idx.add.f32.msk $0xffff, v29  }
0x1f6: {  	[tilespmem:v10+s22+$0x0] =	vst.idx.add.f32.msk $0xffff, v27  }
0x1f7: {  	[tilespmem:v10+s23+$0x0] =	vst.idx.add.f32.msk $0xffff, v30  }
0x1f8: {  	v17 =	vld.idx.msk [tilespmem:v24+s12+$0x0], $0xffff  }
0x1f9: {  	v11 =	vld.idx.msk [tilespmem:v11+s12+$0x0], $0xffff  }
0x1fa: {  	v12 =	vld.idx.msk [tilespmem:v12+s12+$0x0], $0xffff  }
0x1fb: {  	v13 =	vld.idx.msk [tilespmem:v13+s12+$0x0], $0xffff  }
0x1fc: {  	v14 =	vld.idx.msk [tilespmem:v14+s12+$0x0], $0xffff  }
0x1fd: {  	v15 =	vld.idx.msk [tilespmem:v15+s12+$0x0], $0xffff  }
0x1fe: {  	v18 =	vunpack.i.u.bf16.f32 v17;
	v17 =	vunpack.i.l.bf16.f32 v17;
	v16 =	vld.idx.msk [tilespmem:v16+s12+$0x0], $0xffff  }
0x1ff: {  	v17 =	vmul.f32 v17, v26;
	v24 =	vunpack.i.u.bf16.f32 v11;
	v11 =	vunpack.i.l.bf16.f32 v11;
	[tilespmem:v3+s24+$0x0] =	vst.idx.add.f32.msk $0xffff, v6  }
0x200: {  	v6 =	vmul.f32 v18, v26;
	v18 =	vunpack.i.u.bf16.f32 v12;
	v12 =	vunpack.i.l.bf16.f32 v12;
	[tilespmem:v3+s25+$0x0] =	vst.idx.add.f32.msk $0xffff, v4;
	v3 =	vmovc v10  }
0x201: {  	v4 =	vmul.f32 v11, v25;
	v10 =	vunpack.i.u.bf16.f32 v13;
	v11 =	vunpack.i.l.bf16.f32 v13;
	[tilespmem:v9+s24+$0x0] =	vst.idx.add.f32.msk $0xffff, v17  }
0x202: {  	v13 =	vunpack.i.l.bf16.f32 v14;
	[tilespmem:v9+s25+$0x0] =	vst.idx.add.f32.msk $0xffff, v6;
	v6 =	vmul.f32 v24, v25;
	v9 =	vunpack.i.u.bf16.f32 v14  }
0x203: {  	v14 =	vunpack.i.l.bf16.f32 v15;
	[tilespmem:v8+s24+$0x0] =	vst.idx.add.f32.msk $0xffff, v4;
	v4 =	vmul.f32 v12, v23;
	v12 =	vunpack.i.u.bf16.f32 v15  }
.Ltmp2:
0x204: {  	v15 =	vunpack.i.l.bf16.f32 v16;
	[tilespmem:v8+s25+$0x0] =	vst.idx.add.f32.msk $0xffff, v6;
	v6 =	vmul.f32 v18, v23;
	v8 =	vunpack.i.u.bf16.f32 v16;
	(pc) =	sbr.rel @p2 .LBB2_9-.Ltmp2, $4  }
0x205: {  	[tilespmem:v7+s24+$0x0] =	vst.idx.add.f32.msk $0xffff, v4;
	v4 =	vmul.f32 v11, v22;
	v11 =	vmul.f32 v10, v22  }
0x206: {  	v9 =	vmul.f32 v9, v19;
	v10 =	vmul.f32 v13, v19;
	[tilespmem:v7+s25+$0x0] =	vst.idx.add.f32.msk $0xffff, v6  }
0x207: {  	v18 =	vmul.f32 v14, v20;
	v17 =	vmul.f32 v12, v20;
	[tilespmem:v5+s24+$0x0] =	vst.idx.add.f32.msk $0xffff, v4  }
0x208: {  	s8 =	sadd.s32 $0x80, s8;
	v6 =	vmul.f32 v15, v21;
	v4 =	vmul.f32 v8, v21;
	[tilespmem:v5+s25+$0x0] =	vst.idx.add.f32.msk $0xffff, v11  }
0x209: {  	_ =	sdelay $0x3  }
0x20a: {  	[tilespmem:v1+s24+$0x0] =	vst.idx.add.f32.msk $0xffff, v10  }
0x20b: {  	[tilespmem:v2+s24+$0x0] =	vst.idx.add.f32.msk $0xffff, v18  }
0x20c: {  	[tilespmem:v1+s25+$0x0] =	vst.idx.add.f32.msk $0xffff, v9  }
0x20d: {  	[tilespmem:v2+s25+$0x0] =	vst.idx.add.f32.msk $0xffff, v17  }
0x20e: {  	[tilespmem:v3+s24+$0x0] =	vst.idx.add.f32.msk $0xffff, v6  }
0x20f: {  	[tilespmem:v3+s25+$0x0] =	vst.idx.add.f32.msk $0xffff, v4  }
0x210: {  	p2 =	seq.s32 s31, $0x54  }
.Ltmp3:
0x211: {  	_ = 	snop;
	(pc) =	sbr.rel @!p2 .LBB2_6-.Ltmp3, $1  }
0x212: {  	_ =	sdelay $0x3  }
0x213: {  	s0 =	smul.u32 $0x4E2, s29;
	_ =	sdelay $0x1  }
0x214: {  	s2 =	smul.u32 $0x2710, s29;
	s0 =	sadd.s32 s7, s0  }
0x215: {  	[hbm4b:s0+s1] =	stream.linear.scatter [tilespmem:s18], [sflag:$0x3], $0x2710, $0x38;
	[tilespmem:$0x1F580] =	vst v63  }
0x216: {  	s30 =	sshrl.u32 s2, $0x3;
	_ =	swait.ge [sflag:s9], $0x2710  }
0x217: {  	s0 =	sadd.s32 s7, s30;
	[sflag:s9] =	ssyncset.done $0x0  }
0x218: {  	s31 =	sadd.s32 $0x4E2, s0;
	[sflag:s9] =	ssyncadd.s32 $0xFFFFD8F0  }
0x219: {  	[hbm4b:s31+s1] =	stream.linear.scatter [tilespmem:s19], [sflag:$0x3], $0x2710, $0x38;
	[tilespmem:$0x1F580] =	vst v63  }
0x21a: {  	_ =	swait.ge [sflag:s9], $0x2710  }
0x21b: {  	[sflag:s9] =	ssyncset.done $0x0  }
0x21c: {  	s8 =	sadd.s32 $0x9C4, s0;
	[sflag:s9] =	ssyncadd.s32 $0xFFFFD8F0  }
0x21d: {  	[hbm4b:s8+s1] =	stream.linear.scatter [tilespmem:s20], [sflag:$0x3], $0x2710, $0x38;
	[tilespmem:$0x1F580] =	vst v63  }
0x21e: {  	_ =	swait.ge [sflag:s9], $0x2710  }
0x21f: {  	[sflag:s9] =	ssyncset.done $0x0  }
0x220: {  	s28 =	sadd.s32 $0xEA6, s0;
	[sflag:s9] =	ssyncadd.s32 $0xFFFFD8F0  }
0x221: {  	[hbm4b:s28+s1] =	stream.linear.scatter [tilespmem:s21], [sflag:$0x3], $0x2710, $0x38;
	[tilespmem:$0x1F580] =	vst v63  }
0x222: {  	_ =	swait.ge [sflag:s9], $0x2710  }
0x223: {  	[sflag:s9] =	ssyncset.done $0x0  }
0x224: {  	s29 =	sadd.s32 $0x1388, s0;
	[sflag:s9] =	ssyncadd.s32 $0xFFFFD8F0  }
0x225: {  	[hbm4b:s29+s1] =	stream.linear.scatter [tilespmem:s22], [sflag:$0x3], $0x2710, $0x38;
	[tilespmem:$0x1F580] =	vst v63  }
0x226: {  	_ =	swait.ge [sflag:s9], $0x2710  }
0x227: {  	[sflag:s9] =	ssyncset.done $0x0  }
0x228: {  	s30 =	sadd.s32 $0x186A, s0;
	[sflag:s9] =	ssyncadd.s32 $0xFFFFD8F0  }
0x229: {  	[hbm4b:s30+s1] =	stream.linear.scatter [tilespmem:s23], [sflag:$0x3], $0x2710, $0x38;
	[tilespmem:$0x1F580] =	vst v63  }
0x22a: {  	_ =	swait.ge [sflag:s9], $0x2710  }
0x22b: {  	[sflag:s9] =	ssyncset.done $0x0  }
0x22c: {  	s31 =	sadd.s32 $0x1D4C, s0;
	[sflag:s9] =	ssyncadd.s32 $0xFFFFD8F0  }
0x22d: {  	[hbm4b:s31+s1] =	stream.linear.scatter [tilespmem:s24], [sflag:$0x3], $0x2710, $0x38;
	[tilespmem:$0x1F580] =	vst v63  }
0x22e: {  	_ =	swait.ge [sflag:s9], $0x2710  }
0x22f: {  	[sflag:s9] =	ssyncset.done $0x0  }
.Ltmp4:
0x230: {  	s0 =	sadd.s32 $0x222E, s0;
	[sflag:s9] =	ssyncadd.s32 $0xFFFFD8F0;
	(pc) =	sbr.rel @p1 .LBB2_2-.Ltmp4, $4  }
0x231: {  	[hbm4b:s0+s1] =	stream.linear.scatter [tilespmem:s25], [sflag:$0x3], $0x2710, $0x38;
	[tilespmem:$0x1F580] =	vst v63  }
0x232: {  	_ =	swait.ge [sflag:s9], $0x2710  }
0x233: {  	[sflag:s9] =	ssyncset.done $0x0  }
0x234: {  	p2 =	por $0x0, $0x0;
	s0 =	simm.s32 $0x100;
	[sflag:s9] =	ssyncadd.s32 $0xFFFFD8F0  }
0x235: {  	s2 =	rddreg [dreg:$0x3]  }
0x236: {  	s0 =	rddreg [dreg:$0x2];
	s2 =	sadd.s32 $0x1, s2  }
0x237: {  	p1 =	sne.s32 s2, s0  }
.Ltmp5:
0x238: {  	_ = 	snop;
	(pc) =	sbr.rel @p1 .LBB2_1-.Ltmp5, $1  }
0x239: {  	_ =	sdelay $0x3  }
0x23a: {  	_ =	sfence.sel $0x180000  }
0x23b: {  	[bflag:$0x0] =	sbarrier.arrive $0xFFFF  }
0x23c: {  	_ =	strace $0x9000004A  }
0x23d: {  	s0 =	stileid.u32;
	[bflag:$0x2] =	sbarrier.arrive $0xFFFF  }
0x23e: {  	p0 =	sne.s32 s0, $0x0;
	s0 =	rddreg [dreg:$0x1]  }
0x23f: {  	s0 =	sadd.s32 @!p0 $0x100000, s0  }
0x240: {  	[sflag:s0] =	ssyncadd.tile.s32 @!p0 $0x1;
	_ =	shalt  }
.Lfunc_end2:
_tile_overlayer_lowered:
.L_overlay_start_2:
0x241: {  	(tag) =	ssettag $0x2  }
0x242: {  	s0 =	rddreg [dreg:$0x0];
	s2 =	stileid.u32  }
0x243: {  	s1 =	rddreg [dreg:$0x1];
	p0 =	sne.s32 s2, $0x0  }
0x244: {  	s3 =	rddreg [dreg:$0x2];
	[bflag:$0x3] =	sbarrier.arrive $0xFFFF;
	s2 =	simm.s32 @!p0 $0x1C03  }
0x245: {  	[timem:s3], [sflag:s2] =	dma.local @!p0 [hbm:s0], s1  }
0x246: {  	s0 =	simm.s32 @!p0 $0x3  }
0x247: {  	_ =	swait.ge @!p0 [sflag:s0], s1  }
0x248: {  	s1 =	ssub.s32 @!p0 $0x0, s1;
	[sflag:s0] =	ssyncset.done @!p0 $0x0  }
0x249: {  	[sflag:s0] =	ssyncadd.s32 @!p0 s1  }
0x24a: {  	[bflag:$0x3] =	sbarrier.arrive $0xFFFF  }
0x24b: {  	_ =	shalt  }

// kernel: kernel.15.cloned.1.call-start
scs
__scs_entry_jumppad:
0x0: {  	(pc) =	sbr.rel $0x88, $3  }
0x1: {  	(tag) =	ssettag $0x0;
	lr =	simm.s32 $0x1  }
0x2: {  	[smem:$0x3F92] =	sst lr;
	_ =	strace $0xD0000000  }
0x3: {  	_ = 	snop  }
0x4: {  	_ = 	snop  }
0x5: {  	_ = 	snop  }
0x6: {  	_ = 	snop  }
0x7: {  	_ = 	snop  }
__scs_overlays_trampoline_lowered:
0x8: {  	[smem:$0x3FA1] =	sst s0  }
0x9: {  	[smem:$0x3FA2] =	sst s1  }
0xa: {  	[smem:$0x3FA3] =	sst s2  }
0xb: {  	[smem:$0x3FA4] =	sst s3  }
0xc: {  	[smem:$0x3FA5] =	sst s4  }
0xd: {  	[smem:$0x3FA6] =	sst s5  }
0xe: {  	[smem:$0x3FA7] =	sst s6  }
0xf: {  	[smem:$0x3FA8] =	sst s7  }
0x10: {  	[smem:$0x3FA9] =	sst s8  }
0x11: {  	[smem:$0x3FAA] =	sst s9;
	s0 =	simm.s32 @!p0 $0x0  }
0x12: {  	s1 =	sld [smem:$0x3F90];
	s0 =	simm.s32 @p0 $0x1  }
0x13: {  	[smem:$0x3FAB] =	sst s0;
	s0 =	simm.s32 @!p1 $0x0  }
0x14: {  	s2 =	sld [smem:$0x3F8F];
	s0 =	simm.s32 @p1 $0x1  }
0x15: {  	[smem:$0x3FAC] =	sst s0;
	s0 =	simm.s32 @!p2 $0x0  }
0x16: {  	s3 =	sld [smem:$0x3FDB];
	s0 =	simm.s32 @p2 $0x1  }
0x17: {  	s4 =	simm.s32 $0x1BF5;
	[smem:$0x3FAE] =	sst s0  }
0x18: {  	s0 =	sld [smem:$0x3F91];
	_ =	swait.ge [sflag:s4], $0x0  }
0x19: {  	s7 =	sld [smem:$0x3F92]  }
0x1a: {  	s8 =	sadd.s32 $0xFFFFE003, lr  }
0x1b: {  	s9 =	sadd.s32 $0xFFFFFEF7, lr;
	s5 =	simm.s32 $0xFFFFFFFF;
	p2 =	slt.u32 s8, $0xFFFFF086  }
0x1c: {  	p1 =	slt.u32 s9, $0xF7A;
	s5 =	simm.s32 @!p2 $0x0  }
0x1d: {  	s5 =	simm.s32 @p1 $0x1;
	p0 =	seq.s32 s7, s2  }
0x1e: {  	s7 =	smul.u32 @!p0 $0xF7A, s2;
	p2 =	seq.s32 @!p0 s5, $0x0  }
0x1f: {  	s9 =	smul.u32 $0xF7A, s1;
	s8 =	simm.s32 @!p0 $0x1BF5;
	p2 =	por !p2, p0  }
0x20: {  	[sflag:s8] =	ssyncset.s32 @!p0 $0xFFFFF086;
	s6 =	sadd.s32 @!p0 s3, s7;
	s7 =	simm.s32 @!p0 $0x108  }
0x21: {  	s3 =	sadd.s32 s3, s9;
	s6 =	sadd.s32 @!p0 $0x88, s6;
	s7 =	simm.s32 @p2 $0x1082  }
0x22: {  	[simem:s7], [sflag:s8] =	dma.local @!p0 [hbm:s6], $0xF7A  }
0x23: {  	s9 =	sor.u32 $0xD0000000, s2;
	s6 =	simm.s32 $0x108;
	_ =	swait.ge @!p0 [sflag:s8], $0x0  }
0x24: {  	s3 =	sadd.s32 $0x88, s3;
	s6 =	simm.s32 @!p1 $0x1082;
	[sflag:s4] =	ssyncset.s32 $0xFFFFF086  }
0x25: {  	[simem:s6], [sflag:s4] =	dma.local [hbm:s3], $0xF7A  }
0x26: {  	[smem:$0x3F92] =	sst s1;
	(tag) =	ssettag s2;
	_ =	strace s9  }
0x27: {  	s1 =	sld [smem:$0x3FA2]  }
0x28: {  	s2 =	sld [smem:$0x3FA3]  }
0x29: {  	s4 =	sld [smem:$0x3FA5]  }
0x2a: {  	p0 =	seq.s32 s5, $0x0;
	s5 =	sld [smem:$0x3FA6]  }
0x2b: {  	s6 =	sld [smem:$0x3FA7]  }
0x2c: {  	s7 =	sld [smem:$0x3FA8]  }
0x2d: {  	s3 =	simm.s32 $0x108;
	s8 =	sld [smem:$0x3FA9]  }
0x2e: {  	s3 =	simm.s32 @!p0 $0x1082;
	s9 =	sld [smem:$0x3FAA]  }
0x2f: {  	lr =	sadd.s32 s0, s3;
	s0 =	sld [smem:$0x3FA1]  }
0x30: {  	s3 =	sld [smem:$0x3FA4]  }
0x31: {  	[smem:$0x3FAD] =	sst s10  }
0x32: {  	s10 =	sld [smem:$0x3FAB];
	_ =	sdelay $0x3  }
0x33: {  	p0 =	seq.s32 s10, $0x1;
	s10 =	sld [smem:$0x3FAD];
	_ =	sdelay $0x3  }
0x34: {  	[smem:$0x3FAD] =	sst s10  }
0x35: {  	s10 =	sld [smem:$0x3FAC];
	_ =	sdelay $0x3  }
0x36: {  	p1 =	seq.s32 s10, $0x1;
	s10 =	sld [smem:$0x3FAD];
	_ =	sdelay $0x3  }
0x37: {  	[smem:$0x3FAD] =	sst s10  }
0x38: {  	s10 =	sld [smem:$0x3FAE]  }
0x39: {  	_ = 	snop;
	(pc) =	sbr.ind lr, $3  }
0x3a: {  	_ = 	snop  }
0x3b: {  	_ = 	snop  }
0x3c: {  	p2 =	seq.s32 s10, $0x1;
	s10 =	sld [smem:$0x3FAD]  }
0x3d: {  	_ =	shalt  }
0x3e: {  	_ =	shalt  }
0x3f: {  	_ =	shalt  }
0x40: {  	_ =	shalt  }
0x41: {  	_ =	shalt  }
0x42: {  	_ =	shalt  }
0x43: {  	_ =	shalt  }
0x44: {  	_ =	shalt  }
0x45: {  	_ =	shalt  }
0x46: {  	_ =	shalt  }
0x47: {  	_ =	shalt  }
0x48: {  	_ =	shalt  }
0x49: {  	_ =	shalt  }
0x4a: {  	_ =	shalt  }
0x4b: {  	_ =	shalt  }
0x4c: {  	_ =	shalt  }
0x4d: {  	_ =	shalt  }
0x4e: {  	_ =	shalt  }
0x4f: {  	_ =	shalt  }
0x50: {  	_ =	shalt  }
0x51: {  	_ =	shalt  }
0x52: {  	_ =	shalt  }
0x53: {  	_ =	shalt  }
0x54: {  	_ =	shalt  }
0x55: {  	_ =	shalt  }
0x56: {  	_ =	shalt  }
0x57: {  	_ =	shalt  }
0x58: {  	_ =	shalt  }
0x59: {  	_ =	shalt  }
0x5a: {  	_ =	shalt  }
0x5b: {  	_ =	shalt  }
0x5c: {  	_ =	shalt  }
0x5d: {  	_ =	shalt  }
0x5e: {  	_ =	shalt  }
0x5f: {  	_ =	shalt  }
0x60: {  	_ =	shalt  }
0x61: {  	_ =	shalt  }
0x62: {  	_ =	shalt  }
0x63: {  	_ =	shalt  }
0x64: {  	_ =	shalt  }
0x65: {  	_ =	shalt  }
0x66: {  	_ =	shalt  }
0x67: {  	_ =	shalt  }
0x68: {  	_ =	shalt  }
0x69: {  	_ =	shalt  }
0x6a: {  	_ =	shalt  }
0x6b: {  	_ =	shalt  }
0x6c: {  	_ =	shalt  }
0x6d: {  	_ =	shalt  }
0x6e: {  	_ =	shalt  }
0x6f: {  	_ =	shalt  }
0x70: {  	_ =	shalt  }
0x71: {  	_ =	shalt  }
0x72: {  	_ =	shalt  }
0x73: {  	_ =	shalt  }
0x74: {  	_ =	shalt  }
0x75: {  	_ =	shalt  }
0x76: {  	_ =	shalt  }
0x77: {  	_ =	shalt  }
0x78: {  	_ =	shalt  }
0x79: {  	_ =	shalt  }
0x7a: {  	_ =	shalt  }
0x7b: {  	_ =	shalt  }
0x7c: {  	_ =	shalt  }
0x7d: {  	_ =	shalt  }
0x7e: {  	_ =	shalt  }
0x7f: {  	_ =	shalt  }
0x80: {  	_ =	shalt  }
0x81: {  	_ =	shalt  }
0x82: {  	_ =	shalt  }
0x83: {  	_ =	shalt  }
0x84: {  	_ =	shalt  }
0x85: {  	_ =	shalt  }
0x86: {  	_ =	shalt  }
0x87: {  	_ =	shalt  }
.Lfunc_end0:
.L_simem_size_0:
called_computation.2_lowered:
.L_overlay_start_0:
0x88: {  	s2 =	sld [smem:$0x3FD9]  }
0x89: {  	s3 =	sld [smem:$0x3FFE];
	_ =	sdelay $0x1  }
0x8a: {  	s1 =	srdreg.scid  }
0x8b: {  	s0 =	sand.u32 $0x1, s1  }
0x8c: {  	s16 =	sshll.u32 s0, $0xA;
	s2 =	sadd.s32 s3, s2  }
0x8d: {  	s2 =	sadd.s32 s2, s16  }
0x8e: {  	[smem:$0x3FB9] =	sst s2  }
0x8f: {  	_ = 	snop  }
0x90: {  	(tm) =	ssettm $0x1  }
0x91: {  	s17 =	sld [smem:$0x3FFB];
	_ =	sdelay $0x3  }
0x92: {  	_ =	strace s17  }
0x93: {  	s2 =	sld [smem:$0x3FFC];
	_ =	sdelay $0x3  }
0x94: {  	_ =	strace s2  }
0x95: {  	s2 =	sld [smem:$0x3FFD];
	_ =	sdelay $0x3  }
0x96: {  	_ =	strace s2  }
0x97: {  	_ =	strace $0x8FFFFFFF  }
0x98: {  	s18 =	sld [smem:$0x3FDB];
	_ =	sdelay $0x1  }
0x99: {  	s19 =	simm.s32 $_scs_section_size  }
0x9a: {  	s4 =	simm.s32 $_size__tile_overlayer_lowered;
	s5 =	simm.s32 $_tile_overlayer_lowered  }
0x9b: {  	s22 =	simm.s32 $0x1BFF;
	s21 =	sshll.u32 s5, $0x1;
	s2 =	sadd.s32 s19, s18  }
0x9c: {  	s6 =	simm.s32 $0x0;
	s20 =	sshll.u32 s4, $0x1;
	s4 =	sadd.s32 s21, s2  }
0x9d: {  	[timem:s6], [sflag:s22] =	dma.local [hbm:s4], s20  }
0x9e: {  	_ =	swait.ge [sflag:s22], s20  }
0x9f: {  	s3 =	ssub.s32 $0x0, s20;
	[sflag:s22] =	ssyncset.done $0x0  }
0xa0: {  	[sflag:s22] =	ssyncadd.s32 s3;
	_ =	sdelay $0x1  }
0xa1: {  	s23 =	simm.s32 $0x1B8B  }
0xa2: {  	_ =	swait.ge [sflag:s23], $0x1  }
0xa3: {  	[sflag:s23] =	ssyncset.done $0x0  }
0xa4: {  	s25 =	simm.s32 $0x1B8E;
	s24 =	sld [smem:$0x3FFE];
	[sflag:s23] =	ssyncadd.s32 $0xFFFFFFFF  }
0xa5: {  	s26 =	simm.s32 $execute0_lowered;
	[smem:$0x3FD2] =	sst s25  }
0xa6: {  	s4 =	sshll.u32 s26, $0x1;
	_ =	strace $0x8000004C;
	[dreg:$0x1] =	wrdreg $0xFFFFFFFF  }
0xa7: {  	s28 =	simm.s32 $_size_execute0_lowered;
	s2 =	sadd.s32 s2, s4;
	[dreg:$0x0] =	wrdreg $0x0  }
0xa8: {  	s4 =	sshll.u32 s28, $0x1;
	[dreg:$0x2] =	wrdreg s2  }
0xa9: {  	[dreg:$0x3] =	wrdreg s4  }
0xaa: {  	[dreg:$0x4] =	wrdreg $0xC0  }
0xab: {  	_ =	task [dreg:s6], $0x5FFFF  }
0xac: {  	[dreg:$0x1] =	wrdreg $0xFFFFFFFF  }
0xad: {  	[dreg:$0x0] =	wrdreg $0x60  }
0xae: {  	[dreg:$0x2] =	wrdreg s24  }
0xaf: {  	[dreg:$0x3] =	wrdreg $0x9  }
0xb0: {  	_ =	task.clear_ibuf [dreg:s6], $0x4FFFF;
	_ =	strace $0x9000004C  }
0xb1: {  	s29 =	simm.s32 $0x9;
	_ =	strace $0x8000004E  }
0xb2: {  	_ =	swait.ge [sflag:s29], $0x1  }
0xb3: {  	[sflag:s29] =	ssyncadd.s32 $0xFFFFFFFF  }
0xb4: {  	_ =	strace $0x9000004E  }
0xb5: {  	_ =	sfence  }
0xb6: {  	s30 =	sld [smem:$0x0];
	_ =	sdelay $0x2  }
0xb7: {  	s31 =	sshll.u32 s1, $0xD;
	s1 =	sshrl.u32 s1, $0x2  }
0xb8: {  	s3 =	sand.u32 $0x4000, s31;
	s1 =	sadd.s32 s1, s30  }
0xb9: {  	s0 =	sor.u32 s3, s0;
	s1 =	sshll.u32 s1, $0x11  }
0xba: {  	s0 =	sor.u32 s1, s0  }
0xbb: {  	s0 =	sadd.s32 $0x8F2B, s0  }
0xbc: {  	[sflag:s0] =	ssyncadd.remote.s32 $0x1  }
0xbd: {  	_ =	sfence.sel $0xFFFF  }
0xbe: {  	[dreg:$0x0] =	wrdreg $0xFFFFFFFF;
	(pc) =	sbr.abs _section_cstart, $3  }
0xbf: {  	[dreg:$0x1] =	wrdreg $0xFFFFFFFF  }
0xc0: {  	_ =	task.clear_ibuf [dreg:s6], $0x2FFFF;
	_ =	strace $0x9FFFFFFF  }
0xc1: {  	(tm) =	ssettm $0x7FFFFFFF  }
tec
execute0_lowered:
.L_overlay_start_1:
0x0: {  	(tag) =	ssettag $0x1  }
0x1: {  	s6 =	rddreg [dreg:$0x0]  }
0x2: {  	s0 =	rddreg [dreg:$0x1];
	s2 =	simm.s32 $0x0;
	s3 =	srdreg.scid  }
0x3: {  	s1 =	stileid.u32;
	s11 =	simm.s32 $0x2720;
	s12 =	simm.s32 $0x7560  }
0x4: {  	s13 =	simm.s32 $0x4E40;
	s14 =	simm.s32 $0x7FE0;
	s15 =	simm.s32 $0x0  }
0x5: {  	[smem:$0x7FF] =	sst s2;
	s4 =	sand.u32 $0x1, s3;
	s31 =	sshll.u32 s1, $0x1  }
0x6: {  	s3 =	sadd.s32 $0x75800, s6;
	s5 =	sadd.s32 $0x80000, s6;
	s7 =	sor.u32 s4, s31  }
0x7: {  	_ =	strace $0x8000004D;
	s9 =	ssub.s32 $0x2, s4;
	s8 =	smul.u32 $0x4E4, s7  }
0x8: {  	s4 =	sadd.s32 $0xA6200, s6;
	s10 =	sshrl.u32 s9, $0x1;
	s7 =	smul.u32 $0x2A00, s7  }
0x9: {  	s9 =	ssub.s32 s9, s10;
	s10 =	simm.s32 $0x1;
	s8 =	sadd.s32 s8, s6  }
0xa: {  	v0 =	vimm.f32 $-3.000000000e+01;
	v1 =	vimm.f32 $0.0e+00;
	s6 =	sadd.s32 $0x75CE2, s6;
	s9 =	smax.u32 s9, $0x1;
	s8 =	sadd.s32 $0x76200, s8  }
.LBB2_1:
0xb: {  	[tilespmem:s2], [sflag:$0x1] =	stream.linear.gather [hbm4b:s3+s2], $0x2710, $0x38;
	[tilespmem:$0x8A60] =	vst v63  }
0xc: {  	_ =	swait.ge [sflag:s10], $0x2710  }
0xd: {  	[sflag:s10] =	ssyncset.done $0x0  }
0xe: {  	[sflag:s10] =	ssyncadd.s32 $0xFFFFD8F0  }
0xf: {  	[tilespmem:s11], [sflag:$0x1] =	stream.linear.gather [hbm4b:s6+s2], $0x2710, $0x38;
	[tilespmem:$0x8A60] =	vst v63  }
0x10: {  	_ =	swait.ge [sflag:s10], $0x2710  }
0x11: {  	[sflag:s10] =	ssyncset.done $0x0  }
0x12: {  	[sflag:s10] =	ssyncadd.s32 $0xFFFFD8F0  }
0x13: {  	s16 =	simm.s32 $0x0;
	[tilespmem:$0x4E30] =	vst v0  }
.LBB2_2:
0x14: {  	p0 =	sne.s32 s16, $0x9C40  }
.Ltmp0:
0x15: {  	_ = 	snop;
	(pc) =	sbr.rel @p0 .LBB2_2-.Ltmp0, $3  }
0x16: {  	_ =	sdelay $0x1  }
0x17: {  	s17 =	sshra.s32 s16, $0x2  }
0x18: {  	s16 =	sadd.s32 $0x40, s16;
	[tilespmem:s17+$0x4E40] =	vst v1  }
0x19: {  	s16 =	simm.s32 $0x0  }
.LBB2_4:
0x1a: {  	s17 =	smul.u32 $0xA80, s16;
	_ =	sdelay $0x1  }
0x1b: {  	s17 =	sadd.s32 s7, s17  }
0x1c: {  	s17 =	sshrl.u32 s17, $0x3  }
0x1d: {  	s18 =	sadd.s32 s4, s17  }
0x1e: {  	[tilespmem:s12], [sflag:$0x1] =	stream.linear.gather [hbm4b:s18+s2], $0xA80, $0x38;
	[tilespmem:$0x8A60] =	vst v63  }
0x1f: {  	_ =	swait.ge [sflag:s10], $0xA80  }
0x20: {  	[sflag:s10] =	ssyncset.done $0x0  }
0x21: {  	s31 =	simm.s32 $0x75A0;
	[sflag:s10] =	ssyncadd.s32 $0xFFFFF580  }
0x22: {  	v2 =	vld [tilespmem:s31+$0x30]  }
0x23: {  	v4 =	vld [tilespmem:s31+$0xFFFFFFD0]  }
0x24: {  	v5 =	vld [tilespmem:s31+$0xFFFFFFE0]  }
0x25: {  	v6 =	vld [tilespmem:s31+$0xFFFFFFF0]  }
0x26: {  	v9 =	vld [tilespmem:s31+$0xFFFFFFC0]  }
0x27: {  	v12 =	vld [tilespmem:s31+$0x0];
	v3 =	vand.u32 $0xFFFF, v2  }
0x28: {  	s19 =	simm.s32 $0x7620;
	v14 =	vld [tilespmem:s31+$0x10];
	v2 =	vshrl.u32 v2, $0x10  }
0x29: {  	v22 =	vld [tilespmem:s19+$0xFFFFFFD0];
	v7 =	vand.u32 $0xFFFF, v4  }
0x2a: {  	v43 =	vld [tilespmem:s19+$0xFFFFFFF0];
	v4 =	vshrl.u32 v4, $0x10  }
0x2b: {  	v44 =	vld [tilespmem:s19+$0x0]  }
0x2c: {  	v13 =	vand.u32 $0xFFFF, v5;
	v3 =	vld.idx.msk [tilespmem:v3+s2+$0x0], $0xffff  }
0x2d: {  	v10 =	vshrl.u32 v5, $0x10;
	v8 =	vld.idx.msk [tilespmem:v2+s11+$0x0], $0xffff  }
0x2e: {  	v5 =	vand.u32 $0xFFFF, v6;
	v7 =	vld.idx.msk [tilespmem:v7+s2+$0x0], $0xffff  }
0x2f: {  	v11 =	vshrl.u32 v6, $0x10;
	v6 =	vld.idx.msk [tilespmem:v4+s11+$0x0], $0xffff  }
0x30: {  	v26 =	vld [tilespmem:s19+$0x20]  }
0x31: {  	v16 =	vand.u32 $0xFFFF, v9;
	v15 =	vshrl.u32 v9, $0x10;
	v9 =	vld.idx.msk [tilespmem:v13+s2+$0x0], $0xffff  }
0x32: {  	v19 =	vld.idx.msk [tilespmem:v10+s11+$0x0], $0xffff;
	v3 =	vadd.f32 v8, v3  }
0x33: {  	v5 =	vld.idx.msk [tilespmem:v5+s2+$0x0], $0xffff  }
0x34: {  	v13 =	vshrl.u32 v14, $0x10;
	v8 =	vld [tilespmem:s31+$0x20];
	v6 =	vadd.f32 v6, v7;
	v17 =	vmul.f32 $2.000000030e-01, v3  }
0x35: {  	v18 =	vand.u32 $0xFFFF, v12;
	v20 =	vld.idx.msk [tilespmem:v11+s11+$0x0], $0xffff;
	vm0 =	vgt.f32 v3, $0.0e+00  }
0x36: {  	v12 =	vshrl.u32 v12, $0x10;
	v7 =	vld.idx.msk [tilespmem:v16+s2+$0x0], $0xffff;
	v21 =	vmul.f32 $2.000000030e-01, v6;
	v3 =	vsel vm0, v3, v17  }
0x37: {  	v16 =	vld.idx.msk [tilespmem:v15+s11+$0x0], $0xffff;
	v17 =	vand.u32 $0xFFFF, v14;
	vm0 =	vgt.f32 v6, $0.0e+00;
	v3 =	vmul.f32 $1.442695020e+00, v3  }
0x38: {  	v46 =	vld [tilespmem:s19+$0xFFFFFFC0];
	v6 =	vsel vm0, v6, v21  }
0x39: {  	v42 =	vld.idx.msk [tilespmem:v13+s11+$0x0], $0xffff;
	v14 =	vshrl.u32 v8, $0x10;
	v6 =	vmul.f32 $1.442695020e+00, v6;
	(erf) = vpow2.f32 v3  }
0x3a: {  	v9 =	vadd.f32 v19, v9;
	v3 =	vand.u32 $0xFFFF, v8;
	v8 =	vld.idx.msk [tilespmem:v18+s2+$0x0], $0xffff  }
0x3b: {  	v25 =	vand.u32 $0xFFFF, v22;
	v18 =	vld.idx.msk [tilespmem:v12+s11+$0x0], $0xffff;
	(erf) = vpow2.f32 v6  }
0x3c: {  	v5 =	vadd.f32 v20, v5;
	v19 =	vmul.f32 $2.000000030e-01, v9;
	v7 =	vadd.f32 v16, v7;
	v17 =	vld.idx.msk [tilespmem:v17+s2+$0x0], $0xffff  }
0x3d: {  	v49 =	vand.u32 $0xFFFF, v46;
	v16 =	vld [tilespmem:s19+$0x30];
	vm0 =	vgt.f32 v9, $0.0e+00  }
0x3e: {  	v20 =	vmul.f32 $2.000000030e-01, v5;
	v9 =	vsel vm0, v9, v19;
	v19 =	vmul.f32 $2.000000030e-01, v7;
	v6 =	vld.idx.msk [tilespmem:v14+s11+$0x0], $0xffff  }
0x3f: {  	v28 =	vand.u32 $0xFFFF, v26;
	vm1 =	vgt.f32 v5, $0.0e+00;
	vm0 =	vgt.f32 v7, $0.0e+00;
	v3 =	vld.idx.msk [tilespmem:v3+s2+$0x0], $0xffff  }
0x40: {  	v48 =	vld.idx.msk [tilespmem:v25+s2+$0x0], $0xffff;
	v5 =	vsel vm1, v5, v20;
	v9 =	vmul.f32 $1.442695020e+00, v9;
	v7 =	vsel vm0, v7, v19  }
0x41: {  	v19 =	vmul.f32 $1.442695020e+00, v5;
	v8 =	vadd.f32 v18, v8;
	v18 =	vld [tilespmem:s19+$0xFFFFFFE0];
	v17 =	vadd.f32 v42, v17  }
0x42: {  	s18 =	simm.s32 $0x8020;
	v53 =	vld.idx.msk [tilespmem:v49+s2+$0x0], $0xffff;
	v45 =	vand.u32 $0xFFFF, v16;
	v5 =	vshrl.u32 v16, $0x10;
	v7 =	vmul.f32 $1.442695020e+00, v7;
	v23 =	vpop (erf)  }
0x43: {  	vm1 =	vgt.f32 v8, $0.0e+00;
	(erf) = vpow2.f32 v9;
	vm0 =	vgt.f32 v17, $0.0e+00;
	v9 =	vld [tilespmem:s19+$0x10];
	[tilespmem:s18+$0x30] =	vst v23  }
0x44: {  	v16 =	vmul.f32 $2.000000030e-01, v17;
	v6 =	vadd.f32 v6, v3;
	v24 =	vpop (erf);
	v3 =	vshrl.u32 v22, $0x10;
	[tilespmem:v2+s13+$0x0] =	vst.idx.add.f32.msk $0xffff, v23  }
0x45: {  	v28 =	vld.idx.msk [tilespmem:v28+s2+$0x0], $0xffff;
	(erf) = vpow2.f32 v19;
	v19 =	vand.u32 $0xFFFF, v43;
	v2 =	vmul.f32 $2.000000030e-01, v8;
	[tilespmem:s18+$0xFFFFFFD0] =	vst v24  }
0x46: {  	v16 =	vsel vm0, v17, v16;
	v17 =	vand.u32 $0xFFFF, v18;
	[tilespmem:v4+s13+$0x0] =	vst.idx.add.f32.msk $0xffff, v24;
	v4 =	vmul.f32 $2.000000030e-01, v6  }
0x47: {  	v47 =	vld.idx.msk [tilespmem:v5+s11+$0x0], $0xffff;
	vm0 =	vgt.f32 v6, $0.0e+00;
	v8 =	vsel vm1, v8, v2;
	v2 =	vshrl.u32 v18, $0x10  }
0x48: {  	v18 =	vld.idx.msk [tilespmem:v45+s2+$0x0], $0xffff;
	v8 =	vmul.f32 $1.442695020e+00, v8;
	v6 =	vsel vm0, v6, v4;
	v4 =	vshrl.u32 v43, $0x10  }
0x49: {  	(erf) = vpow2.f32 v7;
	v16 =	vmul.f32 $1.442695020e+00, v16;
	v52 =	vand.u32 $0xFFFF, v9;
	v50 =	vld.idx.msk [tilespmem:v3+s11+$0x0], $0xffff  }
0x4a: {  	v7 =	vmul.f32 $1.442695020e+00, v6;
	v6 =	vshrl.u32 v46, $0x10;
	v19 =	vld.idx.msk [tilespmem:v19+s2+$0x0], $0xffff;
	(erf) = vpow2.f32 v8  }
0x4b: {  	(erf) = vpow2.f32 v16;
	v16 =	vld.idx.msk [tilespmem:v17+s2+$0x0], $0xffff  }
0x4c: {  	v8 =	vshrl.u32 v9, $0x10;
	v51 =	vld.idx.msk [tilespmem:v2+s11+$0x0], $0xffff  }
0x4d: {  	v9 =	vshrl.u32 v26, $0x10;
	v27 =	vld.idx.msk [tilespmem:v4+s11+$0x0], $0xffff  }
0x4e: {  	v17 =	vand.u32 $0xFFFF, v44;
	v18 =	vadd.f32 v47, v18;
	v54 =	vpop (erf);
	v21 =	vld.idx.msk [tilespmem:v52+s2+$0x0], $0xffff  }
0x4f: {  	(erf) = vpow2.f32 v7;
	v7 =	vshrl.u32 v44, $0x10;
	[tilespmem:s18+$0xFFFFFFE0] =	vst v54;
	v29 =	vld.idx.msk [tilespmem:v6+s11+$0x0], $0xffff  }
0x50: {  	v55 =	vmul.f32 $2.000000030e-01, v18;
	[tilespmem:v10+s13+$0x0] =	vst.idx.add.f32.msk $0xffff, v54  }
0x51: {  	v20 =	vadd.f32 v50, v48;
	vm0 =	vgt.f32 v18, $0.0e+00;
	v58 =	vld.idx.msk [tilespmem:v8+s11+$0x0], $0xffff  }
0x52: {  	v30 =	vpop (erf);
	v60 =	vld.idx.msk [tilespmem:v9+s11+$0x0], $0xffff;
	v18 =	vsel vm0, v18, v55  }
0x53: {  	[tilespmem:s18+$0xFFFFFFF0] =	vst v30;
	v56 =	vpop (erf);
	v17 =	vld.idx.msk [tilespmem:v17+s2+$0x0], $0xffff;
	v33 =	vmul.f32 $2.000000030e-01, v20;
	v16 =	vadd.f32 v51, v16;
	v18 =	vmul.f32 $1.442695020e+00, v18  }
0x54: {  	[tilespmem:s18+$0xFFFFFFC0] =	vst v56;
	vm0 =	vgt.f32 v20, $0.0e+00;
	v31 =	vld.idx.msk [tilespmem:v7+s11+$0x0], $0xffff;
	v19 =	vadd.f32 v27, v19  }
0x55: {  	[tilespmem:v11+s13+$0x0] =	vst.idx.add.f32.msk $0xffff, v30;
	v20 =	vsel vm0, v20, v33;
	vm1 =	vgt.f32 v16, $0.0e+00;
	(erf) = vpow2.f32 v18  }
0x56: {  	[tilespmem:v15+s13+$0x0] =	vst.idx.add.f32.msk $0xffff, v56;
	v32 =	vpop (erf);
	v34 =	vmul.f32 $2.000000030e-01, v16;
	v18 =	vadd.f32 v29, v53;
	v20 =	vmul.f32 $1.442695020e+00, v20  }
0x57: {  	[tilespmem:s18+$0x0] =	vst v32;
	v57 =	vpop (erf);
	vm0 =	vgt.f32 v19, $0.0e+00;
	v61 =	vmul.f32 $2.000000030e-01, v19;
	v10 =	vadd.f32 v58, v21  }
0x58: {  	[tilespmem:s18+$0x10] =	vst v57;
	v16 =	vsel vm1, v16, v34;
	v62 =	vmul.f32 $2.000000030e-01, v18;
	(erf) = vpow2.f32 v20  }
0x59: {  	[tilespmem:v12+s13+$0x0] =	vst.idx.add.f32.msk $0xffff, v32;
	v15 =	vadd.f32 v31, v17;
	v63 =	vmul.f32 $1.442695020e+00, v16;
	v19 =	vsel vm0, v19, v61  }
0x5a: {  	v11 =	vadd.f32 v60, v28;
	v59 =	vpop (erf);
	[tilespmem:v13+s13+$0x0] =	vst.idx.add.f32.msk $0xffff, v57;
	v13 =	vmul.f32 $2.000000030e-01, v10;
	v12 =	vmul.f32 $1.442695020e+00, v19  }
0x5b: {  	vm1 =	vgt.f32 v18, $0.0e+00;
	[tilespmem:s18+$0x20] =	vst v59;
	v16 =	vmul.f32 $2.000000030e-01, v15;
	(erf) = vpow2.f32 v63  }
0x5c: {  	s20 =	simm.s32 $0x76A0;
	s19 =	simm.s32 $0x8;
	v17 =	vsel vm1, v18, v62;
	vm1 =	vgt.f32 v10, $0.0e+00;
	[tilespmem:v14+s13+$0x0] =	vst.idx.add.f32.msk $0xffff, v59;
	vm0 =	vgt.f32 v15, $0.0e+00  }
.LBB2_5:
0x5d: {  	v14 =	vld [tilespmem:s20+$0x30];
	v17 =	vmul.f32 $1.442695020e+00, v17;
	v15 =	vsel vm0, v15, v16;
	(erf) = vpow2.f32 v12  }
0x5e: {  	s18 =	sadd.s32 $0x80, s18;
	v12 =	vld [tilespmem:s20+$0xFFFFFFD0];
	v10 =	vsel vm1, v10, v13;
	vm0 =	vgt.f32 v11, $0.0e+00;
	v13 =	vmul.f32 $2.000000030e-01, v11;
	v16 =	vpop (erf)  }
0x5f: {  	s19 =	sadd.s32 $0x8, s19;
	v15 =	vmul.f32 $1.442695020e+00, v15;
	v18 =	vld [tilespmem:s20+$0xFFFFFFE0];
	v10 =	vmul.f32 $1.442695020e+00, v10;
	[tilespmem:s18+$0x30] =	vst v16  }
0x60: {  	p0 =	slt.u32 s19, $0xA0;
	v11 =	vsel vm0, v11, v13;
	[tilespmem:v5+s13+$0x0] =	vst.idx.add.f32.msk $0xffff, v16;
	(erf) = vpow2.f32 v17  }
0x61: {  	v13 =	vld [tilespmem:s20+$0xFFFFFFF0];
	v11 =	vmul.f32 $1.442695020e+00, v11;
	(erf) = vpow2.f32 v15  }
0x62: {  	v15 =	vld [tilespmem:s20+$0x0];
	v16 =	vand.u32 $0xFFFF, v14;
	v17 =	vpop (erf);
	(erf) = vpow2.f32 v10  }
0x63: {  	v5 =	vshrl.u32 v14, $0x10;
	v10 =	vshrl.u32 v12, $0x10;
	v12 =	vand.u32 $0xFFFF, v12;
	v19 =	vld [tilespmem:s20+$0x10];
	[tilespmem:s18+$0xFFFFFFD0] =	vst v17  }
0x64: {  	v14 =	vshrl.u32 v18, $0x10;
	v18 =	vand.u32 $0xFFFF, v18;
	v20 =	vld [tilespmem:s20+$0x20];
	v21 =	vpop (erf);
	(erf) = vpow2.f32 v11  }
0x65: {  	v11 =	vld [tilespmem:s20+$0xFFFFFFC0];
	[tilespmem:s18+$0xFFFFFFE0] =	vst v21  }
0x66: {  	v22 =	vshrl.u32 v13, $0x10;
	v13 =	vand.u32 $0xFFFF, v13;
	[tilespmem:v3+s13+$0x0] =	vst.idx.add.f32.msk $0xffff, v17;
	v17 =	vpop (erf);
	v3 =	vmov v10  }
0x67: {  	v23 =	vshrl.u32 v15, $0x10;
	v15 =	vand.u32 $0xFFFF, v15;
	v16 =	vld.idx.msk [tilespmem:v16+s2+$0x0], $0xffff;
	[tilespmem:s18+$0xFFFFFFF0] =	vst v17  }
0x68: {  	v24 =	vshrl.u32 v19, $0x10;
	v19 =	vand.u32 $0xFFFF, v19;
	v25 =	vld.idx.msk [tilespmem:v5+s11+$0x0], $0xffff  }
0x69: {  	v12 =	vld.idx.msk [tilespmem:v12+s2+$0x0], $0xffff;
	v26 =	vshrl.u32 v20, $0x10;
	v20 =	vand.u32 $0xFFFF, v20;
	v27 =	vpop (erf)  }
0x6a: {  	v28 =	vshrl.u32 v11, $0x10;
	v11 =	vand.u32 $0xFFFF, v11;
	v10 =	vld.idx.msk [tilespmem:v10+s11+$0x0], $0xffff;
	[tilespmem:s18+$0xFFFFFFC0] =	vst v27;
	v29 =	vpop (erf)  }
0x6b: {  	v18 =	vld.idx.msk [tilespmem:v18+s2+$0x0], $0xffff;
	[tilespmem:s18+$0x0] =	vst v29;
	v30 =	vpop (erf)  }
0x6c: {  	v31 =	vld.idx.msk [tilespmem:v14+s11+$0x0], $0xffff;
	[tilespmem:s18+$0x10] =	vst v30  }
0x6d: {  	v13 =	vld.idx.msk [tilespmem:v13+s2+$0x0], $0xffff;
	v32 =	vpop (erf)  }
0x6e: {  	v16 =	vadd.f32 v25, v16;
	v33 =	vld.idx.msk [tilespmem:v22+s11+$0x0], $0xffff;
	[tilespmem:s18+$0x20] =	vst v32  }
0x6f: {  	v11 =	vld.idx.msk [tilespmem:v11+s2+$0x0], $0xffff  }
0x70: {  	v10 =	vadd.f32 v10, v12;
	v12 =	vmul.f32 $2.000000030e-01, v16;
	v25 =	vld.idx.msk [tilespmem:v28+s11+$0x0], $0xffff  }
0x71: {  	vm0 =	vgt.f32 v16, $0.0e+00;
	v15 =	vld.idx.msk [tilespmem:v15+s2+$0x0], $0xffff  }
0x72: {  	v34 =	vmul.f32 $2.000000030e-01, v10;
	v18 =	vadd.f32 v31, v18;
	v12 =	vsel vm0, v16, v12;
	v31 =	vld.idx.msk [tilespmem:v23+s11+$0x0], $0xffff  }
0x73: {  	vm0 =	vgt.f32 v10, $0.0e+00;
	v12 =	vmul.f32 $1.442695020e+00, v12;
	v19 =	vld.idx.msk [tilespmem:v19+s2+$0x0], $0xffff  }
0x74: {  	vm1 =	vgt.f32 v18, $0.0e+00;
	v16 =	vmul.f32 $2.000000030e-01, v18;
	v13 =	vadd.f32 v33, v13;
	v33 =	vld.idx.msk [tilespmem:v24+s11+$0x0], $0xffff  }
0x75: {  	v10 =	vsel vm0, v10, v34;
	v20 =	vld.idx.msk [tilespmem:v20+s2+$0x0], $0xffff;
	(erf) = vpow2.f32 v12  }
0x76: {  	v11 =	vadd.f32 v25, v11;
	vm0 =	vgt.f32 v13, $0.0e+00;
	v12 =	vmul.f32 $2.000000030e-01, v13;
	v25 =	vld.idx.msk [tilespmem:v26+s11+$0x0], $0xffff  }
0x77: {  	v10 =	vmul.f32 $1.442695020e+00, v10;
	v16 =	vsel vm1, v18, v16;
	[tilespmem:v6+s13+$0x0] =	vst.idx.add.f32.msk $0xffff, v27;
	v6 =	vmov v28  }
.Ltmp1:
0x78: {  	vm1 =	vgt.f32 v11, $0.0e+00;
	v18 =	vmul.f32 $2.000000030e-01, v11;
	v15 =	vadd.f32 v31, v15;
	[tilespmem:v2+s13+$0x0] =	vst.idx.add.f32.msk $0xffff, v21;
	v2 =	vmovc v14;
	(pc) =	sbr.rel @p0 .LBB2_5-.Ltmp1, $4  }
0x79: {  	v12 =	vsel vm0, v13, v12;
	v14 =	vmul.f32 $1.442695020e+00, v16;
	(erf) = vpow2.f32 v10;
	[tilespmem:v4+s13+$0x0] =	vst.idx.add.f32.msk $0xffff, v17;
	v4 =	vmovc v22  }
0x7a: {  	vm0 =	vgt.f32 v15, $0.0e+00;
	v16 =	vmul.f32 $2.000000030e-01, v15;
	v10 =	vadd.f32 v33, v19;
	[tilespmem:v7+s13+$0x0] =	vst.idx.add.f32.msk $0xffff, v29;
	v7 =	vmovc v23  }
0x7b: {  	v12 =	vmul.f32 $1.442695020e+00, v12;
	v17 =	vsel vm1, v11, v18;
	(erf) = vpow2.f32 v14;
	[tilespmem:v8+s13+$0x0] =	vst.idx.add.f32.msk $0xffff, v30;
	v8 =	vmovc v24  }
0x7c: {  	s20 =	sadd.s32 $0x80, s20;
	vm1 =	vgt.f32 v10, $0.0e+00;
	v13 =	vmul.f32 $2.000000030e-01, v10;
	v11 =	vadd.f32 v25, v20;
	[tilespmem:v9+s13+$0x0] =	vst.idx.add.f32.msk $0xffff, v32;
	v9 =	vmovc v26  }
0x7d: {  	v14 =	vmul.f32 $1.442695020e+00, v17;
	v15 =	vsel vm0, v15, v16;
	(erf) = vpow2.f32 v12  }
0x7e: {  	v56 =	vmul.f32 $1.442695020e+00, v15  }
0x7f: {  	v55 =	vmul.f32 $2.000000030e-01, v11;
	v10 =	vsel vm1, v10, v13;
	(erf) = vpow2.f32 v14  }
0x80: {  	s18 =	sadd.s32 $0x80, s18;
	v57 =	vpop (erf);
	v10 =	vmul.f32 $1.442695020e+00, v10;
	(erf) = vpow2.f32 v56  }
0x81: {  	vm15 =	vgt.f32 v11, $0.0e+00;
	[tilespmem:s18+$0x30] =	vst v57  }
0x82: {  	v11 =	vsel vm15, v11, v55;
	[tilespmem:v5+s13+$0x0] =	vst.idx.add.f32.msk $0xffff, v57;
	(erf) = vpow2.f32 v10;
	v58 =	vpop (erf)  }
0x83: {  	v11 =	vmul.f32 $1.442695020e+00, v11;
	[tilespmem:s18+$0xFFFFFFD0] =	vst v58  }
0x84: {  	v59 =	vpop (erf);
	[tilespmem:v3+s13+$0x0] =	vst.idx.add.f32.msk $0xffff, v58  }
0x85: {  	(erf) = vpow2.f32 v11;
	[tilespmem:s18+$0xFFFFFFE0] =	vst v59  }
0x86: {  	v3 =	vpop (erf);
	[tilespmem:v2+s13+$0x0] =	vst.idx.add.f32.msk $0xffff, v59  }
0x87: {  	[tilespmem:s18+$0xFFFFFFF0] =	vst v3  }
0x88: {  	v60 =	vpop (erf);
	[tilespmem:v4+s13+$0x0] =	vst.idx.add.f32.msk $0xffff, v3  }
0x89: {  	[tilespmem:s18+$0xFFFFFFC0] =	vst v60;
	v61 =	vpop (erf)  }
0x8a: {  	[tilespmem:s18+$0x0] =	vst v61  }
0x8b: {  	v62 =	vpop (erf);
	[tilespmem:v6+s13+$0x0] =	vst.idx.add.f32.msk $0xffff, v60  }
0x8c: {  	[tilespmem:s18+$0x10] =	vst v62  }
0x8d: {  	[tilespmem:v7+s13+$0x0] =	vst.idx.add.f32.msk $0xffff, v61  }
0x8e: {  	s16 =	sadd.s32 $0x1, s16;
	v63 =	vpop (erf);
	[tilespmem:v8+s13+$0x0] =	vst.idx.add.f32.msk $0xffff, v62  }
0x8f: {  	p0 =	sne.s32 s16, $0x4;
	[tilespmem:s18+$0x20] =	vst v63  }
.Ltmp2:
0x90: {  	s17 =	sadd.s32 s5, s17;
	[tilespmem:v9+s13+$0x0] =	vst.idx.add.f32.msk $0xffff, v63;
	(pc) =	sbr.rel @p0 .LBB2_4-.Ltmp2, $4  }
0x91: {  	[hbm4b:s17+s2] =	stream.linear.scatter [tilespmem:s14], [sflag:$0x1], $0xA80, $0x38;
	[tilespmem:$0x8A60] =	vst v63  }
0x92: {  	_ =	swait.ge [sflag:s10], $0xA80  }
0x93: {  	[sflag:s10] =	ssyncset.done $0x0  }
0x94: {  	[sflag:s10] =	ssyncadd.s32 $0xFFFFF580  }
0x95: {  	s15 =	sadd.s32 $0x1, s15  }
0x96: {  	p0 =	sne.s32 s15, s9  }
.Ltmp3:
0x97: {  	_ = 	snop;
	(pc) =	sbr.rel @p0 .LBB2_1-.Ltmp3, $4  }
0x98: {  	[hbm4b:s8+s2] =	stream.linear.scatter [tilespmem:s13], [sflag:$0x1], $0x2720, $0x38;
	[tilespmem:$0x8A60] =	vst v63  }
0x99: {  	_ =	swait.ge [sflag:s10], $0x2720  }
0x9a: {  	[sflag:s10] =	ssyncset.done $0x0  }
0x9b: {  	[sflag:s10] =	ssyncadd.s32 $0xFFFFD8E0  }
0x9c: {  	_ =	sfence.sel $0x180000  }
0x9d: {  	[bflag:$0x0] =	sbarrier.arrive $0xFFFF  }
0x9e: {  	p0 =	sne.s32 s1, $0x0;
	_ =	strace $0x9000004D  }
0x9f: {  	s0 =	sadd.s32 @!p0 $0x100000, s0;
	[bflag:$0x2] =	sbarrier.arrive $0xFFFF  }
0xa0: {  	[sflag:s0] =	ssyncadd.tile.s32 @!p0 $0x1;
	_ =	shalt  }
.Lfunc_end2:
_tile_overlayer_lowered:
.L_overlay_start_2:
0xa1: {  	(tag) =	ssettag $0x2  }
0xa2: {  	s0 =	rddreg [dreg:$0x0];
	s2 =	stileid.u32  }
0xa3: {  	s1 =	rddreg [dreg:$0x1];
	p0 =	sne.s32 s2, $0x0  }
0xa4: {  	s3 =	rddreg [dreg:$0x2];
	[bflag:$0x3] =	sbarrier.arrive $0xFFFF;
	s2 =	simm.s32 @!p0 $0x1C01  }
0xa5: {  	[timem:s3], [sflag:s2] =	dma.local @!p0 [hbm:s0], s1  }
0xa6: {  	s0 =	simm.s32 @!p0 $0x1  }
0xa7: {  	_ =	swait.ge @!p0 [sflag:s0], s1  }
0xa8: {  	s1 =	ssub.s32 @!p0 $0x0, s1;
	[sflag:s0] =	ssyncset.done @!p0 $0x0  }
0xa9: {  	[sflag:s0] =	ssyncadd.s32 @!p0 s1  }
0xaa: {  	[bflag:$0x3] =	sbarrier.arrive $0xFFFF  }
0xab: {  	_ =	shalt  }

// kernel: kernel.18.cloned.1.call-start
scs
__scs_entry_jumppad:
0x0: {  	(pc) =	sbr.rel $0x88, $3  }
0x1: {  	(tag) =	ssettag $0x0;
	lr =	simm.s32 $0x1  }
0x2: {  	[smem:$0x3F92] =	sst lr;
	_ =	strace $0xD0000000  }
0x3: {  	_ = 	snop  }
0x4: {  	_ = 	snop  }
0x5: {  	_ = 	snop  }
0x6: {  	_ = 	snop  }
0x7: {  	_ = 	snop  }
__scs_overlays_trampoline_lowered:
0x8: {  	[smem:$0x3FA1] =	sst s0  }
0x9: {  	[smem:$0x3FA2] =	sst s1  }
0xa: {  	[smem:$0x3FA3] =	sst s2  }
0xb: {  	[smem:$0x3FA4] =	sst s3  }
0xc: {  	[smem:$0x3FA5] =	sst s4  }
0xd: {  	[smem:$0x3FA6] =	sst s5  }
0xe: {  	[smem:$0x3FA7] =	sst s6  }
0xf: {  	[smem:$0x3FA8] =	sst s7  }
0x10: {  	[smem:$0x3FA9] =	sst s8  }
0x11: {  	[smem:$0x3FAA] =	sst s9;
	s0 =	simm.s32 @!p0 $0x0  }
0x12: {  	s1 =	sld [smem:$0x3F90];
	s0 =	simm.s32 @p0 $0x1  }
0x13: {  	[smem:$0x3FAB] =	sst s0;
	s0 =	simm.s32 @!p1 $0x0  }
0x14: {  	s2 =	sld [smem:$0x3F8F];
	s0 =	simm.s32 @p1 $0x1  }
0x15: {  	[smem:$0x3FAC] =	sst s0;
	s0 =	simm.s32 @!p2 $0x0  }
0x16: {  	s3 =	sld [smem:$0x3FDB];
	s0 =	simm.s32 @p2 $0x1  }
0x17: {  	s4 =	simm.s32 $0x1BF5;
	[smem:$0x3FAE] =	sst s0  }
0x18: {  	s0 =	sld [smem:$0x3F91];
	_ =	swait.ge [sflag:s4], $0x0  }
0x19: {  	s7 =	sld [smem:$0x3F92]  }
0x1a: {  	s8 =	sadd.s32 $0xFFFFE003, lr  }
0x1b: {  	s9 =	sadd.s32 $0xFFFFFEF7, lr;
	s5 =	simm.s32 $0xFFFFFFFF;
	p2 =	slt.u32 s8, $0xFFFFF086  }
0x1c: {  	p1 =	slt.u32 s9, $0xF7A;
	s5 =	simm.s32 @!p2 $0x0  }
0x1d: {  	s5 =	simm.s32 @p1 $0x1;
	p0 =	seq.s32 s7, s2  }
0x1e: {  	s7 =	smul.u32 @!p0 $0xF7A, s2;
	p2 =	seq.s32 @!p0 s5, $0x0  }
0x1f: {  	s9 =	smul.u32 $0xF7A, s1;
	s8 =	simm.s32 @!p0 $0x1BF5;
	p2 =	por !p2, p0  }
0x20: {  	[sflag:s8] =	ssyncset.s32 @!p0 $0xFFFFF086;
	s6 =	sadd.s32 @!p0 s3, s7;
	s7 =	simm.s32 @!p0 $0x108  }
0x21: {  	s3 =	sadd.s32 s3, s9;
	s6 =	sadd.s32 @!p0 $0x88, s6;
	s7 =	simm.s32 @p2 $0x1082  }
0x22: {  	[simem:s7], [sflag:s8] =	dma.local @!p0 [hbm:s6], $0xF7A  }
0x23: {  	s9 =	sor.u32 $0xD0000000, s2;
	s6 =	simm.s32 $0x108;
	_ =	swait.ge @!p0 [sflag:s8], $0x0  }
0x24: {  	s3 =	sadd.s32 $0x88, s3;
	s6 =	simm.s32 @!p1 $0x1082;
	[sflag:s4] =	ssyncset.s32 $0xFFFFF086  }
0x25: {  	[simem:s6], [sflag:s4] =	dma.local [hbm:s3], $0xF7A  }
0x26: {  	[smem:$0x3F92] =	sst s1;
	(tag) =	ssettag s2;
	_ =	strace s9  }
0x27: {  	s1 =	sld [smem:$0x3FA2]  }
0x28: {  	s2 =	sld [smem:$0x3FA3]  }
0x29: {  	s4 =	sld [smem:$0x3FA5]  }
0x2a: {  	p0 =	seq.s32 s5, $0x0;
	s5 =	sld [smem:$0x3FA6]  }
0x2b: {  	s6 =	sld [smem:$0x3FA7]  }
0x2c: {  	s7 =	sld [smem:$0x3FA8]  }
0x2d: {  	s3 =	simm.s32 $0x108;
	s8 =	sld [smem:$0x3FA9]  }
0x2e: {  	s3 =	simm.s32 @!p0 $0x1082;
	s9 =	sld [smem:$0x3FAA]  }
0x2f: {  	lr =	sadd.s32 s0, s3;
	s0 =	sld [smem:$0x3FA1]  }
0x30: {  	s3 =	sld [smem:$0x3FA4]  }
0x31: {  	[smem:$0x3FAD] =	sst s10  }
0x32: {  	s10 =	sld [smem:$0x3FAB];
	_ =	sdelay $0x3  }
0x33: {  	p0 =	seq.s32 s10, $0x1;
	s10 =	sld [smem:$0x3FAD];
	_ =	sdelay $0x3  }
0x34: {  	[smem:$0x3FAD] =	sst s10  }
0x35: {  	s10 =	sld [smem:$0x3FAC];
	_ =	sdelay $0x3  }
0x36: {  	p1 =	seq.s32 s10, $0x1;
	s10 =	sld [smem:$0x3FAD];
	_ =	sdelay $0x3  }
0x37: {  	[smem:$0x3FAD] =	sst s10  }
0x38: {  	s10 =	sld [smem:$0x3FAE]  }
0x39: {  	_ = 	snop;
	(pc) =	sbr.ind lr, $3  }
0x3a: {  	_ = 	snop  }
0x3b: {  	_ = 	snop  }
0x3c: {  	p2 =	seq.s32 s10, $0x1;
	s10 =	sld [smem:$0x3FAD]  }
0x3d: {  	_ =	shalt  }
0x3e: {  	_ =	shalt  }
0x3f: {  	_ =	shalt  }
0x40: {  	_ =	shalt  }
0x41: {  	_ =	shalt  }
0x42: {  	_ =	shalt  }
0x43: {  	_ =	shalt  }
0x44: {  	_ =	shalt  }
0x45: {  	_ =	shalt  }
0x46: {  	_ =	shalt  }
0x47: {  	_ =	shalt  }
0x48: {  	_ =	shalt  }
0x49: {  	_ =	shalt  }
0x4a: {  	_ =	shalt  }
0x4b: {  	_ =	shalt  }
0x4c: {  	_ =	shalt  }
0x4d: {  	_ =	shalt  }
0x4e: {  	_ =	shalt  }
0x4f: {  	_ =	shalt  }
0x50: {  	_ =	shalt  }
0x51: {  	_ =	shalt  }
0x52: {  	_ =	shalt  }
0x53: {  	_ =	shalt  }
0x54: {  	_ =	shalt  }
0x55: {  	_ =	shalt  }
0x56: {  	_ =	shalt  }
0x57: {  	_ =	shalt  }
0x58: {  	_ =	shalt  }
0x59: {  	_ =	shalt  }
0x5a: {  	_ =	shalt  }
0x5b: {  	_ =	shalt  }
0x5c: {  	_ =	shalt  }
0x5d: {  	_ =	shalt  }
0x5e: {  	_ =	shalt  }
0x5f: {  	_ =	shalt  }
0x60: {  	_ =	shalt  }
0x61: {  	_ =	shalt  }
0x62: {  	_ =	shalt  }
0x63: {  	_ =	shalt  }
0x64: {  	_ =	shalt  }
0x65: {  	_ =	shalt  }
0x66: {  	_ =	shalt  }
0x67: {  	_ =	shalt  }
0x68: {  	_ =	shalt  }
0x69: {  	_ =	shalt  }
0x6a: {  	_ =	shalt  }
0x6b: {  	_ =	shalt  }
0x6c: {  	_ =	shalt  }
0x6d: {  	_ =	shalt  }
0x6e: {  	_ =	shalt  }
0x6f: {  	_ =	shalt  }
0x70: {  	_ =	shalt  }
0x71: {  	_ =	shalt  }
0x72: {  	_ =	shalt  }
0x73: {  	_ =	shalt  }
0x74: {  	_ =	shalt  }
0x75: {  	_ =	shalt  }
0x76: {  	_ =	shalt  }
0x77: {  	_ =	shalt  }
0x78: {  	_ =	shalt  }
0x79: {  	_ =	shalt  }
0x7a: {  	_ =	shalt  }
0x7b: {  	_ =	shalt  }
0x7c: {  	_ =	shalt  }
0x7d: {  	_ =	shalt  }
0x7e: {  	_ =	shalt  }
0x7f: {  	_ =	shalt  }
0x80: {  	_ =	shalt  }
0x81: {  	_ =	shalt  }
0x82: {  	_ =	shalt  }
0x83: {  	_ =	shalt  }
0x84: {  	_ =	shalt  }
0x85: {  	_ =	shalt  }
0x86: {  	_ =	shalt  }
0x87: {  	_ =	shalt  }
.Lfunc_end0:
.L_simem_size_0:
called_computation.3_lowered:
.L_overlay_start_0:
0x88: {  	s2 =	sld [smem:$0x3FD9]  }
0x89: {  	s3 =	sld [smem:$0x3FFE];
	_ =	sdelay $0x1  }
0x8a: {  	s1 =	srdreg.scid  }
0x8b: {  	s0 =	sand.u32 $0x1, s1  }
0x8c: {  	s16 =	sshll.u32 s0, $0xA;
	s2 =	sadd.s32 s3, s2  }
0x8d: {  	s2 =	sadd.s32 s2, s16  }
0x8e: {  	[smem:$0x3FB9] =	sst s2  }
0x8f: {  	_ = 	snop  }
0x90: {  	(tm) =	ssettm $0x1  }
0x91: {  	s17 =	sld [smem:$0x3FFB];
	_ =	sdelay $0x3  }
0x92: {  	_ =	strace s17  }
0x93: {  	s2 =	sld [smem:$0x3FFC];
	_ =	sdelay $0x3  }
0x94: {  	_ =	strace s2  }
0x95: {  	s2 =	sld [smem:$0x3FFD];
	_ =	sdelay $0x3  }
0x96: {  	_ =	strace s2  }
0x97: {  	_ =	strace $0x8FFFFFFF  }
0x98: {  	s18 =	sld [smem:$0x3FDB];
	_ =	sdelay $0x1  }
0x99: {  	s19 =	simm.s32 $_scs_section_size  }
0x9a: {  	s4 =	simm.s32 $_size__tile_overlayer_lowered;
	s5 =	simm.s32 $_tile_overlayer_lowered  }
0x9b: {  	s22 =	simm.s32 $0x1BFF;
	s21 =	sshll.u32 s5, $0x1;
	s2 =	sadd.s32 s19, s18  }
0x9c: {  	s6 =	simm.s32 $0x0;
	s20 =	sshll.u32 s4, $0x1;
	s4 =	sadd.s32 s21, s2  }
0x9d: {  	[timem:s6], [sflag:s22] =	dma.local [hbm:s4], s20  }
0x9e: {  	_ =	swait.ge [sflag:s22], s20  }
0x9f: {  	s3 =	ssub.s32 $0x0, s20;
	[sflag:s22] =	ssyncset.done $0x0  }
0xa0: {  	[sflag:s22] =	ssyncadd.s32 s3;
	_ =	sdelay $0x1  }
0xa1: {  	s23 =	simm.s32 $0x1B8B  }
0xa2: {  	_ =	swait.ge [sflag:s23], $0x1  }
0xa3: {  	[sflag:s23] =	ssyncset.done $0x0  }
0xa4: {  	s25 =	simm.s32 $0x1B8E;
	s24 =	sld [smem:$0x3FFE];
	[sflag:s23] =	ssyncadd.s32 $0xFFFFFFFF  }
0xa5: {  	s26 =	simm.s32 $execute0_lowered;
	[smem:$0x3FD2] =	sst s25  }
0xa6: {  	s4 =	sshll.u32 s26, $0x1;
	_ =	strace $0x8000004F;
	[dreg:$0x1] =	wrdreg $0xFFFFFFFF  }
0xa7: {  	s28 =	simm.s32 $_size_execute0_lowered;
	s2 =	sadd.s32 s2, s4;
	[dreg:$0x0] =	wrdreg $0x0  }
0xa8: {  	s4 =	sshll.u32 s28, $0x1;
	[dreg:$0x2] =	wrdreg s2  }
0xa9: {  	[dreg:$0x3] =	wrdreg s4  }
0xaa: {  	[dreg:$0x4] =	wrdreg $0xC0  }
0xab: {  	_ =	task [dreg:s6], $0x5FFFF  }
0xac: {  	[dreg:$0x1] =	wrdreg $0xFFFFFFFF  }
0xad: {  	[dreg:$0x0] =	wrdreg $0x60  }
0xae: {  	[dreg:$0x2] =	wrdreg s24  }
0xaf: {  	[dreg:$0x3] =	wrdreg $0x9  }
0xb0: {  	_ =	task.clear_ibuf [dreg:s6], $0x4FFFF;
	_ =	strace $0x9000004F  }
0xb1: {  	s29 =	simm.s32 $0x9;
	_ =	strace $0x80000051  }
0xb2: {  	_ =	swait.ge [sflag:s29], $0x1  }
0xb3: {  	[sflag:s29] =	ssyncadd.s32 $0xFFFFFFFF  }
0xb4: {  	_ =	strace $0x90000051  }
0xb5: {  	_ =	sfence  }
0xb6: {  	s30 =	sld [smem:$0x0];
	_ =	sdelay $0x2  }
0xb7: {  	s31 =	sshll.u32 s1, $0xD;
	s1 =	sshrl.u32 s1, $0x2  }
0xb8: {  	s3 =	sand.u32 $0x4000, s31;
	s1 =	sadd.s32 s1, s30  }
0xb9: {  	s0 =	sor.u32 s3, s0;
	s1 =	sshll.u32 s1, $0x11  }
0xba: {  	s0 =	sor.u32 s1, s0  }
0xbb: {  	s0 =	sadd.s32 $0x8F2B, s0  }
0xbc: {  	[sflag:s0] =	ssyncadd.remote.s32 $0x1  }
0xbd: {  	_ =	sfence.sel $0xFFFF  }
0xbe: {  	[dreg:$0x0] =	wrdreg $0xFFFFFFFF;
	(pc) =	sbr.abs _section_cstart, $3  }
0xbf: {  	[dreg:$0x1] =	wrdreg $0xFFFFFFFF  }
0xc0: {  	_ =	task.clear_ibuf [dreg:s6], $0x2FFFF;
	_ =	strace $0x9FFFFFFF  }
0xc1: {  	(tm) =	ssettm $0x7FFFFFFF  }
tec
execute0_lowered:
.L_overlay_start_1:
0x0: {  	(tag) =	ssettag $0x1  }
0x1: {  	s1 =	srdreg.scid;
	s0 =	stileid.u32  }
0x2: {  	s6 =	rddreg [dreg:$0x0];
	s13 =	simm.s32 $0xA560;
	s14 =	simm.s32 $0x1  }
0x3: {  	s15 =	simm.s32 $0x2720;
	s16 =	simm.s32 $0x4E40;
	s17 =	simm.s32 $0x2  }
0x4: {  	s18 =	simm.s32 $0x0;
	s4 =	sand.u32 $0x1, s1;
	s30 =	sshll.u32 s0, $0x2  }
0x5: {  	s1 =	rddreg [dreg:$0x1];
	s12 =	sadd.s32 $0x3200, s6;
	s2 =	sshll.u32 s4, $0x1  }
0x6: {  	s8 =	ssub.s32 $0x2, s4;
	s4 =	sadd.s32 $0x80000, s6;
	s5 =	sor.u32 s2, s30  }
0x7: {  	s2 =	simm.s32 $0x0;
	s10 =	sshrl.u32 s8, $0x1;
	s9 =	smul.u32 $0x2710, s5  }
0x8: {  	s3 =	sshrl.u32 s5, $0x1;
	[smem:$0x7FF] =	sst s2;
	s11 =	smul.u32 $0x4E2, s5  }
0x9: {  	s8 =	ssub.s32 s8, s10;
	s10 =	simm.s32 $0x7560;
	s3 =	smul.u32 $0x4E2, s3  }
0xa: {  	_ =	strace $0x80000050;
	s8 =	smax.u32 s8, $0x1;
	s9 =	sshrl.u32 s9, $0x3  }
0xb: {  	s7 =	sadd.s32 s3, s6;
	s3 =	sadd.s32 $0xA6200, s6;
	s6 =	sadd.s32 s12, s11  }
0xc: {  	s31 =	sadd.s32 s12, s9;
	s9 =	simm.s32 $0x3;
	s11 =	simm.s32 $0x8560  }
0xd: {  	v0 =	vimm.f32 $0.0e+00;
	s12 =	simm.s32 $0x9560;
	s5 =	sadd.s32 $0x8A800, s7;
	s7 =	sadd.s32 $0x4E2, s31  }
.LBB2_1:
0xe: {  	[tilespmem:s2], [sflag:$0x3] =	stream.linear.gather [hbm4b:s5+s2], $0x2710, $0x38;
	[tilespmem:$0xB560] =	vst v63  }
0xf: {  	_ =	swait.ge [sflag:s9], $0x2710  }
0x10: {  	[sflag:s9] =	ssyncset.done $0x0  }
0x11: {  	s19 =	simm.s32 $0x40;
	s20 =	simm.s32 $0x0;
	[sflag:s9] =	ssyncadd.s32 $0xFFFFD8F0  }
.LBB2_2:
0x12: {  	p0 =	sne.s32 s19, $0x9C40;
	[tilespmem:s20+$0x2720] =	vst v0;
	s21 =	smov.u32 s19;
	s19 =	sadd.s32 $0x40, s19  }
.Ltmp0:
0x13: {  	[tilespmem:s20+$0x4E40] =	vst v0;
	(pc) =	sbr.rel @p0 .LBB2_2-.Ltmp0, $2  }
0x14: {  	_ =	sdelay $0x2  }
0x15: {  	s20 =	sshra.s32 s21, $0x2  }
0x16: {  	[tilespmem:s20+$0x2720] =	vst v0  }
0x17: {  	[tilespmem:s20+$0x4E40] =	vst v0;
	s19 =	simm.s32 $0x0  }
0x18: {  	[tilespmem:s10], [sflag:$0x1] =	stream.linear.gather [hbm4b:s3+s19], $0x1000, $0x38;
	[tilespmem:$0xB560] =	vst v63  }
0x19: {  	_ = 	snop  }
0x1a: {  	[tilespmem:s11], [sflag:$0x1] =	stream.linear.gather [hbm4b:s4+s19], $0x1000, $0x38;
	[tilespmem:$0xB560] =	vst v63  }
.LBB2_5:
0x1b: {  	s20 =	sshll.u32 s19, $0xA  }
0x1c: {  	s21 =	sor.u32 $0x200, s20  }
0x1d: {  	s22 =	sadd.s32 s3, s21  }
0x1e: {  	[tilespmem:s12], [sflag:$0x2] =	stream.linear.gather [hbm4b:s22+s2], $0x1000, $0x38;
	[tilespmem:$0xB560] =	vst v63  }
0x1f: {  	s21 =	sadd.s32 s4, s21  }
0x20: {  	[tilespmem:s13], [sflag:$0x2] =	stream.linear.gather [hbm4b:s21+s2], $0x1000, $0x38;
	[tilespmem:$0xB560] =	vst v63  }
0x21: {  	_ =	swait.ge [sflag:s14], $0x1000  }
0x22: {  	[sflag:s14] =	ssyncset.done $0x0  }
0x23: {  	[sflag:s14] =	ssyncadd.s32 $0xFFFFF000  }
0x24: {  	_ =	swait.ge [sflag:s14], $0x1000  }
0x25: {  	[sflag:s14] =	ssyncset.done $0x0  }
0x26: {  	s31 =	simm.s32 $0x75A0;
	[sflag:s14] =	ssyncadd.s32 $0xFFFFF000  }
0x27: {  	v1 =	vld [tilespmem:s31+$0x30]  }
0x28: {  	v2 =	vld [tilespmem:s31+$0xFFFFFFD0]  }
0x29: {  	v3 =	vld [tilespmem:s31+$0xFFFFFFE0]  }
0x2a: {  	v4 =	vld [tilespmem:s31+$0xFFFFFFF0]  }
0x2b: {  	v5 =	vld [tilespmem:s31+$0x0]  }
0x2c: {  	v7 =	vld [tilespmem:s31+$0x10]  }
0x2d: {  	v9 =	vld [tilespmem:s31+$0xFFFFFFC0]  }
0x2e: {  	s21 =	simm.s32 $0x85A0;
	v10 =	vld [tilespmem:s31+$0x20]  }
0x2f: {  	v16 =	vld [tilespmem:s21+$0x30];
	v6 =	vand.u32 $0xFFFF, v1  }
0x30: {  	v53 =	vld [tilespmem:s21+$0xFFFFFFD0]  }
0x31: {  	v54 =	vld [tilespmem:s21+$0xFFFFFFE0]  }
0x32: {  	v55 =	vld [tilespmem:s21+$0xFFFFFFF0];
	v8 =	vand.u32 $0xFFFF, v2  }
0x33: {  	v20 =	vld [tilespmem:s21+$0x0];
	v11 =	vand.u32 $0xFFFF, v3  }
0x34: {  	v12 =	vand.u32 $0xFFFF, v4;
	v6 =	vld.idx.msk [tilespmem:v6+s2+$0x0], $0xffff  }
0x35: {  	v21 =	vld [tilespmem:s21+$0x10];
	v13 =	vand.u32 $0xFFFF, v5  }
0x36: {  	v56 =	vld [tilespmem:s21+$0x20];
	v15 =	vand.u32 $0xFFFF, v9  }
0x37: {  	v1 =	vshrl.u32 v1, $0x10;
	v8 =	vld.idx.msk [tilespmem:v8+s2+$0x0], $0xffff  }
0x38: {  	v11 =	vld.idx.msk [tilespmem:v11+s2+$0x0], $0xffff  }
0x39: {  	v12 =	vld.idx.msk [tilespmem:v12+s2+$0x0], $0xffff;
	v18 =	vunpack.i.l.bf16.f32 v6  }
0x3a: {  	v14 =	vand.u32 $0xFFFF, v7;
	v13 =	vld.idx.msk [tilespmem:v13+s2+$0x0], $0xffff;
	v6 =	vunpack.i.u.bf16.f32 v6;
	v18 =	vmul.f32 v18, v16  }
0x3b: {  	v2 =	vshrl.u32 v2, $0x10;
	v15 =	vld.idx.msk [tilespmem:v15+s2+$0x0], $0xffff;
	v6 =	vmul.f32 v6, v16  }
0x3c: {  	[tilespmem:v1+s15+$0x0] =	vst.idx.add.f32.msk $0xffff, v18  }
0x3d: {  	v17 =	vand.u32 $0xFFFF, v10;
	v22 =	vunpack.i.l.bf16.f32 v8;
	[tilespmem:v1+s16+$0x0] =	vst.idx.add.f32.msk $0xffff, v6  }
0x3e: {  	v4 =	vshrl.u32 v4, $0x10;
	v8 =	vunpack.i.u.bf16.f32 v8;
	v22 =	vmul.f32 v22, v53;
	v1 =	vld [tilespmem:s21+$0xFFFFFFC0]  }
0x3f: {  	v14 =	vld.idx.msk [tilespmem:v14+s2+$0x0], $0xffff;
	v6 =	vmul.f32 v8, v53  }
0x40: {  	v9 =	vshrl.u32 v9, $0x10;
	v59 =	vunpack.i.l.bf16.f32 v12;
	[tilespmem:v2+s15+$0x0] =	vst.idx.add.f32.msk $0xffff, v22  }
0x41: {  	v60 =	vmul.f32 v59, v55;
	[tilespmem:v2+s16+$0x0] =	vst.idx.add.f32.msk $0xffff, v6;
	v2 =	vunpack.i.u.bf16.f32 v12  }
0x42: {  	v3 =	vshrl.u32 v3, $0x10;
	v17 =	vld.idx.msk [tilespmem:v17+s2+$0x0], $0xffff;
	v19 =	vunpack.i.l.bf16.f32 v15;
	v2 =	vmul.f32 v2, v55  }
0x43: {  	v7 =	vshrl.u32 v7, $0x10;
	v15 =	vunpack.i.u.bf16.f32 v15;
	[tilespmem:v4+s15+$0x0] =	vst.idx.add.f32.msk $0xffff, v60;
	v19 =	vmul.f32 v19, v1  }
0x44: {  	v57 =	vunpack.i.l.bf16.f32 v11;
	v1 =	vmul.f32 v15, v1;
	[tilespmem:v4+s16+$0x0] =	vst.idx.add.f32.msk $0xffff, v2  }
0x45: {  	v62 =	vunpack.i.l.bf16.f32 v14;
	v58 =	vmul.f32 v57, v54;
	[tilespmem:v9+s15+$0x0] =	vst.idx.add.f32.msk $0xffff, v19  }
0x46: {  	v5 =	vshrl.u32 v5, $0x10;
	v4 =	vmul.f32 v62, v21;
	[tilespmem:v9+s16+$0x0] =	vst.idx.add.f32.msk $0xffff, v1;
	v1 =	vunpack.i.u.bf16.f32 v11  }
0x47: {  	[tilespmem:v3+s15+$0x0] =	vst.idx.add.f32.msk $0xffff, v58;
	v2 =	vunpack.i.u.bf16.f32 v14;
	v1 =	vmul.f32 v1, v54  }
0x48: {  	v61 =	vunpack.i.l.bf16.f32 v13;
	v63 =	vmul.f32 v2, v21;
	[tilespmem:v7+s15+$0x0] =	vst.idx.add.f32.msk $0xffff, v4  }
0x49: {  	[tilespmem:v3+s16+$0x0] =	vst.idx.add.f32.msk $0xffff, v1;
	v1 =	vunpack.i.u.bf16.f32 v13;
	v3 =	vmul.f32 v61, v20  }
0x4a: {  	[tilespmem:v7+s16+$0x0] =	vst.idx.add.f32.msk $0xffff, v63;
	v1 =	vmul.f32 v1, v20  }
0x4b: {  	v2 =	vunpack.i.u.bf16.f32 v17;
	[tilespmem:v5+s15+$0x0] =	vst.idx.add.f32.msk $0xffff, v3;
	v3 =	vunpack.i.l.bf16.f32 v17  }
0x4c: {  	s23 =	simm.s32 $0x7620;
	s22 =	simm.s32 $0x0;
	v2 =	vmul.f32 v2, v56;
	[tilespmem:v5+s16+$0x0] =	vst.idx.add.f32.msk $0xffff, v1;
	v1 =	vshrl.u32 v10, $0x10;
	v3 =	vmul.f32 v3, v56  }
.LBB2_6:
0x4d: {  	v4 =	vld [tilespmem:s23+$0x30]  }
0x4e: {  	s22 =	sadd.s32 $0x8, s22;
	v5 =	vld [tilespmem:s23+$0xFFFFFFD0]  }
0x4f: {  	p0 =	slt.u32 s22, $0xF8;
	v6 =	vld [tilespmem:s23+$0xFFFFFFE0]  }
0x50: {  	v7 =	vld [tilespmem:s23+$0xFFFFFFF0]  }
0x51: {  	v8 =	vld [tilespmem:s23+$0x0]  }
0x52: {  	v9 =	vld [tilespmem:s23+$0x10];
	v10 =	vand.u32 $0xFFFF, v4  }
0x53: {  	v11 =	vshrl.u32 v5, $0x10;
	v5 =	vand.u32 $0xFFFF, v5;
	v12 =	vld [tilespmem:s23+$0x20]  }
0x54: {  	v13 =	vld [tilespmem:s23+$0xFFFFFFC0];
	v14 =	vshrl.u32 v6, $0x10;
	v6 =	vand.u32 $0xFFFF, v6  }
0x55: {  	v15 =	vshrl.u32 v7, $0x10;
	v7 =	vand.u32 $0xFFFF, v7;
	[tilespmem:v1+s15+$0x0] =	vst.idx.add.f32.msk $0xffff, v3  }
0x56: {  	v16 =	vshrl.u32 v8, $0x10;
	v3 =	vand.u32 $0xFFFF, v8;
	[tilespmem:v1+s16+$0x0] =	vst.idx.add.f32.msk $0xffff, v2  }
0x57: {  	v8 =	vshrl.u32 v9, $0x10;
	v2 =	vand.u32 $0xFFFF, v9;
	v9 =	vld.idx.msk [tilespmem:v10+s2+$0x0], $0xffff  }
0x58: {  	s21 =	sadd.s32 $0x80, s21;
	v5 =	vld.idx.msk [tilespmem:v5+s2+$0x0], $0xffff;
	v1 =	vshrl.u32 v12, $0x10;
	v10 =	vand.u32 $0xFFFF, v12  }
0x59: {  	v12 =	vshrl.u32 v13, $0x10;
	v13 =	vand.u32 $0xFFFF, v13;
	v17 =	vld [tilespmem:s21+$0x30]  }
0x5a: {  	v6 =	vld.idx.msk [tilespmem:v6+s2+$0x0], $0xffff  }
0x5b: {  	v4 =	vshrl.u32 v4, $0x10;
	v7 =	vld.idx.msk [tilespmem:v7+s2+$0x0], $0xffff  }
0x5c: {  	v3 =	vld.idx.msk [tilespmem:v3+s2+$0x0], $0xffff  }
0x5d: {  	v18 =	vunpack.i.l.bf16.f32 v9;
	v2 =	vld.idx.msk [tilespmem:v2+s2+$0x0], $0xffff  }
0x5e: {  	v9 =	vunpack.i.u.bf16.f32 v9;
	v19 =	vunpack.i.u.bf16.f32 v5;
	v13 =	vld.idx.msk [tilespmem:v13+s2+$0x0], $0xffff;
	v18 =	vmul.f32 v18, v17  }
0x5f: {  	v5 =	vunpack.i.l.bf16.f32 v5;
	v9 =	vmul.f32 v9, v17;
	v10 =	vld.idx.msk [tilespmem:v10+s2+$0x0], $0xffff  }
0x60: {  	v17 =	vunpack.i.u.bf16.f32 v6;
	v6 =	vunpack.i.l.bf16.f32 v6;
	[tilespmem:v4+s15+$0x0] =	vst.idx.add.f32.msk $0xffff, v18  }
0x61: {  	v18 =	vunpack.i.u.bf16.f32 v7;
	v7 =	vunpack.i.l.bf16.f32 v7;
	[tilespmem:v4+s16+$0x0] =	vst.idx.add.f32.msk $0xffff, v9  }
0x62: {  	v9 =	vunpack.i.u.bf16.f32 v3;
	v3 =	vunpack.i.l.bf16.f32 v3;
	v4 =	vld [tilespmem:s21+$0xFFFFFFC0]  }
0x63: {  	v21 =	vunpack.i.u.bf16.f32 v2;
	v2 =	vunpack.i.l.bf16.f32 v2;
	v20 =	vld [tilespmem:s21+$0xFFFFFFD0]  }
0x64: {  	v22 =	vunpack.i.u.bf16.f32 v13;
	v13 =	vunpack.i.l.bf16.f32 v13;
	v23 =	vld [tilespmem:s21+$0xFFFFFFE0]  }
0x65: {  	v25 =	vunpack.i.u.bf16.f32 v10;
	v10 =	vunpack.i.l.bf16.f32 v10;
	v24 =	vld [tilespmem:s21+$0xFFFFFFF0]  }
0x66: {  	v26 =	vld [tilespmem:s21+$0x0]  }
0x67: {  	v13 =	vmul.f32 v13, v4;
	v4 =	vmul.f32 v22, v4;
	v22 =	vld [tilespmem:s21+$0x10]  }
0x68: {  	v5 =	vmul.f32 v5, v20;
	v19 =	vmul.f32 v19, v20;
	v20 =	vld [tilespmem:s21+$0x20]  }
0x69: {  	[tilespmem:v12+s15+$0x0] =	vst.idx.add.f32.msk $0xffff, v13;
	v6 =	vmul.f32 v6, v23;
	v13 =	vmul.f32 v17, v23  }
0x6a: {  	[tilespmem:v12+s16+$0x0] =	vst.idx.add.f32.msk $0xffff, v4;
	v4 =	vmul.f32 v7, v24;
	v7 =	vmul.f32 v18, v24  }
0x6b: {  	[tilespmem:v11+s15+$0x0] =	vst.idx.add.f32.msk $0xffff, v5;
	v5 =	vmul.f32 v3, v26;
	v9 =	vmul.f32 v9, v26  }
0x6c: {  	[tilespmem:v11+s16+$0x0] =	vst.idx.add.f32.msk $0xffff, v19;
	v11 =	vmul.f32 v2, v22;
	v12 =	vmul.f32 v21, v22  }
0x6d: {  	[tilespmem:v14+s15+$0x0] =	vst.idx.add.f32.msk $0xffff, v6;
	v3 =	vmul.f32 v10, v20;
	v2 =	vmul.f32 v25, v20  }
0x6e: {  	[tilespmem:v14+s16+$0x0] =	vst.idx.add.f32.msk $0xffff, v13  }
0x6f: {  	[tilespmem:v15+s15+$0x0] =	vst.idx.add.f32.msk $0xffff, v4  }
.Ltmp1:
0x70: {  	[tilespmem:v15+s16+$0x0] =	vst.idx.add.f32.msk $0xffff, v7;
	(pc) =	sbr.rel @p0 .LBB2_6-.Ltmp1, $4  }
0x71: {  	[tilespmem:v16+s15+$0x0] =	vst.idx.add.f32.msk $0xffff, v5  }
0x72: {  	[tilespmem:v16+s16+$0x0] =	vst.idx.add.f32.msk $0xffff, v9  }
0x73: {  	[tilespmem:v8+s15+$0x0] =	vst.idx.add.f32.msk $0xffff, v11  }
0x74: {  	s23 =	sadd.s32 $0x80, s23;
	[tilespmem:v8+s16+$0x0] =	vst.idx.add.f32.msk $0xffff, v12  }
0x75: {  	_ =	sdelay $0x2  }
0x76: {  	p0 =	seq.s32 s19, $0x29  }
0x77: {  	[tilespmem:v1+s15+$0x0] =	vst.idx.add.f32.msk $0xffff, v3;
	s20 =	sadd.s32 @!p0 $0x400, s20  }
0x78: {  	[tilespmem:v1+s16+$0x0] =	vst.idx.add.f32.msk $0xffff, v2;
	s22 =	simm.s32 @!p0 $0x0;
	s23 =	simm.s32 @!p0 $0x7560;
	s21 =	sadd.s32 @!p0 s3, s20  }
0x79: {  	[tilespmem:s23], [sflag:$0x1] =	stream.linear.gather @!p0 [hbm4b:s21+s22], $0x1000, $0x38;
	[tilespmem:$0xB560] =	vst v63  }
0x7a: {  	s20 =	sadd.s32 @!p0 s4, s20;
	s21 =	simm.s32 @!p0 $0x8560  }
0x7b: {  	[tilespmem:s21], [sflag:$0x1] =	stream.linear.gather @!p0 [hbm4b:s20+s22], $0x1000, $0x38;
	[tilespmem:$0xB560] =	vst v63  }
0x7c: {  	_ =	swait.ge [sflag:s17], $0x1000  }
0x7d: {  	[sflag:s17] =	ssyncset.done $0x0  }
0x7e: {  	[sflag:s17] =	ssyncadd.s32 $0xFFFFF000  }
0x7f: {  	_ =	swait.ge [sflag:s17], $0x1000  }
0x80: {  	[sflag:s17] =	ssyncset.done $0x0  }
0x81: {  	s31 =	simm.s32 $0x95A0;
	[sflag:s17] =	ssyncadd.s32 $0xFFFFF000  }
0x82: {  	v1 =	vld [tilespmem:s31+$0x30]  }
0x83: {  	v2 =	vld [tilespmem:s31+$0xFFFFFFD0]  }
0x84: {  	v3 =	vld [tilespmem:s31+$0xFFFFFFE0]  }
0x85: {  	v4 =	vld [tilespmem:s31+$0xFFFFFFF0]  }
0x86: {  	v5 =	vld [tilespmem:s31+$0x0]  }
0x87: {  	v7 =	vld [tilespmem:s31+$0x10]  }
0x88: {  	v9 =	vld [tilespmem:s31+$0xFFFFFFC0]  }
0x89: {  	s20 =	simm.s32 $0xA5A0;
	v10 =	vld [tilespmem:s31+$0x20]  }
0x8a: {  	v16 =	vld [tilespmem:s20+$0x30];
	v6 =	vand.u32 $0xFFFF, v1  }
0x8b: {  	v53 =	vld [tilespmem:s20+$0xFFFFFFD0]  }
0x8c: {  	v54 =	vld [tilespmem:s20+$0xFFFFFFE0]  }
0x8d: {  	v55 =	vld [tilespmem:s20+$0xFFFFFFF0];
	v8 =	vand.u32 $0xFFFF, v2  }
0x8e: {  	v20 =	vld [tilespmem:s20+$0x0];
	v11 =	vand.u32 $0xFFFF, v3  }
0x8f: {  	v12 =	vand.u32 $0xFFFF, v4;
	v6 =	vld.idx.msk [tilespmem:v6+s2+$0x0], $0xffff  }
0x90: {  	v21 =	vld [tilespmem:s20+$0x10];
	v13 =	vand.u32 $0xFFFF, v5  }
0x91: {  	v56 =	vld [tilespmem:s20+$0x20];
	v15 =	vand.u32 $0xFFFF, v9  }
0x92: {  	v1 =	vshrl.u32 v1, $0x10;
	v8 =	vld.idx.msk [tilespmem:v8+s2+$0x0], $0xffff  }
0x93: {  	v11 =	vld.idx.msk [tilespmem:v11+s2+$0x0], $0xffff  }
0x94: {  	v12 =	vld.idx.msk [tilespmem:v12+s2+$0x0], $0xffff;
	v18 =	vunpack.i.l.bf16.f32 v6  }
0x95: {  	v14 =	vand.u32 $0xFFFF, v7;
	v13 =	vld.idx.msk [tilespmem:v13+s2+$0x0], $0xffff;
	v6 =	vunpack.i.u.bf16.f32 v6;
	v18 =	vmul.f32 v18, v16  }
0x96: {  	v2 =	vshrl.u32 v2, $0x10;
	v15 =	vld.idx.msk [tilespmem:v15+s2+$0x0], $0xffff;
	v6 =	vmul.f32 v6, v16  }
0x97: {  	[tilespmem:v1+s15+$0x0] =	vst.idx.add.f32.msk $0xffff, v18  }
0x98: {  	v17 =	vand.u32 $0xFFFF, v10;
	v22 =	vunpack.i.l.bf16.f32 v8;
	[tilespmem:v1+s16+$0x0] =	vst.idx.add.f32.msk $0xffff, v6  }
0x99: {  	v4 =	vshrl.u32 v4, $0x10;
	v8 =	vunpack.i.u.bf16.f32 v8;
	v22 =	vmul.f32 v22, v53;
	v1 =	vld [tilespmem:s20+$0xFFFFFFC0]  }
0x9a: {  	v14 =	vld.idx.msk [tilespmem:v14+s2+$0x0], $0xffff;
	v6 =	vmul.f32 v8, v53  }
0x9b: {  	v9 =	vshrl.u32 v9, $0x10;
	v59 =	vunpack.i.l.bf16.f32 v12;
	[tilespmem:v2+s15+$0x0] =	vst.idx.add.f32.msk $0xffff, v22  }
0x9c: {  	v60 =	vmul.f32 v59, v55;
	[tilespmem:v2+s16+$0x0] =	vst.idx.add.f32.msk $0xffff, v6;
	v2 =	vunpack.i.u.bf16.f32 v12  }
0x9d: {  	v3 =	vshrl.u32 v3, $0x10;
	v17 =	vld.idx.msk [tilespmem:v17+s2+$0x0], $0xffff;
	v19 =	vunpack.i.l.bf16.f32 v15;
	v2 =	vmul.f32 v2, v55  }
0x9e: {  	v7 =	vshrl.u32 v7, $0x10;
	v15 =	vunpack.i.u.bf16.f32 v15;
	[tilespmem:v4+s15+$0x0] =	vst.idx.add.f32.msk $0xffff, v60;
	v19 =	vmul.f32 v19, v1  }
0x9f: {  	v57 =	vunpack.i.l.bf16.f32 v11;
	v1 =	vmul.f32 v15, v1;
	[tilespmem:v4+s16+$0x0] =	vst.idx.add.f32.msk $0xffff, v2  }
0xa0: {  	v62 =	vunpack.i.l.bf16.f32 v14;
	v58 =	vmul.f32 v57, v54;
	[tilespmem:v9+s15+$0x0] =	vst.idx.add.f32.msk $0xffff, v19  }
0xa1: {  	v5 =	vshrl.u32 v5, $0x10;
	v4 =	vmul.f32 v62, v21;
	[tilespmem:v9+s16+$0x0] =	vst.idx.add.f32.msk $0xffff, v1;
	v1 =	vunpack.i.u.bf16.f32 v11  }
0xa2: {  	[tilespmem:v3+s15+$0x0] =	vst.idx.add.f32.msk $0xffff, v58;
	v2 =	vunpack.i.u.bf16.f32 v14;
	v1 =	vmul.f32 v1, v54  }
0xa3: {  	v61 =	vunpack.i.l.bf16.f32 v13;
	v63 =	vmul.f32 v2, v21;
	[tilespmem:v7+s15+$0x0] =	vst.idx.add.f32.msk $0xffff, v4  }
0xa4: {  	[tilespmem:v3+s16+$0x0] =	vst.idx.add.f32.msk $0xffff, v1;
	v1 =	vunpack.i.u.bf16.f32 v13;
	v3 =	vmul.f32 v61, v20  }
0xa5: {  	[tilespmem:v7+s16+$0x0] =	vst.idx.add.f32.msk $0xffff, v63;
	v1 =	vmul.f32 v1, v20  }
0xa6: {  	v2 =	vunpack.i.u.bf16.f32 v17;
	[tilespmem:v5+s15+$0x0] =	vst.idx.add.f32.msk $0xffff, v3;
	v3 =	vunpack.i.l.bf16.f32 v17  }
0xa7: {  	s19 =	sadd.s32 $0x1, s19;
	s21 =	simm.s32 $0x0;
	s22 =	simm.s32 $0x9620;
	v2 =	vmul.f32 v2, v56;
	[tilespmem:v5+s16+$0x0] =	vst.idx.add.f32.msk $0xffff, v1;
	v1 =	vshrl.u32 v10, $0x10;
	v3 =	vmul.f32 v3, v56  }
.LBB2_8:
0xa8: {  	v4 =	vld [tilespmem:s22+$0x30]  }
0xa9: {  	s21 =	sadd.s32 $0x8, s21;
	v5 =	vld [tilespmem:s22+$0xFFFFFFD0]  }
0xaa: {  	p0 =	slt.u32 s21, $0xF8;
	v6 =	vld [tilespmem:s22+$0xFFFFFFE0]  }
0xab: {  	v7 =	vld [tilespmem:s22+$0xFFFFFFF0]  }
0xac: {  	v8 =	vld [tilespmem:s22+$0x0]  }
0xad: {  	v9 =	vld [tilespmem:s22+$0x10];
	v10 =	vand.u32 $0xFFFF, v4  }
0xae: {  	v11 =	vshrl.u32 v5, $0x10;
	v5 =	vand.u32 $0xFFFF, v5;
	v12 =	vld [tilespmem:s22+$0x20]  }
0xaf: {  	v13 =	vld [tilespmem:s22+$0xFFFFFFC0];
	v14 =	vshrl.u32 v6, $0x10;
	v6 =	vand.u32 $0xFFFF, v6  }
0xb0: {  	v15 =	vshrl.u32 v7, $0x10;
	v7 =	vand.u32 $0xFFFF, v7;
	[tilespmem:v1+s15+$0x0] =	vst.idx.add.f32.msk $0xffff, v3  }
0xb1: {  	v16 =	vshrl.u32 v8, $0x10;
	v3 =	vand.u32 $0xFFFF, v8;
	[tilespmem:v1+s16+$0x0] =	vst.idx.add.f32.msk $0xffff, v2  }
0xb2: {  	v8 =	vshrl.u32 v9, $0x10;
	v2 =	vand.u32 $0xFFFF, v9;
	v9 =	vld.idx.msk [tilespmem:v10+s2+$0x0], $0xffff  }
0xb3: {  	s20 =	sadd.s32 $0x80, s20;
	v5 =	vld.idx.msk [tilespmem:v5+s2+$0x0], $0xffff;
	v1 =	vshrl.u32 v12, $0x10;
	v10 =	vand.u32 $0xFFFF, v12  }
0xb4: {  	v12 =	vshrl.u32 v13, $0x10;
	v13 =	vand.u32 $0xFFFF, v13;
	v17 =	vld [tilespmem:s20+$0x30]  }
0xb5: {  	v6 =	vld.idx.msk [tilespmem:v6+s2+$0x0], $0xffff  }
0xb6: {  	v4 =	vshrl.u32 v4, $0x10;
	v7 =	vld.idx.msk [tilespmem:v7+s2+$0x0], $0xffff  }
0xb7: {  	v3 =	vld.idx.msk [tilespmem:v3+s2+$0x0], $0xffff  }
0xb8: {  	v18 =	vunpack.i.l.bf16.f32 v9;
	v2 =	vld.idx.msk [tilespmem:v2+s2+$0x0], $0xffff  }
0xb9: {  	v9 =	vunpack.i.u.bf16.f32 v9;
	v19 =	vunpack.i.u.bf16.f32 v5;
	v13 =	vld.idx.msk [tilespmem:v13+s2+$0x0], $0xffff;
	v18 =	vmul.f32 v18, v17  }
0xba: {  	v5 =	vunpack.i.l.bf16.f32 v5;
	v9 =	vmul.f32 v9, v17;
	v10 =	vld.idx.msk [tilespmem:v10+s2+$0x0], $0xffff  }
0xbb: {  	v17 =	vunpack.i.u.bf16.f32 v6;
	v6 =	vunpack.i.l.bf16.f32 v6;
	[tilespmem:v4+s15+$0x0] =	vst.idx.add.f32.msk $0xffff, v18  }
0xbc: {  	v18 =	vunpack.i.u.bf16.f32 v7;
	v7 =	vunpack.i.l.bf16.f32 v7;
	[tilespmem:v4+s16+$0x0] =	vst.idx.add.f32.msk $0xffff, v9  }
0xbd: {  	v9 =	vunpack.i.u.bf16.f32 v3;
	v3 =	vunpack.i.l.bf16.f32 v3;
	v4 =	vld [tilespmem:s20+$0xFFFFFFC0]  }
0xbe: {  	v21 =	vunpack.i.u.bf16.f32 v2;
	v2 =	vunpack.i.l.bf16.f32 v2;
	v20 =	vld [tilespmem:s20+$0xFFFFFFD0]  }
0xbf: {  	v22 =	vunpack.i.u.bf16.f32 v13;
	v13 =	vunpack.i.l.bf16.f32 v13;
	v23 =	vld [tilespmem:s20+$0xFFFFFFE0]  }
0xc0: {  	v25 =	vunpack.i.u.bf16.f32 v10;
	v10 =	vunpack.i.l.bf16.f32 v10;
	v24 =	vld [tilespmem:s20+$0xFFFFFFF0]  }
0xc1: {  	v26 =	vld [tilespmem:s20+$0x0]  }
0xc2: {  	v13 =	vmul.f32 v13, v4;
	v4 =	vmul.f32 v22, v4;
	v22 =	vld [tilespmem:s20+$0x10]  }
0xc3: {  	v5 =	vmul.f32 v5, v20;
	v19 =	vmul.f32 v19, v20;
	v20 =	vld [tilespmem:s20+$0x20]  }
0xc4: {  	[tilespmem:v12+s15+$0x0] =	vst.idx.add.f32.msk $0xffff, v13;
	v6 =	vmul.f32 v6, v23;
	v13 =	vmul.f32 v17, v23  }
0xc5: {  	[tilespmem:v12+s16+$0x0] =	vst.idx.add.f32.msk $0xffff, v4;
	v4 =	vmul.f32 v7, v24;
	v7 =	vmul.f32 v18, v24  }
0xc6: {  	[tilespmem:v11+s15+$0x0] =	vst.idx.add.f32.msk $0xffff, v5;
	v5 =	vmul.f32 v3, v26;
	v9 =	vmul.f32 v9, v26  }
0xc7: {  	[tilespmem:v11+s16+$0x0] =	vst.idx.add.f32.msk $0xffff, v19;
	v11 =	vmul.f32 v2, v22;
	v12 =	vmul.f32 v21, v22  }
0xc8: {  	[tilespmem:v14+s15+$0x0] =	vst.idx.add.f32.msk $0xffff, v6;
	v3 =	vmul.f32 v10, v20;
	v2 =	vmul.f32 v25, v20  }
0xc9: {  	[tilespmem:v14+s16+$0x0] =	vst.idx.add.f32.msk $0xffff, v13  }
0xca: {  	[tilespmem:v15+s15+$0x0] =	vst.idx.add.f32.msk $0xffff, v4  }
.Ltmp2:
0xcb: {  	[tilespmem:v15+s16+$0x0] =	vst.idx.add.f32.msk $0xffff, v7;
	(pc) =	sbr.rel @p0 .LBB2_8-.Ltmp2, $4  }
0xcc: {  	[tilespmem:v16+s15+$0x0] =	vst.idx.add.f32.msk $0xffff, v5  }
0xcd: {  	[tilespmem:v16+s16+$0x0] =	vst.idx.add.f32.msk $0xffff, v9  }
0xce: {  	[tilespmem:v8+s15+$0x0] =	vst.idx.add.f32.msk $0xffff, v11  }
0xcf: {  	s22 =	sadd.s32 $0x80, s22;
	[tilespmem:v8+s16+$0x0] =	vst.idx.add.f32.msk $0xffff, v12  }
0xd0: {  	_ =	sdelay $0x3  }
0xd1: {  	[tilespmem:v1+s15+$0x0] =	vst.idx.add.f32.msk $0xffff, v3  }
0xd2: {  	[tilespmem:v1+s16+$0x0] =	vst.idx.add.f32.msk $0xffff, v2  }
0xd3: {  	p0 =	seq.s32 s19, $0x2A  }
.Ltmp3:
0xd4: {  	_ = 	snop;
	(pc) =	sbr.rel @!p0 .LBB2_5-.Ltmp3, $1  }
0xd5: {  	_ =	sdelay $0x3  }
0xd6: {  	[hbm4b:s6+s2] =	stream.linear.scatter [tilespmem:s15], [sflag:$0x3], $0x2710, $0x38;
	[tilespmem:$0xB560] =	vst v63  }
0xd7: {  	s18 =	sadd.s32 $0x1, s18;
	_ =	swait.ge [sflag:s9], $0x2710  }
0xd8: {  	p0 =	sne.s32 s18, s8;
	[sflag:s9] =	ssyncset.done $0x0  }
.Ltmp4:
0xd9: {  	[sflag:s9] =	ssyncadd.s32 $0xFFFFD8F0;
	(pc) =	sbr.rel @p0 .LBB2_1-.Ltmp4, $4  }
0xda: {  	[hbm4b:s7+s2] =	stream.linear.scatter [tilespmem:s16], [sflag:$0x3], $0x2710, $0x38;
	[tilespmem:$0xB560] =	vst v63  }
0xdb: {  	_ =	swait.ge [sflag:s9], $0x2710  }
0xdc: {  	[sflag:s9] =	ssyncset.done $0x0  }
0xdd: {  	[sflag:s9] =	ssyncadd.s32 $0xFFFFD8F0  }
0xde: {  	_ =	sfence.sel $0x180000  }
0xdf: {  	[bflag:$0x0] =	sbarrier.arrive $0xFFFF  }
0xe0: {  	p0 =	sne.s32 s0, $0x0;
	_ =	strace $0x90000050  }
0xe1: {  	s0 =	sadd.s32 @!p0 $0x100000, s1;
	[bflag:$0x2] =	sbarrier.arrive $0xFFFF  }
0xe2: {  	[sflag:s0] =	ssyncadd.tile.s32 @!p0 $0x1;
	_ =	shalt  }
.Lfunc_end2:
_tile_overlayer_lowered:
.L_overlay_start_2:
0xe3: {  	(tag) =	ssettag $0x2  }
0xe4: {  	s0 =	rddreg [dreg:$0x0];
	s2 =	stileid.u32  }
0xe5: {  	s1 =	rddreg [dreg:$0x1];
	p0 =	sne.s32 s2, $0x0  }
0xe6: {  	s3 =	rddreg [dreg:$0x2];
	[bflag:$0x3] =	sbarrier.arrive $0xFFFF;
	s2 =	simm.s32 @!p0 $0x1C03  }
0xe7: {  	[timem:s3], [sflag:s2] =	dma.local @!p0 [hbm:s0], s1  }
0xe8: {  	s0 =	simm.s32 @!p0 $0x3  }
0xe9: {  	_ =	swait.ge @!p0 [sflag:s0], s1  }
0xea: {  	s1 =	ssub.s32 @!p0 $0x0, s1;
	[sflag:s0] =	ssyncset.done @!p0 $0x0  }
0xeb: {  	[sflag:s0] =	ssyncadd.s32 @!p0 s1  }
0xec: {  	[bflag:$0x3] =	sbarrier.arrive $0xFFFF  }
0xed: {  	_ =	shalt  }

// kernel: kernel.9.cloned.1.call-start
scs
__scs_entry_jumppad:
0x0: {  	(pc) =	sbr.rel $0x88, $3  }
0x1: {  	(tag) =	ssettag $0x0;
	lr =	simm.s32 $0x1  }
0x2: {  	[smem:$0x3F92] =	sst lr;
	_ =	strace $0xD0000000  }
0x3: {  	_ = 	snop  }
0x4: {  	_ = 	snop  }
0x5: {  	_ = 	snop  }
0x6: {  	_ = 	snop  }
0x7: {  	_ = 	snop  }
__scs_overlays_trampoline_lowered:
0x8: {  	[smem:$0x3FA1] =	sst s0  }
0x9: {  	[smem:$0x3FA2] =	sst s1  }
0xa: {  	[smem:$0x3FA3] =	sst s2  }
0xb: {  	[smem:$0x3FA4] =	sst s3  }
0xc: {  	[smem:$0x3FA5] =	sst s4  }
0xd: {  	[smem:$0x3FA6] =	sst s5  }
0xe: {  	[smem:$0x3FA7] =	sst s6  }
0xf: {  	[smem:$0x3FA8] =	sst s7  }
0x10: {  	[smem:$0x3FA9] =	sst s8  }
0x11: {  	[smem:$0x3FAA] =	sst s9;
	s0 =	simm.s32 @!p0 $0x0  }
0x12: {  	s1 =	sld [smem:$0x3F90];
	s0 =	simm.s32 @p0 $0x1  }
0x13: {  	[smem:$0x3FAB] =	sst s0;
	s0 =	simm.s32 @!p1 $0x0  }
0x14: {  	s2 =	sld [smem:$0x3F8F];
	s0 =	simm.s32 @p1 $0x1  }
0x15: {  	[smem:$0x3FAC] =	sst s0;
	s0 =	simm.s32 @!p2 $0x0  }
0x16: {  	s3 =	sld [smem:$0x3FDB];
	s0 =	simm.s32 @p2 $0x1  }
0x17: {  	s4 =	simm.s32 $0x1BF5;
	[smem:$0x3FAE] =	sst s0  }
0x18: {  	s0 =	sld [smem:$0x3F91];
	_ =	swait.ge [sflag:s4], $0x0  }
0x19: {  	s7 =	sld [smem:$0x3F92]  }
0x1a: {  	s8 =	sadd.s32 $0xFFFFE003, lr  }
0x1b: {  	s9 =	sadd.s32 $0xFFFFFEF7, lr;
	s5 =	simm.s32 $0xFFFFFFFF;
	p2 =	slt.u32 s8, $0xFFFFF086  }
0x1c: {  	p1 =	slt.u32 s9, $0xF7A;
	s5 =	simm.s32 @!p2 $0x0  }
0x1d: {  	s5 =	simm.s32 @p1 $0x1;
	p0 =	seq.s32 s7, s2  }
0x1e: {  	s7 =	smul.u32 @!p0 $0xF7A, s2;
	p2 =	seq.s32 @!p0 s5, $0x0  }
0x1f: {  	s9 =	smul.u32 $0xF7A, s1;
	s8 =	simm.s32 @!p0 $0x1BF5;
	p2 =	por !p2, p0  }
0x20: {  	[sflag:s8] =	ssyncset.s32 @!p0 $0xFFFFF086;
	s6 =	sadd.s32 @!p0 s3, s7;
	s7 =	simm.s32 @!p0 $0x108  }
0x21: {  	s3 =	sadd.s32 s3, s9;
	s6 =	sadd.s32 @!p0 $0x88, s6;
	s7 =	simm.s32 @p2 $0x1082  }
0x22: {  	[simem:s7], [sflag:s8] =	dma.local @!p0 [hbm:s6], $0xF7A  }
0x23: {  	s9 =	sor.u32 $0xD0000000, s2;
	s6 =	simm.s32 $0x108;
	_ =	swait.ge @!p0 [sflag:s8], $0x0  }
0x24: {  	s3 =	sadd.s32 $0x88, s3;
	s6 =	simm.s32 @!p1 $0x1082;
	[sflag:s4] =	ssyncset.s32 $0xFFFFF086  }
0x25: {  	[simem:s6], [sflag:s4] =	dma.local [hbm:s3], $0xF7A  }
0x26: {  	[smem:$0x3F92] =	sst s1;
	(tag) =	ssettag s2;
	_ =	strace s9  }
0x27: {  	s1 =	sld [smem:$0x3FA2]  }
0x28: {  	s2 =	sld [smem:$0x3FA3]  }
0x29: {  	s4 =	sld [smem:$0x3FA5]  }
0x2a: {  	p0 =	seq.s32 s5, $0x0;
	s5 =	sld [smem:$0x3FA6]  }
0x2b: {  	s6 =	sld [smem:$0x3FA7]  }
0x2c: {  	s7 =	sld [smem:$0x3FA8]  }
0x2d: {  	s3 =	simm.s32 $0x108;
	s8 =	sld [smem:$0x3FA9]  }
0x2e: {  	s3 =	simm.s32 @!p0 $0x1082;
	s9 =	sld [smem:$0x3FAA]  }
0x2f: {  	lr =	sadd.s32 s0, s3;
	s0 =	sld [smem:$0x3FA1]  }
0x30: {  	s3 =	sld [smem:$0x3FA4]  }
0x31: {  	[smem:$0x3FAD] =	sst s10  }
0x32: {  	s10 =	sld [smem:$0x3FAB];
	_ =	sdelay $0x3  }
0x33: {  	p0 =	seq.s32 s10, $0x1;
	s10 =	sld [smem:$0x3FAD];
	_ =	sdelay $0x3  }
0x34: {  	[smem:$0x3FAD] =	sst s10  }
0x35: {  	s10 =	sld [smem:$0x3FAC];
	_ =	sdelay $0x3  }
0x36: {  	p1 =	seq.s32 s10, $0x1;
	s10 =	sld [smem:$0x3FAD];
	_ =	sdelay $0x3  }
0x37: {  	[smem:$0x3FAD] =	sst s10  }
0x38: {  	s10 =	sld [smem:$0x3FAE]  }
0x39: {  	_ = 	snop;
	(pc) =	sbr.ind lr, $3  }
0x3a: {  	_ = 	snop  }
0x3b: {  	_ = 	snop  }
0x3c: {  	p2 =	seq.s32 s10, $0x1;
	s10 =	sld [smem:$0x3FAD]  }
0x3d: {  	_ =	shalt  }
0x3e: {  	_ =	shalt  }
0x3f: {  	_ =	shalt  }
0x40: {  	_ =	shalt  }
0x41: {  	_ =	shalt  }
0x42: {  	_ =	shalt  }
0x43: {  	_ =	shalt  }
0x44: {  	_ =	shalt  }
0x45: {  	_ =	shalt  }
0x46: {  	_ =	shalt  }
0x47: {  	_ =	shalt  }
0x48: {  	_ =	shalt  }
0x49: {  	_ =	shalt  }
0x4a: {  	_ =	shalt  }
0x4b: {  	_ =	shalt  }
0x4c: {  	_ =	shalt  }
0x4d: {  	_ =	shalt  }
0x4e: {  	_ =	shalt  }
0x4f: {  	_ =	shalt  }
0x50: {  	_ =	shalt  }
0x51: {  	_ =	shalt  }
0x52: {  	_ =	shalt  }
0x53: {  	_ =	shalt  }
0x54: {  	_ =	shalt  }
0x55: {  	_ =	shalt  }
0x56: {  	_ =	shalt  }
0x57: {  	_ =	shalt  }
0x58: {  	_ =	shalt  }
0x59: {  	_ =	shalt  }
0x5a: {  	_ =	shalt  }
0x5b: {  	_ =	shalt  }
0x5c: {  	_ =	shalt  }
0x5d: {  	_ =	shalt  }
0x5e: {  	_ =	shalt  }
0x5f: {  	_ =	shalt  }
0x60: {  	_ =	shalt  }
0x61: {  	_ =	shalt  }
0x62: {  	_ =	shalt  }
0x63: {  	_ =	shalt  }
0x64: {  	_ =	shalt  }
0x65: {  	_ =	shalt  }
0x66: {  	_ =	shalt  }
0x67: {  	_ =	shalt  }
0x68: {  	_ =	shalt  }
0x69: {  	_ =	shalt  }
0x6a: {  	_ =	shalt  }
0x6b: {  	_ =	shalt  }
0x6c: {  	_ =	shalt  }
0x6d: {  	_ =	shalt  }
0x6e: {  	_ =	shalt  }
0x6f: {  	_ =	shalt  }
0x70: {  	_ =	shalt  }
0x71: {  	_ =	shalt  }
0x72: {  	_ =	shalt  }
0x73: {  	_ =	shalt  }
0x74: {  	_ =	shalt  }
0x75: {  	_ =	shalt  }
0x76: {  	_ =	shalt  }
0x77: {  	_ =	shalt  }
0x78: {  	_ =	shalt  }
0x79: {  	_ =	shalt  }
0x7a: {  	_ =	shalt  }
0x7b: {  	_ =	shalt  }
0x7c: {  	_ =	shalt  }
0x7d: {  	_ =	shalt  }
0x7e: {  	_ =	shalt  }
0x7f: {  	_ =	shalt  }
0x80: {  	_ =	shalt  }
0x81: {  	_ =	shalt  }
0x82: {  	_ =	shalt  }
0x83: {  	_ =	shalt  }
0x84: {  	_ =	shalt  }
0x85: {  	_ =	shalt  }
0x86: {  	_ =	shalt  }
0x87: {  	_ =	shalt  }
.Lfunc_end0:
.L_simem_size_0:
called_computation_lowered:
.L_overlay_start_0:
0x88: {  	s2 =	sld [smem:$0x3FD9]  }
0x89: {  	s3 =	sld [smem:$0x3FFE];
	_ =	sdelay $0x1  }
0x8a: {  	s1 =	srdreg.scid  }
0x8b: {  	s0 =	sand.u32 $0x1, s1  }
0x8c: {  	s16 =	sshll.u32 s0, $0xA;
	s2 =	sadd.s32 s3, s2  }
0x8d: {  	s2 =	sadd.s32 s2, s16  }
0x8e: {  	[smem:$0x3FB9] =	sst s2  }
0x8f: {  	_ = 	snop  }
0x90: {  	(tm) =	ssettm $0x1  }
0x91: {  	s17 =	sld [smem:$0x3FFB];
	_ =	sdelay $0x3  }
0x92: {  	_ =	strace s17  }
0x93: {  	s2 =	sld [smem:$0x3FFC];
	_ =	sdelay $0x3  }
0x94: {  	_ =	strace s2  }
0x95: {  	s2 =	sld [smem:$0x3FFD];
	_ =	sdelay $0x3  }
0x96: {  	_ =	strace s2  }
0x97: {  	_ =	strace $0x8FFFFFFF  }
0x98: {  	s18 =	sld [smem:$0x3FDB];
	_ =	sdelay $0x1  }
0x99: {  	s19 =	simm.s32 $_scs_section_size  }
0x9a: {  	s4 =	simm.s32 $_size__tile_overlayer_lowered;
	s5 =	simm.s32 $_tile_overlayer_lowered  }
0x9b: {  	s22 =	simm.s32 $0x1BFF;
	s21 =	sshll.u32 s5, $0x1;
	s2 =	sadd.s32 s19, s18  }
0x9c: {  	s6 =	simm.s32 $0x0;
	s20 =	sshll.u32 s4, $0x1;
	s4 =	sadd.s32 s21, s2  }
0x9d: {  	[timem:s6], [sflag:s22] =	dma.local [hbm:s4], s20  }
0x9e: {  	_ =	swait.ge [sflag:s22], s20  }
0x9f: {  	s3 =	ssub.s32 $0x0, s20;
	[sflag:s22] =	ssyncset.done $0x0  }
0xa0: {  	[sflag:s22] =	ssyncadd.s32 s3;
	_ =	sdelay $0x1  }
0xa1: {  	s23 =	simm.s32 $0x1B8B  }
0xa2: {  	_ =	swait.ge [sflag:s23], $0x1  }
0xa3: {  	[sflag:s23] =	ssyncset.done $0x0  }
0xa4: {  	s25 =	simm.s32 $0x1B8E;
	s24 =	sld [smem:$0x3FFE];
	[sflag:s23] =	ssyncadd.s32 $0xFFFFFFFF  }
0xa5: {  	s26 =	simm.s32 $execute0_lowered;
	[smem:$0x3FD2] =	sst s25  }
0xa6: {  	s4 =	sshll.u32 s26, $0x1;
	_ =	strace $0x80000046;
	[dreg:$0x1] =	wrdreg $0xFFFFFFFF  }
0xa7: {  	s28 =	simm.s32 $_size_execute0_lowered;
	s2 =	sadd.s32 s2, s4;
	[dreg:$0x0] =	wrdreg $0x0  }
0xa8: {  	s4 =	sshll.u32 s28, $0x1;
	[dreg:$0x2] =	wrdreg s2  }
0xa9: {  	[dreg:$0x3] =	wrdreg s4  }
0xaa: {  	[dreg:$0x4] =	wrdreg $0xC0  }
0xab: {  	_ =	task [dreg:s6], $0x5FFFF  }
0xac: {  	[dreg:$0x1] =	wrdreg $0xFFFFFFFF  }
0xad: {  	[dreg:$0x0] =	wrdreg $0x60  }
0xae: {  	[dreg:$0x2] =	wrdreg s24  }
0xaf: {  	[dreg:$0x3] =	wrdreg $0x9  }
0xb0: {  	_ =	task.clear_ibuf [dreg:s6], $0x4FFFF;
	_ =	strace $0x90000046  }
0xb1: {  	s29 =	simm.s32 $0x9;
	_ =	strace $0x80000048  }
0xb2: {  	_ =	swait.ge [sflag:s29], $0x1  }
0xb3: {  	[sflag:s29] =	ssyncadd.s32 $0xFFFFFFFF  }
0xb4: {  	_ =	strace $0x90000048  }
0xb5: {  	_ =	sfence  }
0xb6: {  	s30 =	sld [smem:$0x0];
	_ =	sdelay $0x2  }
0xb7: {  	s31 =	sshll.u32 s1, $0xD;
	s1 =	sshrl.u32 s1, $0x2  }
0xb8: {  	s3 =	sand.u32 $0x4000, s31;
	s1 =	sadd.s32 s1, s30  }
0xb9: {  	s0 =	sor.u32 s3, s0;
	s1 =	sshll.u32 s1, $0x11  }
0xba: {  	s0 =	sor.u32 s1, s0  }
0xbb: {  	s0 =	sadd.s32 $0x8F2B, s0  }
0xbc: {  	[sflag:s0] =	ssyncadd.remote.s32 $0x1  }
0xbd: {  	_ =	sfence.sel $0xFFFF  }
0xbe: {  	[dreg:$0x0] =	wrdreg $0xFFFFFFFF;
	(pc) =	sbr.abs _section_cstart, $3  }
0xbf: {  	[dreg:$0x1] =	wrdreg $0xFFFFFFFF  }
0xc0: {  	_ =	task.clear_ibuf [dreg:s6], $0x2FFFF;
	_ =	strace $0x9FFFFFFF  }
0xc1: {  	(tm) =	ssettm $0x7FFFFFFF  }
tec
execute0_lowered:
.L_overlay_start_1:
0x0: {  	(tag) =	ssettag $0x1  }
0x1: {  	s5 =	rddreg [dreg:$0x0]  }
0x2: {  	s0 =	rddreg [dreg:$0x1];
	s3 =	srdreg.scid  }
0x3: {  	s1 =	stileid.u32;
	s2 =	simm.s32 $0x0;
	s14 =	simm.s32 $0x4E40  }
0x4: {  	s15 =	simm.s32 $0x8560;
	s16 =	simm.s32 $0x0;
	s6 =	sand.u32 $0x1, s3  }
0x5: {  	s28 =	sshll.u32 s1, $0x1;
	[smem:$0x7FF] =	sst s2;
	s9 =	sshrl.u32 s1, $0x1  }
0x6: {  	s10 =	sadd.s32 $0xA1200, s5;
	s3 =	sadd.s32 $0xA6200, s5;
	s11 =	smul.u32 $0x2710, s9  }
0x7: {  	s4 =	sadd.s32 $0xBA800, s5;
	s7 =	sor.u32 s6, s28;
	s30 =	smul.u32 $0x4E2, s9  }
0x8: {  	_ =	strace $0x80000047;
	s29 =	ssub.s32 $0x2, s6;
	s8 =	smul.u32 $0x4E4, s7  }
0x9: {  	s6 =	sshrl.u32 s29, $0x1;
	s7 =	sand.u32 $0x3, s7;
	s11 =	sshrl.u32 s11, $0x3  }
0xa: {  	s13 =	ssub.s32 s29, s6;
	s7 =	smul.u32 $0x15000, s7;
	s12 =	sadd.s32 s8, s5  }
0xb: {  	s31 =	sadd.s32 s10, s11;
	s5 =	sadd.s32 s10, s30;
	s8 =	smul.u32 $0x54000, s9  }
0xc: {  	s10 =	smax.u32 s13, $0x1;
	s11 =	simm.s32 $0x1;
	s13 =	simm.s32 $0x7560  }
0xd: {  	v0 =	vimm.f32 $-3.000000000e+01;
	v1 =	vimm.f32 $0.0e+00;
	s6 =	sadd.s32 $0x2710, s31;
	s9 =	sadd.s32 $0xB0A00, s12;
	s12 =	simm.s32 $0x2720  }
.LBB2_1:
0xe: {  	[tilespmem:s2], [sflag:$0x1] =	stream.linear.gather [hbm4b:s5+s2], $0x2710, $0x38;
	[tilespmem:$0x9560] =	vst v63  }
0xf: {  	_ =	swait.ge [sflag:s11], $0x2710  }
0x10: {  	[sflag:s11] =	ssyncset.done $0x0  }
0x11: {  	[sflag:s11] =	ssyncadd.s32 $0xFFFFD8F0  }
0x12: {  	[tilespmem:s12], [sflag:$0x1] =	stream.linear.gather [hbm4b:s6+s2], $0x2710, $0x38;
	[tilespmem:$0x9560] =	vst v63  }
0x13: {  	_ =	swait.ge [sflag:s11], $0x2710  }
0x14: {  	[sflag:s11] =	ssyncset.done $0x0  }
0x15: {  	[sflag:s11] =	ssyncadd.s32 $0xFFFFD8F0  }
0x16: {  	s17 =	simm.s32 $0x0;
	[tilespmem:$0x4E30] =	vst v0  }
.LBB2_2:
0x17: {  	p0 =	sne.s32 s17, $0x9C40  }
.Ltmp0:
0x18: {  	_ = 	snop;
	(pc) =	sbr.rel @p0 .LBB2_2-.Ltmp0, $3  }
0x19: {  	_ =	sdelay $0x1  }
0x1a: {  	s18 =	sshra.s32 s17, $0x2  }
0x1b: {  	s17 =	sadd.s32 $0x40, s17;
	[tilespmem:s18+$0x4E40] =	vst v1  }
0x1c: {  	s17 =	simm.s32 $0x0  }
.LBB2_4:
0x1d: {  	s18 =	sshll.u32 s17, $0xC  }
0x1e: {  	s18 =	sadd.s32 s7, s18  }
0x1f: {  	s19 =	sshrl.u32 s18, $0x3  }
0x20: {  	s19 =	sadd.s32 s3, s19  }
0x21: {  	[tilespmem:s13], [sflag:$0x1] =	stream.linear.gather [hbm4b:s19+s2], $0x1000, $0x38;
	[tilespmem:$0x9560] =	vst v63  }
0x22: {  	_ =	swait.ge [sflag:s11], $0x1000  }
0x23: {  	[sflag:s11] =	ssyncset.done $0x0  }
0x24: {  	s31 =	simm.s32 $0x75A0;
	[sflag:s11] =	ssyncadd.s32 $0xFFFFF000  }
0x25: {  	v2 =	vld [tilespmem:s31+$0x30]  }
0x26: {  	v4 =	vld [tilespmem:s31+$0xFFFFFFD0]  }
0x27: {  	v5 =	vld [tilespmem:s31+$0xFFFFFFE0]  }
0x28: {  	v6 =	vld [tilespmem:s31+$0xFFFFFFF0]  }
0x29: {  	v9 =	vld [tilespmem:s31+$0xFFFFFFC0]  }
0x2a: {  	v12 =	vld [tilespmem:s31+$0x0];
	v3 =	vand.u32 $0xFFFF, v2  }
0x2b: {  	s20 =	simm.s32 $0x7620;
	v14 =	vld [tilespmem:s31+$0x10];
	v2 =	vshrl.u32 v2, $0x10  }
0x2c: {  	v22 =	vld [tilespmem:s20+$0xFFFFFFD0];
	v7 =	vand.u32 $0xFFFF, v4  }
0x2d: {  	v43 =	vld [tilespmem:s20+$0xFFFFFFF0];
	v4 =	vshrl.u32 v4, $0x10  }
0x2e: {  	v44 =	vld [tilespmem:s20+$0x0]  }
0x2f: {  	v13 =	vand.u32 $0xFFFF, v5;
	v3 =	vld.idx.msk [tilespmem:v3+s2+$0x0], $0xffff  }
0x30: {  	v10 =	vshrl.u32 v5, $0x10;
	v8 =	vld.idx.msk [tilespmem:v2+s12+$0x0], $0xffff  }
0x31: {  	v5 =	vand.u32 $0xFFFF, v6;
	v7 =	vld.idx.msk [tilespmem:v7+s2+$0x0], $0xffff  }
0x32: {  	v11 =	vshrl.u32 v6, $0x10;
	v6 =	vld.idx.msk [tilespmem:v4+s12+$0x0], $0xffff  }
0x33: {  	v26 =	vld [tilespmem:s20+$0x20]  }
0x34: {  	v16 =	vand.u32 $0xFFFF, v9;
	v15 =	vshrl.u32 v9, $0x10;
	v9 =	vld.idx.msk [tilespmem:v13+s2+$0x0], $0xffff  }
0x35: {  	v19 =	vld.idx.msk [tilespmem:v10+s12+$0x0], $0xffff;
	v3 =	vadd.f32 v8, v3  }
0x36: {  	v5 =	vld.idx.msk [tilespmem:v5+s2+$0x0], $0xffff  }
0x37: {  	v13 =	vshrl.u32 v14, $0x10;
	v8 =	vld [tilespmem:s31+$0x20];
	v6 =	vadd.f32 v6, v7;
	v17 =	vmul.f32 $2.000000030e-01, v3  }
0x38: {  	v18 =	vand.u32 $0xFFFF, v12;
	v20 =	vld.idx.msk [tilespmem:v11+s12+$0x0], $0xffff;
	vm0 =	vgt.f32 v3, $0.0e+00  }
0x39: {  	v12 =	vshrl.u32 v12, $0x10;
	v7 =	vld.idx.msk [tilespmem:v16+s2+$0x0], $0xffff;
	v21 =	vmul.f32 $2.000000030e-01, v6;
	v3 =	vsel vm0, v3, v17  }
0x3a: {  	v16 =	vld.idx.msk [tilespmem:v15+s12+$0x0], $0xffff;
	v17 =	vand.u32 $0xFFFF, v14;
	vm0 =	vgt.f32 v6, $0.0e+00;
	v3 =	vmul.f32 $1.442695020e+00, v3  }
0x3b: {  	v46 =	vld [tilespmem:s20+$0xFFFFFFC0];
	v6 =	vsel vm0, v6, v21  }
0x3c: {  	v42 =	vld.idx.msk [tilespmem:v13+s12+$0x0], $0xffff;
	v14 =	vshrl.u32 v8, $0x10;
	v6 =	vmul.f32 $1.442695020e+00, v6;
	(erf) = vpow2.f32 v3  }
0x3d: {  	v9 =	vadd.f32 v19, v9;
	v3 =	vand.u32 $0xFFFF, v8;
	v8 =	vld.idx.msk [tilespmem:v18+s2+$0x0], $0xffff  }
0x3e: {  	v25 =	vand.u32 $0xFFFF, v22;
	v18 =	vld.idx.msk [tilespmem:v12+s12+$0x0], $0xffff;
	(erf) = vpow2.f32 v6  }
0x3f: {  	v5 =	vadd.f32 v20, v5;
	v19 =	vmul.f32 $2.000000030e-01, v9;
	v7 =	vadd.f32 v16, v7;
	v17 =	vld.idx.msk [tilespmem:v17+s2+$0x0], $0xffff  }
0x40: {  	v49 =	vand.u32 $0xFFFF, v46;
	v16 =	vld [tilespmem:s20+$0x30];
	vm0 =	vgt.f32 v9, $0.0e+00  }
0x41: {  	v20 =	vmul.f32 $2.000000030e-01, v5;
	v9 =	vsel vm0, v9, v19;
	v19 =	vmul.f32 $2.000000030e-01, v7;
	v6 =	vld.idx.msk [tilespmem:v14+s12+$0x0], $0xffff  }
0x42: {  	v28 =	vand.u32 $0xFFFF, v26;
	vm1 =	vgt.f32 v5, $0.0e+00;
	vm0 =	vgt.f32 v7, $0.0e+00;
	v3 =	vld.idx.msk [tilespmem:v3+s2+$0x0], $0xffff  }
0x43: {  	v48 =	vld.idx.msk [tilespmem:v25+s2+$0x0], $0xffff;
	v5 =	vsel vm1, v5, v20;
	v9 =	vmul.f32 $1.442695020e+00, v9;
	v7 =	vsel vm0, v7, v19  }
0x44: {  	v19 =	vmul.f32 $1.442695020e+00, v5;
	v8 =	vadd.f32 v18, v8;
	v18 =	vld [tilespmem:s20+$0xFFFFFFE0];
	v17 =	vadd.f32 v42, v17  }
0x45: {  	s19 =	simm.s32 $0x85A0;
	v53 =	vld.idx.msk [tilespmem:v49+s2+$0x0], $0xffff;
	v45 =	vand.u32 $0xFFFF, v16;
	v5 =	vshrl.u32 v16, $0x10;
	v7 =	vmul.f32 $1.442695020e+00, v7;
	v23 =	vpop (erf)  }
0x46: {  	vm1 =	vgt.f32 v8, $0.0e+00;
	(erf) = vpow2.f32 v9;
	vm0 =	vgt.f32 v17, $0.0e+00;
	v9 =	vld [tilespmem:s20+$0x10];
	[tilespmem:s19+$0x30] =	vst v23  }
0x47: {  	v16 =	vmul.f32 $2.000000030e-01, v17;
	v6 =	vadd.f32 v6, v3;
	v24 =	vpop (erf);
	v3 =	vshrl.u32 v22, $0x10;
	[tilespmem:v2+s14+$0x0] =	vst.idx.add.f32.msk $0xffff, v23  }
0x48: {  	v28 =	vld.idx.msk [tilespmem:v28+s2+$0x0], $0xffff;
	(erf) = vpow2.f32 v19;
	v19 =	vand.u32 $0xFFFF, v43;
	v2 =	vmul.f32 $2.000000030e-01, v8;
	[tilespmem:s19+$0xFFFFFFD0] =	vst v24  }
0x49: {  	v16 =	vsel vm0, v17, v16;
	v17 =	vand.u32 $0xFFFF, v18;
	[tilespmem:v4+s14+$0x0] =	vst.idx.add.f32.msk $0xffff, v24;
	v4 =	vmul.f32 $2.000000030e-01, v6  }
0x4a: {  	v47 =	vld.idx.msk [tilespmem:v5+s12+$0x0], $0xffff;
	vm0 =	vgt.f32 v6, $0.0e+00;
	v8 =	vsel vm1, v8, v2;
	v2 =	vshrl.u32 v18, $0x10  }
0x4b: {  	v18 =	vld.idx.msk [tilespmem:v45+s2+$0x0], $0xffff;
	v8 =	vmul.f32 $1.442695020e+00, v8;
	v6 =	vsel vm0, v6, v4;
	v4 =	vshrl.u32 v43, $0x10  }
0x4c: {  	(erf) = vpow2.f32 v7;
	v16 =	vmul.f32 $1.442695020e+00, v16;
	v52 =	vand.u32 $0xFFFF, v9;
	v50 =	vld.idx.msk [tilespmem:v3+s12+$0x0], $0xffff  }
0x4d: {  	v7 =	vmul.f32 $1.442695020e+00, v6;
	v6 =	vshrl.u32 v46, $0x10;
	v19 =	vld.idx.msk [tilespmem:v19+s2+$0x0], $0xffff;
	(erf) = vpow2.f32 v8  }
0x4e: {  	(erf) = vpow2.f32 v16;
	v16 =	vld.idx.msk [tilespmem:v17+s2+$0x0], $0xffff  }
0x4f: {  	v8 =	vshrl.u32 v9, $0x10;
	v51 =	vld.idx.msk [tilespmem:v2+s12+$0x0], $0xffff  }
0x50: {  	v9 =	vshrl.u32 v26, $0x10;
	v27 =	vld.idx.msk [tilespmem:v4+s12+$0x0], $0xffff  }
0x51: {  	v17 =	vand.u32 $0xFFFF, v44;
	v18 =	vadd.f32 v47, v18;
	v54 =	vpop (erf);
	v21 =	vld.idx.msk [tilespmem:v52+s2+$0x0], $0xffff  }
0x52: {  	(erf) = vpow2.f32 v7;
	v7 =	vshrl.u32 v44, $0x10;
	[tilespmem:s19+$0xFFFFFFE0] =	vst v54;
	v29 =	vld.idx.msk [tilespmem:v6+s12+$0x0], $0xffff  }
0x53: {  	v55 =	vmul.f32 $2.000000030e-01, v18;
	[tilespmem:v10+s14+$0x0] =	vst.idx.add.f32.msk $0xffff, v54  }
0x54: {  	v20 =	vadd.f32 v50, v48;
	vm0 =	vgt.f32 v18, $0.0e+00;
	v58 =	vld.idx.msk [tilespmem:v8+s12+$0x0], $0xffff  }
0x55: {  	v30 =	vpop (erf);
	v60 =	vld.idx.msk [tilespmem:v9+s12+$0x0], $0xffff;
	v18 =	vsel vm0, v18, v55  }
0x56: {  	[tilespmem:s19+$0xFFFFFFF0] =	vst v30;
	v56 =	vpop (erf);
	v17 =	vld.idx.msk [tilespmem:v17+s2+$0x0], $0xffff;
	v33 =	vmul.f32 $2.000000030e-01, v20;
	v16 =	vadd.f32 v51, v16;
	v18 =	vmul.f32 $1.442695020e+00, v18  }
0x57: {  	[tilespmem:s19+$0xFFFFFFC0] =	vst v56;
	vm0 =	vgt.f32 v20, $0.0e+00;
	v31 =	vld.idx.msk [tilespmem:v7+s12+$0x0], $0xffff;
	v19 =	vadd.f32 v27, v19  }
0x58: {  	[tilespmem:v11+s14+$0x0] =	vst.idx.add.f32.msk $0xffff, v30;
	v20 =	vsel vm0, v20, v33;
	vm1 =	vgt.f32 v16, $0.0e+00;
	(erf) = vpow2.f32 v18  }
0x59: {  	[tilespmem:v15+s14+$0x0] =	vst.idx.add.f32.msk $0xffff, v56;
	v32 =	vpop (erf);
	v34 =	vmul.f32 $2.000000030e-01, v16;
	v18 =	vadd.f32 v29, v53;
	v20 =	vmul.f32 $1.442695020e+00, v20  }
0x5a: {  	[tilespmem:s19+$0x0] =	vst v32;
	v57 =	vpop (erf);
	vm0 =	vgt.f32 v19, $0.0e+00;
	v61 =	vmul.f32 $2.000000030e-01, v19;
	v10 =	vadd.f32 v58, v21  }
0x5b: {  	[tilespmem:s19+$0x10] =	vst v57;
	v16 =	vsel vm1, v16, v34;
	v62 =	vmul.f32 $2.000000030e-01, v18;
	(erf) = vpow2.f32 v20  }
0x5c: {  	[tilespmem:v12+s14+$0x0] =	vst.idx.add.f32.msk $0xffff, v32;
	v15 =	vadd.f32 v31, v17;
	v63 =	vmul.f32 $1.442695020e+00, v16;
	v19 =	vsel vm0, v19, v61  }
0x5d: {  	v11 =	vadd.f32 v60, v28;
	v59 =	vpop (erf);
	[tilespmem:v13+s14+$0x0] =	vst.idx.add.f32.msk $0xffff, v57;
	v13 =	vmul.f32 $2.000000030e-01, v10;
	v12 =	vmul.f32 $1.442695020e+00, v19  }
0x5e: {  	vm1 =	vgt.f32 v18, $0.0e+00;
	[tilespmem:s19+$0x20] =	vst v59;
	v16 =	vmul.f32 $2.000000030e-01, v15;
	(erf) = vpow2.f32 v63  }
0x5f: {  	s21 =	simm.s32 $0x76A0;
	s20 =	simm.s32 $0x8;
	v17 =	vsel vm1, v18, v62;
	vm1 =	vgt.f32 v10, $0.0e+00;
	[tilespmem:v14+s14+$0x0] =	vst.idx.add.f32.msk $0xffff, v59;
	vm0 =	vgt.f32 v15, $0.0e+00  }
.LBB2_5:
0x60: {  	v14 =	vld [tilespmem:s21+$0x30];
	v17 =	vmul.f32 $1.442695020e+00, v17;
	v15 =	vsel vm0, v15, v16;
	(erf) = vpow2.f32 v12  }
0x61: {  	s19 =	sadd.s32 $0x80, s19;
	v12 =	vld [tilespmem:s21+$0xFFFFFFD0];
	v10 =	vsel vm1, v10, v13;
	vm0 =	vgt.f32 v11, $0.0e+00;
	v13 =	vmul.f32 $2.000000030e-01, v11;
	v16 =	vpop (erf)  }
0x62: {  	s20 =	sadd.s32 $0x8, s20;
	v15 =	vmul.f32 $1.442695020e+00, v15;
	v18 =	vld [tilespmem:s21+$0xFFFFFFE0];
	v10 =	vmul.f32 $1.442695020e+00, v10;
	[tilespmem:s19+$0x30] =	vst v16  }
0x63: {  	p0 =	slt.u32 s20, $0xF8;
	v11 =	vsel vm0, v11, v13;
	[tilespmem:v5+s14+$0x0] =	vst.idx.add.f32.msk $0xffff, v16;
	(erf) = vpow2.f32 v17  }
0x64: {  	v13 =	vld [tilespmem:s21+$0xFFFFFFF0];
	v11 =	vmul.f32 $1.442695020e+00, v11;
	(erf) = vpow2.f32 v15  }
0x65: {  	v15 =	vld [tilespmem:s21+$0x0];
	v16 =	vand.u32 $0xFFFF, v14;
	v17 =	vpop (erf);
	(erf) = vpow2.f32 v10  }
0x66: {  	v5 =	vshrl.u32 v14, $0x10;
	v10 =	vshrl.u32 v12, $0x10;
	v12 =	vand.u32 $0xFFFF, v12;
	v19 =	vld [tilespmem:s21+$0x10];
	[tilespmem:s19+$0xFFFFFFD0] =	vst v17  }
0x67: {  	v14 =	vshrl.u32 v18, $0x10;
	v18 =	vand.u32 $0xFFFF, v18;
	v20 =	vld [tilespmem:s21+$0x20];
	v21 =	vpop (erf);
	(erf) = vpow2.f32 v11  }
0x68: {  	v11 =	vld [tilespmem:s21+$0xFFFFFFC0];
	[tilespmem:s19+$0xFFFFFFE0] =	vst v21  }
0x69: {  	v22 =	vshrl.u32 v13, $0x10;
	v13 =	vand.u32 $0xFFFF, v13;
	[tilespmem:v3+s14+$0x0] =	vst.idx.add.f32.msk $0xffff, v17;
	v17 =	vpop (erf);
	v3 =	vmov v10  }
0x6a: {  	v23 =	vshrl.u32 v15, $0x10;
	v15 =	vand.u32 $0xFFFF, v15;
	v16 =	vld.idx.msk [tilespmem:v16+s2+$0x0], $0xffff;
	[tilespmem:s19+$0xFFFFFFF0] =	vst v17  }
0x6b: {  	v24 =	vshrl.u32 v19, $0x10;
	v19 =	vand.u32 $0xFFFF, v19;
	v25 =	vld.idx.msk [tilespmem:v5+s12+$0x0], $0xffff  }
0x6c: {  	v12 =	vld.idx.msk [tilespmem:v12+s2+$0x0], $0xffff;
	v26 =	vshrl.u32 v20, $0x10;
	v20 =	vand.u32 $0xFFFF, v20;
	v27 =	vpop (erf)  }
0x6d: {  	v28 =	vshrl.u32 v11, $0x10;
	v11 =	vand.u32 $0xFFFF, v11;
	v10 =	vld.idx.msk [tilespmem:v10+s12+$0x0], $0xffff;
	[tilespmem:s19+$0xFFFFFFC0] =	vst v27;
	v29 =	vpop (erf)  }
0x6e: {  	v18 =	vld.idx.msk [tilespmem:v18+s2+$0x0], $0xffff;
	[tilespmem:s19+$0x0] =	vst v29;
	v30 =	vpop (erf)  }
0x6f: {  	v31 =	vld.idx.msk [tilespmem:v14+s12+$0x0], $0xffff;
	[tilespmem:s19+$0x10] =	vst v30  }
0x70: {  	v13 =	vld.idx.msk [tilespmem:v13+s2+$0x0], $0xffff;
	v32 =	vpop (erf)  }
0x71: {  	v16 =	vadd.f32 v25, v16;
	v33 =	vld.idx.msk [tilespmem:v22+s12+$0x0], $0xffff;
	[tilespmem:s19+$0x20] =	vst v32  }
0x72: {  	v11 =	vld.idx.msk [tilespmem:v11+s2+$0x0], $0xffff  }
0x73: {  	v10 =	vadd.f32 v10, v12;
	v12 =	vmul.f32 $2.000000030e-01, v16;
	v25 =	vld.idx.msk [tilespmem:v28+s12+$0x0], $0xffff  }
0x74: {  	vm0 =	vgt.f32 v16, $0.0e+00;
	v15 =	vld.idx.msk [tilespmem:v15+s2+$0x0], $0xffff  }
0x75: {  	v34 =	vmul.f32 $2.000000030e-01, v10;
	v18 =	vadd.f32 v31, v18;
	v12 =	vsel vm0, v16, v12;
	v31 =	vld.idx.msk [tilespmem:v23+s12+$0x0], $0xffff  }
0x76: {  	vm0 =	vgt.f32 v10, $0.0e+00;
	v12 =	vmul.f32 $1.442695020e+00, v12;
	v19 =	vld.idx.msk [tilespmem:v19+s2+$0x0], $0xffff  }
0x77: {  	vm1 =	vgt.f32 v18, $0.0e+00;
	v16 =	vmul.f32 $2.000000030e-01, v18;
	v13 =	vadd.f32 v33, v13;
	v33 =	vld.idx.msk [tilespmem:v24+s12+$0x0], $0xffff  }
0x78: {  	v10 =	vsel vm0, v10, v34;
	v20 =	vld.idx.msk [tilespmem:v20+s2+$0x0], $0xffff;
	(erf) = vpow2.f32 v12  }
0x79: {  	v11 =	vadd.f32 v25, v11;
	vm0 =	vgt.f32 v13, $0.0e+00;
	v12 =	vmul.f32 $2.000000030e-01, v13;
	v25 =	vld.idx.msk [tilespmem:v26+s12+$0x0], $0xffff  }
0x7a: {  	v10 =	vmul.f32 $1.442695020e+00, v10;
	v16 =	vsel vm1, v18, v16;
	[tilespmem:v6+s14+$0x0] =	vst.idx.add.f32.msk $0xffff, v27;
	v6 =	vmov v28  }
.Ltmp1:
0x7b: {  	vm1 =	vgt.f32 v11, $0.0e+00;
	v18 =	vmul.f32 $2.000000030e-01, v11;
	v15 =	vadd.f32 v31, v15;
	[tilespmem:v2+s14+$0x0] =	vst.idx.add.f32.msk $0xffff, v21;
	v2 =	vmovc v14;
	(pc) =	sbr.rel @p0 .LBB2_5-.Ltmp1, $4  }
0x7c: {  	v12 =	vsel vm0, v13, v12;
	v14 =	vmul.f32 $1.442695020e+00, v16;
	(erf) = vpow2.f32 v10;
	[tilespmem:v4+s14+$0x0] =	vst.idx.add.f32.msk $0xffff, v17;
	v4 =	vmovc v22  }
0x7d: {  	vm0 =	vgt.f32 v15, $0.0e+00;
	v16 =	vmul.f32 $2.000000030e-01, v15;
	v10 =	vadd.f32 v33, v19;
	[tilespmem:v7+s14+$0x0] =	vst.idx.add.f32.msk $0xffff, v29;
	v7 =	vmovc v23  }
0x7e: {  	v12 =	vmul.f32 $1.442695020e+00, v12;
	v17 =	vsel vm1, v11, v18;
	(erf) = vpow2.f32 v14;
	[tilespmem:v8+s14+$0x0] =	vst.idx.add.f32.msk $0xffff, v30;
	v8 =	vmovc v24  }
0x7f: {  	s21 =	sadd.s32 $0x80, s21;
	vm1 =	vgt.f32 v10, $0.0e+00;
	v13 =	vmul.f32 $2.000000030e-01, v10;
	v11 =	vadd.f32 v25, v20;
	[tilespmem:v9+s14+$0x0] =	vst.idx.add.f32.msk $0xffff, v32;
	v9 =	vmovc v26  }
0x80: {  	v14 =	vmul.f32 $1.442695020e+00, v17;
	v15 =	vsel vm0, v15, v16;
	(erf) = vpow2.f32 v12  }
0x81: {  	v56 =	vmul.f32 $1.442695020e+00, v15  }
0x82: {  	v55 =	vmul.f32 $2.000000030e-01, v11;
	v10 =	vsel vm1, v10, v13;
	(erf) = vpow2.f32 v14  }
0x83: {  	s19 =	sadd.s32 $0x80, s19;
	v57 =	vpop (erf);
	v10 =	vmul.f32 $1.442695020e+00, v10;
	(erf) = vpow2.f32 v56  }
0x84: {  	vm15 =	vgt.f32 v11, $0.0e+00;
	[tilespmem:s19+$0x30] =	vst v57  }
0x85: {  	v11 =	vsel vm15, v11, v55;
	[tilespmem:v5+s14+$0x0] =	vst.idx.add.f32.msk $0xffff, v57;
	(erf) = vpow2.f32 v10;
	v58 =	vpop (erf)  }
0x86: {  	v11 =	vmul.f32 $1.442695020e+00, v11;
	[tilespmem:s19+$0xFFFFFFD0] =	vst v58  }
0x87: {  	v59 =	vpop (erf);
	[tilespmem:v3+s14+$0x0] =	vst.idx.add.f32.msk $0xffff, v58  }
0x88: {  	(erf) = vpow2.f32 v11;
	[tilespmem:s19+$0xFFFFFFE0] =	vst v59  }
0x89: {  	v3 =	vpop (erf);
	[tilespmem:v2+s14+$0x0] =	vst.idx.add.f32.msk $0xffff, v59  }
0x8a: {  	[tilespmem:s19+$0xFFFFFFF0] =	vst v3  }
0x8b: {  	v60 =	vpop (erf);
	[tilespmem:v4+s14+$0x0] =	vst.idx.add.f32.msk $0xffff, v3  }
0x8c: {  	[tilespmem:s19+$0xFFFFFFC0] =	vst v60;
	v61 =	vpop (erf)  }
0x8d: {  	[tilespmem:s19+$0x0] =	vst v61  }
0x8e: {  	v62 =	vpop (erf);
	[tilespmem:v6+s14+$0x0] =	vst.idx.add.f32.msk $0xffff, v60  }
0x8f: {  	[tilespmem:s19+$0x10] =	vst v62  }
0x90: {  	[tilespmem:v7+s14+$0x0] =	vst.idx.add.f32.msk $0xffff, v61  }
0x91: {  	s18 =	sadd.s32 s8, s18;
	s17 =	sadd.s32 $0x1, s17;
	v63 =	vpop (erf);
	[tilespmem:v8+s14+$0x0] =	vst.idx.add.f32.msk $0xffff, v62  }
0x92: {  	s18 =	sshrl.u32 s18, $0x3;
	p0 =	sne.s32 s17, $0x15;
	[tilespmem:s19+$0x20] =	vst v63  }
.Ltmp2:
0x93: {  	s18 =	sadd.s32 s4, s18;
	[tilespmem:v9+s14+$0x0] =	vst.idx.add.f32.msk $0xffff, v63;
	(pc) =	sbr.rel @p0 .LBB2_4-.Ltmp2, $4  }
0x94: {  	[hbm4b:s18+s2] =	stream.linear.scatter [tilespmem:s15], [sflag:$0x1], $0x1000, $0x38;
	[tilespmem:$0x9560] =	vst v63  }
0x95: {  	_ =	swait.ge [sflag:s11], $0x1000  }
0x96: {  	[sflag:s11] =	ssyncset.done $0x0  }
0x97: {  	[sflag:s11] =	ssyncadd.s32 $0xFFFFF000  }
0x98: {  	s16 =	sadd.s32 $0x1, s16  }
0x99: {  	p0 =	sne.s32 s16, s10  }
.Ltmp3:
0x9a: {  	_ = 	snop;
	(pc) =	sbr.rel @p0 .LBB2_1-.Ltmp3, $4  }
0x9b: {  	[hbm4b:s9+s2] =	stream.linear.scatter [tilespmem:s14], [sflag:$0x1], $0x2720, $0x38;
	[tilespmem:$0x9560] =	vst v63  }
0x9c: {  	_ =	swait.ge [sflag:s11], $0x2720  }
0x9d: {  	[sflag:s11] =	ssyncset.done $0x0  }
0x9e: {  	[sflag:s11] =	ssyncadd.s32 $0xFFFFD8E0  }
0x9f: {  	_ =	sfence.sel $0x180000  }
0xa0: {  	[bflag:$0x0] =	sbarrier.arrive $0xFFFF  }
0xa1: {  	p0 =	sne.s32 s1, $0x0;
	_ =	strace $0x90000047  }
0xa2: {  	s0 =	sadd.s32 @!p0 $0x100000, s0;
	[bflag:$0x2] =	sbarrier.arrive $0xFFFF  }
0xa3: {  	[sflag:s0] =	ssyncadd.tile.s32 @!p0 $0x1;
	_ =	shalt  }
.Lfunc_end2:
_tile_overlayer_lowered:
.L_overlay_start_2:
0xa4: {  	(tag) =	ssettag $0x2  }
0xa5: {  	s0 =	rddreg [dreg:$0x0];
	s2 =	stileid.u32  }
0xa6: {  	s1 =	rddreg [dreg:$0x1];
	p0 =	sne.s32 s2, $0x0  }
0xa7: {  	s3 =	rddreg [dreg:$0x2];
	[bflag:$0x3] =	sbarrier.arrive $0xFFFF;
	s2 =	simm.s32 @!p0 $0x1C01  }
0xa8: {  	[timem:s3], [sflag:s2] =	dma.local @!p0 [hbm:s0], s1  }
0xa9: {  	s0 =	simm.s32 @!p0 $0x1  }
0xaa: {  	_ =	swait.ge @!p0 [sflag:s0], s1  }
0xab: {  	s1 =	ssub.s32 @!p0 $0x0, s1;
	[sflag:s0] =	ssyncset.done @!p0 $0x0  }
0xac: {  	[sflag:s0] =	ssyncadd.s32 @!p0 s1  }
0xad: {  	[bflag:$0x3] =	sbarrier.arrive $0xFFFF  }
0xae: {  	_ =	shalt  }

</sc_bundles>
